<compile_context>
chip_gen: v7x
topology: tpu7x:2x2x1
jax: 0.10.2.dev20260603
libtpu: 0.0.44.dev20260713+nightly
codegen_flags: <defaults>
</compile_context>

<pallas_src>
import functools

import jax
import jax.numpy as jnp
from jax import lax
from jax.experimental import pallas as pl
from jax.experimental.pallas import tpu as pltpu
from jax.experimental.pallas import tpu_sc as plsc

GAMMA = 12.0
HIDDEN = 128
ENT_DIM = 256
BATCH = 16384
EMB_RANGE = (12.0 + 2.0) / HIDDEN
PHASE_K = 3.141592653589793 / EMB_RANGE

NUM_WORKERS = 32
BPW = BATCH // NUM_WORKERS
CHUNK = 64
NCHUNK = BPW // CHUNK
NPAIR = NCHUNK // 2
NGRP = CHUNK // 16
NDC = HIDDEN // 16
RED_STRIDE = 17

NREL = 1000
RSQRT_MAGIC = 0x5F3759DF


def _sincos_tc_kernel(rel_ref, out_ref):
    ph = rel_ref[...] * PHASE_K
    out_ref[:, :HIDDEN] = jnp.cos(ph)
    out_ref[:, HIDDEN:] = jnp.sin(ph)


_sincos_table = pl.pallas_call(
    _sincos_tc_kernel,
    out_shape=jax.ShapeDtypeStruct((NREL, 2 * HIDDEN), jnp.float32),
)


def _sqrt16(v):
    bits = lax.bitcast_convert_type(v, jnp.int32)
    seed = RSQRT_MAGIC - lax.shift_right_arithmetic(bits, 1)
    y = lax.bitcast_convert_type(seed, jnp.float32)
    half_v = 0.5 * v
    for _ in range(2):
        y = y * (1.5 - half_v * y * y)
    return v * y


def _make_sc_kernel():
    mesh = plsc.VectorSubcoreMesh(core_axis_name="c", subcore_axis_name="s")

    @functools.partial(
        pl.kernel,
        mesh=mesh,
        compiler_params=pltpu.CompilerParams(needs_layout_passes=False),
        out_type=jax.ShapeDtypeStruct((BATCH,), jnp.float32),
        scratch_types=[
            pltpu.VMEM((BPW,), jnp.int32),
            pltpu.VMEM((BPW,), jnp.int32),
            pltpu.VMEM((BPW,), jnp.int32),
        ] + [
            pltpu.VMEM((CHUNK, ENT_DIM), jnp.float32)
            for _ in range(6)
        ] + [
            pltpu.VMEM((CHUNK,), jnp.float32),
            pltpu.VMEM((CHUNK,), jnp.float32),
            pltpu.VMEM((16 * RED_STRIDE,), jnp.float32),
            pltpu.SemaphoreType.DMA,
            pltpu.SemaphoreType.DMA,
            pltpu.SemaphoreType.DMA,
        ] + [
            pltpu.SemaphoreType.DMA
            for _ in range(6)
        ] + [
            pltpu.SemaphoreType.DMA,
            pltpu.SemaphoreType.DMA,
        ],
    )
    def rotate_score(sample_hbm, et_hbm, ent_hbm, rel_hbm, out_hbm,
                     hidx_all, tidx_all, eidx_all,
                     head0, tail0, rel0, head1, tail1, rel1,
                     out_v0, out_v1, red_v, sem_ih, sem_it, sem_ir,
                     sem_h0, sem_t0, sem_r0, sem_h1, sem_t1, sem_r1,
                     sem_o0, sem_o1):
        wid = lax.axis_index("s") * 2 + lax.axis_index("c")
        base = wid * BPW
        lane_iota = lax.broadcasted_iota(jnp.int32, (16,), 0)
        col_base = lane_iota * RED_STRIDE

        ci = pltpu.async_copy(
            sample_hbm.at[0, pl.ds(base, BPW)], hidx_all, sem_ih)
        ct = pltpu.async_copy(
            sample_hbm.at[1, pl.ds(base, BPW)], tidx_all, sem_it)
        ce = pltpu.async_copy(et_hbm.at[pl.ds(base, BPW)], eidx_all, sem_ir)
        ci.wait()
        ct.wait()
        ce.wait()

        bufs = (
            (head0, tail0, rel0, sem_h0, sem_t0, sem_r0),
            (head1, tail1, rel1, sem_h1, sem_t1, sem_r1),
        )
        out_bufs = ((out_v0, sem_o0), (out_v1, sem_o1))
        pltpu.async_copy(out_hbm.at[pl.ds(base, CHUNK)], out_v0, sem_o0)
        pltpu.async_copy(out_hbm.at[pl.ds(base, CHUNK)], out_v1, sem_o1)

        def issue(c, b):
            head_v, tail_v, rel_v, sh, st, sr = bufs[b]
            co = c * CHUNK
            pltpu.async_copy(
                ent_hbm.at[hidx_all.at[pl.ds(co, CHUNK)]], head_v, sh)
            pltpu.async_copy(
                ent_hbm.at[tidx_all.at[pl.ds(co, CHUNK)]], tail_v, st)
            pltpu.async_copy(
                rel_hbm.at[eidx_all.at[pl.ds(co, CHUNK)]], rel_v, sr)

        def drain(b):
            head_v, tail_v, rel_v, sh, st, sr = bufs[b]
            pltpu.make_async_copy(
                ent_hbm.at[pl.ds(0, CHUNK)], head_v, sh).wait()
            pltpu.make_async_copy(
                ent_hbm.at[pl.ds(0, CHUNK)], tail_v, st).wait()
            pltpu.make_async_copy(
                rel_hbm.at[pl.ds(0, CHUNK)], rel_v, sr).wait()

        def compute(c, b):
            head_v, tail_v, rel_v, _, _, _ = bufs[b]
            out_v, sem_o = out_bufs[b]
            cb = base + c * CHUNK
            pltpu.make_async_copy(
                out_hbm.at[pl.ds(0, CHUNK)], out_v, sem_o).wait()

            def group_body(g, carry1):
                def elem_body(e, carry2):
                    i = g * 16 + e
                    acc = jnp.zeros((16,), jnp.float32)
                    for dc in range(NDC):
                        sl = pl.ds(dc * 16, 16)
                        sl_im = pl.ds(HIDDEN + dc * 16, 16)
                        cos_r = rel_v[i, sl]
                        sin_r = rel_v[i, sl_im]
                        re_h = head_v[i, sl]
                        im_h = head_v[i, sl_im]
                        re_s = re_h * cos_r - im_h * sin_r - tail_v[i, sl]
                        im_s = re_h * sin_r + im_h * cos_r - tail_v[i, sl_im]
                        acc = acc + _sqrt16(re_s * re_s + im_s * im_s)
                    plsc.store_scatter(red_v, [lane_iota + e * RED_STRIDE],
                                       acc)
                    return carry2

                lax.fori_loop(0, 16, elem_body, 0)
                tot = jnp.zeros((16,), jnp.float32)
                for cc in range(16):
                    tot = tot + plsc.load_gather(red_v, [col_base + cc])
                sc = GAMMA - tot
                u = jnp.exp(-jnp.abs(sc))
                t = u / (u + 2.0)
                t2 = t * t
                log1p = 2.0 * t * (1.0 + t2 * (1.0 / 3.0 + t2 * (
                    1.0 / 5.0 + t2 * (1.0 / 7.0))))
                out_v[pl.ds(g * 16, 16)] = jnp.minimum(sc, 0.0) - log1p
                return carry1

            lax.fori_loop(0, NGRP, group_body, 0)
            pltpu.async_copy(out_v, out_hbm.at[pl.ds(cb, CHUNK)], sem_o)

        issue(0, 0)

        def pair_body(k, carry):
            c0 = 2 * k
            issue(c0 + 1, 1)
            drain(0)
            compute(c0, 0)
            issue(c0 + 2, 0)
            drain(1)
            compute(c0 + 1, 1)
            return carry

        lax.fori_loop(0, NPAIR - 1, pair_body, 0)
        issue(NCHUNK - 1, 1)
        drain(0)
        compute(NCHUNK - 2, 0)
        drain(1)
        compute(NCHUNK - 1, 1)
        pltpu.make_async_copy(
            out_v0, out_hbm.at[pl.ds(base, CHUNK)], sem_o0).wait()
        pltpu.make_async_copy(
            out_v1, out_hbm.at[pl.ds(base, CHUNK)], sem_o1).wait()

    return rotate_score


_SC_KERNEL = _make_sc_kernel()


@jax.jit
def kernel(sample, et, entity_embedding, relation_embedding):
    sincos = _sincos_table(relation_embedding)
    return _SC_KERNEL(sample, et, entity_embedding, sincos)

# --- scband reference (transcript-rebuilt; emitter-appended) ---
"""Pipeline reference for scband-kgemodel-12670153523386 (READ-ONLY COPY).

The authoritative reference and input builder live on the scoring server;
editing this copy changes nothing except your own understanding.
"""

import jax, jax.numpy as jnp
import numpy as np

GAMMA = 12.0
EPSILON = 2.0
HIDDEN_DIM = 128
NENTITY = 100000
NRELATION = 1000
BATCH = 16384
ENTITY_DIM = HIDDEN_DIM * 2  # RotatE uses double entity embedding
RELATION_DIM = HIDDEN_DIM
EMB_RANGE = (GAMMA + EPSILON) / HIDDEN_DIM


def setup_inputs(seed: int = 0) -> dict:
    key = jax.random.key(seed)
    k1, k2, k3, k4 = jax.random.split(key, 4)
    sample = jax.random.randint(k1, (2, BATCH), 0, NENTITY, dtype=jnp.int32)
    et = jax.random.randint(k2, (BATCH,), 0, NRELATION, dtype=jnp.int32)
    entity_embedding = jax.random.uniform(
        k3, (NENTITY, ENTITY_DIM), minval=-EMB_RANGE, maxval=EMB_RANGE, dtype=jnp.float32)
    relation_embedding = jax.random.uniform(
        k4, (NRELATION, RELATION_DIM), minval=-EMB_RANGE, maxval=EMB_RANGE, dtype=jnp.float32)
    return {
        "sample": sample,
        "et": et,
        "entity_embedding": entity_embedding,
        "relation_embedding": relation_embedding,
    }


def reference(sample, et, entity_embedding, relation_embedding):
    # gathers (SparseCore-friendly)
    head = jnp.take(entity_embedding, sample[0], axis=0)[:, None, :]
    relation = jnp.take(relation_embedding, et, axis=0)[:, None, :]
    tail = jnp.take(entity_embedding, sample[1], axis=0)[:, None, :]

    # RotatE scoring
    pi = 3.141592653589793
    re_head, im_head = jnp.split(head, 2, axis=2)
    re_tail, im_tail = jnp.split(tail, 2, axis=2)
    phase_relation = relation / (EMB_RANGE / pi)
    re_relation = jnp.cos(phase_relation)
    im_relation = jnp.sin(phase_relation)
    re_score = re_head * re_relation - im_head * im_relation
    im_score = re_head * im_relation + im_head * re_relation
    re_score = re_score - re_tail
    im_score = im_score - im_tail
    score = jnp.stack([re_score, im_score], axis=0)
    score = jnp.linalg.norm(score, axis=0)
    score = GAMMA - score.sum(axis=2)
    return jax.nn.log_sigmoid(score).squeeze(axis=1)

if __name__ == "__main__":
    import jax
    _d = setup_inputs()
    print(jax.jit(kernel)(*tuple(_d.values())))

</pallas_src>

<mosaic_0001>
#map = affine_map<(d0, d1) -> (0, 0)>
#map1 = affine_map<(d0, d1) -> (0)>
module attributes {stable_mosaic.version = 14 : i64} {
  func.func @rotate_score(%arg0: i32, %arg1: i32, %arg2: memref<2x16384xi32, #tpu.memory_space<hbm>>, %arg3: memref<16384xi32, #tpu.memory_space<hbm>>, %arg4: memref<100000x256xf32, #tpu.memory_space<hbm>>, %arg5: memref<1000x256xf32, #tpu.memory_space<hbm>>, %arg6: memref<16384xf32, #tpu.memory_space<hbm>>, %arg7: memref<512xi32, #tpu.memory_space<vmem>>, %arg8: memref<512xi32, #tpu.memory_space<vmem>>, %arg9: memref<512xi32, #tpu.memory_space<vmem>>, %arg10: memref<64x256xf32, #tpu.memory_space<vmem>>, %arg11: memref<64x256xf32, #tpu.memory_space<vmem>>, %arg12: memref<64x256xf32, #tpu.memory_space<vmem>>, %arg13: memref<64x256xf32, #tpu.memory_space<vmem>>, %arg14: memref<64x256xf32, #tpu.memory_space<vmem>>, %arg15: memref<64x256xf32, #tpu.memory_space<vmem>>, %arg16: memref<64xf32, #tpu.memory_space<vmem>>, %arg17: memref<64xf32, #tpu.memory_space<vmem>>, %arg18: memref<272xf32, #tpu.memory_space<vmem>>, %arg19: memref<!tpu.dma_semaphore, #tpu.memory_space<semaphore_mem>>, %arg20: memref<!tpu.dma_semaphore, #tpu.memory_space<semaphore_mem>>, %arg21: memref<!tpu.dma_semaphore, #tpu.memory_space<semaphore_mem>>, %arg22: memref<!tpu.dma_semaphore, #tpu.memory_space<semaphore_mem>>, %arg23: memref<!tpu.dma_semaphore, #tpu.memory_space<semaphore_mem>>, %arg24: memref<!tpu.dma_semaphore, #tpu.memory_space<semaphore_mem>>, %arg25: memref<!tpu.dma_semaphore, #tpu.memory_space<semaphore_mem>>, %arg26: memref<!tpu.dma_semaphore, #tpu.memory_space<semaphore_mem>>, %arg27: memref<!tpu.dma_semaphore, #tpu.memory_space<semaphore_mem>>, %arg28: memref<!tpu.dma_semaphore, #tpu.memory_space<semaphore_mem>>, %arg29: memref<!tpu.dma_semaphore, #tpu.memory_space<semaphore_mem>>) attributes {dimension_semantics = [#tpu.dimension_semantics<core_parallel>, #tpu.dimension_semantics<subcore_parallel>], iteration_bounds = array<i64: 2, 16>, scalar_prefetch = 0 : i64, scratch_operands = 23 : i64, tpu.core_type = #tpu.core_type<sc_vector_subcore>, window_params = [{transform_indices = #map}, {transform_indices = #map1}, {transform_indices = #map}, {transform_indices = #map}, {transform_indices = #map1}]} {
    %mul3A = arith.constant 2 : i32
    %mul3A_0 = arith.muli %arg1, %mul3A : i32
    %add3A = arith.addi %mul3A_0, %arg0 : i32
    %mul3A_1 = arith.constant 512 : i32
    %mul3A_2 = arith.muli %add3A, %mul3A_1 : i32
    %iota3A = tpu.iota {dimensions = array<i32: 0>} : vector<16xi32>
    %mul3A_3 = arith.constant 17 : i32
    %mul3A_4 = vector.broadcast %mul3A_3 : i32 to vector<16xi32>
    %mul3A_5 = arith.muli %iota3A, %mul3A_4 : vector<16xi32>
    %dma_start3A = arith.constant 0 : i32
    %dma_start3A_6 = tpu.memref_slice %arg2[%dma_start3A, %mul3A_2] : memref<2x16384xi32, #tpu.memory_space<hbm>> -> memref<1x512xi32, #tpu.memory_space<hbm>>
    %dma_start3A_7 = tpu.memref_squeeze %dma_start3A_6 : memref<1x512xi32, #tpu.memory_space<hbm>> -> memref<512xi32, #tpu.memory_space<hbm>>
    %dma_start3A_8 = tpu.memref_slice %arg2[%dma_start3A, %mul3A_2] : memref<2x16384xi32, #tpu.memory_space<hbm>> -> memref<1x512xi32, #tpu.memory_space<hbm>>
    %dma_start3A_9 = tpu.memref_squeeze %dma_start3A_8 : memref<1x512xi32, #tpu.memory_space<hbm>> -> memref<512xi32, #tpu.memory_space<hbm>>
    tpu.enqueue_dma source(%dma_start3A_9 : memref<512xi32, #tpu.memory_space<hbm>>) target(%arg7 : memref<512xi32, #tpu.memory_space<vmem>>) target_semaphore(%arg19 : memref<!tpu.dma_semaphore, #tpu.memory_space<semaphore_mem>>)
    %dma_start3A_10 = arith.constant 1 : i32
    %dma_start3A_11 = tpu.memref_slice %arg2[%dma_start3A_10, %mul3A_2] : memref<2x16384xi32, #tpu.memory_space<hbm>> -> memref<1x512xi32, #tpu.memory_space<hbm>>
    %dma_start3A_12 = tpu.memref_squeeze %dma_start3A_11 : memref<1x512xi32, #tpu.memory_space<hbm>> -> memref<512xi32, #tpu.memory_space<hbm>>
    %dma_start3A_13 = tpu.memref_slice %arg2[%dma_start3A_10, %mul3A_2] : memref<2x16384xi32, #tpu.memory_space<hbm>> -> memref<1x512xi32, #tpu.memory_space<hbm>>
    %dma_start3A_14 = tpu.memref_squeeze %dma_start3A_13 : memref<1x512xi32, #tpu.memory_space<hbm>> -> memref<512xi32, #tpu.memory_space<hbm>>
    tpu.enqueue_dma source(%dma_start3A_14 : memref<512xi32, #tpu.memory_space<hbm>>) target(%arg8 : memref<512xi32, #tpu.memory_space<vmem>>) target_semaphore(%arg20 : memref<!tpu.dma_semaphore, #tpu.memory_space<semaphore_mem>>)
    %dma_start3A_15 = tpu.memref_slice %arg3[%mul3A_2] : memref<16384xi32, #tpu.memory_space<hbm>> -> memref<512xi32, #tpu.memory_space<hbm>>
    %dma_start3A_16 = tpu.memref_slice %arg3[%mul3A_2] : memref<16384xi32, #tpu.memory_space<hbm>> -> memref<512xi32, #tpu.memory_space<hbm>>
    tpu.enqueue_dma source(%dma_start3A_16 : memref<512xi32, #tpu.memory_space<hbm>>) target(%arg9 : memref<512xi32, #tpu.memory_space<vmem>>) target_semaphore(%arg21 : memref<!tpu.dma_semaphore, #tpu.memory_space<semaphore_mem>>)
    %dma_wait3A = arith.constant 0 : i32
    %dma_wait3A_17 = tpu.memref_slice %arg2[%dma_wait3A, %mul3A_2] : memref<2x16384xi32, #tpu.memory_space<hbm>> -> memref<1x512xi32, #tpu.memory_space<hbm>>
    %dma_wait3A_18 = tpu.memref_squeeze %dma_wait3A_17 : memref<1x512xi32, #tpu.memory_space<hbm>> -> memref<512xi32, #tpu.memory_space<hbm>>
    %dma_wait3A_19 = tpu.memref_slice %arg2[%dma_wait3A, %mul3A_2] : memref<2x16384xi32, #tpu.memory_space<hbm>> -> memref<1x512xi32, #tpu.memory_space<hbm>>
    %dma_wait3A_20 = tpu.memref_squeeze %dma_wait3A_19 : memref<1x512xi32, #tpu.memory_space<hbm>> -> memref<512xi32, #tpu.memory_space<hbm>>
    tpu.wait_dma2 semaphore(%arg19 : memref<!tpu.dma_semaphore, #tpu.memory_space<semaphore_mem>>) src(%dma_wait3A_20 : memref<512xi32, #tpu.memory_space<hbm>>) dst(%arg7 : memref<512xi32, #tpu.memory_space<vmem>>)
    %dma_wait3A_21 = arith.constant 1 : i32
    %dma_wait3A_22 = tpu.memref_slice %arg2[%dma_wait3A_21, %mul3A_2] : memref<2x16384xi32, #tpu.memory_space<hbm>> -> memref<1x512xi32, #tpu.memory_space<hbm>>
    %dma_wait3A_23 = tpu.memref_squeeze %dma_wait3A_22 : memref<1x512xi32, #tpu.memory_space<hbm>> -> memref<512xi32, #tpu.memory_space<hbm>>
    %dma_wait3A_24 = tpu.memref_slice %arg2[%dma_wait3A_21, %mul3A_2] : memref<2x16384xi32, #tpu.memory_space<hbm>> -> memref<1x512xi32, #tpu.memory_space<hbm>>
    %dma_wait3A_25 = tpu.memref_squeeze %dma_wait3A_24 : memref<1x512xi32, #tpu.memory_space<hbm>> -> memref<512xi32, #tpu.memory_space<hbm>>
    tpu.wait_dma2 semaphore(%arg20 : memref<!tpu.dma_semaphore, #tpu.memory_space<semaphore_mem>>) src(%dma_wait3A_25 : memref<512xi32, #tpu.memory_space<hbm>>) dst(%arg8 : memref<512xi32, #tpu.memory_space<vmem>>)
    %dma_wait3A_26 = tpu.memref_slice %arg3[%mul3A_2] : memref<16384xi32, #tpu.memory_space<hbm>> -> memref<512xi32, #tpu.memory_space<hbm>>
    %dma_wait3A_27 = tpu.memref_slice %arg3[%mul3A_2] : memref<16384xi32, #tpu.memory_space<hbm>> -> memref<512xi32, #tpu.memory_space<hbm>>
    tpu.wait_dma2 semaphore(%arg21 : memref<!tpu.dma_semaphore, #tpu.memory_space<semaphore_mem>>) src(%dma_wait3A_27 : memref<512xi32, #tpu.memory_space<hbm>>) dst(%arg9 : memref<512xi32, #tpu.memory_space<vmem>>)
    %dma_start3A_28 = tpu.memref_slice %arg6[%mul3A_2] : memref<16384xf32, #tpu.memory_space<hbm>> -> memref<64xf32, #tpu.memory_space<hbm>>
    %dma_start3A_29 = tpu.memref_slice %arg6[%mul3A_2] : memref<16384xf32, #tpu.memory_space<hbm>> -> memref<64xf32, #tpu.memory_space<hbm>>
    tpu.enqueue_dma source(%dma_start3A_29 : memref<64xf32, #tpu.memory_space<hbm>>) target(%arg16 : memref<64xf32, #tpu.memory_space<vmem>>) target_semaphore(%arg28 : memref<!tpu.dma_semaphore, #tpu.memory_space<semaphore_mem>>)
    %dma_start3A_30 = tpu.memref_slice %arg6[%mul3A_2] : memref<16384xf32, #tpu.memory_space<hbm>> -> memref<64xf32, #tpu.memory_space<hbm>>
    %dma_start3A_31 = tpu.memref_slice %arg6[%mul3A_2] : memref<16384xf32, #tpu.memory_space<hbm>> -> memref<64xf32, #tpu.memory_space<hbm>>
    tpu.enqueue_dma source(%dma_start3A_31 : memref<64xf32, #tpu.memory_space<hbm>>) target(%arg17 : memref<64xf32, #tpu.memory_space<vmem>>) target_semaphore(%arg29 : memref<!tpu.dma_semaphore, #tpu.memory_space<semaphore_mem>>)
    %dma_start3A_32 = arith.constant 0 : i32
    %dma_start3A_33 = tpu.memref_slice %arg7[%dma_start3A_32] : memref<512xi32, #tpu.memory_space<vmem>> -> memref<64xi32, #tpu.memory_space<vmem>>
    %dma_start3A_34 = arith.constant 0 : i32
    %dma_start3A_35 = arith.constant 0 : i32
    %dma_start3A_36 = tpu.memref_slice %arg4[%dma_start3A_34, %dma_start3A_35] : memref<100000x256xf32, #tpu.memory_space<hbm>> -> memref<100000x256xf32, #tpu.memory_space<hbm>>
    tpu.enqueue_indirect_dma source(%dma_start3A_36 : memref<100000x256xf32, #tpu.memory_space<hbm>>) target(%arg10 : memref<64x256xf32, #tpu.memory_space<vmem>>) offsets(%dma_start3A_33 : memref<64xi32, #tpu.memory_space<vmem>>) semaphore(%arg22 : memref<!tpu.dma_semaphore, #tpu.memory_space<semaphore_mem>>)
    %dma_start3A_37 = arith.constant 0 : i32
    %dma_start3A_38 = tpu.memref_slice %arg8[%dma_start3A_37] : memref<512xi32, #tpu.memory_space<vmem>> -> memref<64xi32, #tpu.memory_space<vmem>>
    %dma_start3A_39 = arith.constant 0 : i32
    %dma_start3A_40 = arith.constant 0 : i32
    %dma_start3A_41 = tpu.memref_slice %arg4[%dma_start3A_39, %dma_start3A_40] : memref<100000x256xf32, #tpu.memory_space<hbm>> -> memref<100000x256xf32, #tpu.memory_space<hbm>>
    tpu.enqueue_indirect_dma source(%dma_start3A_41 : memref<100000x256xf32, #tpu.memory_space<hbm>>) target(%arg11 : memref<64x256xf32, #tpu.memory_space<vmem>>) offsets(%dma_start3A_38 : memref<64xi32, #tpu.memory_space<vmem>>) semaphore(%arg23 : memref<!tpu.dma_semaphore, #tpu.memory_space<semaphore_mem>>)
    %dma_start3A_42 = arith.constant 0 : i32
    %dma_start3A_43 = tpu.memref_slice %arg9[%dma_start3A_42] : memref<512xi32, #tpu.memory_space<vmem>> -> memref<64xi32, #tpu.memory_space<vmem>>
    %dma_start3A_44 = arith.constant 0 : i32
    %dma_start3A_45 = arith.constant 0 : i32
    %dma_start3A_46 = tpu.memref_slice %arg5[%dma_start3A_44, %dma_start3A_45] : memref<1000x256xf32, #tpu.memory_space<hbm>> -> memref<1000x256xf32, #tpu.memory_space<hbm>>
    tpu.enqueue_indirect_dma source(%dma_start3A_46 : memref<1000x256xf32, #tpu.memory_space<hbm>>) target(%arg12 : memref<64x256xf32, #tpu.memory_space<vmem>>) offsets(%dma_start3A_43 : memref<64xi32, #tpu.memory_space<vmem>>) semaphore(%arg24 : memref<!tpu.dma_semaphore, #tpu.memory_space<semaphore_mem>>)
    %scan3A = arith.constant 0 : i32
    %scan3A_47 = arith.constant 0 : i32
    %scan3A_48 = arith.constant 3 : i32
    %scan3A_49 = arith.addi %scan3A_47, %scan3A_48 : i32
    %scan3A_50 = arith.constant 1 : i32
    scf.for %scan3A_135 = %scan3A_47 to %scan3A_49 step %scan3A_50  : i32 {
      %mul3A_136 = arith.constant 2 : i32
      %mul3A_137 = arith.muli %mul3A_136, %scan3A_135 : i32
      %add3A_138 = arith.constant 1 : i32
      %add3A_139 = arith.addi %mul3A_137, %add3A_138 : i32
      %mul3A_140 = arith.constant 64 : i32
      %mul3A_141 = arith.muli %add3A_139, %mul3A_140 : i32
      %dma_start3A_142 = tpu.memref_slice %arg7[%mul3A_141] : memref<512xi32, #tpu.memory_space<vmem>> -> memref<64xi32, #tpu.memory_space<vmem>>
      %dma_start3A_143 = arith.constant 0 : i32
      %dma_start3A_144 = arith.constant 0 : i32
      %dma_start3A_145 = tpu.memref_slice %arg4[%dma_start3A_143, %dma_start3A_144] : memref<100000x256xf32, #tpu.memory_space<hbm>> -> memref<100000x256xf32, #tpu.memory_space<hbm>>
      tpu.enqueue_indirect_dma source(%dma_start3A_145 : memref<100000x256xf32, #tpu.memory_space<hbm>>) target(%arg13 : memref<64x256xf32, #tpu.memory_space<vmem>>) offsets(%dma_start3A_142 : memref<64xi32, #tpu.memory_space<vmem>>) semaphore(%arg25 : memref<!tpu.dma_semaphore, #tpu.memory_space<semaphore_mem>>)
      %dma_start3A_146 = tpu.memref_slice %arg8[%mul3A_141] : memref<512xi32, #tpu.memory_space<vmem>> -> memref<64xi32, #tpu.memory_space<vmem>>
      %dma_start3A_147 = arith.constant 0 : i32
      %dma_start3A_148 = arith.constant 0 : i32
      %dma_start3A_149 = tpu.memref_slice %arg4[%dma_start3A_147, %dma_start3A_148] : memref<100000x256xf32, #tpu.memory_space<hbm>> -> memref<100000x256xf32, #tpu.memory_space<hbm>>
      tpu.enqueue_indirect_dma source(%dma_start3A_149 : memref<100000x256xf32, #tpu.memory_space<hbm>>) target(%arg14 : memref<64x256xf32, #tpu.memory_space<vmem>>) offsets(%dma_start3A_146 : memref<64xi32, #tpu.memory_space<vmem>>) semaphore(%arg26 : memref<!tpu.dma_semaphore, #tpu.memory_space<semaphore_mem>>)
      %dma_start3A_150 = tpu.memref_slice %arg9[%mul3A_141] : memref<512xi32, #tpu.memory_space<vmem>> -> memref<64xi32, #tpu.memory_space<vmem>>
      %dma_start3A_151 = arith.constant 0 : i32
      %dma_start3A_152 = arith.constant 0 : i32
      %dma_start3A_153 = tpu.memref_slice %arg5[%dma_start3A_151, %dma_start3A_152] : memref<1000x256xf32, #tpu.memory_space<hbm>> -> memref<1000x256xf32, #tpu.memory_space<hbm>>
      tpu.enqueue_indirect_dma source(%dma_start3A_153 : memref<1000x256xf32, #tpu.memory_space<hbm>>) target(%arg15 : memref<64x256xf32, #tpu.memory_space<vmem>>) offsets(%dma_start3A_150 : memref<64xi32, #tpu.memory_space<vmem>>) semaphore(%arg27 : memref<!tpu.dma_semaphore, #tpu.memory_space<semaphore_mem>>)
      %dma_wait3A_154 = arith.constant 0 : i32
      %dma_wait3A_155 = arith.constant 0 : i32
      %dma_wait3A_156 = tpu.memref_slice %arg4[%dma_wait3A_154, %dma_wait3A_155] : memref<100000x256xf32, #tpu.memory_space<hbm>> -> memref<64x256xf32, #tpu.memory_space<hbm>>
      %dma_wait3A_157 = arith.constant 0 : i32
      %dma_wait3A_158 = arith.constant 0 : i32
      %dma_wait3A_159 = tpu.memref_slice %arg4[%dma_wait3A_157, %dma_wait3A_158] : memref<100000x256xf32, #tpu.memory_space<hbm>> -> memref<64x256xf32, #tpu.memory_space<hbm>>
      tpu.wait_dma2 semaphore(%arg22 : memref<!tpu.dma_semaphore, #tpu.memory_space<semaphore_mem>>) src(%dma_wait3A_159 : memref<64x256xf32, #tpu.memory_space<hbm>>) dst(%arg10 : memref<64x256xf32, #tpu.memory_space<vmem>>)
      %dma_wait3A_160 = arith.constant 0 : i32
      %dma_wait3A_161 = arith.constant 0 : i32
      %dma_wait3A_162 = tpu.memref_slice %arg4[%dma_wait3A_160, %dma_wait3A_161] : memref<100000x256xf32, #tpu.memory_space<hbm>> -> memref<64x256xf32, #tpu.memory_space<hbm>>
      %dma_wait3A_163 = arith.constant 0 : i32
      %dma_wait3A_164 = arith.constant 0 : i32
      %dma_wait3A_165 = tpu.memref_slice %arg4[%dma_wait3A_163, %dma_wait3A_164] : memref<100000x256xf32, #tpu.memory_space<hbm>> -> memref<64x256xf32, #tpu.memory_space<hbm>>
      tpu.wait_dma2 semaphore(%arg23 : memref<!tpu.dma_semaphore, #tpu.memory_space<semaphore_mem>>) src(%dma_wait3A_165 : memref<64x256xf32, #tpu.memory_space<hbm>>) dst(%arg11 : memref<64x256xf32, #tpu.memory_space<vmem>>)
      %dma_wait3A_166 = arith.constant 0 : i32
      %dma_wait3A_167 = arith.constant 0 : i32
      %dma_wait3A_168 = tpu.memref_slice %arg5[%dma_wait3A_166, %dma_wait3A_167] : memref<1000x256xf32, #tpu.memory_space<hbm>> -> memref<64x256xf32, #tpu.memory_space<hbm>>
      %dma_wait3A_169 = arith.constant 0 : i32
      %dma_wait3A_170 = arith.constant 0 : i32
      %dma_wait3A_171 = tpu.memref_slice %arg5[%dma_wait3A_169, %dma_wait3A_170] : memref<1000x256xf32, #tpu.memory_space<hbm>> -> memref<64x256xf32, #tpu.memory_space<hbm>>
      tpu.wait_dma2 semaphore(%arg24 : memref<!tpu.dma_semaphore, #tpu.memory_space<semaphore_mem>>) src(%dma_wait3A_171 : memref<64x256xf32, #tpu.memory_space<hbm>>) dst(%arg12 : memref<64x256xf32, #tpu.memory_space<vmem>>)
      %mul3A_172 = arith.constant 64 : i32
      %mul3A_173 = arith.muli %mul3A_137, %mul3A_172 : i32
      %add3A_174 = arith.addi %mul3A_2, %mul3A_173 : i32
      %dma_wait3A_175 = arith.constant 0 : i32
      %dma_wait3A_176 = tpu.memref_slice %arg6[%dma_wait3A_175] : memref<16384xf32, #tpu.memory_space<hbm>> -> memref<64xf32, #tpu.memory_space<hbm>>
      %dma_wait3A_177 = arith.constant 0 : i32
      %dma_wait3A_178 = tpu.memref_slice %arg6[%dma_wait3A_177] : memref<16384xf32, #tpu.memory_space<hbm>> -> memref<64xf32, #tpu.memory_space<hbm>>
      tpu.wait_dma2 semaphore(%arg28 : memref<!tpu.dma_semaphore, #tpu.memory_space<semaphore_mem>>) src(%dma_wait3A_178 : memref<64xf32, #tpu.memory_space<hbm>>) dst(%arg16 : memref<64xf32, #tpu.memory_space<vmem>>)
      %scan3A_179 = arith.constant 0 : i32
      %scan3A_180 = arith.constant 0 : i32
      %scan3A_181 = arith.constant 4 : i32
      %scan3A_182 = arith.addi %scan3A_180, %scan3A_181 : i32
      %scan3A_183 = arith.constant 1 : i32
      scf.for %scan3A_238 = %scan3A_180 to %scan3A_182 step %scan3A_183  : i32 {
        %scan3A_239 = arith.constant 0 : i32
        %scan3A_240 = arith.constant 0 : i32
        %scan3A_241 = arith.constant 16 : i32
        %scan3A_242 = arith.addi %scan3A_240, %scan3A_241 : i32
        %scan3A_243 = arith.constant 1 : i32
        scf.for %scan3A_357 = %scan3A_240 to %scan3A_242 step %scan3A_243  : i32 {
          %mul3A_358 = arith.constant 16 : i32
          %mul3A_359 = arith.muli %scan3A_238, %mul3A_358 : i32
          %add3A_360 = arith.addi %mul3A_359, %scan3A_357 : i32
          %broadcast_in_dim3A_361 = arith.constant 0.000000e+00 : f32
          %broadcast_in_dim3A_362 = vector.broadcast %broadcast_in_dim3A_361 : f32 to vector<16xf32>
          %get3A = arith.index_cast %add3A_360 : i32 to index
          %get3A_363 = arith.constant 0 : index
          %get3A_364 = tpu.vector_load %arg12[%get3A, %get3A_363] {strides = array<i32>} : memref<64x256xf32, #tpu.memory_space<vmem>>, vector<16xf32>,
          %get3A_365 = arith.index_cast %add3A_360 : i32 to index
          %get3A_366 = arith.constant 128 : index
          %get3A_367 = tpu.vector_load %arg12[%get3A_365, %get3A_366] {strides = array<i32>} : memref<64x256xf32, #tpu.memory_space<vmem>>, vector<16xf32>,
          %get3A_368 = arith.index_cast %add3A_360 : i32 to index
          %get3A_369 = arith.constant 0 : index
          %get3A_370 = tpu.vector_load %arg10[%get3A_368, %get3A_369] {strides = array<i32>} : memref<64x256xf32, #tpu.memory_space<vmem>>, vector<16xf32>,
          %get3A_371 = arith.index_cast %add3A_360 : i32 to index
          %get3A_372 = arith.constant 128 : index
          %get3A_373 = tpu.vector_load %arg10[%get3A_371, %get3A_372] {strides = array<i32>} : memref<64x256xf32, #tpu.memory_space<vmem>>, vector<16xf32>,
          %mul3A_374 = arith.mulf %get3A_370, %get3A_364 : vector<16xf32>
          %mul3A_375 = arith.mulf %get3A_373, %get3A_367 : vector<16xf32>
          %sub3A_376 = arith.subf %mul3A_374, %mul3A_375 : vector<16xf32>
          %get3A_377 = arith.index_cast %add3A_360 : i32 to index
          %get3A_378 = arith.constant 0 : index
          %get3A_379 = tpu.vector_load %arg11[%get3A_377, %get3A_378] {strides = array<i32>} : memref<64x256xf32, #tpu.memory_space<vmem>>, vector<16xf32>,
          %sub3A_380 = arith.subf %sub3A_376, %get3A_379 : vector<16xf32>
          %mul3A_381 = arith.mulf %get3A_370, %get3A_367 : vector<16xf32>
          %mul3A_382 = arith.mulf %get3A_373, %get3A_364 : vector<16xf32>
          %add3A_383 = arith.addf %mul3A_381, %mul3A_382 : vector<16xf32>
          %get3A_384 = arith.index_cast %add3A_360 : i32 to index
          %get3A_385 = arith.constant 128 : index
          %get3A_386 = tpu.vector_load %arg11[%get3A_384, %get3A_385] {strides = array<i32>} : memref<64x256xf32, #tpu.memory_space<vmem>>, vector<16xf32>,
          %sub3A_387 = arith.subf %add3A_383, %get3A_386 : vector<16xf32>
          %mul3A_388 = arith.mulf %sub3A_380, %sub3A_380 : vector<16xf32>
          %mul3A_389 = arith.mulf %sub3A_387, %sub3A_387 : vector<16xf32>
          %add3A_390 = arith.addf %mul3A_388, %mul3A_389 : vector<16xf32>
          %bitcast_convert_type3A = tpu.bitcast %add3A_390 : vector<16xf32> -> vector<16xi32>
          %shift_right_arithmetic3A = arith.constant 1 : i32
          %shift_right_arithmetic3A_391 = vector.broadcast %shift_right_arithmetic3A : i32 to vector<16xi32>
          %shift_right_arithmetic3A_392 = arith.shrsi %bitcast_convert_type3A, %shift_right_arithmetic3A_391 : vector<16xi32>
          %sub3A_393 = arith.constant 1597463007 : i32
          %sub3A_394 = vector.broadcast %sub3A_393 : i32 to vector<16xi32>
          %sub3A_395 = arith.subi %sub3A_394, %shift_right_arithmetic3A_392 : vector<16xi32>
          %bitcast_convert_type3A_396 = tpu.bitcast %sub3A_395 : vector<16xi32> -> vector<16xf32>
          %mul3A_397 = arith.constant 5.000000e-01 : f32
          %mul3A_398 = vector.broadcast %mul3A_397 : f32 to vector<16xf32>
          %mul3A_399 = arith.mulf %mul3A_398, %add3A_390 : vector<16xf32>
          %mul3A_400 = arith.mulf %mul3A_399, %bitcast_convert_type3A_396 : vector<16xf32>
          %mul3A_401 = arith.mulf %mul3A_400, %bitcast_convert_type3A_396 : vector<16xf32>
          %sub3A_402 = arith.constant 1.500000e+00 : f32
          %sub3A_403 = vector.broadcast %sub3A_402 : f32 to vector<16xf32>
          %sub3A_404 = arith.subf %sub3A_403, %mul3A_401 : vector<16xf32>
          %mul3A_405 = arith.mulf %bitcast_convert_type3A_396, %sub3A_404 : vector<16xf32>
          %mul3A_406 = arith.mulf %mul3A_399, %mul3A_405 : vector<16xf32>
          %mul3A_407 = arith.mulf %mul3A_406, %mul3A_405 : vector<16xf32>
          %sub3A_408 = arith.constant 1.500000e+00 : f32
          %sub3A_409 = vector.broadcast %sub3A_408 : f32 to vector<16xf32>
          %sub3A_410 = arith.subf %sub3A_409, %mul3A_407 : vector<16xf32>
          %mul3A_411 = arith.mulf %mul3A_405, %sub3A_410 : vector<16xf32>
          %mul3A_412 = arith.mulf %add3A_390, %mul3A_411 : vector<16xf32>
          %add3A_413 = arith.addf %broadcast_in_dim3A_362, %mul3A_412 : vector<16xf32>
          %get3A_414 = arith.index_cast %add3A_360 : i32 to index
          %get3A_415 = arith.constant 16 : index
          %get3A_416 = tpu.vector_load %arg12[%get3A_414, %get3A_415] {strides = array<i32>} : memref<64x256xf32, #tpu.memory_space<vmem>>, vector<16xf32>,
          %get3A_417 = arith.index_cast %add3A_360 : i32 to index
          %get3A_418 = arith.constant 144 : index
          %get3A_419 = tpu.vector_load %arg12[%get3A_417, %get3A_418] {strides = array<i32>} : memref<64x256xf32, #tpu.memory_space<vmem>>, vector<16xf32>,
          %get3A_420 = arith.index_cast %add3A_360 : i32 to index
          %get3A_421 = arith.constant 16 : index
          %get3A_422 = tpu.vector_load %arg10[%get3A_420, %get3A_421] {strides = array<i32>} : memref<64x256xf32, #tpu.memory_space<vmem>>, vector<16xf32>,
          %get3A_423 = arith.index_cast %add3A_360 : i32 to index
          %get3A_424 = arith.constant 144 : index
          %get3A_425 = tpu.vector_load %arg10[%get3A_423, %get3A_424] {strides = array<i32>} : memref<64x256xf32, #tpu.memory_space<vmem>>, vector<16xf32>,
          %mul3A_426 = arith.mulf %get3A_422, %get3A_416 : vector<16xf32>
          %mul3A_427 = arith.mulf %get3A_425, %get3A_419 : vector<16xf32>
          %sub3A_428 = arith.subf %mul3A_426, %mul3A_427 : vector<16xf32>
          %get3A_429 = arith.index_cast %add3A_360 : i32 to index
          %get3A_430 = arith.constant 16 : index
          %get3A_431 = tpu.vector_load %arg11[%get3A_429, %get3A_430] {strides = array<i32>} : memref<64x256xf32, #tpu.memory_space<vmem>>, vector<16xf32>,
          %sub3A_432 = arith.subf %sub3A_428, %get3A_431 : vector<16xf32>
          %mul3A_433 = arith.mulf %get3A_422, %get3A_419 : vector<16xf32>
          %mul3A_434 = arith.mulf %get3A_425, %get3A_416 : vector<16xf32>
          %add3A_435 = arith.addf %mul3A_433, %mul3A_434 : vector<16xf32>
          %get3A_436 = arith.index_cast %add3A_360 : i32 to index
          %get3A_437 = arith.constant 144 : index
          %get3A_438 = tpu.vector_load %arg11[%get3A_436, %get3A_437] {strides = array<i32>} : memref<64x256xf32, #tpu.memory_space<vmem>>, vector<16xf32>,
          %sub3A_439 = arith.subf %add3A_435, %get3A_438 : vector<16xf32>
          %mul3A_440 = arith.mulf %sub3A_432, %sub3A_432 : vector<16xf32>
          %mul3A_441 = arith.mulf %sub3A_439, %sub3A_439 : vector<16xf32>
          %add3A_442 = arith.addf %mul3A_440, %mul3A_441 : vector<16xf32>
          %bitcast_convert_type3A_443 = tpu.bitcast %add3A_442 : vector<16xf32> -> vector<16xi32>
          %shift_right_arithmetic3A_444 = arith.constant 1 : i32
          %shift_right_arithmetic3A_445 = vector.broadcast %shift_right_arithmetic3A_444 : i32 to vector<16xi32>
          %shift_right_arithmetic3A_446 = arith.shrsi %bitcast_convert_type3A_443, %shift_right_arithmetic3A_445 : vector<16xi32>
          %sub3A_447 = arith.constant 1597463007 : i32
          %sub3A_448 = vector.broadcast %sub3A_447 : i32 to vector<16xi32>
          %sub3A_449 = arith.subi %sub3A_448, %shift_right_arithmetic3A_446 : vector<16xi32>
          %bitcast_convert_type3A_450 = tpu.bitcast %sub3A_449 : vector<16xi32> -> vector<16xf32>
          %mul3A_451 = arith.constant 5.000000e-01 : f32
          %mul3A_452 = vector.broadcast %mul3A_451 : f32 to vector<16xf32>
          %mul3A_453 = arith.mulf %mul3A_452, %add3A_442 : vector<16xf32>
          %mul3A_454 = arith.mulf %mul3A_453, %bitcast_convert_type3A_450 : vector<16xf32>
          %mul3A_455 = arith.mulf %mul3A_454, %bitcast_convert_type3A_450 : vector<16xf32>
          %sub3A_456 = arith.constant 1.500000e+00 : f32
          %sub3A_457 = vector.broadcast %sub3A_456 : f32 to vector<16xf32>
          %sub3A_458 = arith.subf %sub3A_457, %mul3A_455 : vector<16xf32>
          %mul3A_459 = arith.mulf %bitcast_convert_type3A_450, %sub3A_458 : vector<16xf32>
          %mul3A_460 = arith.mulf %mul3A_453, %mul3A_459 : vector<16xf32>
          %mul3A_461 = arith.mulf %mul3A_460, %mul3A_459 : vector<16xf32>
          %sub3A_462 = arith.constant 1.500000e+00 : f32
          %sub3A_463 = vector.broadcast %sub3A_462 : f32 to vector<16xf32>
          %sub3A_464 = arith.subf %sub3A_463, %mul3A_461 : vector<16xf32>
          %mul3A_465 = arith.mulf %mul3A_459, %sub3A_464 : vector<16xf32>
          %mul3A_466 = arith.mulf %add3A_442, %mul3A_465 : vector<16xf32>
          %add3A_467 = arith.addf %add3A_413, %mul3A_466 : vector<16xf32>
          %get3A_468 = arith.index_cast %add3A_360 : i32 to index
          %get3A_469 = arith.constant 32 : index
          %get3A_470 = tpu.vector_load %arg12[%get3A_468, %get3A_469] {strides = array<i32>} : memref<64x256xf32, #tpu.memory_space<vmem>>, vector<16xf32>,
          %get3A_471 = arith.index_cast %add3A_360 : i32 to index
          %get3A_472 = arith.constant 160 : index
          %get3A_473 = tpu.vector_load %arg12[%get3A_471, %get3A_472] {strides = array<i32>} : memref<64x256xf32, #tpu.memory_space<vmem>>, vector<16xf32>,
          %get3A_474 = arith.index_cast %add3A_360 : i32 to index
          %get3A_475 = arith.constant 32 : index
          %get3A_476 = tpu.vector_load %arg10[%get3A_474, %get3A_475] {strides = array<i32>} : memref<64x256xf32, #tpu.memory_space<vmem>>, vector<16xf32>,
          %get3A_477 = arith.index_cast %add3A_360 : i32 to index
          %get3A_478 = arith.constant 160 : index
          %get3A_479 = tpu.vector_load %arg10[%get3A_477, %get3A_478] {strides = array<i32>} : memref<64x256xf32, #tpu.memory_space<vmem>>, vector<16xf32>,
          %mul3A_480 = arith.mulf %get3A_476, %get3A_470 : vector<16xf32>
          %mul3A_481 = arith.mulf %get3A_479, %get3A_473 : vector<16xf32>
          %sub3A_482 = arith.subf %mul3A_480, %mul3A_481 : vector<16xf32>
          %get3A_483 = arith.index_cast %add3A_360 : i32 to index
          %get3A_484 = arith.constant 32 : index
          %get3A_485 = tpu.vector_load %arg11[%get3A_483, %get3A_484] {strides = array<i32>} : memref<64x256xf32, #tpu.memory_space<vmem>>, vector<16xf32>,
          %sub3A_486 = arith.subf %sub3A_482, %get3A_485 : vector<16xf32>
          %mul3A_487 = arith.mulf %get3A_476, %get3A_473 : vector<16xf32>
          %mul3A_488 = arith.mulf %get3A_479, %get3A_470 : vector<16xf32>
          %add3A_489 = arith.addf %mul3A_487, %mul3A_488 : vector<16xf32>
          %get3A_490 = arith.index_cast %add3A_360 : i32 to index
          %get3A_491 = arith.constant 160 : index
          %get3A_492 = tpu.vector_load %arg11[%get3A_490, %get3A_491] {strides = array<i32>} : memref<64x256xf32, #tpu.memory_space<vmem>>, vector<16xf32>,
          %sub3A_493 = arith.subf %add3A_489, %get3A_492 : vector<16xf32>
          %mul3A_494 = arith.mulf %sub3A_486, %sub3A_486 : vector<16xf32>
          %mul3A_495 = arith.mulf %sub3A_493, %sub3A_493 : vector<16xf32>
          %add3A_496 = arith.addf %mul3A_494, %mul3A_495 : vector<16xf32>
          %bitcast_convert_type3A_497 = tpu.bitcast %add3A_496 : vector<16xf32> -> vector<16xi32>
          %shift_right_arithmetic3A_498 = arith.constant 1 : i32
          %shift_right_arithmetic3A_499 = vector.broadcast %shift_right_arithmetic3A_498 : i32 to vector<16xi32>
          %shift_right_arithmetic3A_500 = arith.shrsi %bitcast_convert_type3A_497, %shift_right_arithmetic3A_499 : vector<16xi32>
          %sub3A_501 = arith.constant 1597463007 : i32
          %sub3A_502 = vector.broadcast %sub3A_501 : i32 to vector<16xi32>
          %sub3A_503 = arith.subi %sub3A_502, %shift_right_arithmetic3A_500 : vector<16xi32>
          %bitcast_convert_type3A_504 = tpu.bitcast %sub3A_503 : vector<16xi32> -> vector<16xf32>
          %mul3A_505 = arith.constant 5.000000e-01 : f32
          %mul3A_506 = vector.broadcast %mul3A_505 : f32 to vector<16xf32>
          %mul3A_507 = arith.mulf %mul3A_506, %add3A_496 : vector<16xf32>
          %mul3A_508 = arith.mulf %mul3A_507, %bitcast_convert_type3A_504 : vector<16xf32>
          %mul3A_509 = arith.mulf %mul3A_508, %bitcast_convert_type3A_504 : vector<16xf32>
          %sub3A_510 = arith.constant 1.500000e+00 : f32
          %sub3A_511 = vector.broadcast %sub3A_510 : f32 to vector<16xf32>
          %sub3A_512 = arith.subf %sub3A_511, %mul3A_509 : vector<16xf32>
          %mul3A_513 = arith.mulf %bitcast_convert_type3A_504, %sub3A_512 : vector<16xf32>
          %mul3A_514 = arith.mulf %mul3A_507, %mul3A_513 : vector<16xf32>
          %mul3A_515 = arith.mulf %mul3A_514, %mul3A_513 : vector<16xf32>
          %sub3A_516 = arith.constant 1.500000e+00 : f32
          %sub3A_517 = vector.broadcast %sub3A_516 : f32 to vector<16xf32>
          %sub3A_518 = arith.subf %sub3A_517, %mul3A_515 : vector<16xf32>
          %mul3A_519 = arith.mulf %mul3A_513, %sub3A_518 : vector<16xf32>
          %mul3A_520 = arith.mulf %add3A_496, %mul3A_519 : vector<16xf32>
          %add3A_521 = arith.addf %add3A_467, %mul3A_520 : vector<16xf32>
          %get3A_522 = arith.index_cast %add3A_360 : i32 to index
          %get3A_523 = arith.constant 48 : index
          %get3A_524 = tpu.vector_load %arg12[%get3A_522, %get3A_523] {strides = array<i32>} : memref<64x256xf32, #tpu.memory_space<vmem>>, vector<16xf32>,
          %get3A_525 = arith.index_cast %add3A_360 : i32 to index
          %get3A_526 = arith.constant 176 : index
          %get3A_527 = tpu.vector_load %arg12[%get3A_525, %get3A_526] {strides = array<i32>} : memref<64x256xf32, #tpu.memory_space<vmem>>, vector<16xf32>,
          %get3A_528 = arith.index_cast %add3A_360 : i32 to index
          %get3A_529 = arith.constant 48 : index
          %get3A_530 = tpu.vector_load %arg10[%get3A_528, %get3A_529] {strides = array<i32>} : memref<64x256xf32, #tpu.memory_space<vmem>>, vector<16xf32>,
          %get3A_531 = arith.index_cast %add3A_360 : i32 to index
          %get3A_532 = arith.constant 176 : index
          %get3A_533 = tpu.vector_load %arg10[%get3A_531, %get3A_532] {strides = array<i32>} : memref<64x256xf32, #tpu.memory_space<vmem>>, vector<16xf32>,
          %mul3A_534 = arith.mulf %get3A_530, %get3A_524 : vector<16xf32>
          %mul3A_535 = arith.mulf %get3A_533, %get3A_527 : vector<16xf32>
          %sub3A_536 = arith.subf %mul3A_534, %mul3A_535 : vector<16xf32>
          %get3A_537 = arith.index_cast %add3A_360 : i32 to index
          %get3A_538 = arith.constant 48 : index
          %get3A_539 = tpu.vector_load %arg11[%get3A_537, %get3A_538] {strides = array<i32>} : memref<64x256xf32, #tpu.memory_space<vmem>>, vector<16xf32>,
          %sub3A_540 = arith.subf %sub3A_536, %get3A_539 : vector<16xf32>
          %mul3A_541 = arith.mulf %get3A_530, %get3A_527 : vector<16xf32>
          %mul3A_542 = arith.mulf %get3A_533, %get3A_524 : vector<16xf32>
          %add3A_543 = arith.addf %mul3A_541, %mul3A_542 : vector<16xf32>
          %get3A_544 = arith.index_cast %add3A_360 : i32 to index
          %get3A_545 = arith.constant 176 : index
          %get3A_546 = tpu.vector_load %arg11[%get3A_544, %get3A_545] {strides = array<i32>} : memref<64x256xf32, #tpu.memory_space<vmem>>, vector<16xf32>,
          %sub3A_547 = arith.subf %add3A_543, %get3A_546 : vector<16xf32>
          %mul3A_548 = arith.mulf %sub3A_540, %sub3A_540 : vector<16xf32>
          %mul3A_549 = arith.mulf %sub3A_547, %sub3A_547 : vector<16xf32>
          %add3A_550 = arith.addf %mul3A_548, %mul3A_549 : vector<16xf32>
          %bitcast_convert_type3A_551 = tpu.bitcast %add3A_550 : vector<16xf32> -> vector<16xi32>
          %shift_right_arithmetic3A_552 = arith.constant 1 : i32
          %shift_right_arithmetic3A_553 = vector.broadcast %shift_right_arithmetic3A_552 : i32 to vector<16xi32>
          %shift_right_arithmetic3A_554 = arith.shrsi %bitcast_convert_type3A_551, %shift_right_arithmetic3A_553 : vector<16xi32>
          %sub3A_555 = arith.constant 1597463007 : i32
          %sub3A_556 = vector.broadcast %sub3A_555 : i32 to vector<16xi32>
          %sub3A_557 = arith.subi %sub3A_556, %shift_right_arithmetic3A_554 : vector<16xi32>
          %bitcast_convert_type3A_558 = tpu.bitcast %sub3A_557 : vector<16xi32> -> vector<16xf32>
          %mul3A_559 = arith.constant 5.000000e-01 : f32
          %mul3A_560 = vector.broadcast %mul3A_559 : f32 to vector<16xf32>
          %mul3A_561 = arith.mulf %mul3A_560, %add3A_550 : vector<16xf32>
          %mul3A_562 = arith.mulf %mul3A_561, %bitcast_convert_type3A_558 : vector<16xf32>
          %mul3A_563 = arith.mulf %mul3A_562, %bitcast_convert_type3A_558 : vector<16xf32>
          %sub3A_564 = arith.constant 1.500000e+00 : f32
          %sub3A_565 = vector.broadcast %sub3A_564 : f32 to vector<16xf32>
          %sub3A_566 = arith.subf %sub3A_565, %mul3A_563 : vector<16xf32>
          %mul3A_567 = arith.mulf %bitcast_convert_type3A_558, %sub3A_566 : vector<16xf32>
          %mul3A_568 = arith.mulf %mul3A_561, %mul3A_567 : vector<16xf32>
          %mul3A_569 = arith.mulf %mul3A_568, %mul3A_567 : vector<16xf32>
          %sub3A_570 = arith.constant 1.500000e+00 : f32
          %sub3A_571 = vector.broadcast %sub3A_570 : f32 to vector<16xf32>
          %sub3A_572 = arith.subf %sub3A_571, %mul3A_569 : vector<16xf32>
          %mul3A_573 = arith.mulf %mul3A_567, %sub3A_572 : vector<16xf32>
          %mul3A_574 = arith.mulf %add3A_550, %mul3A_573 : vector<16xf32>
          %add3A_575 = arith.addf %add3A_521, %mul3A_574 : vector<16xf32>
          %get3A_576 = arith.index_cast %add3A_360 : i32 to index
          %get3A_577 = arith.constant 64 : index
          %get3A_578 = tpu.vector_load %arg12[%get3A_576, %get3A_577] {strides = array<i32>} : memref<64x256xf32, #tpu.memory_space<vmem>>, vector<16xf32>,
          %get3A_579 = arith.index_cast %add3A_360 : i32 to index
          %get3A_580 = arith.constant 192 : index
          %get3A_581 = tpu.vector_load %arg12[%get3A_579, %get3A_580] {strides = array<i32>} : memref<64x256xf32, #tpu.memory_space<vmem>>, vector<16xf32>,
          %get3A_582 = arith.index_cast %add3A_360 : i32 to index
          %get3A_583 = arith.constant 64 : index
          %get3A_584 = tpu.vector_load %arg10[%get3A_582, %get3A_583] {strides = array<i32>} : memref<64x256xf32, #tpu.memory_space<vmem>>, vector<16xf32>,
          %get3A_585 = arith.index_cast %add3A_360 : i32 to index
          %get3A_586 = arith.constant 192 : index
          %get3A_587 = tpu.vector_load %arg10[%get3A_585, %get3A_586] {strides = array<i32>} : memref<64x256xf32, #tpu.memory_space<vmem>>, vector<16xf32>,
          %mul3A_588 = arith.mulf %get3A_584, %get3A_578 : vector<16xf32>
          %mul3A_589 = arith.mulf %get3A_587, %get3A_581 : vector<16xf32>
          %sub3A_590 = arith.subf %mul3A_588, %mul3A_589 : vector<16xf32>
          %get3A_591 = arith.index_cast %add3A_360 : i32 to index
          %get3A_592 = arith.constant 64 : index
          %get3A_593 = tpu.vector_load %arg11[%get3A_591, %get3A_592] {strides = array<i32>} : memref<64x256xf32, #tpu.memory_space<vmem>>, vector<16xf32>,
          %sub3A_594 = arith.subf %sub3A_590, %get3A_593 : vector<16xf32>
          %mul3A_595 = arith.mulf %get3A_584, %get3A_581 : vector<16xf32>
          %mul3A_596 = arith.mulf %get3A_587, %get3A_578 : vector<16xf32>
          %add3A_597 = arith.addf %mul3A_595, %mul3A_596 : vector<16xf32>
          %get3A_598 = arith.index_cast %add3A_360 : i32 to index
          %get3A_599 = arith.constant 192 : index
          %get3A_600 = tpu.vector_load %arg11[%get3A_598, %get3A_599] {strides = array<i32>} : memref<64x256xf32, #tpu.memory_space<vmem>>, vector<16xf32>,
          %sub3A_601 = arith.subf %add3A_597, %get3A_600 : vector<16xf32>
          %mul3A_602 = arith.mulf %sub3A_594, %sub3A_594 : vector<16xf32>
          %mul3A_603 = arith.mulf %sub3A_601, %sub3A_601 : vector<16xf32>
          %add3A_604 = arith.addf %mul3A_602, %mul3A_603 : vector<16xf32>
          %bitcast_convert_type3A_605 = tpu.bitcast %add3A_604 : vector<16xf32> -> vector<16xi32>
          %shift_right_arithmetic3A_606 = arith.constant 1 : i32
          %shift_right_arithmetic3A_607 = vector.broadcast %shift_right_arithmetic3A_606 : i32 to vector<16xi32>
          %shift_right_arithmetic3A_608 = arith.shrsi %bitcast_convert_type3A_605, %shift_right_arithmetic3A_607 : vector<16xi32>
          %sub3A_609 = arith.constant 1597463007 : i32
          %sub3A_610 = vector.broadcast %sub3A_609 : i32 to vector<16xi32>
          %sub3A_611 = arith.subi %sub3A_610, %shift_right_arithmetic3A_608 : vector<16xi32>
          %bitcast_convert_type3A_612 = tpu.bitcast %sub3A_611 : vector<16xi32> -> vector<16xf32>
          %mul3A_613 = arith.constant 5.000000e-01 : f32
          %mul3A_614 = vector.broadcast %mul3A_613 : f32 to vector<16xf32>
          %mul3A_615 = arith.mulf %mul3A_614, %add3A_604 : vector<16xf32>
          %mul3A_616 = arith.mulf %mul3A_615, %bitcast_convert_type3A_612 : vector<16xf32>
          %mul3A_617 = arith.mulf %mul3A_616, %bitcast_convert_type3A_612 : vector<16xf32>
          %sub3A_618 = arith.constant 1.500000e+00 : f32
          %sub3A_619 = vector.broadcast %sub3A_618 : f32 to vector<16xf32>
          %sub3A_620 = arith.subf %sub3A_619, %mul3A_617 : vector<16xf32>
          %mul3A_621 = arith.mulf %bitcast_convert_type3A_612, %sub3A_620 : vector<16xf32>
          %mul3A_622 = arith.mulf %mul3A_615, %mul3A_621 : vector<16xf32>
          %mul3A_623 = arith.mulf %mul3A_622, %mul3A_621 : vector<16xf32>
          %sub3A_624 = arith.constant 1.500000e+00 : f32
          %sub3A_625 = vector.broadcast %sub3A_624 : f32 to vector<16xf32>
          %sub3A_626 = arith.subf %sub3A_625, %mul3A_623 : vector<16xf32>
          %mul3A_627 = arith.mulf %mul3A_621, %sub3A_626 : vector<16xf32>
          %mul3A_628 = arith.mulf %add3A_604, %mul3A_627 : vector<16xf32>
          %add3A_629 = arith.addf %add3A_575, %mul3A_628 : vector<16xf32>
          %get3A_630 = arith.index_cast %add3A_360 : i32 to index
          %get3A_631 = arith.constant 80 : index
          %get3A_632 = tpu.vector_load %arg12[%get3A_630, %get3A_631] {strides = array<i32>} : memref<64x256xf32, #tpu.memory_space<vmem>>, vector<16xf32>,
          %get3A_633 = arith.index_cast %add3A_360 : i32 to index
          %get3A_634 = arith.constant 208 : index
          %get3A_635 = tpu.vector_load %arg12[%get3A_633, %get3A_634] {strides = array<i32>} : memref<64x256xf32, #tpu.memory_space<vmem>>, vector<16xf32>,
          %get3A_636 = arith.index_cast %add3A_360 : i32 to index
          %get3A_637 = arith.constant 80 : index
          %get3A_638 = tpu.vector_load %arg10[%get3A_636, %get3A_637] {strides = array<i32>} : memref<64x256xf32, #tpu.memory_space<vmem>>, vector<16xf32>,
          %get3A_639 = arith.index_cast %add3A_360 : i32 to index
          %get3A_640 = arith.constant 208 : index
          %get3A_641 = tpu.vector_load %arg10[%get3A_639, %get3A_640] {strides = array<i32>} : memref<64x256xf32, #tpu.memory_space<vmem>>, vector<16xf32>,
          %mul3A_642 = arith.mulf %get3A_638, %get3A_632 : vector<16xf32>
          %mul3A_643 = arith.mulf %get3A_641, %get3A_635 : vector<16xf32>
          %sub3A_644 = arith.subf %mul3A_642, %mul3A_643 : vector<16xf32>
          %get3A_645 = arith.index_cast %add3A_360 : i32 to index
          %get3A_646 = arith.constant 80 : index
          %get3A_647 = tpu.vector_load %arg11[%get3A_645, %get3A_646] {strides = array<i32>} : memref<64x256xf32, #tpu.memory_space<vmem>>, vector<16xf32>,
          %sub3A_648 = arith.subf %sub3A_644, %get3A_647 : vector<16xf32>
          %mul3A_649 = arith.mulf %get3A_638, %get3A_635 : vector<16xf32>
          %mul3A_650 = arith.mulf %get3A_641, %get3A_632 : vector<16xf32>
          %add3A_651 = arith.addf %mul3A_649, %mul3A_650 : vector<16xf32>
          %get3A_652 = arith.index_cast %add3A_360 : i32 to index
          %get3A_653 = arith.constant 208 : index
          %get3A_654 = tpu.vector_load %arg11[%get3A_652, %get3A_653] {strides = array<i32>} : memref<64x256xf32, #tpu.memory_space<vmem>>, vector<16xf32>,
          %sub3A_655 = arith.subf %add3A_651, %get3A_654 : vector<16xf32>
          %mul3A_656 = arith.mulf %sub3A_648, %sub3A_648 : vector<16xf32>
          %mul3A_657 = arith.mulf %sub3A_655, %sub3A_655 : vector<16xf32>
          %add3A_658 = arith.addf %mul3A_656, %mul3A_657 : vector<16xf32>
          %bitcast_convert_type3A_659 = tpu.bitcast %add3A_658 : vector<16xf32> -> vector<16xi32>
          %shift_right_arithmetic3A_660 = arith.constant 1 : i32
          %shift_right_arithmetic3A_661 = vector.broadcast %shift_right_arithmetic3A_660 : i32 to vector<16xi32>
          %shift_right_arithmetic3A_662 = arith.shrsi %bitcast_convert_type3A_659, %shift_right_arithmetic3A_661 : vector<16xi32>
          %sub3A_663 = arith.constant 1597463007 : i32
          %sub3A_664 = vector.broadcast %sub3A_663 : i32 to vector<16xi32>
          %sub3A_665 = arith.subi %sub3A_664, %shift_right_arithmetic3A_662 : vector<16xi32>
          %bitcast_convert_type3A_666 = tpu.bitcast %sub3A_665 : vector<16xi32> -> vector<16xf32>
          %mul3A_667 = arith.constant 5.000000e-01 : f32
          %mul3A_668 = vector.broadcast %mul3A_667 : f32 to vector<16xf32>
          %mul3A_669 = arith.mulf %mul3A_668, %add3A_658 : vector<16xf32>
          %mul3A_670 = arith.mulf %mul3A_669, %bitcast_convert_type3A_666 : vector<16xf32>
          %mul3A_671 = arith.mulf %mul3A_670, %bitcast_convert_type3A_666 : vector<16xf32>
          %sub3A_672 = arith.constant 1.500000e+00 : f32
          %sub3A_673 = vector.broadcast %sub3A_672 : f32 to vector<16xf32>
          %sub3A_674 = arith.subf %sub3A_673, %mul3A_671 : vector<16xf32>
          %mul3A_675 = arith.mulf %bitcast_convert_type3A_666, %sub3A_674 : vector<16xf32>
          %mul3A_676 = arith.mulf %mul3A_669, %mul3A_675 : vector<16xf32>
          %mul3A_677 = arith.mulf %mul3A_676, %mul3A_675 : vector<16xf32>
          %sub3A_678 = arith.constant 1.500000e+00 : f32
          %sub3A_679 = vector.broadcast %sub3A_678 : f32 to vector<16xf32>
          %sub3A_680 = arith.subf %sub3A_679, %mul3A_677 : vector<16xf32>
          %mul3A_681 = arith.mulf %mul3A_675, %sub3A_680 : vector<16xf32>
          %mul3A_682 = arith.mulf %add3A_658, %mul3A_681 : vector<16xf32>
          %add3A_683 = arith.addf %add3A_629, %mul3A_682 : vector<16xf32>
          %get3A_684 = arith.index_cast %add3A_360 : i32 to index
          %get3A_685 = arith.constant 96 : index
          %get3A_686 = tpu.vector_load %arg12[%get3A_684, %get3A_685] {strides = array<i32>} : memref<64x256xf32, #tpu.memory_space<vmem>>, vector<16xf32>,
          %get3A_687 = arith.index_cast %add3A_360 : i32 to index
          %get3A_688 = arith.constant 224 : index
          %get3A_689 = tpu.vector_load %arg12[%get3A_687, %get3A_688] {strides = array<i32>} : memref<64x256xf32, #tpu.memory_space<vmem>>, vector<16xf32>,
          %get3A_690 = arith.index_cast %add3A_360 : i32 to index
          %get3A_691 = arith.constant 96 : index
          %get3A_692 = tpu.vector_load %arg10[%get3A_690, %get3A_691] {strides = array<i32>} : memref<64x256xf32, #tpu.memory_space<vmem>>, vector<16xf32>,
          %get3A_693 = arith.index_cast %add3A_360 : i32 to index
          %get3A_694 = arith.constant 224 : index
          %get3A_695 = tpu.vector_load %arg10[%get3A_693, %get3A_694] {strides = array<i32>} : memref<64x256xf32, #tpu.memory_space<vmem>>, vector<16xf32>,
          %mul3A_696 = arith.mulf %get3A_692, %get3A_686 : vector<16xf32>
          %mul3A_697 = arith.mulf %get3A_695, %get3A_689 : vector<16xf32>
          %sub3A_698 = arith.subf %mul3A_696, %mul3A_697 : vector<16xf32>
          %get3A_699 = arith.index_cast %add3A_360 : i32 to index
          %get3A_700 = arith.constant 96 : index
          %get3A_701 = tpu.vector_load %arg11[%get3A_699, %get3A_700] {strides = array<i32>} : memref<64x256xf32, #tpu.memory_space<vmem>>, vector<16xf32>,
          %sub3A_702 = arith.subf %sub3A_698, %get3A_701 : vector<16xf32>
          %mul3A_703 = arith.mulf %get3A_692, %get3A_689 : vector<16xf32>
          %mul3A_704 = arith.mulf %get3A_695, %get3A_686 : vector<16xf32>
          %add3A_705 = arith.addf %mul3A_703, %mul3A_704 : vector<16xf32>
          %get3A_706 = arith.index_cast %add3A_360 : i32 to index
          %get3A_707 = arith.constant 224 : index
          %get3A_708 = tpu.vector_load %arg11[%get3A_706, %get3A_707] {strides = array<i32>} : memref<64x256xf32, #tpu.memory_space<vmem>>, vector<16xf32>,
          %sub3A_709 = arith.subf %add3A_705, %get3A_708 : vector<16xf32>
          %mul3A_710 = arith.mulf %sub3A_702, %sub3A_702 : vector<16xf32>
          %mul3A_711 = arith.mulf %sub3A_709, %sub3A_709 : vector<16xf32>
          %add3A_712 = arith.addf %mul3A_710, %mul3A_711 : vector<16xf32>
          %bitcast_convert_type3A_713 = tpu.bitcast %add3A_712 : vector<16xf32> -> vector<16xi32>
          %shift_right_arithmetic3A_714 = arith.constant 1 : i32
          %shift_right_arithmetic3A_715 = vector.broadcast %shift_right_arithmetic3A_714 : i32 to vector<16xi32>
          %shift_right_arithmetic3A_716 = arith.shrsi %bitcast_convert_type3A_713, %shift_right_arithmetic3A_715 : vector<16xi32>
          %sub3A_717 = arith.constant 1597463007 : i32
          %sub3A_718 = vector.broadcast %sub3A_717 : i32 to vector<16xi32>
          %sub3A_719 = arith.subi %sub3A_718, %shift_right_arithmetic3A_716 : vector<16xi32>
          %bitcast_convert_type3A_720 = tpu.bitcast %sub3A_719 : vector<16xi32> -> vector<16xf32>
          %mul3A_721 = arith.constant 5.000000e-01 : f32
          %mul3A_722 = vector.broadcast %mul3A_721 : f32 to vector<16xf32>
          %mul3A_723 = arith.mulf %mul3A_722, %add3A_712 : vector<16xf32>
          %mul3A_724 = arith.mulf %mul3A_723, %bitcast_convert_type3A_720 : vector<16xf32>
          %mul3A_725 = arith.mulf %mul3A_724, %bitcast_convert_type3A_720 : vector<16xf32>
          %sub3A_726 = arith.constant 1.500000e+00 : f32
          %sub3A_727 = vector.broadcast %sub3A_726 : f32 to vector<16xf32>
          %sub3A_728 = arith.subf %sub3A_727, %mul3A_725 : vector<16xf32>
          %mul3A_729 = arith.mulf %bitcast_convert_type3A_720, %sub3A_728 : vector<16xf32>
          %mul3A_730 = arith.mulf %mul3A_723, %mul3A_729 : vector<16xf32>
          %mul3A_731 = arith.mulf %mul3A_730, %mul3A_729 : vector<16xf32>
          %sub3A_732 = arith.constant 1.500000e+00 : f32
          %sub3A_733 = vector.broadcast %sub3A_732 : f32 to vector<16xf32>
          %sub3A_734 = arith.subf %sub3A_733, %mul3A_731 : vector<16xf32>
          %mul3A_735 = arith.mulf %mul3A_729, %sub3A_734 : vector<16xf32>
          %mul3A_736 = arith.mulf %add3A_712, %mul3A_735 : vector<16xf32>
          %add3A_737 = arith.addf %add3A_683, %mul3A_736 : vector<16xf32>
          %get3A_738 = arith.index_cast %add3A_360 : i32 to index
          %get3A_739 = arith.constant 112 : index
          %get3A_740 = tpu.vector_load %arg12[%get3A_738, %get3A_739] {strides = array<i32>} : memref<64x256xf32, #tpu.memory_space<vmem>>, vector<16xf32>,
          %get3A_741 = arith.index_cast %add3A_360 : i32 to index
          %get3A_742 = arith.constant 240 : index
          %get3A_743 = tpu.vector_load %arg12[%get3A_741, %get3A_742] {strides = array<i32>} : memref<64x256xf32, #tpu.memory_space<vmem>>, vector<16xf32>,
          %get3A_744 = arith.index_cast %add3A_360 : i32 to index
          %get3A_745 = arith.constant 112 : index
          %get3A_746 = tpu.vector_load %arg10[%get3A_744, %get3A_745] {strides = array<i32>} : memref<64x256xf32, #tpu.memory_space<vmem>>, vector<16xf32>,
          %get3A_747 = arith.index_cast %add3A_360 : i32 to index
          %get3A_748 = arith.constant 240 : index
          %get3A_749 = tpu.vector_load %arg10[%get3A_747, %get3A_748] {strides = array<i32>} : memref<64x256xf32, #tpu.memory_space<vmem>>, vector<16xf32>,
          %mul3A_750 = arith.mulf %get3A_746, %get3A_740 : vector<16xf32>
          %mul3A_751 = arith.mulf %get3A_749, %get3A_743 : vector<16xf32>
          %sub3A_752 = arith.subf %mul3A_750, %mul3A_751 : vector<16xf32>
          %get3A_753 = arith.index_cast %add3A_360 : i32 to index
          %get3A_754 = arith.constant 112 : index
          %get3A_755 = tpu.vector_load %arg11[%get3A_753, %get3A_754] {strides = array<i32>} : memref<64x256xf32, #tpu.memory_space<vmem>>, vector<16xf32>,
          %sub3A_756 = arith.subf %sub3A_752, %get3A_755 : vector<16xf32>
          %mul3A_757 = arith.mulf %get3A_746, %get3A_743 : vector<16xf32>
          %mul3A_758 = arith.mulf %get3A_749, %get3A_740 : vector<16xf32>
          %add3A_759 = arith.addf %mul3A_757, %mul3A_758 : vector<16xf32>
          %get3A_760 = arith.index_cast %add3A_360 : i32 to index
          %get3A_761 = arith.constant 240 : index
          %get3A_762 = tpu.vector_load %arg11[%get3A_760, %get3A_761] {strides = array<i32>} : memref<64x256xf32, #tpu.memory_space<vmem>>, vector<16xf32>,
          %sub3A_763 = arith.subf %add3A_759, %get3A_762 : vector<16xf32>
          %mul3A_764 = arith.mulf %sub3A_756, %sub3A_756 : vector<16xf32>
          %mul3A_765 = arith.mulf %sub3A_763, %sub3A_763 : vector<16xf32>
          %add3A_766 = arith.addf %mul3A_764, %mul3A_765 : vector<16xf32>
          %bitcast_convert_type3A_767 = tpu.bitcast %add3A_766 : vector<16xf32> -> vector<16xi32>
          %shift_right_arithmetic3A_768 = arith.constant 1 : i32
          %shift_right_arithmetic3A_769 = vector.broadcast %shift_right_arithmetic3A_768 : i32 to vector<16xi32>
          %shift_right_arithmetic3A_770 = arith.shrsi %bitcast_convert_type3A_767, %shift_right_arithmetic3A_769 : vector<16xi32>
          %sub3A_771 = arith.constant 1597463007 : i32
          %sub3A_772 = vector.broadcast %sub3A_771 : i32 to vector<16xi32>
          %sub3A_773 = arith.subi %sub3A_772, %shift_right_arithmetic3A_770 : vector<16xi32>
          %bitcast_convert_type3A_774 = tpu.bitcast %sub3A_773 : vector<16xi32> -> vector<16xf32>
          %mul3A_775 = arith.constant 5.000000e-01 : f32
          %mul3A_776 = vector.broadcast %mul3A_775 : f32 to vector<16xf32>
          %mul3A_777 = arith.mulf %mul3A_776, %add3A_766 : vector<16xf32>
          %mul3A_778 = arith.mulf %mul3A_777, %bitcast_convert_type3A_774 : vector<16xf32>
          %mul3A_779 = arith.mulf %mul3A_778, %bitcast_convert_type3A_774 : vector<16xf32>
          %sub3A_780 = arith.constant 1.500000e+00 : f32
          %sub3A_781 = vector.broadcast %sub3A_780 : f32 to vector<16xf32>
          %sub3A_782 = arith.subf %sub3A_781, %mul3A_779 : vector<16xf32>
          %mul3A_783 = arith.mulf %bitcast_convert_type3A_774, %sub3A_782 : vector<16xf32>
          %mul3A_784 = arith.mulf %mul3A_777, %mul3A_783 : vector<16xf32>
          %mul3A_785 = arith.mulf %mul3A_784, %mul3A_783 : vector<16xf32>
          %sub3A_786 = arith.constant 1.500000e+00 : f32
          %sub3A_787 = vector.broadcast %sub3A_786 : f32 to vector<16xf32>
          %sub3A_788 = arith.subf %sub3A_787, %mul3A_785 : vector<16xf32>
          %mul3A_789 = arith.mulf %mul3A_783, %sub3A_788 : vector<16xf32>
          %mul3A_790 = arith.mulf %add3A_766, %mul3A_789 : vector<16xf32>
          %add3A_791 = arith.addf %add3A_737, %mul3A_790 : vector<16xf32>
          %mul3A_792 = arith.constant 17 : i32
          %mul3A_793 = arith.muli %scan3A_357, %mul3A_792 : i32
          %add3A_794 = vector.broadcast %mul3A_793 : i32 to vector<16xi32>
          %add3A_795 = arith.addi %iota3A, %add3A_794 : vector<16xi32>
          tpu.vector_store_idx %arg18[%add3A_795], %add3A_791 : memref<272xf32, #tpu.memory_space<vmem>>[vector<16xi32>], vector<16xf32>,
        }
        %scan3A_244 = arith.constant 16 : i32
        %broadcast_in_dim3A = arith.constant 0.000000e+00 : f32
        %broadcast_in_dim3A_245 = vector.broadcast %broadcast_in_dim3A : f32 to vector<16xf32>
        %add3A_246 = arith.constant 0 : i32
        %add3A_247 = vector.broadcast %add3A_246 : i32 to vector<16xi32>
        %add3A_248 = arith.addi %mul3A_5, %add3A_247 : vector<16xi32>
        %gather3A = tpu.vector_load_idx %arg18[%add3A_248] : memref<272xf32, #tpu.memory_space<vmem>>[vector<16xi32>], vector<16xf32>,
        %add3A_249 = arith.addf %broadcast_in_dim3A_245, %gather3A : vector<16xf32>
        %add3A_250 = arith.constant 1 : i32
        %add3A_251 = vector.broadcast %add3A_250 : i32 to vector<16xi32>
        %add3A_252 = arith.addi %mul3A_5, %add3A_251 : vector<16xi32>
        %gather3A_253 = tpu.vector_load_idx %arg18[%add3A_252] : memref<272xf32, #tpu.memory_space<vmem>>[vector<16xi32>], vector<16xf32>,
        %add3A_254 = arith.addf %add3A_249, %gather3A_253 : vector<16xf32>
        %add3A_255 = arith.constant 2 : i32
        %add3A_256 = vector.broadcast %add3A_255 : i32 to vector<16xi32>
        %add3A_257 = arith.addi %mul3A_5, %add3A_256 : vector<16xi32>
        %gather3A_258 = tpu.vector_load_idx %arg18[%add3A_257] : memref<272xf32, #tpu.memory_space<vmem>>[vector<16xi32>], vector<16xf32>,
        %add3A_259 = arith.addf %add3A_254, %gather3A_258 : vector<16xf32>
        %add3A_260 = arith.constant 3 : i32
        %add3A_261 = vector.broadcast %add3A_260 : i32 to vector<16xi32>
        %add3A_262 = arith.addi %mul3A_5, %add3A_261 : vector<16xi32>
        %gather3A_263 = tpu.vector_load_idx %arg18[%add3A_262] : memref<272xf32, #tpu.memory_space<vmem>>[vector<16xi32>], vector<16xf32>,
        %add3A_264 = arith.addf %add3A_259, %gather3A_263 : vector<16xf32>
        %add3A_265 = arith.constant 4 : i32
        %add3A_266 = vector.broadcast %add3A_265 : i32 to vector<16xi32>
        %add3A_267 = arith.addi %mul3A_5, %add3A_266 : vector<16xi32>
        %gather3A_268 = tpu.vector_load_idx %arg18[%add3A_267] : memref<272xf32, #tpu.memory_space<vmem>>[vector<16xi32>], vector<16xf32>,
        %add3A_269 = arith.addf %add3A_264, %gather3A_268 : vector<16xf32>
        %add3A_270 = arith.constant 5 : i32
        %add3A_271 = vector.broadcast %add3A_270 : i32 to vector<16xi32>
        %add3A_272 = arith.addi %mul3A_5, %add3A_271 : vector<16xi32>
        %gather3A_273 = tpu.vector_load_idx %arg18[%add3A_272] : memref<272xf32, #tpu.memory_space<vmem>>[vector<16xi32>], vector<16xf32>,
        %add3A_274 = arith.addf %add3A_269, %gather3A_273 : vector<16xf32>
        %add3A_275 = arith.constant 6 : i32
        %add3A_276 = vector.broadcast %add3A_275 : i32 to vector<16xi32>
        %add3A_277 = arith.addi %mul3A_5, %add3A_276 : vector<16xi32>
        %gather3A_278 = tpu.vector_load_idx %arg18[%add3A_277] : memref<272xf32, #tpu.memory_space<vmem>>[vector<16xi32>], vector<16xf32>,
        %add3A_279 = arith.addf %add3A_274, %gather3A_278 : vector<16xf32>
        %add3A_280 = arith.constant 7 : i32
        %add3A_281 = vector.broadcast %add3A_280 : i32 to vector<16xi32>
        %add3A_282 = arith.addi %mul3A_5, %add3A_281 : vector<16xi32>
        %gather3A_283 = tpu.vector_load_idx %arg18[%add3A_282] : memref<272xf32, #tpu.memory_space<vmem>>[vector<16xi32>], vector<16xf32>,
        %add3A_284 = arith.addf %add3A_279, %gather3A_283 : vector<16xf32>
        %add3A_285 = arith.constant 8 : i32
        %add3A_286 = vector.broadcast %add3A_285 : i32 to vector<16xi32>
        %add3A_287 = arith.addi %mul3A_5, %add3A_286 : vector<16xi32>
        %gather3A_288 = tpu.vector_load_idx %arg18[%add3A_287] : memref<272xf32, #tpu.memory_space<vmem>>[vector<16xi32>], vector<16xf32>,
        %add3A_289 = arith.addf %add3A_284, %gather3A_288 : vector<16xf32>
        %add3A_290 = arith.constant 9 : i32
        %add3A_291 = vector.broadcast %add3A_290 : i32 to vector<16xi32>
        %add3A_292 = arith.addi %mul3A_5, %add3A_291 : vector<16xi32>
        %gather3A_293 = tpu.vector_load_idx %arg18[%add3A_292] : memref<272xf32, #tpu.memory_space<vmem>>[vector<16xi32>], vector<16xf32>,
        %add3A_294 = arith.addf %add3A_289, %gather3A_293 : vector<16xf32>
        %add3A_295 = arith.constant 10 : i32
        %add3A_296 = vector.broadcast %add3A_295 : i32 to vector<16xi32>
        %add3A_297 = arith.addi %mul3A_5, %add3A_296 : vector<16xi32>
        %gather3A_298 = tpu.vector_load_idx %arg18[%add3A_297] : memref<272xf32, #tpu.memory_space<vmem>>[vector<16xi32>], vector<16xf32>,
        %add3A_299 = arith.addf %add3A_294, %gather3A_298 : vector<16xf32>
        %add3A_300 = arith.constant 11 : i32
        %add3A_301 = vector.broadcast %add3A_300 : i32 to vector<16xi32>
        %add3A_302 = arith.addi %mul3A_5, %add3A_301 : vector<16xi32>
        %gather3A_303 = tpu.vector_load_idx %arg18[%add3A_302] : memref<272xf32, #tpu.memory_space<vmem>>[vector<16xi32>], vector<16xf32>,
        %add3A_304 = arith.addf %add3A_299, %gather3A_303 : vector<16xf32>
        %add3A_305 = arith.constant 12 : i32
        %add3A_306 = vector.broadcast %add3A_305 : i32 to vector<16xi32>
        %add3A_307 = arith.addi %mul3A_5, %add3A_306 : vector<16xi32>
        %gather3A_308 = tpu.vector_load_idx %arg18[%add3A_307] : memref<272xf32, #tpu.memory_space<vmem>>[vector<16xi32>], vector<16xf32>,
        %add3A_309 = arith.addf %add3A_304, %gather3A_308 : vector<16xf32>
        %add3A_310 = arith.constant 13 : i32
        %add3A_311 = vector.broadcast %add3A_310 : i32 to vector<16xi32>
        %add3A_312 = arith.addi %mul3A_5, %add3A_311 : vector<16xi32>
        %gather3A_313 = tpu.vector_load_idx %arg18[%add3A_312] : memref<272xf32, #tpu.memory_space<vmem>>[vector<16xi32>], vector<16xf32>,
        %add3A_314 = arith.addf %add3A_309, %gather3A_313 : vector<16xf32>
        %add3A_315 = arith.constant 14 : i32
        %add3A_316 = vector.broadcast %add3A_315 : i32 to vector<16xi32>
        %add3A_317 = arith.addi %mul3A_5, %add3A_316 : vector<16xi32>
        %gather3A_318 = tpu.vector_load_idx %arg18[%add3A_317] : memref<272xf32, #tpu.memory_space<vmem>>[vector<16xi32>], vector<16xf32>,
        %add3A_319 = arith.addf %add3A_314, %gather3A_318 : vector<16xf32>
        %add3A_320 = arith.constant 15 : i32
        %add3A_321 = vector.broadcast %add3A_320 : i32 to vector<16xi32>
        %add3A_322 = arith.addi %mul3A_5, %add3A_321 : vector<16xi32>
        %gather3A_323 = tpu.vector_load_idx %arg18[%add3A_322] : memref<272xf32, #tpu.memory_space<vmem>>[vector<16xi32>], vector<16xf32>,
        %add3A_324 = arith.addf %add3A_319, %gather3A_323 : vector<16xf32>
        %sub3A = arith.constant 1.200000e+01 : f32
        %sub3A_325 = vector.broadcast %sub3A : f32 to vector<16xf32>
        %sub3A_326 = arith.subf %sub3A_325, %add3A_324 : vector<16xf32>
        %abs3A = math.absf %sub3A_326 : vector<16xf32>
        %neg3A = arith.constant 0.000000e+00 : f32
        %neg3A_327 = vector.broadcast %neg3A : f32 to vector<16xf32>
        %neg3A_328 = arith.subf %neg3A_327, %abs3A : vector<16xf32>
        %exp3A = math.exp %neg3A_328 : vector<16xf32>
        %add3A_329 = arith.constant 2.000000e+00 : f32
        %add3A_330 = vector.broadcast %add3A_329 : f32 to vector<16xf32>
        %add3A_331 = arith.addf %exp3A, %add3A_330 : vector<16xf32>
        %div3A = arith.divf %exp3A, %add3A_331 : vector<16xf32>
        %mul3A_332 = arith.mulf %div3A, %div3A : vector<16xf32>
        %mul3A_333 = arith.constant 2.000000e+00 : f32
        %mul3A_334 = vector.broadcast %mul3A_333 : f32 to vector<16xf32>
        %mul3A_335 = arith.mulf %mul3A_334, %div3A : vector<16xf32>
        %mul3A_336 = arith.constant 0.142857149 : f32
        %mul3A_337 = vector.broadcast %mul3A_336 : f32 to vector<16xf32>
        %mul3A_338 = arith.mulf %mul3A_332, %mul3A_337 : vector<16xf32>
        %add3A_339 = arith.constant 2.000000e-01 : f32
        %add3A_340 = vector.broadcast %add3A_339 : f32 to vector<16xf32>
        %add3A_341 = arith.addf %add3A_340, %mul3A_338 : vector<16xf32>
        %mul3A_342 = arith.mulf %mul3A_332, %add3A_341 : vector<16xf32>
        %add3A_343 = arith.constant 0.333333343 : f32
        %add3A_344 = vector.broadcast %add3A_343 : f32 to vector<16xf32>
        %add3A_345 = arith.addf %add3A_344, %mul3A_342 : vector<16xf32>
        %mul3A_346 = arith.mulf %mul3A_332, %add3A_345 : vector<16xf32>
        %add3A_347 = arith.constant 1.000000e+00 : f32
        %add3A_348 = vector.broadcast %add3A_347 : f32 to vector<16xf32>
        %add3A_349 = arith.addf %add3A_348, %mul3A_346 : vector<16xf32>
        %mul3A_350 = arith.mulf %mul3A_335, %add3A_349 : vector<16xf32>
        %min3A = arith.constant 0.000000e+00 : f32
        %min3A_351 = vector.broadcast %min3A : f32 to vector<16xf32>
        %min3A_352 = arith.minimumf %sub3A_326, %min3A_351 : vector<16xf32>
        %sub3A_353 = arith.subf %min3A_352, %mul3A_350 : vector<16xf32>
        %mul3A_354 = arith.constant 16 : i32
        %mul3A_355 = arith.muli %scan3A_238, %mul3A_354 : i32
        %swap3A = arith.index_cast %mul3A_355 : i32 to index
        %swap3A_356 = tpu.vector_load %arg16[%swap3A] {strides = array<i32>} : memref<64xf32, #tpu.memory_space<vmem>>, vector<16xf32>,
        tpu.vector_store %arg16[%swap3A], %sub3A_353 {strides = array<i32>} : memref<64xf32, #tpu.memory_space<vmem>>, vector<16xf32>,
      }
      %scan3A_184 = arith.constant 4 : i32
      %dma_start3A_185 = tpu.memref_slice %arg6[%add3A_174] : memref<16384xf32, #tpu.memory_space<hbm>> -> memref<64xf32, #tpu.memory_space<hbm>>
      %dma_start3A_186 = tpu.memref_slice %arg6[%add3A_174] : memref<16384xf32, #tpu.memory_space<hbm>> -> memref<64xf32, #tpu.memory_space<hbm>>
      tpu.enqueue_dma source(%arg16 : memref<64xf32, #tpu.memory_space<vmem>>) target(%dma_start3A_186 : memref<64xf32, #tpu.memory_space<hbm>>) target_semaphore(%arg28 : memref<!tpu.dma_semaphore, #tpu.memory_space<semaphore_mem>>)
      %add3A_187 = arith.constant 2 : i32
      %add3A_188 = arith.addi %mul3A_137, %add3A_187 : i32
      %mul3A_189 = arith.constant 64 : i32
      %mul3A_190 = arith.muli %add3A_188, %mul3A_189 : i32
      %dma_start3A_191 = tpu.memref_slice %arg7[%mul3A_190] : memref<512xi32, #tpu.memory_space<vmem>> -> memref<64xi32, #tpu.memory_space<vmem>>
      %dma_start3A_192 = arith.constant 0 : i32
      %dma_start3A_193 = arith.constant 0 : i32
      %dma_start3A_194 = tpu.memref_slice %arg4[%dma_start3A_192, %dma_start3A_193] : memref<100000x256xf32, #tpu.memory_space<hbm>> -> memref<100000x256xf32, #tpu.memory_space<hbm>>
      tpu.enqueue_indirect_dma source(%dma_start3A_194 : memref<100000x256xf32, #tpu.memory_space<hbm>>) target(%arg10 : memref<64x256xf32, #tpu.memory_space<vmem>>) offsets(%dma_start3A_191 : memref<64xi32, #tpu.memory_space<vmem>>) semaphore(%arg22 : memref<!tpu.dma_semaphore, #tpu.memory_space<semaphore_mem>>)
      %dma_start3A_195 = tpu.memref_slice %arg8[%mul3A_190] : memref<512xi32, #tpu.memory_space<vmem>> -> memref<64xi32, #tpu.memory_space<vmem>>
      %dma_start3A_196 = arith.constant 0 : i32
      %dma_start3A_197 = arith.constant 0 : i32
      %dma_start3A_198 = tpu.memref_slice %arg4[%dma_start3A_196, %dma_start3A_197] : memref<100000x256xf32, #tpu.memory_space<hbm>> -> memref<100000x256xf32, #tpu.memory_space<hbm>>
      tpu.enqueue_indirect_dma source(%dma_start3A_198 : memref<100000x256xf32, #tpu.memory_space<hbm>>) target(%arg11 : memref<64x256xf32, #tpu.memory_space<vmem>>) offsets(%dma_start3A_195 : memref<64xi32, #tpu.memory_space<vmem>>) semaphore(%arg23 : memref<!tpu.dma_semaphore, #tpu.memory_space<semaphore_mem>>)
      %dma_start3A_199 = tpu.memref_slice %arg9[%mul3A_190] : memref<512xi32, #tpu.memory_space<vmem>> -> memref<64xi32, #tpu.memory_space<vmem>>
      %dma_start3A_200 = arith.constant 0 : i32
      %dma_start3A_201 = arith.constant 0 : i32
      %dma_start3A_202 = tpu.memref_slice %arg5[%dma_start3A_200, %dma_start3A_201] : memref<1000x256xf32, #tpu.memory_space<hbm>> -> memref<1000x256xf32, #tpu.memory_space<hbm>>
      tpu.enqueue_indirect_dma source(%dma_start3A_202 : memref<1000x256xf32, #tpu.memory_space<hbm>>) target(%arg12 : memref<64x256xf32, #tpu.memory_space<vmem>>) offsets(%dma_start3A_199 : memref<64xi32, #tpu.memory_space<vmem>>) semaphore(%arg24 : memref<!tpu.dma_semaphore, #tpu.memory_space<semaphore_mem>>)
      %dma_wait3A_203 = arith.constant 0 : i32
      %dma_wait3A_204 = arith.constant 0 : i32
      %dma_wait3A_205 = tpu.memref_slice %arg4[%dma_wait3A_203, %dma_wait3A_204] : memref<100000x256xf32, #tpu.memory_space<hbm>> -> memref<64x256xf32, #tpu.memory_space<hbm>>
      %dma_wait3A_206 = arith.constant 0 : i32
      %dma_wait3A_207 = arith.constant 0 : i32
      %dma_wait3A_208 = tpu.memref_slice %arg4[%dma_wait3A_206, %dma_wait3A_207] : memref<100000x256xf32, #tpu.memory_space<hbm>> -> memref<64x256xf32, #tpu.memory_space<hbm>>
      tpu.wait_dma2 semaphore(%arg25 : memref<!tpu.dma_semaphore, #tpu.memory_space<semaphore_mem>>) src(%dma_wait3A_208 : memref<64x256xf32, #tpu.memory_space<hbm>>) dst(%arg13 : memref<64x256xf32, #tpu.memory_space<vmem>>)
      %dma_wait3A_209 = arith.constant 0 : i32
      %dma_wait3A_210 = arith.constant 0 : i32
      %dma_wait3A_211 = tpu.memref_slice %arg4[%dma_wait3A_209, %dma_wait3A_210] : memref<100000x256xf32, #tpu.memory_space<hbm>> -> memref<64x256xf32, #tpu.memory_space<hbm>>
      %dma_wait3A_212 = arith.constant 0 : i32
      %dma_wait3A_213 = arith.constant 0 : i32
      %dma_wait3A_214 = tpu.memref_slice %arg4[%dma_wait3A_212, %dma_wait3A_213] : memref<100000x256xf32, #tpu.memory_space<hbm>> -> memref<64x256xf32, #tpu.memory_space<hbm>>
      tpu.wait_dma2 semaphore(%arg26 : memref<!tpu.dma_semaphore, #tpu.memory_space<semaphore_mem>>) src(%dma_wait3A_214 : memref<64x256xf32, #tpu.memory_space<hbm>>) dst(%arg14 : memref<64x256xf32, #tpu.memory_space<vmem>>)
      %dma_wait3A_215 = arith.constant 0 : i32
      %dma_wait3A_216 = arith.constant 0 : i32
      %dma_wait3A_217 = tpu.memref_slice %arg5[%dma_wait3A_215, %dma_wait3A_216] : memref<1000x256xf32, #tpu.memory_space<hbm>> -> memref<64x256xf32, #tpu.memory_space<hbm>>
      %dma_wait3A_218 = arith.constant 0 : i32
      %dma_wait3A_219 = arith.constant 0 : i32
      %dma_wait3A_220 = tpu.memref_slice %arg5[%dma_wait3A_218, %dma_wait3A_219] : memref<1000x256xf32, #tpu.memory_space<hbm>> -> memref<64x256xf32, #tpu.memory_space<hbm>>
      tpu.wait_dma2 semaphore(%arg27 : memref<!tpu.dma_semaphore, #tpu.memory_space<semaphore_mem>>) src(%dma_wait3A_220 : memref<64x256xf32, #tpu.memory_space<hbm>>) dst(%arg15 : memref<64x256xf32, #tpu.memory_space<vmem>>)
      %add3A_221 = arith.constant 1 : i32
      %add3A_222 = arith.addi %mul3A_137, %add3A_221 : i32
      %mul3A_223 = arith.constant 64 : i32
      %mul3A_224 = arith.muli %add3A_222, %mul3A_223 : i32
      %add3A_225 = arith.addi %mul3A_2, %mul3A_224 : i32
      %dma_wait3A_226 = arith.constant 0 : i32
      %dma_wait3A_227 = tpu.memref_slice %arg6[%dma_wait3A_226] : memref<16384xf32, #tpu.memory_space<hbm>> -> memref<64xf32, #tpu.memory_space<hbm>>
      %dma_wait3A_228 = arith.constant 0 : i32
      %dma_wait3A_229 = tpu.memref_slice %arg6[%dma_wait3A_228] : memref<16384xf32, #tpu.memory_space<hbm>> -> memref<64xf32, #tpu.memory_space<hbm>>
      tpu.wait_dma2 semaphore(%arg29 : memref<!tpu.dma_semaphore, #tpu.memory_space<semaphore_mem>>) src(%dma_wait3A_229 : memref<64xf32, #tpu.memory_space<hbm>>) dst(%arg17 : memref<64xf32, #tpu.memory_space<vmem>>)
      %scan3A_230 = arith.constant 0 : i32
      %scan3A_231 = arith.constant 0 : i32
      %scan3A_232 = arith.constant 4 : i32
      %scan3A_233 = arith.addi %scan3A_231, %scan3A_232 : i32
      %scan3A_234 = arith.constant 1 : i32
      scf.for %scan3A_238 = %scan3A_231 to %scan3A_233 step %scan3A_234  : i32 {
        %scan3A_239 = arith.constant 0 : i32
        %scan3A_240 = arith.constant 0 : i32
        %scan3A_241 = arith.constant 16 : i32
        %scan3A_242 = arith.addi %scan3A_240, %scan3A_241 : i32
        %scan3A_243 = arith.constant 1 : i32
        scf.for %scan3A_357 = %scan3A_240 to %scan3A_242 step %scan3A_243  : i32 {
          %mul3A_358 = arith.constant 16 : i32
          %mul3A_359 = arith.muli %scan3A_238, %mul3A_358 : i32
          %add3A_360 = arith.addi %mul3A_359, %scan3A_357 : i32
          %broadcast_in_dim3A_361 = arith.constant 0.000000e+00 : f32
          %broadcast_in_dim3A_362 = vector.broadcast %broadcast_in_dim3A_361 : f32 to vector<16xf32>
          %get3A = arith.index_cast %add3A_360 : i32 to index
          %get3A_363 = arith.constant 0 : index
          %get3A_364 = tpu.vector_load %arg15[%get3A, %get3A_363] {strides = array<i32>} : memref<64x256xf32, #tpu.memory_space<vmem>>, vector<16xf32>,
          %get3A_365 = arith.index_cast %add3A_360 : i32 to index
          %get3A_366 = arith.constant 128 : index
          %get3A_367 = tpu.vector_load %arg15[%get3A_365, %get3A_366] {strides = array<i32>} : memref<64x256xf32, #tpu.memory_space<vmem>>, vector<16xf32>,
          %get3A_368 = arith.index_cast %add3A_360 : i32 to index
          %get3A_369 = arith.constant 0 : index
          %get3A_370 = tpu.vector_load %arg13[%get3A_368, %get3A_369] {strides = array<i32>} : memref<64x256xf32, #tpu.memory_space<vmem>>, vector<16xf32>,
          %get3A_371 = arith.index_cast %add3A_360 : i32 to index
          %get3A_372 = arith.constant 128 : index
          %get3A_373 = tpu.vector_load %arg13[%get3A_371, %get3A_372] {strides = array<i32>} : memref<64x256xf32, #tpu.memory_space<vmem>>, vector<16xf32>,
          %mul3A_374 = arith.mulf %get3A_370, %get3A_364 : vector<16xf32>
          %mul3A_375 = arith.mulf %get3A_373, %get3A_367 : vector<16xf32>
          %sub3A_376 = arith.subf %mul3A_374, %mul3A_375 : vector<16xf32>
          %get3A_377 = arith.index_cast %add3A_360 : i32 to index
          %get3A_378 = arith.constant 0 : index
          %get3A_379 = tpu.vector_load %arg14[%get3A_377, %get3A_378] {strides = array<i32>} : memref<64x256xf32, #tpu.memory_space<vmem>>, vector<16xf32>,
          %sub3A_380 = arith.subf %sub3A_376, %get3A_379 : vector<16xf32>
          %mul3A_381 = arith.mulf %get3A_370, %get3A_367 : vector<16xf32>
          %mul3A_382 = arith.mulf %get3A_373, %get3A_364 : vector<16xf32>
          %add3A_383 = arith.addf %mul3A_381, %mul3A_382 : vector<16xf32>
          %get3A_384 = arith.index_cast %add3A_360 : i32 to index
          %get3A_385 = arith.constant 128 : index
          %get3A_386 = tpu.vector_load %arg14[%get3A_384, %get3A_385] {strides = array<i32>} : memref<64x256xf32, #tpu.memory_space<vmem>>, vector<16xf32>,
          %sub3A_387 = arith.subf %add3A_383, %get3A_386 : vector<16xf32>
          %mul3A_388 = arith.mulf %sub3A_380, %sub3A_380 : vector<16xf32>
          %mul3A_389 = arith.mulf %sub3A_387, %sub3A_387 : vector<16xf32>
          %add3A_390 = arith.addf %mul3A_388, %mul3A_389 : vector<16xf32>
          %bitcast_convert_type3A = tpu.bitcast %add3A_390 : vector<16xf32> -> vector<16xi32>
          %shift_right_arithmetic3A = arith.constant 1 : i32
          %shift_right_arithmetic3A_391 = vector.broadcast %shift_right_arithmetic3A : i32 to vector<16xi32>
          %shift_right_arithmetic3A_392 = arith.shrsi %bitcast_convert_type3A, %shift_right_arithmetic3A_391 : vector<16xi32>
          %sub3A_393 = arith.constant 1597463007 : i32
          %sub3A_394 = vector.broadcast %sub3A_393 : i32 to vector<16xi32>
          %sub3A_395 = arith.subi %sub3A_394, %shift_right_arithmetic3A_392 : vector<16xi32>
          %bitcast_convert_type3A_396 = tpu.bitcast %sub3A_395 : vector<16xi32> -> vector<16xf32>
          %mul3A_397 = arith.constant 5.000000e-01 : f32
          %mul3A_398 = vector.broadcast %mul3A_397 : f32 to vector<16xf32>
          %mul3A_399 = arith.mulf %mul3A_398, %add3A_390 : vector<16xf32>
          %mul3A_400 = arith.mulf %mul3A_399, %bitcast_convert_type3A_396 : vector<16xf32>
          %mul3A_401 = arith.mulf %mul3A_400, %bitcast_convert_type3A_396 : vector<16xf32>
          %sub3A_402 = arith.constant 1.500000e+00 : f32
          %sub3A_403 = vector.broadcast %sub3A_402 : f32 to vector<16xf32>
          %sub3A_404 = arith.subf %sub3A_403, %mul3A_401 : vector<16xf32>
          %mul3A_405 = arith.mulf %bitcast_convert_type3A_396, %sub3A_404 : vector<16xf32>
          %mul3A_406 = arith.mulf %mul3A_399, %mul3A_405 : vector<16xf32>
          %mul3A_407 = arith.mulf %mul3A_406, %mul3A_405 : vector<16xf32>
          %sub3A_408 = arith.constant 1.500000e+00 : f32
          %sub3A_409 = vector.broadcast %sub3A_408 : f32 to vector<16xf32>
          %sub3A_410 = arith.subf %sub3A_409, %mul3A_407 : vector<16xf32>
          %mul3A_411 = arith.mulf %mul3A_405, %sub3A_410 : vector<16xf32>
          %mul3A_412 = arith.mulf %add3A_390, %mul3A_411 : vector<16xf32>
          %add3A_413 = arith.addf %broadcast_in_dim3A_362, %mul3A_412 : vector<16xf32>
          %get3A_414 = arith.index_cast %add3A_360 : i32 to index
          %get3A_415 = arith.constant 16 : index
          %get3A_416 = tpu.vector_load %arg15[%get3A_414, %get3A_415] {strides = array<i32>} : memref<64x256xf32, #tpu.memory_space<vmem>>, vector<16xf32>,
          %get3A_417 = arith.index_cast %add3A_360 : i32 to index
          %get3A_418 = arith.constant 144 : index
          %get3A_419 = tpu.vector_load %arg15[%get3A_417, %get3A_418] {strides = array<i32>} : memref<64x256xf32, #tpu.memory_space<vmem>>, vector<16xf32>,
          %get3A_420 = arith.index_cast %add3A_360 : i32 to index
          %get3A_421 = arith.constant 16 : index
          %get3A_422 = tpu.vector_load %arg13[%get3A_420, %get3A_421] {strides = array<i32>} : memref<64x256xf32, #tpu.memory_space<vmem>>, vector<16xf32>,
          %get3A_423 = arith.index_cast %add3A_360 : i32 to index
          %get3A_424 = arith.constant 144 : index
          %get3A_425 = tpu.vector_load %arg13[%get3A_423, %get3A_424] {strides = array<i32>} : memref<64x256xf32, #tpu.memory_space<vmem>>, vector<16xf32>,
          %mul3A_426 = arith.mulf %get3A_422, %get3A_416 : vector<16xf32>
          %mul3A_427 = arith.mulf %get3A_425, %get3A_419 : vector<16xf32>
          %sub3A_428 = arith.subf %mul3A_426, %mul3A_427 : vector<16xf32>
          %get3A_429 = arith.index_cast %add3A_360 : i32 to index
          %get3A_430 = arith.constant 16 : index
          %get3A_431 = tpu.vector_load %arg14[%get3A_429, %get3A_430] {strides = array<i32>} : memref<64x256xf32, #tpu.memory_space<vmem>>, vector<16xf32>,
          %sub3A_432 = arith.subf %sub3A_428, %get3A_431 : vector<16xf32>
          %mul3A_433 = arith.mulf %get3A_422, %get3A_419 : vector<16xf32>
          %mul3A_434 = arith.mulf %get3A_425, %get3A_416 : vector<16xf32>
          %add3A_435 = arith.addf %mul3A_433, %mul3A_434 : vector<16xf32>
          %get3A_436 = arith.index_cast %add3A_360 : i32 to index
          %get3A_437 = arith.constant 144 : index
          %get3A_438 = tpu.vector_load %arg14[%get3A_436, %get3A_437] {strides = array<i32>} : memref<64x256xf32, #tpu.memory_space<vmem>>, vector<16xf32>,
          %sub3A_439 = arith.subf %add3A_435, %get3A_438 : vector<16xf32>
          %mul3A_440 = arith.mulf %sub3A_432, %sub3A_432 : vector<16xf32>
          %mul3A_441 = arith.mulf %sub3A_439, %sub3A_439 : vector<16xf32>
          %add3A_442 = arith.addf %mul3A_440, %mul3A_441 : vector<16xf32>
          %bitcast_convert_type3A_443 = tpu.bitcast %add3A_442 : vector<16xf32> -> vector<16xi32>
          %shift_right_arithmetic3A_444 = arith.constant 1 : i32
          %shift_right_arithmetic3A_445 = vector.broadcast %shift_right_arithmetic3A_444 : i32 to vector<16xi32>
          %shift_right_arithmetic3A_446 = arith.shrsi %bitcast_convert_type3A_443, %shift_right_arithmetic3A_445 : vector<16xi32>
          %sub3A_447 = arith.constant 1597463007 : i32
          %sub3A_448 = vector.broadcast %sub3A_447 : i32 to vector<16xi32>
          %sub3A_449 = arith.subi %sub3A_448, %shift_right_arithmetic3A_446 : vector<16xi32>
          %bitcast_convert_type3A_450 = tpu.bitcast %sub3A_449 : vector<16xi32> -> vector<16xf32>
          %mul3A_451 = arith.constant 5.000000e-01 : f32
          %mul3A_452 = vector.broadcast %mul3A_451 : f32 to vector<16xf32>
          %mul3A_453 = arith.mulf %mul3A_452, %add3A_442 : vector<16xf32>
          %mul3A_454 = arith.mulf %mul3A_453, %bitcast_convert_type3A_450 : vector<16xf32>
          %mul3A_455 = arith.mulf %mul3A_454, %bitcast_convert_type3A_450 : vector<16xf32>
          %sub3A_456 = arith.constant 1.500000e+00 : f32
          %sub3A_457 = vector.broadcast %sub3A_456 : f32 to vector<16xf32>
          %sub3A_458 = arith.subf %sub3A_457, %mul3A_455 : vector<16xf32>
          %mul3A_459 = arith.mulf %bitcast_convert_type3A_450, %sub3A_458 : vector<16xf32>
          %mul3A_460 = arith.mulf %mul3A_453, %mul3A_459 : vector<16xf32>
          %mul3A_461 = arith.mulf %mul3A_460, %mul3A_459 : vector<16xf32>
          %sub3A_462 = arith.constant 1.500000e+00 : f32
          %sub3A_463 = vector.broadcast %sub3A_462 : f32 to vector<16xf32>
          %sub3A_464 = arith.subf %sub3A_463, %mul3A_461 : vector<16xf32>
          %mul3A_465 = arith.mulf %mul3A_459, %sub3A_464 : vector<16xf32>
          %mul3A_466 = arith.mulf %add3A_442, %mul3A_465 : vector<16xf32>
          %add3A_467 = arith.addf %add3A_413, %mul3A_466 : vector<16xf32>
          %get3A_468 = arith.index_cast %add3A_360 : i32 to index
          %get3A_469 = arith.constant 32 : index
          %get3A_470 = tpu.vector_load %arg15[%get3A_468, %get3A_469] {strides = array<i32>} : memref<64x256xf32, #tpu.memory_space<vmem>>, vector<16xf32>,
          %get3A_471 = arith.index_cast %add3A_360 : i32 to index
          %get3A_472 = arith.constant 160 : index
          %get3A_473 = tpu.vector_load %arg15[%get3A_471, %get3A_472] {strides = array<i32>} : memref<64x256xf32, #tpu.memory_space<vmem>>, vector<16xf32>,
          %get3A_474 = arith.index_cast %add3A_360 : i32 to index
          %get3A_475 = arith.constant 32 : index
          %get3A_476 = tpu.vector_load %arg13[%get3A_474, %get3A_475] {strides = array<i32>} : memref<64x256xf32, #tpu.memory_space<vmem>>, vector<16xf32>,
          %get3A_477 = arith.index_cast %add3A_360 : i32 to index
          %get3A_478 = arith.constant 160 : index
          %get3A_479 = tpu.vector_load %arg13[%get3A_477, %get3A_478] {strides = array<i32>} : memref<64x256xf32, #tpu.memory_space<vmem>>, vector<16xf32>,
          %mul3A_480 = arith.mulf %get3A_476, %get3A_470 : vector<16xf32>
          %mul3A_481 = arith.mulf %get3A_479, %get3A_473 : vector<16xf32>
          %sub3A_482 = arith.subf %mul3A_480, %mul3A_481 : vector<16xf32>
          %get3A_483 = arith.index_cast %add3A_360 : i32 to index
          %get3A_484 = arith.constant 32 : index
          %get3A_485 = tpu.vector_load %arg14[%get3A_483, %get3A_484] {strides = array<i32>} : memref<64x256xf32, #tpu.memory_space<vmem>>, vector<16xf32>,
          %sub3A_486 = arith.subf %sub3A_482, %get3A_485 : vector<16xf32>
          %mul3A_487 = arith.mulf %get3A_476, %get3A_473 : vector<16xf32>
          %mul3A_488 = arith.mulf %get3A_479, %get3A_470 : vector<16xf32>
          %add3A_489 = arith.addf %mul3A_487, %mul3A_488 : vector<16xf32>
          %get3A_490 = arith.index_cast %add3A_360 : i32 to index
          %get3A_491 = arith.constant 160 : index
          %get3A_492 = tpu.vector_load %arg14[%get3A_490, %get3A_491] {strides = array<i32>} : memref<64x256xf32, #tpu.memory_space<vmem>>, vector<16xf32>,
          %sub3A_493 = arith.subf %add3A_489, %get3A_492 : vector<16xf32>
          %mul3A_494 = arith.mulf %sub3A_486, %sub3A_486 : vector<16xf32>
          %mul3A_495 = arith.mulf %sub3A_493, %sub3A_493 : vector<16xf32>
          %add3A_496 = arith.addf %mul3A_494, %mul3A_495 : vector<16xf32>
          %bitcast_convert_type3A_497 = tpu.bitcast %add3A_496 : vector<16xf32> -> vector<16xi32>
          %shift_right_arithmetic3A_498 = arith.constant 1 : i32
          %shift_right_arithmetic3A_499 = vector.broadcast %shift_right_arithmetic3A_498 : i32 to vector<16xi32>
          %shift_right_arithmetic3A_500 = arith.shrsi %bitcast_convert_type3A_497, %shift_right_arithmetic3A_499 : vector<16xi32>
          %sub3A_501 = arith.constant 1597463007 : i32
          %sub3A_502 = vector.broadcast %sub3A_501 : i32 to vector<16xi32>
          %sub3A_503 = arith.subi %sub3A_502, %shift_right_arithmetic3A_500 : vector<16xi32>
          %bitcast_convert_type3A_504 = tpu.bitcast %sub3A_503 : vector<16xi32> -> vector<16xf32>
          %mul3A_505 = arith.constant 5.000000e-01 : f32
          %mul3A_506 = vector.broadcast %mul3A_505 : f32 to vector<16xf32>
          %mul3A_507 = arith.mulf %mul3A_506, %add3A_496 : vector<16xf32>
          %mul3A_508 = arith.mulf %mul3A_507, %bitcast_convert_type3A_504 : vector<16xf32>
          %mul3A_509 = arith.mulf %mul3A_508, %bitcast_convert_type3A_504 : vector<16xf32>
          %sub3A_510 = arith.constant 1.500000e+00 : f32
          %sub3A_511 = vector.broadcast %sub3A_510 : f32 to vector<16xf32>
          %sub3A_512 = arith.subf %sub3A_511, %mul3A_509 : vector<16xf32>
          %mul3A_513 = arith.mulf %bitcast_convert_type3A_504, %sub3A_512 : vector<16xf32>
          %mul3A_514 = arith.mulf %mul3A_507, %mul3A_513 : vector<16xf32>
          %mul3A_515 = arith.mulf %mul3A_514, %mul3A_513 : vector<16xf32>
          %sub3A_516 = arith.constant 1.500000e+00 : f32
          %sub3A_517 = vector.broadcast %sub3A_516 : f32 to vector<16xf32>
          %sub3A_518 = arith.subf %sub3A_517, %mul3A_515 : vector<16xf32>
          %mul3A_519 = arith.mulf %mul3A_513, %sub3A_518 : vector<16xf32>
          %mul3A_520 = arith.mulf %add3A_496, %mul3A_519 : vector<16xf32>
          %add3A_521 = arith.addf %add3A_467, %mul3A_520 : vector<16xf32>
          %get3A_522 = arith.index_cast %add3A_360 : i32 to index
          %get3A_523 = arith.constant 48 : index
          %get3A_524 = tpu.vector_load %arg15[%get3A_522, %get3A_523] {strides = array<i32>} : memref<64x256xf32, #tpu.memory_space<vmem>>, vector<16xf32>,
          %get3A_525 = arith.index_cast %add3A_360 : i32 to index
          %get3A_526 = arith.constant 176 : index
          %get3A_527 = tpu.vector_load %arg15[%get3A_525, %get3A_526] {strides = array<i32>} : memref<64x256xf32, #tpu.memory_space<vmem>>, vector<16xf32>,
          %get3A_528 = arith.index_cast %add3A_360 : i32 to index
          %get3A_529 = arith.constant 48 : index
          %get3A_530 = tpu.vector_load %arg13[%get3A_528, %get3A_529] {strides = array<i32>} : memref<64x256xf32, #tpu.memory_space<vmem>>, vector<16xf32>,
          %get3A_531 = arith.index_cast %add3A_360 : i32 to index
          %get3A_532 = arith.constant 176 : index
          %get3A_533 = tpu.vector_load %arg13[%get3A_531, %get3A_532] {strides = array<i32>} : memref<64x256xf32, #tpu.memory_space<vmem>>, vector<16xf32>,
          %mul3A_534 = arith.mulf %get3A_530, %get3A_524 : vector<16xf32>
          %mul3A_535 = arith.mulf %get3A_533, %get3A_527 : vector<16xf32>
          %sub3A_536 = arith.subf %mul3A_534, %mul3A_535 : vector<16xf32>
          %get3A_537 = arith.index_cast %add3A_360 : i32 to index
          %get3A_538 = arith.constant 48 : index
          %get3A_539 = tpu.vector_load %arg14[%get3A_537, %get3A_538] {strides = array<i32>} : memref<64x256xf32, #tpu.memory_space<vmem>>, vector<16xf32>,
          %sub3A_540 = arith.subf %sub3A_536, %get3A_539 : vector<16xf32>
          %mul3A_541 = arith.mulf %get3A_530, %get3A_527 : vector<16xf32>
          %mul3A_542 = arith.mulf %get3A_533, %get3A_524 : vector<16xf32>
          %add3A_543 = arith.addf %mul3A_541, %mul3A_542 : vector<16xf32>
          %get3A_544 = arith.index_cast %add3A_360 : i32 to index
          %get3A_545 = arith.constant 176 : index
          %get3A_546 = tpu.vector_load %arg14[%get3A_544, %get3A_545] {strides = array<i32>} : memref<64x256xf32, #tpu.memory_space<vmem>>, vector<16xf32>,
          %sub3A_547 = arith.subf %add3A_543, %get3A_546 : vector<16xf32>
          %mul3A_548 = arith.mulf %sub3A_540, %sub3A_540 : vector<16xf32>
          %mul3A_549 = arith.mulf %sub3A_547, %sub3A_547 : vector<16xf32>
          %add3A_550 = arith.addf %mul3A_548, %mul3A_549 : vector<16xf32>
          %bitcast_convert_type3A_551 = tpu.bitcast %add3A_550 : vector<16xf32> -> vector<16xi32>
          %shift_right_arithmetic3A_552 = arith.constant 1 : i32
          %shift_right_arithmetic3A_553 = vector.broadcast %shift_right_arithmetic3A_552 : i32 to vector<16xi32>
          %shift_right_arithmetic3A_554 = arith.shrsi %bitcast_convert_type3A_551, %shift_right_arithmetic3A_553 : vector<16xi32>
          %sub3A_555 = arith.constant 1597463007 : i32
          %sub3A_556 = vector.broadcast %sub3A_555 : i32 to vector<16xi32>
          %sub3A_557 = arith.subi %sub3A_556, %shift_right_arithmetic3A_554 : vector<16xi32>
          %bitcast_convert_type3A_558 = tpu.bitcast %sub3A_557 : vector<16xi32> -> vector<16xf32>
          %mul3A_559 = arith.constant 5.000000e-01 : f32
          %mul3A_560 = vector.broadcast %mul3A_559 : f32 to vector<16xf32>
          %mul3A_561 = arith.mulf %mul3A_560, %add3A_550 : vector<16xf32>
          %mul3A_562 = arith.mulf %mul3A_561, %bitcast_convert_type3A_558 : vector<16xf32>
          %mul3A_563 = arith.mulf %mul3A_562, %bitcast_convert_type3A_558 : vector<16xf32>
          %sub3A_564 = arith.constant 1.500000e+00 : f32
          %sub3A_565 = vector.broadcast %sub3A_564 : f32 to vector<16xf32>
          %sub3A_566 = arith.subf %sub3A_565, %mul3A_563 : vector<16xf32>
          %mul3A_567 = arith.mulf %bitcast_convert_type3A_558, %sub3A_566 : vector<16xf32>
          %mul3A_568 = arith.mulf %mul3A_561, %mul3A_567 : vector<16xf32>
          %mul3A_569 = arith.mulf %mul3A_568, %mul3A_567 : vector<16xf32>
          %sub3A_570 = arith.constant 1.500000e+00 : f32
          %sub3A_571 = vector.broadcast %sub3A_570 : f32 to vector<16xf32>
          %sub3A_572 = arith.subf %sub3A_571, %mul3A_569 : vector<16xf32>
          %mul3A_573 = arith.mulf %mul3A_567, %sub3A_572 : vector<16xf32>
          %mul3A_574 = arith.mulf %add3A_550, %mul3A_573 : vector<16xf32>
          %add3A_575 = arith.addf %add3A_521, %mul3A_574 : vector<16xf32>
          %get3A_576 = arith.index_cast %add3A_360 : i32 to index
          %get3A_577 = arith.constant 64 : index
          %get3A_578 = tpu.vector_load %arg15[%get3A_576, %get3A_577] {strides = array<i32>} : memref<64x256xf32, #tpu.memory_space<vmem>>, vector<16xf32>,
          %get3A_579 = arith.index_cast %add3A_360 : i32 to index
          %get3A_580 = arith.constant 192 : index
          %get3A_581 = tpu.vector_load %arg15[%get3A_579, %get3A_580] {strides = array<i32>} : memref<64x256xf32, #tpu.memory_space<vmem>>, vector<16xf32>,
          %get3A_582 = arith.index_cast %add3A_360 : i32 to index
          %get3A_583 = arith.constant 64 : index
          %get3A_584 = tpu.vector_load %arg13[%get3A_582, %get3A_583] {strides = array<i32>} : memref<64x256xf32, #tpu.memory_space<vmem>>, vector<16xf32>,
          %get3A_585 = arith.index_cast %add3A_360 : i32 to index
          %get3A_586 = arith.constant 192 : index
          %get3A_587 = tpu.vector_load %arg13[%get3A_585, %get3A_586] {strides = array<i32>} : memref<64x256xf32, #tpu.memory_space<vmem>>, vector<16xf32>,
          %mul3A_588 = arith.mulf %get3A_584, %get3A_578 : vector<16xf32>
          %mul3A_589 = arith.mulf %get3A_587, %get3A_581 : vector<16xf32>
          %sub3A_590 = arith.subf %mul3A_588, %mul3A_589 : vector<16xf32>
          %get3A_591 = arith.index_cast %add3A_360 : i32 to index
          %get3A_592 = arith.constant 64 : index
          %get3A_593 = tpu.vector_load %arg14[%get3A_591, %get3A_592] {strides = array<i32>} : memref<64x256xf32, #tpu.memory_space<vmem>>, vector<16xf32>,
          %sub3A_594 = arith.subf %sub3A_590, %get3A_593 : vector<16xf32>
          %mul3A_595 = arith.mulf %get3A_584, %get3A_581 : vector<16xf32>
          %mul3A_596 = arith.mulf %get3A_587, %get3A_578 : vector<16xf32>
          %add3A_597 = arith.addf %mul3A_595, %mul3A_596 : vector<16xf32>
          %get3A_598 = arith.index_cast %add3A_360 : i32 to index
          %get3A_599 = arith.constant 192 : index
          %get3A_600 = tpu.vector_load %arg14[%get3A_598, %get3A_599] {strides = array<i32>} : memref<64x256xf32, #tpu.memory_space<vmem>>, vector<16xf32>,
          %sub3A_601 = arith.subf %add3A_597, %get3A_600 : vector<16xf32>
          %mul3A_602 = arith.mulf %sub3A_594, %sub3A_594 : vector<16xf32>
          %mul3A_603 = arith.mulf %sub3A_601, %sub3A_601 : vector<16xf32>
          %add3A_604 = arith.addf %mul3A_602, %mul3A_603 : vector<16xf32>
          %bitcast_convert_type3A_605 = tpu.bitcast %add3A_604 : vector<16xf32> -> vector<16xi32>
          %shift_right_arithmetic3A_606 = arith.constant 1 : i32
          %shift_right_arithmetic3A_607 = vector.broadcast %shift_right_arithmetic3A_606 : i32 to vector<16xi32>
          %shift_right_arithmetic3A_608 = arith.shrsi %bitcast_convert_type3A_605, %shift_right_arithmetic3A_607 : vector<16xi32>
          %sub3A_609 = arith.constant 1597463007 : i32
          %sub3A_610 = vector.broadcast %sub3A_609 : i32 to vector<16xi32>
          %sub3A_611 = arith.subi %sub3A_610, %shift_right_arithmetic3A_608 : vector<16xi32>
          %bitcast_convert_type3A_612 = tpu.bitcast %sub3A_611 : vector<16xi32> -> vector<16xf32>
          %mul3A_613 = arith.constant 5.000000e-01 : f32
          %mul3A_614 = vector.broadcast %mul3A_613 : f32 to vector<16xf32>
          %mul3A_615 = arith.mulf %mul3A_614, %add3A_604 : vector<16xf32>
          %mul3A_616 = arith.mulf %mul3A_615, %bitcast_convert_type3A_612 : vector<16xf32>
          %mul3A_617 = arith.mulf %mul3A_616, %bitcast_convert_type3A_612 : vector<16xf32>
          %sub3A_618 = arith.constant 1.500000e+00 : f32
          %sub3A_619 = vector.broadcast %sub3A_618 : f32 to vector<16xf32>
          %sub3A_620 = arith.subf %sub3A_619, %mul3A_617 : vector<16xf32>
          %mul3A_621 = arith.mulf %bitcast_convert_type3A_612, %sub3A_620 : vector<16xf32>
          %mul3A_622 = arith.mulf %mul3A_615, %mul3A_621 : vector<16xf32>
          %mul3A_623 = arith.mulf %mul3A_622, %mul3A_621 : vector<16xf32>
          %sub3A_624 = arith.constant 1.500000e+00 : f32
          %sub3A_625 = vector.broadcast %sub3A_624 : f32 to vector<16xf32>
          %sub3A_626 = arith.subf %sub3A_625, %mul3A_623 : vector<16xf32>
          %mul3A_627 = arith.mulf %mul3A_621, %sub3A_626 : vector<16xf32>
          %mul3A_628 = arith.mulf %add3A_604, %mul3A_627 : vector<16xf32>
          %add3A_629 = arith.addf %add3A_575, %mul3A_628 : vector<16xf32>
          %get3A_630 = arith.index_cast %add3A_360 : i32 to index
          %get3A_631 = arith.constant 80 : index
          %get3A_632 = tpu.vector_load %arg15[%get3A_630, %get3A_631] {strides = array<i32>} : memref<64x256xf32, #tpu.memory_space<vmem>>, vector<16xf32>,
          %get3A_633 = arith.index_cast %add3A_360 : i32 to index
          %get3A_634 = arith.constant 208 : index
          %get3A_635 = tpu.vector_load %arg15[%get3A_633, %get3A_634] {strides = array<i32>} : memref<64x256xf32, #tpu.memory_space<vmem>>, vector<16xf32>,
          %get3A_636 = arith.index_cast %add3A_360 : i32 to index
          %get3A_637 = arith.constant 80 : index
          %get3A_638 = tpu.vector_load %arg13[%get3A_636, %get3A_637] {strides = array<i32>} : memref<64x256xf32, #tpu.memory_space<vmem>>, vector<16xf32>,
          %get3A_639 = arith.index_cast %add3A_360 : i32 to index
          %get3A_640 = arith.constant 208 : index
          %get3A_641 = tpu.vector_load %arg13[%get3A_639, %get3A_640] {strides = array<i32>} : memref<64x256xf32, #tpu.memory_space<vmem>>, vector<16xf32>,
          %mul3A_642 = arith.mulf %get3A_638, %get3A_632 : vector<16xf32>
          %mul3A_643 = arith.mulf %get3A_641, %get3A_635 : vector<16xf32>
          %sub3A_644 = arith.subf %mul3A_642, %mul3A_643 : vector<16xf32>
          %get3A_645 = arith.index_cast %add3A_360 : i32 to index
          %get3A_646 = arith.constant 80 : index
          %get3A_647 = tpu.vector_load %arg14[%get3A_645, %get3A_646] {strides = array<i32>} : memref<64x256xf32, #tpu.memory_space<vmem>>, vector<16xf32>,
          %sub3A_648 = arith.subf %sub3A_644, %get3A_647 : vector<16xf32>
          %mul3A_649 = arith.mulf %get3A_638, %get3A_635 : vector<16xf32>
          %mul3A_650 = arith.mulf %get3A_641, %get3A_632 : vector<16xf32>
          %add3A_651 = arith.addf %mul3A_649, %mul3A_650 : vector<16xf32>
          %get3A_652 = arith.index_cast %add3A_360 : i32 to index
          %get3A_653 = arith.constant 208 : index
          %get3A_654 = tpu.vector_load %arg14[%get3A_652, %get3A_653] {strides = array<i32>} : memref<64x256xf32, #tpu.memory_space<vmem>>, vector<16xf32>,
          %sub3A_655 = arith.subf %add3A_651, %get3A_654 : vector<16xf32>
          %mul3A_656 = arith.mulf %sub3A_648, %sub3A_648 : vector<16xf32>
          %mul3A_657 = arith.mulf %sub3A_655, %sub3A_655 : vector<16xf32>
          %add3A_658 = arith.addf %mul3A_656, %mul3A_657 : vector<16xf32>
          %bitcast_convert_type3A_659 = tpu.bitcast %add3A_658 : vector<16xf32> -> vector<16xi32>
          %shift_right_arithmetic3A_660 = arith.constant 1 : i32
          %shift_right_arithmetic3A_661 = vector.broadcast %shift_right_arithmetic3A_660 : i32 to vector<16xi32>
          %shift_right_arithmetic3A_662 = arith.shrsi %bitcast_convert_type3A_659, %shift_right_arithmetic3A_661 : vector<16xi32>
          %sub3A_663 = arith.constant 1597463007 : i32
          %sub3A_664 = vector.broadcast %sub3A_663 : i32 to vector<16xi32>
          %sub3A_665 = arith.subi %sub3A_664, %shift_right_arithmetic3A_662 : vector<16xi32>
          %bitcast_convert_type3A_666 = tpu.bitcast %sub3A_665 : vector<16xi32> -> vector<16xf32>
          %mul3A_667 = arith.constant 5.000000e-01 : f32
          %mul3A_668 = vector.broadcast %mul3A_667 : f32 to vector<16xf32>
          %mul3A_669 = arith.mulf %mul3A_668, %add3A_658 : vector<16xf32>
          %mul3A_670 = arith.mulf %mul3A_669, %bitcast_convert_type3A_666 : vector<16xf32>
          %mul3A_671 = arith.mulf %mul3A_670, %bitcast_convert_type3A_666 : vector<16xf32>
          %sub3A_672 = arith.constant 1.500000e+00 : f32
          %sub3A_673 = vector.broadcast %sub3A_672 : f32 to vector<16xf32>
          %sub3A_674 = arith.subf %sub3A_673, %mul3A_671 : vector<16xf32>
          %mul3A_675 = arith.mulf %bitcast_convert_type3A_666, %sub3A_674 : vector<16xf32>
          %mul3A_676 = arith.mulf %mul3A_669, %mul3A_675 : vector<16xf32>
          %mul3A_677 = arith.mulf %mul3A_676, %mul3A_675 : vector<16xf32>
          %sub3A_678 = arith.constant 1.500000e+00 : f32
          %sub3A_679 = vector.broadcast %sub3A_678 : f32 to vector<16xf32>
          %sub3A_680 = arith.subf %sub3A_679, %mul3A_677 : vector<16xf32>
          %mul3A_681 = arith.mulf %mul3A_675, %sub3A_680 : vector<16xf32>
          %mul3A_682 = arith.mulf %add3A_658, %mul3A_681 : vector<16xf32>
          %add3A_683 = arith.addf %add3A_629, %mul3A_682 : vector<16xf32>
          %get3A_684 = arith.index_cast %add3A_360 : i32 to index
          %get3A_685 = arith.constant 96 : index
          %get3A_686 = tpu.vector_load %arg15[%get3A_684, %get3A_685] {strides = array<i32>} : memref<64x256xf32, #tpu.memory_space<vmem>>, vector<16xf32>,
          %get3A_687 = arith.index_cast %add3A_360 : i32 to index
          %get3A_688 = arith.constant 224 : index
          %get3A_689 = tpu.vector_load %arg15[%get3A_687, %get3A_688] {strides = array<i32>} : memref<64x256xf32, #tpu.memory_space<vmem>>, vector<16xf32>,
          %get3A_690 = arith.index_cast %add3A_360 : i32 to index
          %get3A_691 = arith.constant 96 : index
          %get3A_692 = tpu.vector_load %arg13[%get3A_690, %get3A_691] {strides = array<i32>} : memref<64x256xf32, #tpu.memory_space<vmem>>, vector<16xf32>,
          %get3A_693 = arith.index_cast %add3A_360 : i32 to index
          %get3A_694 = arith.constant 224 : index
          %get3A_695 = tpu.vector_load %arg13[%get3A_693, %get3A_694] {strides = array<i32>} : memref<64x256xf32, #tpu.memory_space<vmem>>, vector<16xf32>,
          %mul3A_696 = arith.mulf %get3A_692, %get3A_686 : vector<16xf32>
          %mul3A_697 = arith.mulf %get3A_695, %get3A_689 : vector<16xf32>
          %sub3A_698 = arith.subf %mul3A_696, %mul3A_697 : vector<16xf32>
          %get3A_699 = arith.index_cast %add3A_360 : i32 to index
          %get3A_700 = arith.constant 96 : index
          %get3A_701 = tpu.vector_load %arg14[%get3A_699, %get3A_700] {strides = array<i32>} : memref<64x256xf32, #tpu.memory_space<vmem>>, vector<16xf32>,
          %sub3A_702 = arith.subf %sub3A_698, %get3A_701 : vector<16xf32>
          %mul3A_703 = arith.mulf %get3A_692, %get3A_689 : vector<16xf32>
          %mul3A_704 = arith.mulf %get3A_695, %get3A_686 : vector<16xf32>
          %add3A_705 = arith.addf %mul3A_703, %mul3A_704 : vector<16xf32>
          %get3A_706 = arith.index_cast %add3A_360 : i32 to index
          %get3A_707 = arith.constant 224 : index
          %get3A_708 = tpu.vector_load %arg14[%get3A_706, %get3A_707] {strides = array<i32>} : memref<64x256xf32, #tpu.memory_space<vmem>>, vector<16xf32>,
          %sub3A_709 = arith.subf %add3A_705, %get3A_708 : vector<16xf32>
          %mul3A_710 = arith.mulf %sub3A_702, %sub3A_702 : vector<16xf32>
          %mul3A_711 = arith.mulf %sub3A_709, %sub3A_709 : vector<16xf32>
          %add3A_712 = arith.addf %mul3A_710, %mul3A_711 : vector<16xf32>
          %bitcast_convert_type3A_713 = tpu.bitcast %add3A_712 : vector<16xf32> -> vector<16xi32>
          %shift_right_arithmetic3A_714 = arith.constant 1 : i32
          %shift_right_arithmetic3A_715 = vector.broadcast %shift_right_arithmetic3A_714 : i32 to vector<16xi32>
          %shift_right_arithmetic3A_716 = arith.shrsi %bitcast_convert_type3A_713, %shift_right_arithmetic3A_715 : vector<16xi32>
          %sub3A_717 = arith.constant 1597463007 : i32
          %sub3A_718 = vector.broadcast %sub3A_717 : i32 to vector<16xi32>
          %sub3A_719 = arith.subi %sub3A_718, %shift_right_arithmetic3A_716 : vector<16xi32>
          %bitcast_convert_type3A_720 = tpu.bitcast %sub3A_719 : vector<16xi32> -> vector<16xf32>
          %mul3A_721 = arith.constant 5.000000e-01 : f32
          %mul3A_722 = vector.broadcast %mul3A_721 : f32 to vector<16xf32>
          %mul3A_723 = arith.mulf %mul3A_722, %add3A_712 : vector<16xf32>
          %mul3A_724 = arith.mulf %mul3A_723, %bitcast_convert_type3A_720 : vector<16xf32>
          %mul3A_725 = arith.mulf %mul3A_724, %bitcast_convert_type3A_720 : vector<16xf32>
          %sub3A_726 = arith.constant 1.500000e+00 : f32
          %sub3A_727 = vector.broadcast %sub3A_726 : f32 to vector<16xf32>
          %sub3A_728 = arith.subf %sub3A_727, %mul3A_725 : vector<16xf32>
          %mul3A_729 = arith.mulf %bitcast_convert_type3A_720, %sub3A_728 : vector<16xf32>
          %mul3A_730 = arith.mulf %mul3A_723, %mul3A_729 : vector<16xf32>
          %mul3A_731 = arith.mulf %mul3A_730, %mul3A_729 : vector<16xf32>
          %sub3A_732 = arith.constant 1.500000e+00 : f32
          %sub3A_733 = vector.broadcast %sub3A_732 : f32 to vector<16xf32>
          %sub3A_734 = arith.subf %sub3A_733, %mul3A_731 : vector<16xf32>
          %mul3A_735 = arith.mulf %mul3A_729, %sub3A_734 : vector<16xf32>
          %mul3A_736 = arith.mulf %add3A_712, %mul3A_735 : vector<16xf32>
          %add3A_737 = arith.addf %add3A_683, %mul3A_736 : vector<16xf32>
          %get3A_738 = arith.index_cast %add3A_360 : i32 to index
          %get3A_739 = arith.constant 112 : index
          %get3A_740 = tpu.vector_load %arg15[%get3A_738, %get3A_739] {strides = array<i32>} : memref<64x256xf32, #tpu.memory_space<vmem>>, vector<16xf32>,
          %get3A_741 = arith.index_cast %add3A_360 : i32 to index
          %get3A_742 = arith.constant 240 : index
          %get3A_743 = tpu.vector_load %arg15[%get3A_741, %get3A_742] {strides = array<i32>} : memref<64x256xf32, #tpu.memory_space<vmem>>, vector<16xf32>,
          %get3A_744 = arith.index_cast %add3A_360 : i32 to index
          %get3A_745 = arith.constant 112 : index
          %get3A_746 = tpu.vector_load %arg13[%get3A_744, %get3A_745] {strides = array<i32>} : memref<64x256xf32, #tpu.memory_space<vmem>>, vector<16xf32>,
          %get3A_747 = arith.index_cast %add3A_360 : i32 to index
          %get3A_748 = arith.constant 240 : index
          %get3A_749 = tpu.vector_load %arg13[%get3A_747, %get3A_748] {strides = array<i32>} : memref<64x256xf32, #tpu.memory_space<vmem>>, vector<16xf32>,
          %mul3A_750 = arith.mulf %get3A_746, %get3A_740 : vector<16xf32>
          %mul3A_751 = arith.mulf %get3A_749, %get3A_743 : vector<16xf32>
          %sub3A_752 = arith.subf %mul3A_750, %mul3A_751 : vector<16xf32>
          %get3A_753 = arith.index_cast %add3A_360 : i32 to index
          %get3A_754 = arith.constant 112 : index
          %get3A_755 = tpu.vector_load %arg14[%get3A_753, %get3A_754] {strides = array<i32>} : memref<64x256xf32, #tpu.memory_space<vmem>>, vector<16xf32>,
          %sub3A_756 = arith.subf %sub3A_752, %get3A_755 : vector<16xf32>
          %mul3A_757 = arith.mulf %get3A_746, %get3A_743 : vector<16xf32>
          %mul3A_758 = arith.mulf %get3A_749, %get3A_740 : vector<16xf32>
          %add3A_759 = arith.addf %mul3A_757, %mul3A_758 : vector<16xf32>
          %get3A_760 = arith.index_cast %add3A_360 : i32 to index
          %get3A_761 = arith.constant 240 : index
          %get3A_762 = tpu.vector_load %arg14[%get3A_760, %get3A_761] {strides = array<i32>} : memref<64x256xf32, #tpu.memory_space<vmem>>, vector<16xf32>,
          %sub3A_763 = arith.subf %add3A_759, %get3A_762 : vector<16xf32>
          %mul3A_764 = arith.mulf %sub3A_756, %sub3A_756 : vector<16xf32>
          %mul3A_765 = arith.mulf %sub3A_763, %sub3A_763 : vector<16xf32>
          %add3A_766 = arith.addf %mul3A_764, %mul3A_765 : vector<16xf32>
          %bitcast_convert_type3A_767 = tpu.bitcast %add3A_766 : vector<16xf32> -> vector<16xi32>
          %shift_right_arithmetic3A_768 = arith.constant 1 : i32
          %shift_right_arithmetic3A_769 = vector.broadcast %shift_right_arithmetic3A_768 : i32 to vector<16xi32>
          %shift_right_arithmetic3A_770 = arith.shrsi %bitcast_convert_type3A_767, %shift_right_arithmetic3A_769 : vector<16xi32>
          %sub3A_771 = arith.constant 1597463007 : i32
          %sub3A_772 = vector.broadcast %sub3A_771 : i32 to vector<16xi32>
          %sub3A_773 = arith.subi %sub3A_772, %shift_right_arithmetic3A_770 : vector<16xi32>
          %bitcast_convert_type3A_774 = tpu.bitcast %sub3A_773 : vector<16xi32> -> vector<16xf32>
          %mul3A_775 = arith.constant 5.000000e-01 : f32
          %mul3A_776 = vector.broadcast %mul3A_775 : f32 to vector<16xf32>
          %mul3A_777 = arith.mulf %mul3A_776, %add3A_766 : vector<16xf32>
          %mul3A_778 = arith.mulf %mul3A_777, %bitcast_convert_type3A_774 : vector<16xf32>
          %mul3A_779 = arith.mulf %mul3A_778, %bitcast_convert_type3A_774 : vector<16xf32>
          %sub3A_780 = arith.constant 1.500000e+00 : f32
          %sub3A_781 = vector.broadcast %sub3A_780 : f32 to vector<16xf32>
          %sub3A_782 = arith.subf %sub3A_781, %mul3A_779 : vector<16xf32>
          %mul3A_783 = arith.mulf %bitcast_convert_type3A_774, %sub3A_782 : vector<16xf32>
          %mul3A_784 = arith.mulf %mul3A_777, %mul3A_783 : vector<16xf32>
          %mul3A_785 = arith.mulf %mul3A_784, %mul3A_783 : vector<16xf32>
          %sub3A_786 = arith.constant 1.500000e+00 : f32
          %sub3A_787 = vector.broadcast %sub3A_786 : f32 to vector<16xf32>
          %sub3A_788 = arith.subf %sub3A_787, %mul3A_785 : vector<16xf32>
          %mul3A_789 = arith.mulf %mul3A_783, %sub3A_788 : vector<16xf32>
          %mul3A_790 = arith.mulf %add3A_766, %mul3A_789 : vector<16xf32>
          %add3A_791 = arith.addf %add3A_737, %mul3A_790 : vector<16xf32>
          %mul3A_792 = arith.constant 17 : i32
          %mul3A_793 = arith.muli %scan3A_357, %mul3A_792 : i32
          %add3A_794 = vector.broadcast %mul3A_793 : i32 to vector<16xi32>
          %add3A_795 = arith.addi %iota3A, %add3A_794 : vector<16xi32>
          tpu.vector_store_idx %arg18[%add3A_795], %add3A_791 : memref<272xf32, #tpu.memory_space<vmem>>[vector<16xi32>], vector<16xf32>,
        }
        %scan3A_244 = arith.constant 16 : i32
        %broadcast_in_dim3A = arith.constant 0.000000e+00 : f32
        %broadcast_in_dim3A_245 = vector.broadcast %broadcast_in_dim3A : f32 to vector<16xf32>
        %add3A_246 = arith.constant 0 : i32
        %add3A_247 = vector.broadcast %add3A_246 : i32 to vector<16xi32>
        %add3A_248 = arith.addi %mul3A_5, %add3A_247 : vector<16xi32>
        %gather3A = tpu.vector_load_idx %arg18[%add3A_248] : memref<272xf32, #tpu.memory_space<vmem>>[vector<16xi32>], vector<16xf32>,
        %add3A_249 = arith.addf %broadcast_in_dim3A_245, %gather3A : vector<16xf32>
        %add3A_250 = arith.constant 1 : i32
        %add3A_251 = vector.broadcast %add3A_250 : i32 to vector<16xi32>
        %add3A_252 = arith.addi %mul3A_5, %add3A_251 : vector<16xi32>
        %gather3A_253 = tpu.vector_load_idx %arg18[%add3A_252] : memref<272xf32, #tpu.memory_space<vmem>>[vector<16xi32>], vector<16xf32>,
        %add3A_254 = arith.addf %add3A_249, %gather3A_253 : vector<16xf32>
        %add3A_255 = arith.constant 2 : i32
        %add3A_256 = vector.broadcast %add3A_255 : i32 to vector<16xi32>
        %add3A_257 = arith.addi %mul3A_5, %add3A_256 : vector<16xi32>
        %gather3A_258 = tpu.vector_load_idx %arg18[%add3A_257] : memref<272xf32, #tpu.memory_space<vmem>>[vector<16xi32>], vector<16xf32>,
        %add3A_259 = arith.addf %add3A_254, %gather3A_258 : vector<16xf32>
        %add3A_260 = arith.constant 3 : i32
        %add3A_261 = vector.broadcast %add3A_260 : i32 to vector<16xi32>
        %add3A_262 = arith.addi %mul3A_5, %add3A_261 : vector<16xi32>
        %gather3A_263 = tpu.vector_load_idx %arg18[%add3A_262] : memref<272xf32, #tpu.memory_space<vmem>>[vector<16xi32>], vector<16xf32>,
        %add3A_264 = arith.addf %add3A_259, %gather3A_263 : vector<16xf32>
        %add3A_265 = arith.constant 4 : i32
        %add3A_266 = vector.broadcast %add3A_265 : i32 to vector<16xi32>
        %add3A_267 = arith.addi %mul3A_5, %add3A_266 : vector<16xi32>
        %gather3A_268 = tpu.vector_load_idx %arg18[%add3A_267] : memref<272xf32, #tpu.memory_space<vmem>>[vector<16xi32>], vector<16xf32>,
        %add3A_269 = arith.addf %add3A_264, %gather3A_268 : vector<16xf32>
        %add3A_270 = arith.constant 5 : i32
        %add3A_271 = vector.broadcast %add3A_270 : i32 to vector<16xi32>
        %add3A_272 = arith.addi %mul3A_5, %add3A_271 : vector<16xi32>
        %gather3A_273 = tpu.vector_load_idx %arg18[%add3A_272] : memref<272xf32, #tpu.memory_space<vmem>>[vector<16xi32>], vector<16xf32>,
        %add3A_274 = arith.addf %add3A_269, %gather3A_273 : vector<16xf32>
        %add3A_275 = arith.constant 6 : i32
        %add3A_276 = vector.broadcast %add3A_275 : i32 to vector<16xi32>
        %add3A_277 = arith.addi %mul3A_5, %add3A_276 : vector<16xi32>
        %gather3A_278 = tpu.vector_load_idx %arg18[%add3A_277] : memref<272xf32, #tpu.memory_space<vmem>>[vector<16xi32>], vector<16xf32>,
        %add3A_279 = arith.addf %add3A_274, %gather3A_278 : vector<16xf32>
        %add3A_280 = arith.constant 7 : i32
        %add3A_281 = vector.broadcast %add3A_280 : i32 to vector<16xi32>
        %add3A_282 = arith.addi %mul3A_5, %add3A_281 : vector<16xi32>
        %gather3A_283 = tpu.vector_load_idx %arg18[%add3A_282] : memref<272xf32, #tpu.memory_space<vmem>>[vector<16xi32>], vector<16xf32>,
        %add3A_284 = arith.addf %add3A_279, %gather3A_283 : vector<16xf32>
        %add3A_285 = arith.constant 8 : i32
        %add3A_286 = vector.broadcast %add3A_285 : i32 to vector<16xi32>
        %add3A_287 = arith.addi %mul3A_5, %add3A_286 : vector<16xi32>
        %gather3A_288 = tpu.vector_load_idx %arg18[%add3A_287] : memref<272xf32, #tpu.memory_space<vmem>>[vector<16xi32>], vector<16xf32>,
        %add3A_289 = arith.addf %add3A_284, %gather3A_288 : vector<16xf32>
        %add3A_290 = arith.constant 9 : i32
        %add3A_291 = vector.broadcast %add3A_290 : i32 to vector<16xi32>
        %add3A_292 = arith.addi %mul3A_5, %add3A_291 : vector<16xi32>
        %gather3A_293 = tpu.vector_load_idx %arg18[%add3A_292] : memref<272xf32, #tpu.memory_space<vmem>>[vector<16xi32>], vector<16xf32>,
        %add3A_294 = arith.addf %add3A_289, %gather3A_293 : vector<16xf32>
        %add3A_295 = arith.constant 10 : i32
        %add3A_296 = vector.broadcast %add3A_295 : i32 to vector<16xi32>
        %add3A_297 = arith.addi %mul3A_5, %add3A_296 : vector<16xi32>
        %gather3A_298 = tpu.vector_load_idx %arg18[%add3A_297] : memref<272xf32, #tpu.memory_space<vmem>>[vector<16xi32>], vector<16xf32>,
        %add3A_299 = arith.addf %add3A_294, %gather3A_298 : vector<16xf32>
        %add3A_300 = arith.constant 11 : i32
        %add3A_301 = vector.broadcast %add3A_300 : i32 to vector<16xi32>
        %add3A_302 = arith.addi %mul3A_5, %add3A_301 : vector<16xi32>
        %gather3A_303 = tpu.vector_load_idx %arg18[%add3A_302] : memref<272xf32, #tpu.memory_space<vmem>>[vector<16xi32>], vector<16xf32>,
        %add3A_304 = arith.addf %add3A_299, %gather3A_303 : vector<16xf32>
        %add3A_305 = arith.constant 12 : i32
        %add3A_306 = vector.broadcast %add3A_305 : i32 to vector<16xi32>
        %add3A_307 = arith.addi %mul3A_5, %add3A_306 : vector<16xi32>
        %gather3A_308 = tpu.vector_load_idx %arg18[%add3A_307] : memref<272xf32, #tpu.memory_space<vmem>>[vector<16xi32>], vector<16xf32>,
        %add3A_309 = arith.addf %add3A_304, %gather3A_308 : vector<16xf32>
        %add3A_310 = arith.constant 13 : i32
        %add3A_311 = vector.broadcast %add3A_310 : i32 to vector<16xi32>
        %add3A_312 = arith.addi %mul3A_5, %add3A_311 : vector<16xi32>
        %gather3A_313 = tpu.vector_load_idx %arg18[%add3A_312] : memref<272xf32, #tpu.memory_space<vmem>>[vector<16xi32>], vector<16xf32>,
        %add3A_314 = arith.addf %add3A_309, %gather3A_313 : vector<16xf32>
        %add3A_315 = arith.constant 14 : i32
        %add3A_316 = vector.broadcast %add3A_315 : i32 to vector<16xi32>
        %add3A_317 = arith.addi %mul3A_5, %add3A_316 : vector<16xi32>
        %gather3A_318 = tpu.vector_load_idx %arg18[%add3A_317] : memref<272xf32, #tpu.memory_space<vmem>>[vector<16xi32>], vector<16xf32>,
        %add3A_319 = arith.addf %add3A_314, %gather3A_318 : vector<16xf32>
        %add3A_320 = arith.constant 15 : i32
        %add3A_321 = vector.broadcast %add3A_320 : i32 to vector<16xi32>
        %add3A_322 = arith.addi %mul3A_5, %add3A_321 : vector<16xi32>
        %gather3A_323 = tpu.vector_load_idx %arg18[%add3A_322] : memref<272xf32, #tpu.memory_space<vmem>>[vector<16xi32>], vector<16xf32>,
        %add3A_324 = arith.addf %add3A_319, %gather3A_323 : vector<16xf32>
        %sub3A = arith.constant 1.200000e+01 : f32
        %sub3A_325 = vector.broadcast %sub3A : f32 to vector<16xf32>
        %sub3A_326 = arith.subf %sub3A_325, %add3A_324 : vector<16xf32>
        %abs3A = math.absf %sub3A_326 : vector<16xf32>
        %neg3A = arith.constant 0.000000e+00 : f32
        %neg3A_327 = vector.broadcast %neg3A : f32 to vector<16xf32>
        %neg3A_328 = arith.subf %neg3A_327, %abs3A : vector<16xf32>
        %exp3A = math.exp %neg3A_328 : vector<16xf32>
        %add3A_329 = arith.constant 2.000000e+00 : f32
        %add3A_330 = vector.broadcast %add3A_329 : f32 to vector<16xf32>
        %add3A_331 = arith.addf %exp3A, %add3A_330 : vector<16xf32>
        %div3A = arith.divf %exp3A, %add3A_331 : vector<16xf32>
        %mul3A_332 = arith.mulf %div3A, %div3A : vector<16xf32>
        %mul3A_333 = arith.constant 2.000000e+00 : f32
        %mul3A_334 = vector.broadcast %mul3A_333 : f32 to vector<16xf32>
        %mul3A_335 = arith.mulf %mul3A_334, %div3A : vector<16xf32>
        %mul3A_336 = arith.constant 0.142857149 : f32
        %mul3A_337 = vector.broadcast %mul3A_336 : f32 to vector<16xf32>
        %mul3A_338 = arith.mulf %mul3A_332, %mul3A_337 : vector<16xf32>
        %add3A_339 = arith.constant 2.000000e-01 : f32
        %add3A_340 = vector.broadcast %add3A_339 : f32 to vector<16xf32>
        %add3A_341 = arith.addf %add3A_340, %mul3A_338 : vector<16xf32>
        %mul3A_342 = arith.mulf %mul3A_332, %add3A_341 : vector<16xf32>
        %add3A_343 = arith.constant 0.333333343 : f32
        %add3A_344 = vector.broadcast %add3A_343 : f32 to vector<16xf32>
        %add3A_345 = arith.addf %add3A_344, %mul3A_342 : vector<16xf32>
        %mul3A_346 = arith.mulf %mul3A_332, %add3A_345 : vector<16xf32>
        %add3A_347 = arith.constant 1.000000e+00 : f32
        %add3A_348 = vector.broadcast %add3A_347 : f32 to vector<16xf32>
        %add3A_349 = arith.addf %add3A_348, %mul3A_346 : vector<16xf32>
        %mul3A_350 = arith.mulf %mul3A_335, %add3A_349 : vector<16xf32>
        %min3A = arith.constant 0.000000e+00 : f32
        %min3A_351 = vector.broadcast %min3A : f32 to vector<16xf32>
        %min3A_352 = arith.minimumf %sub3A_326, %min3A_351 : vector<16xf32>
        %sub3A_353 = arith.subf %min3A_352, %mul3A_350 : vector<16xf32>
        %mul3A_354 = arith.constant 16 : i32
        %mul3A_355 = arith.muli %scan3A_238, %mul3A_354 : i32
        %swap3A = arith.index_cast %mul3A_355 : i32 to index
        %swap3A_356 = tpu.vector_load %arg17[%swap3A] {strides = array<i32>} : memref<64xf32, #tpu.memory_space<vmem>>, vector<16xf32>,
        tpu.vector_store %arg17[%swap3A], %sub3A_353 {strides = array<i32>} : memref<64xf32, #tpu.memory_space<vmem>>, vector<16xf32>,
      }
      %scan3A_235 = arith.constant 4 : i32
      %dma_start3A_236 = tpu.memref_slice %arg6[%add3A_225] : memref<16384xf32, #tpu.memory_space<hbm>> -> memref<64xf32, #tpu.memory_space<hbm>>
      %dma_start3A_237 = tpu.memref_slice %arg6[%add3A_225] : memref<16384xf32, #tpu.memory_space<hbm>> -> memref<64xf32, #tpu.memory_space<hbm>>
      tpu.enqueue_dma source(%arg17 : memref<64xf32, #tpu.memory_space<vmem>>) target(%dma_start3A_237 : memref<64xf32, #tpu.memory_space<hbm>>) target_semaphore(%arg29 : memref<!tpu.dma_semaphore, #tpu.memory_space<semaphore_mem>>)
    }
    %scan3A_51 = arith.constant 3 : i32
    %dma_start3A_52 = arith.constant 448 : i32
    %dma_start3A_53 = tpu.memref_slice %arg7[%dma_start3A_52] : memref<512xi32, #tpu.memory_space<vmem>> -> memref<64xi32, #tpu.memory_space<vmem>>
    %dma_start3A_54 = arith.constant 0 : i32
    %dma_start3A_55 = arith.constant 0 : i32
    %dma_start3A_56 = tpu.memref_slice %arg4[%dma_start3A_54, %dma_start3A_55] : memref<100000x256xf32, #tpu.memory_space<hbm>> -> memref<100000x256xf32, #tpu.memory_space<hbm>>
    tpu.enqueue_indirect_dma source(%dma_start3A_56 : memref<100000x256xf32, #tpu.memory_space<hbm>>) target(%arg13 : memref<64x256xf32, #tpu.memory_space<vmem>>) offsets(%dma_start3A_53 : memref<64xi32, #tpu.memory_space<vmem>>) semaphore(%arg25 : memref<!tpu.dma_semaphore, #tpu.memory_space<semaphore_mem>>)
    %dma_start3A_57 = arith.constant 448 : i32
    %dma_start3A_58 = tpu.memref_slice %arg8[%dma_start3A_57] : memref<512xi32, #tpu.memory_space<vmem>> -> memref<64xi32, #tpu.memory_space<vmem>>
    %dma_start3A_59 = arith.constant 0 : i32
    %dma_start3A_60 = arith.constant 0 : i32
    %dma_start3A_61 = tpu.memref_slice %arg4[%dma_start3A_59, %dma_start3A_60] : memref<100000x256xf32, #tpu.memory_space<hbm>> -> memref<100000x256xf32, #tpu.memory_space<hbm>>
    tpu.enqueue_indirect_dma source(%dma_start3A_61 : memref<100000x256xf32, #tpu.memory_space<hbm>>) target(%arg14 : memref<64x256xf32, #tpu.memory_space<vmem>>) offsets(%dma_start3A_58 : memref<64xi32, #tpu.memory_space<vmem>>) semaphore(%arg26 : memref<!tpu.dma_semaphore, #tpu.memory_space<semaphore_mem>>)
    %dma_start3A_62 = arith.constant 448 : i32
    %dma_start3A_63 = tpu.memref_slice %arg9[%dma_start3A_62] : memref<512xi32, #tpu.memory_space<vmem>> -> memref<64xi32, #tpu.memory_space<vmem>>
    %dma_start3A_64 = arith.constant 0 : i32
    %dma_start3A_65 = arith.constant 0 : i32
    %dma_start3A_66 = tpu.memref_slice %arg5[%dma_start3A_64, %dma_start3A_65] : memref<1000x256xf32, #tpu.memory_space<hbm>> -> memref<1000x256xf32, #tpu.memory_space<hbm>>
    tpu.enqueue_indirect_dma source(%dma_start3A_66 : memref<1000x256xf32, #tpu.memory_space<hbm>>) target(%arg15 : memref<64x256xf32, #tpu.memory_space<vmem>>) offsets(%dma_start3A_63 : memref<64xi32, #tpu.memory_space<vmem>>) semaphore(%arg27 : memref<!tpu.dma_semaphore, #tpu.memory_space<semaphore_mem>>)
    %dma_wait3A_67 = arith.constant 0 : i32
    %dma_wait3A_68 = arith.constant 0 : i32
    %dma_wait3A_69 = tpu.memref_slice %arg4[%dma_wait3A_67, %dma_wait3A_68] : memref<100000x256xf32, #tpu.memory_space<hbm>> -> memref<64x256xf32, #tpu.memory_space<hbm>>
    %dma_wait3A_70 = arith.constant 0 : i32
    %dma_wait3A_71 = arith.constant 0 : i32
    %dma_wait3A_72 = tpu.memref_slice %arg4[%dma_wait3A_70, %dma_wait3A_71] : memref<100000x256xf32, #tpu.memory_space<hbm>> -> memref<64x256xf32, #tpu.memory_space<hbm>>
    tpu.wait_dma2 semaphore(%arg22 : memref<!tpu.dma_semaphore, #tpu.memory_space<semaphore_mem>>) src(%dma_wait3A_72 : memref<64x256xf32, #tpu.memory_space<hbm>>) dst(%arg10 : memref<64x256xf32, #tpu.memory_space<vmem>>)
    %dma_wait3A_73 = arith.constant 0 : i32
    %dma_wait3A_74 = arith.constant 0 : i32
    %dma_wait3A_75 = tpu.memref_slice %arg4[%dma_wait3A_73, %dma_wait3A_74] : memref<100000x256xf32, #tpu.memory_space<hbm>> -> memref<64x256xf32, #tpu.memory_space<hbm>>
    %dma_wait3A_76 = arith.constant 0 : i32
    %dma_wait3A_77 = arith.constant 0 : i32
    %dma_wait3A_78 = tpu.memref_slice %arg4[%dma_wait3A_76, %dma_wait3A_77] : memref<100000x256xf32, #tpu.memory_space<hbm>> -> memref<64x256xf32, #tpu.memory_space<hbm>>
    tpu.wait_dma2 semaphore(%arg23 : memref<!tpu.dma_semaphore, #tpu.memory_space<semaphore_mem>>) src(%dma_wait3A_78 : memref<64x256xf32, #tpu.memory_space<hbm>>) dst(%arg11 : memref<64x256xf32, #tpu.memory_space<vmem>>)
    %dma_wait3A_79 = arith.constant 0 : i32
    %dma_wait3A_80 = arith.constant 0 : i32
    %dma_wait3A_81 = tpu.memref_slice %arg5[%dma_wait3A_79, %dma_wait3A_80] : memref<1000x256xf32, #tpu.memory_space<hbm>> -> memref<64x256xf32, #tpu.memory_space<hbm>>
    %dma_wait3A_82 = arith.constant 0 : i32
    %dma_wait3A_83 = arith.constant 0 : i32
    %dma_wait3A_84 = tpu.memref_slice %arg5[%dma_wait3A_82, %dma_wait3A_83] : memref<1000x256xf32, #tpu.memory_space<hbm>> -> memref<64x256xf32, #tpu.memory_space<hbm>>
    tpu.wait_dma2 semaphore(%arg24 : memref<!tpu.dma_semaphore, #tpu.memory_space<semaphore_mem>>) src(%dma_wait3A_84 : memref<64x256xf32, #tpu.memory_space<hbm>>) dst(%arg12 : memref<64x256xf32, #tpu.memory_space<vmem>>)
    %add3A_85 = arith.constant 384 : i32
    %add3A_86 = arith.addi %mul3A_2, %add3A_85 : i32
    %dma_wait3A_87 = arith.constant 0 : i32
    %dma_wait3A_88 = tpu.memref_slice %arg6[%dma_wait3A_87] : memref<16384xf32, #tpu.memory_space<hbm>> -> memref<64xf32, #tpu.memory_space<hbm>>
    %dma_wait3A_89 = arith.constant 0 : i32
    %dma_wait3A_90 = tpu.memref_slice %arg6[%dma_wait3A_89] : memref<16384xf32, #tpu.memory_space<hbm>> -> memref<64xf32, #tpu.memory_space<hbm>>
    tpu.wait_dma2 semaphore(%arg28 : memref<!tpu.dma_semaphore, #tpu.memory_space<semaphore_mem>>) src(%dma_wait3A_90 : memref<64xf32, #tpu.memory_space<hbm>>) dst(%arg16 : memref<64xf32, #tpu.memory_space<vmem>>)
    %scan3A_91 = arith.constant 0 : i32
    %scan3A_92 = arith.constant 0 : i32
    %scan3A_93 = arith.constant 4 : i32
    %scan3A_94 = arith.addi %scan3A_92, %scan3A_93 : i32
    %scan3A_95 = arith.constant 1 : i32
    scf.for %scan3A_135 = %scan3A_92 to %scan3A_94 step %scan3A_95  : i32 {
      %scan3A_136 = arith.constant 0 : i32
      %scan3A_137 = arith.constant 0 : i32
      %scan3A_138 = arith.constant 16 : i32
      %scan3A_139 = arith.addi %scan3A_137, %scan3A_138 : i32
      %scan3A_140 = arith.constant 1 : i32
      scf.for %scan3A_254 = %scan3A_137 to %scan3A_139 step %scan3A_140  : i32 {
        %mul3A_255 = arith.constant 16 : i32
        %mul3A_256 = arith.muli %scan3A_135, %mul3A_255 : i32
        %add3A_257 = arith.addi %mul3A_256, %scan3A_254 : i32
        %broadcast_in_dim3A_258 = arith.constant 0.000000e+00 : f32
        %broadcast_in_dim3A_259 = vector.broadcast %broadcast_in_dim3A_258 : f32 to vector<16xf32>
        %get3A = arith.index_cast %add3A_257 : i32 to index
        %get3A_260 = arith.constant 0 : index
        %get3A_261 = tpu.vector_load %arg12[%get3A, %get3A_260] {strides = array<i32>} : memref<64x256xf32, #tpu.memory_space<vmem>>, vector<16xf32>,
        %get3A_262 = arith.index_cast %add3A_257 : i32 to index
        %get3A_263 = arith.constant 128 : index
        %get3A_264 = tpu.vector_load %arg12[%get3A_262, %get3A_263] {strides = array<i32>} : memref<64x256xf32, #tpu.memory_space<vmem>>, vector<16xf32>,
        %get3A_265 = arith.index_cast %add3A_257 : i32 to index
        %get3A_266 = arith.constant 0 : index
        %get3A_267 = tpu.vector_load %arg10[%get3A_265, %get3A_266] {strides = array<i32>} : memref<64x256xf32, #tpu.memory_space<vmem>>, vector<16xf32>,
        %get3A_268 = arith.index_cast %add3A_257 : i32 to index
        %get3A_269 = arith.constant 128 : index
        %get3A_270 = tpu.vector_load %arg10[%get3A_268, %get3A_269] {strides = array<i32>} : memref<64x256xf32, #tpu.memory_space<vmem>>, vector<16xf32>,
        %mul3A_271 = arith.mulf %get3A_267, %get3A_261 : vector<16xf32>
        %mul3A_272 = arith.mulf %get3A_270, %get3A_264 : vector<16xf32>
        %sub3A_273 = arith.subf %mul3A_271, %mul3A_272 : vector<16xf32>
        %get3A_274 = arith.index_cast %add3A_257 : i32 to index
        %get3A_275 = arith.constant 0 : index
        %get3A_276 = tpu.vector_load %arg11[%get3A_274, %get3A_275] {strides = array<i32>} : memref<64x256xf32, #tpu.memory_space<vmem>>, vector<16xf32>,
        %sub3A_277 = arith.subf %sub3A_273, %get3A_276 : vector<16xf32>
        %mul3A_278 = arith.mulf %get3A_267, %get3A_264 : vector<16xf32>
        %mul3A_279 = arith.mulf %get3A_270, %get3A_261 : vector<16xf32>
        %add3A_280 = arith.addf %mul3A_278, %mul3A_279 : vector<16xf32>
        %get3A_281 = arith.index_cast %add3A_257 : i32 to index
        %get3A_282 = arith.constant 128 : index
        %get3A_283 = tpu.vector_load %arg11[%get3A_281, %get3A_282] {strides = array<i32>} : memref<64x256xf32, #tpu.memory_space<vmem>>, vector<16xf32>,
        %sub3A_284 = arith.subf %add3A_280, %get3A_283 : vector<16xf32>
        %mul3A_285 = arith.mulf %sub3A_277, %sub3A_277 : vector<16xf32>
        %mul3A_286 = arith.mulf %sub3A_284, %sub3A_284 : vector<16xf32>
        %add3A_287 = arith.addf %mul3A_285, %mul3A_286 : vector<16xf32>
        %bitcast_convert_type3A = tpu.bitcast %add3A_287 : vector<16xf32> -> vector<16xi32>
        %shift_right_arithmetic3A = arith.constant 1 : i32
        %shift_right_arithmetic3A_288 = vector.broadcast %shift_right_arithmetic3A : i32 to vector<16xi32>
        %shift_right_arithmetic3A_289 = arith.shrsi %bitcast_convert_type3A, %shift_right_arithmetic3A_288 : vector<16xi32>
        %sub3A_290 = arith.constant 1597463007 : i32
        %sub3A_291 = vector.broadcast %sub3A_290 : i32 to vector<16xi32>
        %sub3A_292 = arith.subi %sub3A_291, %shift_right_arithmetic3A_289 : vector<16xi32>
        %bitcast_convert_type3A_293 = tpu.bitcast %sub3A_292 : vector<16xi32> -> vector<16xf32>
        %mul3A_294 = arith.constant 5.000000e-01 : f32
        %mul3A_295 = vector.broadcast %mul3A_294 : f32 to vector<16xf32>
        %mul3A_296 = arith.mulf %mul3A_295, %add3A_287 : vector<16xf32>
        %mul3A_297 = arith.mulf %mul3A_296, %bitcast_convert_type3A_293 : vector<16xf32>
        %mul3A_298 = arith.mulf %mul3A_297, %bitcast_convert_type3A_293 : vector<16xf32>
        %sub3A_299 = arith.constant 1.500000e+00 : f32
        %sub3A_300 = vector.broadcast %sub3A_299 : f32 to vector<16xf32>
        %sub3A_301 = arith.subf %sub3A_300, %mul3A_298 : vector<16xf32>
        %mul3A_302 = arith.mulf %bitcast_convert_type3A_293, %sub3A_301 : vector<16xf32>
        %mul3A_303 = arith.mulf %mul3A_296, %mul3A_302 : vector<16xf32>
        %mul3A_304 = arith.mulf %mul3A_303, %mul3A_302 : vector<16xf32>
        %sub3A_305 = arith.constant 1.500000e+00 : f32
        %sub3A_306 = vector.broadcast %sub3A_305 : f32 to vector<16xf32>
        %sub3A_307 = arith.subf %sub3A_306, %mul3A_304 : vector<16xf32>
        %mul3A_308 = arith.mulf %mul3A_302, %sub3A_307 : vector<16xf32>
        %mul3A_309 = arith.mulf %add3A_287, %mul3A_308 : vector<16xf32>
        %add3A_310 = arith.addf %broadcast_in_dim3A_259, %mul3A_309 : vector<16xf32>
        %get3A_311 = arith.index_cast %add3A_257 : i32 to index
        %get3A_312 = arith.constant 16 : index
        %get3A_313 = tpu.vector_load %arg12[%get3A_311, %get3A_312] {strides = array<i32>} : memref<64x256xf32, #tpu.memory_space<vmem>>, vector<16xf32>,
        %get3A_314 = arith.index_cast %add3A_257 : i32 to index
        %get3A_315 = arith.constant 144 : index
        %get3A_316 = tpu.vector_load %arg12[%get3A_314, %get3A_315] {strides = array<i32>} : memref<64x256xf32, #tpu.memory_space<vmem>>, vector<16xf32>,
        %get3A_317 = arith.index_cast %add3A_257 : i32 to index
        %get3A_318 = arith.constant 16 : index
        %get3A_319 = tpu.vector_load %arg10[%get3A_317, %get3A_318] {strides = array<i32>} : memref<64x256xf32, #tpu.memory_space<vmem>>, vector<16xf32>,
        %get3A_320 = arith.index_cast %add3A_257 : i32 to index
        %get3A_321 = arith.constant 144 : index
        %get3A_322 = tpu.vector_load %arg10[%get3A_320, %get3A_321] {strides = array<i32>} : memref<64x256xf32, #tpu.memory_space<vmem>>, vector<16xf32>,
        %mul3A_323 = arith.mulf %get3A_319, %get3A_313 : vector<16xf32>
        %mul3A_324 = arith.mulf %get3A_322, %get3A_316 : vector<16xf32>
        %sub3A_325 = arith.subf %mul3A_323, %mul3A_324 : vector<16xf32>
        %get3A_326 = arith.index_cast %add3A_257 : i32 to index
        %get3A_327 = arith.constant 16 : index
        %get3A_328 = tpu.vector_load %arg11[%get3A_326, %get3A_327] {strides = array<i32>} : memref<64x256xf32, #tpu.memory_space<vmem>>, vector<16xf32>,
        %sub3A_329 = arith.subf %sub3A_325, %get3A_328 : vector<16xf32>
        %mul3A_330 = arith.mulf %get3A_319, %get3A_316 : vector<16xf32>
        %mul3A_331 = arith.mulf %get3A_322, %get3A_313 : vector<16xf32>
        %add3A_332 = arith.addf %mul3A_330, %mul3A_331 : vector<16xf32>
        %get3A_333 = arith.index_cast %add3A_257 : i32 to index
        %get3A_334 = arith.constant 144 : index
        %get3A_335 = tpu.vector_load %arg11[%get3A_333, %get3A_334] {strides = array<i32>} : memref<64x256xf32, #tpu.memory_space<vmem>>, vector<16xf32>,
        %sub3A_336 = arith.subf %add3A_332, %get3A_335 : vector<16xf32>
        %mul3A_337 = arith.mulf %sub3A_329, %sub3A_329 : vector<16xf32>
        %mul3A_338 = arith.mulf %sub3A_336, %sub3A_336 : vector<16xf32>
        %add3A_339 = arith.addf %mul3A_337, %mul3A_338 : vector<16xf32>
        %bitcast_convert_type3A_340 = tpu.bitcast %add3A_339 : vector<16xf32> -> vector<16xi32>
        %shift_right_arithmetic3A_341 = arith.constant 1 : i32
        %shift_right_arithmetic3A_342 = vector.broadcast %shift_right_arithmetic3A_341 : i32 to vector<16xi32>
        %shift_right_arithmetic3A_343 = arith.shrsi %bitcast_convert_type3A_340, %shift_right_arithmetic3A_342 : vector<16xi32>
        %sub3A_344 = arith.constant 1597463007 : i32
        %sub3A_345 = vector.broadcast %sub3A_344 : i32 to vector<16xi32>
        %sub3A_346 = arith.subi %sub3A_345, %shift_right_arithmetic3A_343 : vector<16xi32>
        %bitcast_convert_type3A_347 = tpu.bitcast %sub3A_346 : vector<16xi32> -> vector<16xf32>
        %mul3A_348 = arith.constant 5.000000e-01 : f32
        %mul3A_349 = vector.broadcast %mul3A_348 : f32 to vector<16xf32>
        %mul3A_350 = arith.mulf %mul3A_349, %add3A_339 : vector<16xf32>
        %mul3A_351 = arith.mulf %mul3A_350, %bitcast_convert_type3A_347 : vector<16xf32>
        %mul3A_352 = arith.mulf %mul3A_351, %bitcast_convert_type3A_347 : vector<16xf32>
        %sub3A_353 = arith.constant 1.500000e+00 : f32
        %sub3A_354 = vector.broadcast %sub3A_353 : f32 to vector<16xf32>
        %sub3A_355 = arith.subf %sub3A_354, %mul3A_352 : vector<16xf32>
        %mul3A_356 = arith.mulf %bitcast_convert_type3A_347, %sub3A_355 : vector<16xf32>
        %mul3A_357 = arith.mulf %mul3A_350, %mul3A_356 : vector<16xf32>
        %mul3A_358 = arith.mulf %mul3A_357, %mul3A_356 : vector<16xf32>
        %sub3A_359 = arith.constant 1.500000e+00 : f32
        %sub3A_360 = vector.broadcast %sub3A_359 : f32 to vector<16xf32>
        %sub3A_361 = arith.subf %sub3A_360, %mul3A_358 : vector<16xf32>
        %mul3A_362 = arith.mulf %mul3A_356, %sub3A_361 : vector<16xf32>
        %mul3A_363 = arith.mulf %add3A_339, %mul3A_362 : vector<16xf32>
        %add3A_364 = arith.addf %add3A_310, %mul3A_363 : vector<16xf32>
        %get3A_365 = arith.index_cast %add3A_257 : i32 to index
        %get3A_366 = arith.constant 32 : index
        %get3A_367 = tpu.vector_load %arg12[%get3A_365, %get3A_366] {strides = array<i32>} : memref<64x256xf32, #tpu.memory_space<vmem>>, vector<16xf32>,
        %get3A_368 = arith.index_cast %add3A_257 : i32 to index
        %get3A_369 = arith.constant 160 : index
        %get3A_370 = tpu.vector_load %arg12[%get3A_368, %get3A_369] {strides = array<i32>} : memref<64x256xf32, #tpu.memory_space<vmem>>, vector<16xf32>,
        %get3A_371 = arith.index_cast %add3A_257 : i32 to index
        %get3A_372 = arith.constant 32 : index
        %get3A_373 = tpu.vector_load %arg10[%get3A_371, %get3A_372] {strides = array<i32>} : memref<64x256xf32, #tpu.memory_space<vmem>>, vector<16xf32>,
        %get3A_374 = arith.index_cast %add3A_257 : i32 to index
        %get3A_375 = arith.constant 160 : index
        %get3A_376 = tpu.vector_load %arg10[%get3A_374, %get3A_375] {strides = array<i32>} : memref<64x256xf32, #tpu.memory_space<vmem>>, vector<16xf32>,
        %mul3A_377 = arith.mulf %get3A_373, %get3A_367 : vector<16xf32>
        %mul3A_378 = arith.mulf %get3A_376, %get3A_370 : vector<16xf32>
        %sub3A_379 = arith.subf %mul3A_377, %mul3A_378 : vector<16xf32>
        %get3A_380 = arith.index_cast %add3A_257 : i32 to index
        %get3A_381 = arith.constant 32 : index
        %get3A_382 = tpu.vector_load %arg11[%get3A_380, %get3A_381] {strides = array<i32>} : memref<64x256xf32, #tpu.memory_space<vmem>>, vector<16xf32>,
        %sub3A_383 = arith.subf %sub3A_379, %get3A_382 : vector<16xf32>
        %mul3A_384 = arith.mulf %get3A_373, %get3A_370 : vector<16xf32>
        %mul3A_385 = arith.mulf %get3A_376, %get3A_367 : vector<16xf32>
        %add3A_386 = arith.addf %mul3A_384, %mul3A_385 : vector<16xf32>
        %get3A_387 = arith.index_cast %add3A_257 : i32 to index
        %get3A_388 = arith.constant 160 : index
        %get3A_389 = tpu.vector_load %arg11[%get3A_387, %get3A_388] {strides = array<i32>} : memref<64x256xf32, #tpu.memory_space<vmem>>, vector<16xf32>,
        %sub3A_390 = arith.subf %add3A_386, %get3A_389 : vector<16xf32>
        %mul3A_391 = arith.mulf %sub3A_383, %sub3A_383 : vector<16xf32>
        %mul3A_392 = arith.mulf %sub3A_390, %sub3A_390 : vector<16xf32>
        %add3A_393 = arith.addf %mul3A_391, %mul3A_392 : vector<16xf32>
        %bitcast_convert_type3A_394 = tpu.bitcast %add3A_393 : vector<16xf32> -> vector<16xi32>
        %shift_right_arithmetic3A_395 = arith.constant 1 : i32
        %shift_right_arithmetic3A_396 = vector.broadcast %shift_right_arithmetic3A_395 : i32 to vector<16xi32>
        %shift_right_arithmetic3A_397 = arith.shrsi %bitcast_convert_type3A_394, %shift_right_arithmetic3A_396 : vector<16xi32>
        %sub3A_398 = arith.constant 1597463007 : i32
        %sub3A_399 = vector.broadcast %sub3A_398 : i32 to vector<16xi32>
        %sub3A_400 = arith.subi %sub3A_399, %shift_right_arithmetic3A_397 : vector<16xi32>
        %bitcast_convert_type3A_401 = tpu.bitcast %sub3A_400 : vector<16xi32> -> vector<16xf32>
        %mul3A_402 = arith.constant 5.000000e-01 : f32
        %mul3A_403 = vector.broadcast %mul3A_402 : f32 to vector<16xf32>
        %mul3A_404 = arith.mulf %mul3A_403, %add3A_393 : vector<16xf32>
        %mul3A_405 = arith.mulf %mul3A_404, %bitcast_convert_type3A_401 : vector<16xf32>
        %mul3A_406 = arith.mulf %mul3A_405, %bitcast_convert_type3A_401 : vector<16xf32>
        %sub3A_407 = arith.constant 1.500000e+00 : f32
        %sub3A_408 = vector.broadcast %sub3A_407 : f32 to vector<16xf32>
        %sub3A_409 = arith.subf %sub3A_408, %mul3A_406 : vector<16xf32>
        %mul3A_410 = arith.mulf %bitcast_convert_type3A_401, %sub3A_409 : vector<16xf32>
        %mul3A_411 = arith.mulf %mul3A_404, %mul3A_410 : vector<16xf32>
        %mul3A_412 = arith.mulf %mul3A_411, %mul3A_410 : vector<16xf32>
        %sub3A_413 = arith.constant 1.500000e+00 : f32
        %sub3A_414 = vector.broadcast %sub3A_413 : f32 to vector<16xf32>
        %sub3A_415 = arith.subf %sub3A_414, %mul3A_412 : vector<16xf32>
        %mul3A_416 = arith.mulf %mul3A_410, %sub3A_415 : vector<16xf32>
        %mul3A_417 = arith.mulf %add3A_393, %mul3A_416 : vector<16xf32>
        %add3A_418 = arith.addf %add3A_364, %mul3A_417 : vector<16xf32>
        %get3A_419 = arith.index_cast %add3A_257 : i32 to index
        %get3A_420 = arith.constant 48 : index
        %get3A_421 = tpu.vector_load %arg12[%get3A_419, %get3A_420] {strides = array<i32>} : memref<64x256xf32, #tpu.memory_space<vmem>>, vector<16xf32>,
        %get3A_422 = arith.index_cast %add3A_257 : i32 to index
        %get3A_423 = arith.constant 176 : index
        %get3A_424 = tpu.vector_load %arg12[%get3A_422, %get3A_423] {strides = array<i32>} : memref<64x256xf32, #tpu.memory_space<vmem>>, vector<16xf32>,
        %get3A_425 = arith.index_cast %add3A_257 : i32 to index
        %get3A_426 = arith.constant 48 : index
        %get3A_427 = tpu.vector_load %arg10[%get3A_425, %get3A_426] {strides = array<i32>} : memref<64x256xf32, #tpu.memory_space<vmem>>, vector<16xf32>,
        %get3A_428 = arith.index_cast %add3A_257 : i32 to index
        %get3A_429 = arith.constant 176 : index
        %get3A_430 = tpu.vector_load %arg10[%get3A_428, %get3A_429] {strides = array<i32>} : memref<64x256xf32, #tpu.memory_space<vmem>>, vector<16xf32>,
        %mul3A_431 = arith.mulf %get3A_427, %get3A_421 : vector<16xf32>
        %mul3A_432 = arith.mulf %get3A_430, %get3A_424 : vector<16xf32>
        %sub3A_433 = arith.subf %mul3A_431, %mul3A_432 : vector<16xf32>
        %get3A_434 = arith.index_cast %add3A_257 : i32 to index
        %get3A_435 = arith.constant 48 : index
        %get3A_436 = tpu.vector_load %arg11[%get3A_434, %get3A_435] {strides = array<i32>} : memref<64x256xf32, #tpu.memory_space<vmem>>, vector<16xf32>,
        %sub3A_437 = arith.subf %sub3A_433, %get3A_436 : vector<16xf32>
        %mul3A_438 = arith.mulf %get3A_427, %get3A_424 : vector<16xf32>
        %mul3A_439 = arith.mulf %get3A_430, %get3A_421 : vector<16xf32>
        %add3A_440 = arith.addf %mul3A_438, %mul3A_439 : vector<16xf32>
        %get3A_441 = arith.index_cast %add3A_257 : i32 to index
        %get3A_442 = arith.constant 176 : index
        %get3A_443 = tpu.vector_load %arg11[%get3A_441, %get3A_442] {strides = array<i32>} : memref<64x256xf32, #tpu.memory_space<vmem>>, vector<16xf32>,
        %sub3A_444 = arith.subf %add3A_440, %get3A_443 : vector<16xf32>
        %mul3A_445 = arith.mulf %sub3A_437, %sub3A_437 : vector<16xf32>
        %mul3A_446 = arith.mulf %sub3A_444, %sub3A_444 : vector<16xf32>
        %add3A_447 = arith.addf %mul3A_445, %mul3A_446 : vector<16xf32>
        %bitcast_convert_type3A_448 = tpu.bitcast %add3A_447 : vector<16xf32> -> vector<16xi32>
        %shift_right_arithmetic3A_449 = arith.constant 1 : i32
        %shift_right_arithmetic3A_450 = vector.broadcast %shift_right_arithmetic3A_449 : i32 to vector<16xi32>
        %shift_right_arithmetic3A_451 = arith.shrsi %bitcast_convert_type3A_448, %shift_right_arithmetic3A_450 : vector<16xi32>
        %sub3A_452 = arith.constant 1597463007 : i32
        %sub3A_453 = vector.broadcast %sub3A_452 : i32 to vector<16xi32>
        %sub3A_454 = arith.subi %sub3A_453, %shift_right_arithmetic3A_451 : vector<16xi32>
        %bitcast_convert_type3A_455 = tpu.bitcast %sub3A_454 : vector<16xi32> -> vector<16xf32>
        %mul3A_456 = arith.constant 5.000000e-01 : f32
        %mul3A_457 = vector.broadcast %mul3A_456 : f32 to vector<16xf32>
        %mul3A_458 = arith.mulf %mul3A_457, %add3A_447 : vector<16xf32>
        %mul3A_459 = arith.mulf %mul3A_458, %bitcast_convert_type3A_455 : vector<16xf32>
        %mul3A_460 = arith.mulf %mul3A_459, %bitcast_convert_type3A_455 : vector<16xf32>
        %sub3A_461 = arith.constant 1.500000e+00 : f32
        %sub3A_462 = vector.broadcast %sub3A_461 : f32 to vector<16xf32>
        %sub3A_463 = arith.subf %sub3A_462, %mul3A_460 : vector<16xf32>
        %mul3A_464 = arith.mulf %bitcast_convert_type3A_455, %sub3A_463 : vector<16xf32>
        %mul3A_465 = arith.mulf %mul3A_458, %mul3A_464 : vector<16xf32>
        %mul3A_466 = arith.mulf %mul3A_465, %mul3A_464 : vector<16xf32>
        %sub3A_467 = arith.constant 1.500000e+00 : f32
        %sub3A_468 = vector.broadcast %sub3A_467 : f32 to vector<16xf32>
        %sub3A_469 = arith.subf %sub3A_468, %mul3A_466 : vector<16xf32>
        %mul3A_470 = arith.mulf %mul3A_464, %sub3A_469 : vector<16xf32>
        %mul3A_471 = arith.mulf %add3A_447, %mul3A_470 : vector<16xf32>
        %add3A_472 = arith.addf %add3A_418, %mul3A_471 : vector<16xf32>
        %get3A_473 = arith.index_cast %add3A_257 : i32 to index
        %get3A_474 = arith.constant 64 : index
        %get3A_475 = tpu.vector_load %arg12[%get3A_473, %get3A_474] {strides = array<i32>} : memref<64x256xf32, #tpu.memory_space<vmem>>, vector<16xf32>,
        %get3A_476 = arith.index_cast %add3A_257 : i32 to index
        %get3A_477 = arith.constant 192 : index
        %get3A_478 = tpu.vector_load %arg12[%get3A_476, %get3A_477] {strides = array<i32>} : memref<64x256xf32, #tpu.memory_space<vmem>>, vector<16xf32>,
        %get3A_479 = arith.index_cast %add3A_257 : i32 to index
        %get3A_480 = arith.constant 64 : index
        %get3A_481 = tpu.vector_load %arg10[%get3A_479, %get3A_480] {strides = array<i32>} : memref<64x256xf32, #tpu.memory_space<vmem>>, vector<16xf32>,
        %get3A_482 = arith.index_cast %add3A_257 : i32 to index
        %get3A_483 = arith.constant 192 : index
        %get3A_484 = tpu.vector_load %arg10[%get3A_482, %get3A_483] {strides = array<i32>} : memref<64x256xf32, #tpu.memory_space<vmem>>, vector<16xf32>,
        %mul3A_485 = arith.mulf %get3A_481, %get3A_475 : vector<16xf32>
        %mul3A_486 = arith.mulf %get3A_484, %get3A_478 : vector<16xf32>
        %sub3A_487 = arith.subf %mul3A_485, %mul3A_486 : vector<16xf32>
        %get3A_488 = arith.index_cast %add3A_257 : i32 to index
        %get3A_489 = arith.constant 64 : index
        %get3A_490 = tpu.vector_load %arg11[%get3A_488, %get3A_489] {strides = array<i32>} : memref<64x256xf32, #tpu.memory_space<vmem>>, vector<16xf32>,
        %sub3A_491 = arith.subf %sub3A_487, %get3A_490 : vector<16xf32>
        %mul3A_492 = arith.mulf %get3A_481, %get3A_478 : vector<16xf32>
        %mul3A_493 = arith.mulf %get3A_484, %get3A_475 : vector<16xf32>
        %add3A_494 = arith.addf %mul3A_492, %mul3A_493 : vector<16xf32>
        %get3A_495 = arith.index_cast %add3A_257 : i32 to index
        %get3A_496 = arith.constant 192 : index
        %get3A_497 = tpu.vector_load %arg11[%get3A_495, %get3A_496] {strides = array<i32>} : memref<64x256xf32, #tpu.memory_space<vmem>>, vector<16xf32>,
        %sub3A_498 = arith.subf %add3A_494, %get3A_497 : vector<16xf32>
        %mul3A_499 = arith.mulf %sub3A_491, %sub3A_491 : vector<16xf32>
        %mul3A_500 = arith.mulf %sub3A_498, %sub3A_498 : vector<16xf32>
        %add3A_501 = arith.addf %mul3A_499, %mul3A_500 : vector<16xf32>
        %bitcast_convert_type3A_502 = tpu.bitcast %add3A_501 : vector<16xf32> -> vector<16xi32>
        %shift_right_arithmetic3A_503 = arith.constant 1 : i32
        %shift_right_arithmetic3A_504 = vector.broadcast %shift_right_arithmetic3A_503 : i32 to vector<16xi32>
        %shift_right_arithmetic3A_505 = arith.shrsi %bitcast_convert_type3A_502, %shift_right_arithmetic3A_504 : vector<16xi32>
        %sub3A_506 = arith.constant 1597463007 : i32
        %sub3A_507 = vector.broadcast %sub3A_506 : i32 to vector<16xi32>
        %sub3A_508 = arith.subi %sub3A_507, %shift_right_arithmetic3A_505 : vector<16xi32>
        %bitcast_convert_type3A_509 = tpu.bitcast %sub3A_508 : vector<16xi32> -> vector<16xf32>
        %mul3A_510 = arith.constant 5.000000e-01 : f32
        %mul3A_511 = vector.broadcast %mul3A_510 : f32 to vector<16xf32>
        %mul3A_512 = arith.mulf %mul3A_511, %add3A_501 : vector<16xf32>
        %mul3A_513 = arith.mulf %mul3A_512, %bitcast_convert_type3A_509 : vector<16xf32>
        %mul3A_514 = arith.mulf %mul3A_513, %bitcast_convert_type3A_509 : vector<16xf32>
        %sub3A_515 = arith.constant 1.500000e+00 : f32
        %sub3A_516 = vector.broadcast %sub3A_515 : f32 to vector<16xf32>
        %sub3A_517 = arith.subf %sub3A_516, %mul3A_514 : vector<16xf32>
        %mul3A_518 = arith.mulf %bitcast_convert_type3A_509, %sub3A_517 : vector<16xf32>
        %mul3A_519 = arith.mulf %mul3A_512, %mul3A_518 : vector<16xf32>
        %mul3A_520 = arith.mulf %mul3A_519, %mul3A_518 : vector<16xf32>
        %sub3A_521 = arith.constant 1.500000e+00 : f32
        %sub3A_522 = vector.broadcast %sub3A_521 : f32 to vector<16xf32>
        %sub3A_523 = arith.subf %sub3A_522, %mul3A_520 : vector<16xf32>
        %mul3A_524 = arith.mulf %mul3A_518, %sub3A_523 : vector<16xf32>
        %mul3A_525 = arith.mulf %add3A_501, %mul3A_524 : vector<16xf32>
        %add3A_526 = arith.addf %add3A_472, %mul3A_525 : vector<16xf32>
        %get3A_527 = arith.index_cast %add3A_257 : i32 to index
        %get3A_528 = arith.constant 80 : index
        %get3A_529 = tpu.vector_load %arg12[%get3A_527, %get3A_528] {strides = array<i32>} : memref<64x256xf32, #tpu.memory_space<vmem>>, vector<16xf32>,
        %get3A_530 = arith.index_cast %add3A_257 : i32 to index
        %get3A_531 = arith.constant 208 : index
        %get3A_532 = tpu.vector_load %arg12[%get3A_530, %get3A_531] {strides = array<i32>} : memref<64x256xf32, #tpu.memory_space<vmem>>, vector<16xf32>,
        %get3A_533 = arith.index_cast %add3A_257 : i32 to index
        %get3A_534 = arith.constant 80 : index
        %get3A_535 = tpu.vector_load %arg10[%get3A_533, %get3A_534] {strides = array<i32>} : memref<64x256xf32, #tpu.memory_space<vmem>>, vector<16xf32>,
        %get3A_536 = arith.index_cast %add3A_257 : i32 to index
        %get3A_537 = arith.constant 208 : index
        %get3A_538 = tpu.vector_load %arg10[%get3A_536, %get3A_537] {strides = array<i32>} : memref<64x256xf32, #tpu.memory_space<vmem>>, vector<16xf32>,
        %mul3A_539 = arith.mulf %get3A_535, %get3A_529 : vector<16xf32>
        %mul3A_540 = arith.mulf %get3A_538, %get3A_532 : vector<16xf32>
        %sub3A_541 = arith.subf %mul3A_539, %mul3A_540 : vector<16xf32>
        %get3A_542 = arith.index_cast %add3A_257 : i32 to index
        %get3A_543 = arith.constant 80 : index
        %get3A_544 = tpu.vector_load %arg11[%get3A_542, %get3A_543] {strides = array<i32>} : memref<64x256xf32, #tpu.memory_space<vmem>>, vector<16xf32>,
        %sub3A_545 = arith.subf %sub3A_541, %get3A_544 : vector<16xf32>
        %mul3A_546 = arith.mulf %get3A_535, %get3A_532 : vector<16xf32>
        %mul3A_547 = arith.mulf %get3A_538, %get3A_529 : vector<16xf32>
        %add3A_548 = arith.addf %mul3A_546, %mul3A_547 : vector<16xf32>
        %get3A_549 = arith.index_cast %add3A_257 : i32 to index
        %get3A_550 = arith.constant 208 : index
        %get3A_551 = tpu.vector_load %arg11[%get3A_549, %get3A_550] {strides = array<i32>} : memref<64x256xf32, #tpu.memory_space<vmem>>, vector<16xf32>,
        %sub3A_552 = arith.subf %add3A_548, %get3A_551 : vector<16xf32>
        %mul3A_553 = arith.mulf %sub3A_545, %sub3A_545 : vector<16xf32>
        %mul3A_554 = arith.mulf %sub3A_552, %sub3A_552 : vector<16xf32>
        %add3A_555 = arith.addf %mul3A_553, %mul3A_554 : vector<16xf32>
        %bitcast_convert_type3A_556 = tpu.bitcast %add3A_555 : vector<16xf32> -> vector<16xi32>
        %shift_right_arithmetic3A_557 = arith.constant 1 : i32
        %shift_right_arithmetic3A_558 = vector.broadcast %shift_right_arithmetic3A_557 : i32 to vector<16xi32>
        %shift_right_arithmetic3A_559 = arith.shrsi %bitcast_convert_type3A_556, %shift_right_arithmetic3A_558 : vector<16xi32>
        %sub3A_560 = arith.constant 1597463007 : i32
        %sub3A_561 = vector.broadcast %sub3A_560 : i32 to vector<16xi32>
        %sub3A_562 = arith.subi %sub3A_561, %shift_right_arithmetic3A_559 : vector<16xi32>
        %bitcast_convert_type3A_563 = tpu.bitcast %sub3A_562 : vector<16xi32> -> vector<16xf32>
        %mul3A_564 = arith.constant 5.000000e-01 : f32
        %mul3A_565 = vector.broadcast %mul3A_564 : f32 to vector<16xf32>
        %mul3A_566 = arith.mulf %mul3A_565, %add3A_555 : vector<16xf32>
        %mul3A_567 = arith.mulf %mul3A_566, %bitcast_convert_type3A_563 : vector<16xf32>
        %mul3A_568 = arith.mulf %mul3A_567, %bitcast_convert_type3A_563 : vector<16xf32>
        %sub3A_569 = arith.constant 1.500000e+00 : f32
        %sub3A_570 = vector.broadcast %sub3A_569 : f32 to vector<16xf32>
        %sub3A_571 = arith.subf %sub3A_570, %mul3A_568 : vector<16xf32>
        %mul3A_572 = arith.mulf %bitcast_convert_type3A_563, %sub3A_571 : vector<16xf32>
        %mul3A_573 = arith.mulf %mul3A_566, %mul3A_572 : vector<16xf32>
        %mul3A_574 = arith.mulf %mul3A_573, %mul3A_572 : vector<16xf32>
        %sub3A_575 = arith.constant 1.500000e+00 : f32
        %sub3A_576 = vector.broadcast %sub3A_575 : f32 to vector<16xf32>
        %sub3A_577 = arith.subf %sub3A_576, %mul3A_574 : vector<16xf32>
        %mul3A_578 = arith.mulf %mul3A_572, %sub3A_577 : vector<16xf32>
        %mul3A_579 = arith.mulf %add3A_555, %mul3A_578 : vector<16xf32>
        %add3A_580 = arith.addf %add3A_526, %mul3A_579 : vector<16xf32>
        %get3A_581 = arith.index_cast %add3A_257 : i32 to index
        %get3A_582 = arith.constant 96 : index
        %get3A_583 = tpu.vector_load %arg12[%get3A_581, %get3A_582] {strides = array<i32>} : memref<64x256xf32, #tpu.memory_space<vmem>>, vector<16xf32>,
        %get3A_584 = arith.index_cast %add3A_257 : i32 to index
        %get3A_585 = arith.constant 224 : index
        %get3A_586 = tpu.vector_load %arg12[%get3A_584, %get3A_585] {strides = array<i32>} : memref<64x256xf32, #tpu.memory_space<vmem>>, vector<16xf32>,
        %get3A_587 = arith.index_cast %add3A_257 : i32 to index
        %get3A_588 = arith.constant 96 : index
        %get3A_589 = tpu.vector_load %arg10[%get3A_587, %get3A_588] {strides = array<i32>} : memref<64x256xf32, #tpu.memory_space<vmem>>, vector<16xf32>,
        %get3A_590 = arith.index_cast %add3A_257 : i32 to index
        %get3A_591 = arith.constant 224 : index
        %get3A_592 = tpu.vector_load %arg10[%get3A_590, %get3A_591] {strides = array<i32>} : memref<64x256xf32, #tpu.memory_space<vmem>>, vector<16xf32>,
        %mul3A_593 = arith.mulf %get3A_589, %get3A_583 : vector<16xf32>
        %mul3A_594 = arith.mulf %get3A_592, %get3A_586 : vector<16xf32>
        %sub3A_595 = arith.subf %mul3A_593, %mul3A_594 : vector<16xf32>
        %get3A_596 = arith.index_cast %add3A_257 : i32 to index
        %get3A_597 = arith.constant 96 : index
        %get3A_598 = tpu.vector_load %arg11[%get3A_596, %get3A_597] {strides = array<i32>} : memref<64x256xf32, #tpu.memory_space<vmem>>, vector<16xf32>,
        %sub3A_599 = arith.subf %sub3A_595, %get3A_598 : vector<16xf32>
        %mul3A_600 = arith.mulf %get3A_589, %get3A_586 : vector<16xf32>
        %mul3A_601 = arith.mulf %get3A_592, %get3A_583 : vector<16xf32>
        %add3A_602 = arith.addf %mul3A_600, %mul3A_601 : vector<16xf32>
        %get3A_603 = arith.index_cast %add3A_257 : i32 to index
        %get3A_604 = arith.constant 224 : index
        %get3A_605 = tpu.vector_load %arg11[%get3A_603, %get3A_604] {strides = array<i32>} : memref<64x256xf32, #tpu.memory_space<vmem>>, vector<16xf32>,
        %sub3A_606 = arith.subf %add3A_602, %get3A_605 : vector<16xf32>
        %mul3A_607 = arith.mulf %sub3A_599, %sub3A_599 : vector<16xf32>
        %mul3A_608 = arith.mulf %sub3A_606, %sub3A_606 : vector<16xf32>
        %add3A_609 = arith.addf %mul3A_607, %mul3A_608 : vector<16xf32>
        %bitcast_convert_type3A_610 = tpu.bitcast %add3A_609 : vector<16xf32> -> vector<16xi32>
        %shift_right_arithmetic3A_611 = arith.constant 1 : i32
        %shift_right_arithmetic3A_612 = vector.broadcast %shift_right_arithmetic3A_611 : i32 to vector<16xi32>
        %shift_right_arithmetic3A_613 = arith.shrsi %bitcast_convert_type3A_610, %shift_right_arithmetic3A_612 : vector<16xi32>
        %sub3A_614 = arith.constant 1597463007 : i32
        %sub3A_615 = vector.broadcast %sub3A_614 : i32 to vector<16xi32>
        %sub3A_616 = arith.subi %sub3A_615, %shift_right_arithmetic3A_613 : vector<16xi32>
        %bitcast_convert_type3A_617 = tpu.bitcast %sub3A_616 : vector<16xi32> -> vector<16xf32>
        %mul3A_618 = arith.constant 5.000000e-01 : f32
        %mul3A_619 = vector.broadcast %mul3A_618 : f32 to vector<16xf32>
        %mul3A_620 = arith.mulf %mul3A_619, %add3A_609 : vector<16xf32>
        %mul3A_621 = arith.mulf %mul3A_620, %bitcast_convert_type3A_617 : vector<16xf32>
        %mul3A_622 = arith.mulf %mul3A_621, %bitcast_convert_type3A_617 : vector<16xf32>
        %sub3A_623 = arith.constant 1.500000e+00 : f32
        %sub3A_624 = vector.broadcast %sub3A_623 : f32 to vector<16xf32>
        %sub3A_625 = arith.subf %sub3A_624, %mul3A_622 : vector<16xf32>
        %mul3A_626 = arith.mulf %bitcast_convert_type3A_617, %sub3A_625 : vector<16xf32>
        %mul3A_627 = arith.mulf %mul3A_620, %mul3A_626 : vector<16xf32>
        %mul3A_628 = arith.mulf %mul3A_627, %mul3A_626 : vector<16xf32>
        %sub3A_629 = arith.constant 1.500000e+00 : f32
        %sub3A_630 = vector.broadcast %sub3A_629 : f32 to vector<16xf32>
        %sub3A_631 = arith.subf %sub3A_630, %mul3A_628 : vector<16xf32>
        %mul3A_632 = arith.mulf %mul3A_626, %sub3A_631 : vector<16xf32>
        %mul3A_633 = arith.mulf %add3A_609, %mul3A_632 : vector<16xf32>
        %add3A_634 = arith.addf %add3A_580, %mul3A_633 : vector<16xf32>
        %get3A_635 = arith.index_cast %add3A_257 : i32 to index
        %get3A_636 = arith.constant 112 : index
        %get3A_637 = tpu.vector_load %arg12[%get3A_635, %get3A_636] {strides = array<i32>} : memref<64x256xf32, #tpu.memory_space<vmem>>, vector<16xf32>,
        %get3A_638 = arith.index_cast %add3A_257 : i32 to index
        %get3A_639 = arith.constant 240 : index
        %get3A_640 = tpu.vector_load %arg12[%get3A_638, %get3A_639] {strides = array<i32>} : memref<64x256xf32, #tpu.memory_space<vmem>>, vector<16xf32>,
        %get3A_641 = arith.index_cast %add3A_257 : i32 to index
        %get3A_642 = arith.constant 112 : index
        %get3A_643 = tpu.vector_load %arg10[%get3A_641, %get3A_642] {strides = array<i32>} : memref<64x256xf32, #tpu.memory_space<vmem>>, vector<16xf32>,
        %get3A_644 = arith.index_cast %add3A_257 : i32 to index
        %get3A_645 = arith.constant 240 : index
        %get3A_646 = tpu.vector_load %arg10[%get3A_644, %get3A_645] {strides = array<i32>} : memref<64x256xf32, #tpu.memory_space<vmem>>, vector<16xf32>,
        %mul3A_647 = arith.mulf %get3A_643, %get3A_637 : vector<16xf32>
        %mul3A_648 = arith.mulf %get3A_646, %get3A_640 : vector<16xf32>
        %sub3A_649 = arith.subf %mul3A_647, %mul3A_648 : vector<16xf32>
        %get3A_650 = arith.index_cast %add3A_257 : i32 to index
        %get3A_651 = arith.constant 112 : index
        %get3A_652 = tpu.vector_load %arg11[%get3A_650, %get3A_651] {strides = array<i32>} : memref<64x256xf32, #tpu.memory_space<vmem>>, vector<16xf32>,
        %sub3A_653 = arith.subf %sub3A_649, %get3A_652 : vector<16xf32>
        %mul3A_654 = arith.mulf %get3A_643, %get3A_640 : vector<16xf32>
        %mul3A_655 = arith.mulf %get3A_646, %get3A_637 : vector<16xf32>
        %add3A_656 = arith.addf %mul3A_654, %mul3A_655 : vector<16xf32>
        %get3A_657 = arith.index_cast %add3A_257 : i32 to index
        %get3A_658 = arith.constant 240 : index
        %get3A_659 = tpu.vector_load %arg11[%get3A_657, %get3A_658] {strides = array<i32>} : memref<64x256xf32, #tpu.memory_space<vmem>>, vector<16xf32>,
        %sub3A_660 = arith.subf %add3A_656, %get3A_659 : vector<16xf32>
        %mul3A_661 = arith.mulf %sub3A_653, %sub3A_653 : vector<16xf32>
        %mul3A_662 = arith.mulf %sub3A_660, %sub3A_660 : vector<16xf32>
        %add3A_663 = arith.addf %mul3A_661, %mul3A_662 : vector<16xf32>
        %bitcast_convert_type3A_664 = tpu.bitcast %add3A_663 : vector<16xf32> -> vector<16xi32>
        %shift_right_arithmetic3A_665 = arith.constant 1 : i32
        %shift_right_arithmetic3A_666 = vector.broadcast %shift_right_arithmetic3A_665 : i32 to vector<16xi32>
        %shift_right_arithmetic3A_667 = arith.shrsi %bitcast_convert_type3A_664, %shift_right_arithmetic3A_666 : vector<16xi32>
        %sub3A_668 = arith.constant 1597463007 : i32
        %sub3A_669 = vector.broadcast %sub3A_668 : i32 to vector<16xi32>
        %sub3A_670 = arith.subi %sub3A_669, %shift_right_arithmetic3A_667 : vector<16xi32>
        %bitcast_convert_type3A_671 = tpu.bitcast %sub3A_670 : vector<16xi32> -> vector<16xf32>
        %mul3A_672 = arith.constant 5.000000e-01 : f32
        %mul3A_673 = vector.broadcast %mul3A_672 : f32 to vector<16xf32>
        %mul3A_674 = arith.mulf %mul3A_673, %add3A_663 : vector<16xf32>
        %mul3A_675 = arith.mulf %mul3A_674, %bitcast_convert_type3A_671 : vector<16xf32>
        %mul3A_676 = arith.mulf %mul3A_675, %bitcast_convert_type3A_671 : vector<16xf32>
        %sub3A_677 = arith.constant 1.500000e+00 : f32
        %sub3A_678 = vector.broadcast %sub3A_677 : f32 to vector<16xf32>
        %sub3A_679 = arith.subf %sub3A_678, %mul3A_676 : vector<16xf32>
        %mul3A_680 = arith.mulf %bitcast_convert_type3A_671, %sub3A_679 : vector<16xf32>
        %mul3A_681 = arith.mulf %mul3A_674, %mul3A_680 : vector<16xf32>
        %mul3A_682 = arith.mulf %mul3A_681, %mul3A_680 : vector<16xf32>
        %sub3A_683 = arith.constant 1.500000e+00 : f32
        %sub3A_684 = vector.broadcast %sub3A_683 : f32 to vector<16xf32>
        %sub3A_685 = arith.subf %sub3A_684, %mul3A_682 : vector<16xf32>
        %mul3A_686 = arith.mulf %mul3A_680, %sub3A_685 : vector<16xf32>
        %mul3A_687 = arith.mulf %add3A_663, %mul3A_686 : vector<16xf32>
        %add3A_688 = arith.addf %add3A_634, %mul3A_687 : vector<16xf32>
        %mul3A_689 = arith.constant 17 : i32
        %mul3A_690 = arith.muli %scan3A_254, %mul3A_689 : i32
        %add3A_691 = vector.broadcast %mul3A_690 : i32 to vector<16xi32>
        %add3A_692 = arith.addi %iota3A, %add3A_691 : vector<16xi32>
        tpu.vector_store_idx %arg18[%add3A_692], %add3A_688 : memref<272xf32, #tpu.memory_space<vmem>>[vector<16xi32>], vector<16xf32>,
      }
      %scan3A_141 = arith.constant 16 : i32
      %broadcast_in_dim3A = arith.constant 0.000000e+00 : f32
      %broadcast_in_dim3A_142 = vector.broadcast %broadcast_in_dim3A : f32 to vector<16xf32>
      %add3A_143 = arith.constant 0 : i32
      %add3A_144 = vector.broadcast %add3A_143 : i32 to vector<16xi32>
      %add3A_145 = arith.addi %mul3A_5, %add3A_144 : vector<16xi32>
      %gather3A = tpu.vector_load_idx %arg18[%add3A_145] : memref<272xf32, #tpu.memory_space<vmem>>[vector<16xi32>], vector<16xf32>,
      %add3A_146 = arith.addf %broadcast_in_dim3A_142, %gather3A : vector<16xf32>
      %add3A_147 = arith.constant 1 : i32
      %add3A_148 = vector.broadcast %add3A_147 : i32 to vector<16xi32>
      %add3A_149 = arith.addi %mul3A_5, %add3A_148 : vector<16xi32>
      %gather3A_150 = tpu.vector_load_idx %arg18[%add3A_149] : memref<272xf32, #tpu.memory_space<vmem>>[vector<16xi32>], vector<16xf32>,
      %add3A_151 = arith.addf %add3A_146, %gather3A_150 : vector<16xf32>
      %add3A_152 = arith.constant 2 : i32
      %add3A_153 = vector.broadcast %add3A_152 : i32 to vector<16xi32>
      %add3A_154 = arith.addi %mul3A_5, %add3A_153 : vector<16xi32>
      %gather3A_155 = tpu.vector_load_idx %arg18[%add3A_154] : memref<272xf32, #tpu.memory_space<vmem>>[vector<16xi32>], vector<16xf32>,
      %add3A_156 = arith.addf %add3A_151, %gather3A_155 : vector<16xf32>
      %add3A_157 = arith.constant 3 : i32
      %add3A_158 = vector.broadcast %add3A_157 : i32 to vector<16xi32>
      %add3A_159 = arith.addi %mul3A_5, %add3A_158 : vector<16xi32>
      %gather3A_160 = tpu.vector_load_idx %arg18[%add3A_159] : memref<272xf32, #tpu.memory_space<vmem>>[vector<16xi32>], vector<16xf32>,
      %add3A_161 = arith.addf %add3A_156, %gather3A_160 : vector<16xf32>
      %add3A_162 = arith.constant 4 : i32
      %add3A_163 = vector.broadcast %add3A_162 : i32 to vector<16xi32>
      %add3A_164 = arith.addi %mul3A_5, %add3A_163 : vector<16xi32>
      %gather3A_165 = tpu.vector_load_idx %arg18[%add3A_164] : memref<272xf32, #tpu.memory_space<vmem>>[vector<16xi32>], vector<16xf32>,
      %add3A_166 = arith.addf %add3A_161, %gather3A_165 : vector<16xf32>
      %add3A_167 = arith.constant 5 : i32
      %add3A_168 = vector.broadcast %add3A_167 : i32 to vector<16xi32>
      %add3A_169 = arith.addi %mul3A_5, %add3A_168 : vector<16xi32>
      %gather3A_170 = tpu.vector_load_idx %arg18[%add3A_169] : memref<272xf32, #tpu.memory_space<vmem>>[vector<16xi32>], vector<16xf32>,
      %add3A_171 = arith.addf %add3A_166, %gather3A_170 : vector<16xf32>
      %add3A_172 = arith.constant 6 : i32
      %add3A_173 = vector.broadcast %add3A_172 : i32 to vector<16xi32>
      %add3A_174 = arith.addi %mul3A_5, %add3A_173 : vector<16xi32>
      %gather3A_175 = tpu.vector_load_idx %arg18[%add3A_174] : memref<272xf32, #tpu.memory_space<vmem>>[vector<16xi32>], vector<16xf32>,
      %add3A_176 = arith.addf %add3A_171, %gather3A_175 : vector<16xf32>
      %add3A_177 = arith.constant 7 : i32
      %add3A_178 = vector.broadcast %add3A_177 : i32 to vector<16xi32>
      %add3A_179 = arith.addi %mul3A_5, %add3A_178 : vector<16xi32>
      %gather3A_180 = tpu.vector_load_idx %arg18[%add3A_179] : memref<272xf32, #tpu.memory_space<vmem>>[vector<16xi32>], vector<16xf32>,
      %add3A_181 = arith.addf %add3A_176, %gather3A_180 : vector<16xf32>
      %add3A_182 = arith.constant 8 : i32
      %add3A_183 = vector.broadcast %add3A_182 : i32 to vector<16xi32>
      %add3A_184 = arith.addi %mul3A_5, %add3A_183 : vector<16xi32>
      %gather3A_185 = tpu.vector_load_idx %arg18[%add3A_184] : memref<272xf32, #tpu.memory_space<vmem>>[vector<16xi32>], vector<16xf32>,
      %add3A_186 = arith.addf %add3A_181, %gather3A_185 : vector<16xf32>
      %add3A_187 = arith.constant 9 : i32
      %add3A_188 = vector.broadcast %add3A_187 : i32 to vector<16xi32>
      %add3A_189 = arith.addi %mul3A_5, %add3A_188 : vector<16xi32>
      %gather3A_190 = tpu.vector_load_idx %arg18[%add3A_189] : memref<272xf32, #tpu.memory_space<vmem>>[vector<16xi32>], vector<16xf32>,
      %add3A_191 = arith.addf %add3A_186, %gather3A_190 : vector<16xf32>
      %add3A_192 = arith.constant 10 : i32
      %add3A_193 = vector.broadcast %add3A_192 : i32 to vector<16xi32>
      %add3A_194 = arith.addi %mul3A_5, %add3A_193 : vector<16xi32>
      %gather3A_195 = tpu.vector_load_idx %arg18[%add3A_194] : memref<272xf32, #tpu.memory_space<vmem>>[vector<16xi32>], vector<16xf32>,
      %add3A_196 = arith.addf %add3A_191, %gather3A_195 : vector<16xf32>
      %add3A_197 = arith.constant 11 : i32
      %add3A_198 = vector.broadcast %add3A_197 : i32 to vector<16xi32>
      %add3A_199 = arith.addi %mul3A_5, %add3A_198 : vector<16xi32>
      %gather3A_200 = tpu.vector_load_idx %arg18[%add3A_199] : memref<272xf32, #tpu.memory_space<vmem>>[vector<16xi32>], vector<16xf32>,
      %add3A_201 = arith.addf %add3A_196, %gather3A_200 : vector<16xf32>
      %add3A_202 = arith.constant 12 : i32
      %add3A_203 = vector.broadcast %add3A_202 : i32 to vector<16xi32>
      %add3A_204 = arith.addi %mul3A_5, %add3A_203 : vector<16xi32>
      %gather3A_205 = tpu.vector_load_idx %arg18[%add3A_204] : memref<272xf32, #tpu.memory_space<vmem>>[vector<16xi32>], vector<16xf32>,
      %add3A_206 = arith.addf %add3A_201, %gather3A_205 : vector<16xf32>
      %add3A_207 = arith.constant 13 : i32
      %add3A_208 = vector.broadcast %add3A_207 : i32 to vector<16xi32>
      %add3A_209 = arith.addi %mul3A_5, %add3A_208 : vector<16xi32>
      %gather3A_210 = tpu.vector_load_idx %arg18[%add3A_209] : memref<272xf32, #tpu.memory_space<vmem>>[vector<16xi32>], vector<16xf32>,
      %add3A_211 = arith.addf %add3A_206, %gather3A_210 : vector<16xf32>
      %add3A_212 = arith.constant 14 : i32
      %add3A_213 = vector.broadcast %add3A_212 : i32 to vector<16xi32>
      %add3A_214 = arith.addi %mul3A_5, %add3A_213 : vector<16xi32>
      %gather3A_215 = tpu.vector_load_idx %arg18[%add3A_214] : memref<272xf32, #tpu.memory_space<vmem>>[vector<16xi32>], vector<16xf32>,
      %add3A_216 = arith.addf %add3A_211, %gather3A_215 : vector<16xf32>
      %add3A_217 = arith.constant 15 : i32
      %add3A_218 = vector.broadcast %add3A_217 : i32 to vector<16xi32>
      %add3A_219 = arith.addi %mul3A_5, %add3A_218 : vector<16xi32>
      %gather3A_220 = tpu.vector_load_idx %arg18[%add3A_219] : memref<272xf32, #tpu.memory_space<vmem>>[vector<16xi32>], vector<16xf32>,
      %add3A_221 = arith.addf %add3A_216, %gather3A_220 : vector<16xf32>
      %sub3A = arith.constant 1.200000e+01 : f32
      %sub3A_222 = vector.broadcast %sub3A : f32 to vector<16xf32>
      %sub3A_223 = arith.subf %sub3A_222, %add3A_221 : vector<16xf32>
      %abs3A = math.absf %sub3A_223 : vector<16xf32>
      %neg3A = arith.constant 0.000000e+00 : f32
      %neg3A_224 = vector.broadcast %neg3A : f32 to vector<16xf32>
      %neg3A_225 = arith.subf %neg3A_224, %abs3A : vector<16xf32>
      %exp3A = math.exp %neg3A_225 : vector<16xf32>
      %add3A_226 = arith.constant 2.000000e+00 : f32
      %add3A_227 = vector.broadcast %add3A_226 : f32 to vector<16xf32>
      %add3A_228 = arith.addf %exp3A, %add3A_227 : vector<16xf32>
      %div3A = arith.divf %exp3A, %add3A_228 : vector<16xf32>
      %mul3A_229 = arith.mulf %div3A, %div3A : vector<16xf32>
      %mul3A_230 = arith.constant 2.000000e+00 : f32
      %mul3A_231 = vector.broadcast %mul3A_230 : f32 to vector<16xf32>
      %mul3A_232 = arith.mulf %mul3A_231, %div3A : vector<16xf32>
      %mul3A_233 = arith.constant 0.142857149 : f32
      %mul3A_234 = vector.broadcast %mul3A_233 : f32 to vector<16xf32>
      %mul3A_235 = arith.mulf %mul3A_229, %mul3A_234 : vector<16xf32>
      %add3A_236 = arith.constant 2.000000e-01 : f32
      %add3A_237 = vector.broadcast %add3A_236 : f32 to vector<16xf32>
      %add3A_238 = arith.addf %add3A_237, %mul3A_235 : vector<16xf32>
      %mul3A_239 = arith.mulf %mul3A_229, %add3A_238 : vector<16xf32>
      %add3A_240 = arith.constant 0.333333343 : f32
      %add3A_241 = vector.broadcast %add3A_240 : f32 to vector<16xf32>
      %add3A_242 = arith.addf %add3A_241, %mul3A_239 : vector<16xf32>
      %mul3A_243 = arith.mulf %mul3A_229, %add3A_242 : vector<16xf32>
      %add3A_244 = arith.constant 1.000000e+00 : f32
      %add3A_245 = vector.broadcast %add3A_244 : f32 to vector<16xf32>
      %add3A_246 = arith.addf %add3A_245, %mul3A_243 : vector<16xf32>
      %mul3A_247 = arith.mulf %mul3A_232, %add3A_246 : vector<16xf32>
      %min3A = arith.constant 0.000000e+00 : f32
      %min3A_248 = vector.broadcast %min3A : f32 to vector<16xf32>
      %min3A_249 = arith.minimumf %sub3A_223, %min3A_248 : vector<16xf32>
      %sub3A_250 = arith.subf %min3A_249, %mul3A_247 : vector<16xf32>
      %mul3A_251 = arith.constant 16 : i32
      %mul3A_252 = arith.muli %scan3A_135, %mul3A_251 : i32
      %swap3A = arith.index_cast %mul3A_252 : i32 to index
      %swap3A_253 = tpu.vector_load %arg16[%swap3A] {strides = array<i32>} : memref<64xf32, #tpu.memory_space<vmem>>, vector<16xf32>,
      tpu.vector_store %arg16[%swap3A], %sub3A_250 {strides = array<i32>} : memref<64xf32, #tpu.memory_space<vmem>>, vector<16xf32>,
    }
    %scan3A_96 = arith.constant 4 : i32
    %dma_start3A_97 = tpu.memref_slice %arg6[%add3A_86] : memref<16384xf32, #tpu.memory_space<hbm>> -> memref<64xf32, #tpu.memory_space<hbm>>
    %dma_start3A_98 = tpu.memref_slice %arg6[%add3A_86] : memref<16384xf32, #tpu.memory_space<hbm>> -> memref<64xf32, #tpu.memory_space<hbm>>
    tpu.enqueue_dma source(%arg16 : memref<64xf32, #tpu.memory_space<vmem>>) target(%dma_start3A_98 : memref<64xf32, #tpu.memory_space<hbm>>) target_semaphore(%arg28 : memref<!tpu.dma_semaphore, #tpu.memory_space<semaphore_mem>>)
    %dma_wait3A_99 = arith.constant 0 : i32
    %dma_wait3A_100 = arith.constant 0 : i32
    %dma_wait3A_101 = tpu.memref_slice %arg4[%dma_wait3A_99, %dma_wait3A_100] : memref<100000x256xf32, #tpu.memory_space<hbm>> -> memref<64x256xf32, #tpu.memory_space<hbm>>
    %dma_wait3A_102 = arith.constant 0 : i32
    %dma_wait3A_103 = arith.constant 0 : i32
    %dma_wait3A_104 = tpu.memref_slice %arg4[%dma_wait3A_102, %dma_wait3A_103] : memref<100000x256xf32, #tpu.memory_space<hbm>> -> memref<64x256xf32, #tpu.memory_space<hbm>>
    tpu.wait_dma2 semaphore(%arg25 : memref<!tpu.dma_semaphore, #tpu.memory_space<semaphore_mem>>) src(%dma_wait3A_104 : memref<64x256xf32, #tpu.memory_space<hbm>>) dst(%arg13 : memref<64x256xf32, #tpu.memory_space<vmem>>)
    %dma_wait3A_105 = arith.constant 0 : i32
    %dma_wait3A_106 = arith.constant 0 : i32
    %dma_wait3A_107 = tpu.memref_slice %arg4[%dma_wait3A_105, %dma_wait3A_106] : memref<100000x256xf32, #tpu.memory_space<hbm>> -> memref<64x256xf32, #tpu.memory_space<hbm>>
    %dma_wait3A_108 = arith.constant 0 : i32
    %dma_wait3A_109 = arith.constant 0 : i32
    %dma_wait3A_110 = tpu.memref_slice %arg4[%dma_wait3A_108, %dma_wait3A_109] : memref<100000x256xf32, #tpu.memory_space<hbm>> -> memref<64x256xf32, #tpu.memory_space<hbm>>
    tpu.wait_dma2 semaphore(%arg26 : memref<!tpu.dma_semaphore, #tpu.memory_space<semaphore_mem>>) src(%dma_wait3A_110 : memref<64x256xf32, #tpu.memory_space<hbm>>) dst(%arg14 : memref<64x256xf32, #tpu.memory_space<vmem>>)
    %dma_wait3A_111 = arith.constant 0 : i32
    %dma_wait3A_112 = arith.constant 0 : i32
    %dma_wait3A_113 = tpu.memref_slice %arg5[%dma_wait3A_111, %dma_wait3A_112] : memref<1000x256xf32, #tpu.memory_space<hbm>> -> memref<64x256xf32, #tpu.memory_space<hbm>>
    %dma_wait3A_114 = arith.constant 0 : i32
    %dma_wait3A_115 = arith.constant 0 : i32
    %dma_wait3A_116 = tpu.memref_slice %arg5[%dma_wait3A_114, %dma_wait3A_115] : memref<1000x256xf32, #tpu.memory_space<hbm>> -> memref<64x256xf32, #tpu.memory_space<hbm>>
    tpu.wait_dma2 semaphore(%arg27 : memref<!tpu.dma_semaphore, #tpu.memory_space<semaphore_mem>>) src(%dma_wait3A_116 : memref<64x256xf32, #tpu.memory_space<hbm>>) dst(%arg15 : memref<64x256xf32, #tpu.memory_space<vmem>>)
    %add3A_117 = arith.constant 448 : i32
    %add3A_118 = arith.addi %mul3A_2, %add3A_117 : i32
    %dma_wait3A_119 = arith.constant 0 : i32
    %dma_wait3A_120 = tpu.memref_slice %arg6[%dma_wait3A_119] : memref<16384xf32, #tpu.memory_space<hbm>> -> memref<64xf32, #tpu.memory_space<hbm>>
    %dma_wait3A_121 = arith.constant 0 : i32
    %dma_wait3A_122 = tpu.memref_slice %arg6[%dma_wait3A_121] : memref<16384xf32, #tpu.memory_space<hbm>> -> memref<64xf32, #tpu.memory_space<hbm>>
    tpu.wait_dma2 semaphore(%arg29 : memref<!tpu.dma_semaphore, #tpu.memory_space<semaphore_mem>>) src(%dma_wait3A_122 : memref<64xf32, #tpu.memory_space<hbm>>) dst(%arg17 : memref<64xf32, #tpu.memory_space<vmem>>)
    %scan3A_123 = arith.constant 0 : i32
    %scan3A_124 = arith.constant 0 : i32
    %scan3A_125 = arith.constant 4 : i32
    %scan3A_126 = arith.addi %scan3A_124, %scan3A_125 : i32
    %scan3A_127 = arith.constant 1 : i32
    scf.for %scan3A_135 = %scan3A_124 to %scan3A_126 step %scan3A_127  : i32 {
      %scan3A_136 = arith.constant 0 : i32
      %scan3A_137 = arith.constant 0 : i32
      %scan3A_138 = arith.constant 16 : i32
      %scan3A_139 = arith.addi %scan3A_137, %scan3A_138 : i32
      %scan3A_140 = arith.constant 1 : i32
      scf.for %scan3A_254 = %scan3A_137 to %scan3A_139 step %scan3A_140  : i32 {
        %mul3A_255 = arith.constant 16 : i32
        %mul3A_256 = arith.muli %scan3A_135, %mul3A_255 : i32
        %add3A_257 = arith.addi %mul3A_256, %scan3A_254 : i32
        %broadcast_in_dim3A_258 = arith.constant 0.000000e+00 : f32
        %broadcast_in_dim3A_259 = vector.broadcast %broadcast_in_dim3A_258 : f32 to vector<16xf32>
        %get3A = arith.index_cast %add3A_257 : i32 to index
        %get3A_260 = arith.constant 0 : index
        %get3A_261 = tpu.vector_load %arg15[%get3A, %get3A_260] {strides = array<i32>} : memref<64x256xf32, #tpu.memory_space<vmem>>, vector<16xf32>,
        %get3A_262 = arith.index_cast %add3A_257 : i32 to index
        %get3A_263 = arith.constant 128 : index
        %get3A_264 = tpu.vector_load %arg15[%get3A_262, %get3A_263] {strides = array<i32>} : memref<64x256xf32, #tpu.memory_space<vmem>>, vector<16xf32>,
        %get3A_265 = arith.index_cast %add3A_257 : i32 to index
        %get3A_266 = arith.constant 0 : index
        %get3A_267 = tpu.vector_load %arg13[%get3A_265, %get3A_266] {strides = array<i32>} : memref<64x256xf32, #tpu.memory_space<vmem>>, vector<16xf32>,
        %get3A_268 = arith.index_cast %add3A_257 : i32 to index
        %get3A_269 = arith.constant 128 : index
        %get3A_270 = tpu.vector_load %arg13[%get3A_268, %get3A_269] {strides = array<i32>} : memref<64x256xf32, #tpu.memory_space<vmem>>, vector<16xf32>,
        %mul3A_271 = arith.mulf %get3A_267, %get3A_261 : vector<16xf32>
        %mul3A_272 = arith.mulf %get3A_270, %get3A_264 : vector<16xf32>
        %sub3A_273 = arith.subf %mul3A_271, %mul3A_272 : vector<16xf32>
        %get3A_274 = arith.index_cast %add3A_257 : i32 to index
        %get3A_275 = arith.constant 0 : index
        %get3A_276 = tpu.vector_load %arg14[%get3A_274, %get3A_275] {strides = array<i32>} : memref<64x256xf32, #tpu.memory_space<vmem>>, vector<16xf32>,
        %sub3A_277 = arith.subf %sub3A_273, %get3A_276 : vector<16xf32>
        %mul3A_278 = arith.mulf %get3A_267, %get3A_264 : vector<16xf32>
        %mul3A_279 = arith.mulf %get3A_270, %get3A_261 : vector<16xf32>
        %add3A_280 = arith.addf %mul3A_278, %mul3A_279 : vector<16xf32>
        %get3A_281 = arith.index_cast %add3A_257 : i32 to index
        %get3A_282 = arith.constant 128 : index
        %get3A_283 = tpu.vector_load %arg14[%get3A_281, %get3A_282] {strides = array<i32>} : memref<64x256xf32, #tpu.memory_space<vmem>>, vector<16xf32>,
        %sub3A_284 = arith.subf %add3A_280, %get3A_283 : vector<16xf32>
        %mul3A_285 = arith.mulf %sub3A_277, %sub3A_277 : vector<16xf32>
        %mul3A_286 = arith.mulf %sub3A_284, %sub3A_284 : vector<16xf32>
        %add3A_287 = arith.addf %mul3A_285, %mul3A_286 : vector<16xf32>
        %bitcast_convert_type3A = tpu.bitcast %add3A_287 : vector<16xf32> -> vector<16xi32>
        %shift_right_arithmetic3A = arith.constant 1 : i32
        %shift_right_arithmetic3A_288 = vector.broadcast %shift_right_arithmetic3A : i32 to vector<16xi32>
        %shift_right_arithmetic3A_289 = arith.shrsi %bitcast_convert_type3A, %shift_right_arithmetic3A_288 : vector<16xi32>
        %sub3A_290 = arith.constant 1597463007 : i32
        %sub3A_291 = vector.broadcast %sub3A_290 : i32 to vector<16xi32>
        %sub3A_292 = arith.subi %sub3A_291, %shift_right_arithmetic3A_289 : vector<16xi32>
        %bitcast_convert_type3A_293 = tpu.bitcast %sub3A_292 : vector<16xi32> -> vector<16xf32>
        %mul3A_294 = arith.constant 5.000000e-01 : f32
        %mul3A_295 = vector.broadcast %mul3A_294 : f32 to vector<16xf32>
        %mul3A_296 = arith.mulf %mul3A_295, %add3A_287 : vector<16xf32>
        %mul3A_297 = arith.mulf %mul3A_296, %bitcast_convert_type3A_293 : vector<16xf32>
        %mul3A_298 = arith.mulf %mul3A_297, %bitcast_convert_type3A_293 : vector<16xf32>
        %sub3A_299 = arith.constant 1.500000e+00 : f32
        %sub3A_300 = vector.broadcast %sub3A_299 : f32 to vector<16xf32>
        %sub3A_301 = arith.subf %sub3A_300, %mul3A_298 : vector<16xf32>
        %mul3A_302 = arith.mulf %bitcast_convert_type3A_293, %sub3A_301 : vector<16xf32>
        %mul3A_303 = arith.mulf %mul3A_296, %mul3A_302 : vector<16xf32>
        %mul3A_304 = arith.mulf %mul3A_303, %mul3A_302 : vector<16xf32>
        %sub3A_305 = arith.constant 1.500000e+00 : f32
        %sub3A_306 = vector.broadcast %sub3A_305 : f32 to vector<16xf32>
        %sub3A_307 = arith.subf %sub3A_306, %mul3A_304 : vector<16xf32>
        %mul3A_308 = arith.mulf %mul3A_302, %sub3A_307 : vector<16xf32>
        %mul3A_309 = arith.mulf %add3A_287, %mul3A_308 : vector<16xf32>
        %add3A_310 = arith.addf %broadcast_in_dim3A_259, %mul3A_309 : vector<16xf32>
        %get3A_311 = arith.index_cast %add3A_257 : i32 to index
        %get3A_312 = arith.constant 16 : index
        %get3A_313 = tpu.vector_load %arg15[%get3A_311, %get3A_312] {strides = array<i32>} : memref<64x256xf32, #tpu.memory_space<vmem>>, vector<16xf32>,
        %get3A_314 = arith.index_cast %add3A_257 : i32 to index
        %get3A_315 = arith.constant 144 : index
        %get3A_316 = tpu.vector_load %arg15[%get3A_314, %get3A_315] {strides = array<i32>} : memref<64x256xf32, #tpu.memory_space<vmem>>, vector<16xf32>,
        %get3A_317 = arith.index_cast %add3A_257 : i32 to index
        %get3A_318 = arith.constant 16 : index
        %get3A_319 = tpu.vector_load %arg13[%get3A_317, %get3A_318] {strides = array<i32>} : memref<64x256xf32, #tpu.memory_space<vmem>>, vector<16xf32>,
        %get3A_320 = arith.index_cast %add3A_257 : i32 to index
        %get3A_321 = arith.constant 144 : index
        %get3A_322 = tpu.vector_load %arg13[%get3A_320, %get3A_321] {strides = array<i32>} : memref<64x256xf32, #tpu.memory_space<vmem>>, vector<16xf32>,
        %mul3A_323 = arith.mulf %get3A_319, %get3A_313 : vector<16xf32>
        %mul3A_324 = arith.mulf %get3A_322, %get3A_316 : vector<16xf32>
        %sub3A_325 = arith.subf %mul3A_323, %mul3A_324 : vector<16xf32>
        %get3A_326 = arith.index_cast %add3A_257 : i32 to index
        %get3A_327 = arith.constant 16 : index
        %get3A_328 = tpu.vector_load %arg14[%get3A_326, %get3A_327] {strides = array<i32>} : memref<64x256xf32, #tpu.memory_space<vmem>>, vector<16xf32>,
        %sub3A_329 = arith.subf %sub3A_325, %get3A_328 : vector<16xf32>
        %mul3A_330 = arith.mulf %get3A_319, %get3A_316 : vector<16xf32>
        %mul3A_331 = arith.mulf %get3A_322, %get3A_313 : vector<16xf32>
        %add3A_332 = arith.addf %mul3A_330, %mul3A_331 : vector<16xf32>
        %get3A_333 = arith.index_cast %add3A_257 : i32 to index
        %get3A_334 = arith.constant 144 : index
        %get3A_335 = tpu.vector_load %arg14[%get3A_333, %get3A_334] {strides = array<i32>} : memref<64x256xf32, #tpu.memory_space<vmem>>, vector<16xf32>,
        %sub3A_336 = arith.subf %add3A_332, %get3A_335 : vector<16xf32>
        %mul3A_337 = arith.mulf %sub3A_329, %sub3A_329 : vector<16xf32>
        %mul3A_338 = arith.mulf %sub3A_336, %sub3A_336 : vector<16xf32>
        %add3A_339 = arith.addf %mul3A_337, %mul3A_338 : vector<16xf32>
        %bitcast_convert_type3A_340 = tpu.bitcast %add3A_339 : vector<16xf32> -> vector<16xi32>
        %shift_right_arithmetic3A_341 = arith.constant 1 : i32
        %shift_right_arithmetic3A_342 = vector.broadcast %shift_right_arithmetic3A_341 : i32 to vector<16xi32>
        %shift_right_arithmetic3A_343 = arith.shrsi %bitcast_convert_type3A_340, %shift_right_arithmetic3A_342 : vector<16xi32>
        %sub3A_344 = arith.constant 1597463007 : i32
        %sub3A_345 = vector.broadcast %sub3A_344 : i32 to vector<16xi32>
        %sub3A_346 = arith.subi %sub3A_345, %shift_right_arithmetic3A_343 : vector<16xi32>
        %bitcast_convert_type3A_347 = tpu.bitcast %sub3A_346 : vector<16xi32> -> vector<16xf32>
        %mul3A_348 = arith.constant 5.000000e-01 : f32
        %mul3A_349 = vector.broadcast %mul3A_348 : f32 to vector<16xf32>
        %mul3A_350 = arith.mulf %mul3A_349, %add3A_339 : vector<16xf32>
        %mul3A_351 = arith.mulf %mul3A_350, %bitcast_convert_type3A_347 : vector<16xf32>
        %mul3A_352 = arith.mulf %mul3A_351, %bitcast_convert_type3A_347 : vector<16xf32>
        %sub3A_353 = arith.constant 1.500000e+00 : f32
        %sub3A_354 = vector.broadcast %sub3A_353 : f32 to vector<16xf32>
        %sub3A_355 = arith.subf %sub3A_354, %mul3A_352 : vector<16xf32>
        %mul3A_356 = arith.mulf %bitcast_convert_type3A_347, %sub3A_355 : vector<16xf32>
        %mul3A_357 = arith.mulf %mul3A_350, %mul3A_356 : vector<16xf32>
        %mul3A_358 = arith.mulf %mul3A_357, %mul3A_356 : vector<16xf32>
        %sub3A_359 = arith.constant 1.500000e+00 : f32
        %sub3A_360 = vector.broadcast %sub3A_359 : f32 to vector<16xf32>
        %sub3A_361 = arith.subf %sub3A_360, %mul3A_358 : vector<16xf32>
        %mul3A_362 = arith.mulf %mul3A_356, %sub3A_361 : vector<16xf32>
        %mul3A_363 = arith.mulf %add3A_339, %mul3A_362 : vector<16xf32>
        %add3A_364 = arith.addf %add3A_310, %mul3A_363 : vector<16xf32>
        %get3A_365 = arith.index_cast %add3A_257 : i32 to index
        %get3A_366 = arith.constant 32 : index
        %get3A_367 = tpu.vector_load %arg15[%get3A_365, %get3A_366] {strides = array<i32>} : memref<64x256xf32, #tpu.memory_space<vmem>>, vector<16xf32>,
        %get3A_368 = arith.index_cast %add3A_257 : i32 to index
        %get3A_369 = arith.constant 160 : index
        %get3A_370 = tpu.vector_load %arg15[%get3A_368, %get3A_369] {strides = array<i32>} : memref<64x256xf32, #tpu.memory_space<vmem>>, vector<16xf32>,
        %get3A_371 = arith.index_cast %add3A_257 : i32 to index
        %get3A_372 = arith.constant 32 : index
        %get3A_373 = tpu.vector_load %arg13[%get3A_371, %get3A_372] {strides = array<i32>} : memref<64x256xf32, #tpu.memory_space<vmem>>, vector<16xf32>,
        %get3A_374 = arith.index_cast %add3A_257 : i32 to index
        %get3A_375 = arith.constant 160 : index
        %get3A_376 = tpu.vector_load %arg13[%get3A_374, %get3A_375] {strides = array<i32>} : memref<64x256xf32, #tpu.memory_space<vmem>>, vector<16xf32>,
        %mul3A_377 = arith.mulf %get3A_373, %get3A_367 : vector<16xf32>
        %mul3A_378 = arith.mulf %get3A_376, %get3A_370 : vector<16xf32>
        %sub3A_379 = arith.subf %mul3A_377, %mul3A_378 : vector<16xf32>
        %get3A_380 = arith.index_cast %add3A_257 : i32 to index
        %get3A_381 = arith.constant 32 : index
        %get3A_382 = tpu.vector_load %arg14[%get3A_380, %get3A_381] {strides = array<i32>} : memref<64x256xf32, #tpu.memory_space<vmem>>, vector<16xf32>,
        %sub3A_383 = arith.subf %sub3A_379, %get3A_382 : vector<16xf32>
        %mul3A_384 = arith.mulf %get3A_373, %get3A_370 : vector<16xf32>
        %mul3A_385 = arith.mulf %get3A_376, %get3A_367 : vector<16xf32>
        %add3A_386 = arith.addf %mul3A_384, %mul3A_385 : vector<16xf32>
        %get3A_387 = arith.index_cast %add3A_257 : i32 to index
        %get3A_388 = arith.constant 160 : index
        %get3A_389 = tpu.vector_load %arg14[%get3A_387, %get3A_388] {strides = array<i32>} : memref<64x256xf32, #tpu.memory_space<vmem>>, vector<16xf32>,
        %sub3A_390 = arith.subf %add3A_386, %get3A_389 : vector<16xf32>
        %mul3A_391 = arith.mulf %sub3A_383, %sub3A_383 : vector<16xf32>
        %mul3A_392 = arith.mulf %sub3A_390, %sub3A_390 : vector<16xf32>
        %add3A_393 = arith.addf %mul3A_391, %mul3A_392 : vector<16xf32>
        %bitcast_convert_type3A_394 = tpu.bitcast %add3A_393 : vector<16xf32> -> vector<16xi32>
        %shift_right_arithmetic3A_395 = arith.constant 1 : i32
        %shift_right_arithmetic3A_396 = vector.broadcast %shift_right_arithmetic3A_395 : i32 to vector<16xi32>
        %shift_right_arithmetic3A_397 = arith.shrsi %bitcast_convert_type3A_394, %shift_right_arithmetic3A_396 : vector<16xi32>
        %sub3A_398 = arith.constant 1597463007 : i32
        %sub3A_399 = vector.broadcast %sub3A_398 : i32 to vector<16xi32>
        %sub3A_400 = arith.subi %sub3A_399, %shift_right_arithmetic3A_397 : vector<16xi32>
        %bitcast_convert_type3A_401 = tpu.bitcast %sub3A_400 : vector<16xi32> -> vector<16xf32>
        %mul3A_402 = arith.constant 5.000000e-01 : f32
        %mul3A_403 = vector.broadcast %mul3A_402 : f32 to vector<16xf32>
        %mul3A_404 = arith.mulf %mul3A_403, %add3A_393 : vector<16xf32>
        %mul3A_405 = arith.mulf %mul3A_404, %bitcast_convert_type3A_401 : vector<16xf32>
        %mul3A_406 = arith.mulf %mul3A_405, %bitcast_convert_type3A_401 : vector<16xf32>
        %sub3A_407 = arith.constant 1.500000e+00 : f32
        %sub3A_408 = vector.broadcast %sub3A_407 : f32 to vector<16xf32>
        %sub3A_409 = arith.subf %sub3A_408, %mul3A_406 : vector<16xf32>
        %mul3A_410 = arith.mulf %bitcast_convert_type3A_401, %sub3A_409 : vector<16xf32>
        %mul3A_411 = arith.mulf %mul3A_404, %mul3A_410 : vector<16xf32>
        %mul3A_412 = arith.mulf %mul3A_411, %mul3A_410 : vector<16xf32>
        %sub3A_413 = arith.constant 1.500000e+00 : f32
        %sub3A_414 = vector.broadcast %sub3A_413 : f32 to vector<16xf32>
        %sub3A_415 = arith.subf %sub3A_414, %mul3A_412 : vector<16xf32>
        %mul3A_416 = arith.mulf %mul3A_410, %sub3A_415 : vector<16xf32>
        %mul3A_417 = arith.mulf %add3A_393, %mul3A_416 : vector<16xf32>
        %add3A_418 = arith.addf %add3A_364, %mul3A_417 : vector<16xf32>
        %get3A_419 = arith.index_cast %add3A_257 : i32 to index
        %get3A_420 = arith.constant 48 : index
        %get3A_421 = tpu.vector_load %arg15[%get3A_419, %get3A_420] {strides = array<i32>} : memref<64x256xf32, #tpu.memory_space<vmem>>, vector<16xf32>,
        %get3A_422 = arith.index_cast %add3A_257 : i32 to index
        %get3A_423 = arith.constant 176 : index
        %get3A_424 = tpu.vector_load %arg15[%get3A_422, %get3A_423] {strides = array<i32>} : memref<64x256xf32, #tpu.memory_space<vmem>>, vector<16xf32>,
        %get3A_425 = arith.index_cast %add3A_257 : i32 to index
        %get3A_426 = arith.constant 48 : index
        %get3A_427 = tpu.vector_load %arg13[%get3A_425, %get3A_426] {strides = array<i32>} : memref<64x256xf32, #tpu.memory_space<vmem>>, vector<16xf32>,
        %get3A_428 = arith.index_cast %add3A_257 : i32 to index
        %get3A_429 = arith.constant 176 : index
        %get3A_430 = tpu.vector_load %arg13[%get3A_428, %get3A_429] {strides = array<i32>} : memref<64x256xf32, #tpu.memory_space<vmem>>, vector<16xf32>,
        %mul3A_431 = arith.mulf %get3A_427, %get3A_421 : vector<16xf32>
        %mul3A_432 = arith.mulf %get3A_430, %get3A_424 : vector<16xf32>
        %sub3A_433 = arith.subf %mul3A_431, %mul3A_432 : vector<16xf32>
        %get3A_434 = arith.index_cast %add3A_257 : i32 to index
        %get3A_435 = arith.constant 48 : index
        %get3A_436 = tpu.vector_load %arg14[%get3A_434, %get3A_435] {strides = array<i32>} : memref<64x256xf32, #tpu.memory_space<vmem>>, vector<16xf32>,
        %sub3A_437 = arith.subf %sub3A_433, %get3A_436 : vector<16xf32>
        %mul3A_438 = arith.mulf %get3A_427, %get3A_424 : vector<16xf32>
        %mul3A_439 = arith.mulf %get3A_430, %get3A_421 : vector<16xf32>
        %add3A_440 = arith.addf %mul3A_438, %mul3A_439 : vector<16xf32>
        %get3A_441 = arith.index_cast %add3A_257 : i32 to index
        %get3A_442 = arith.constant 176 : index
        %get3A_443 = tpu.vector_load %arg14[%get3A_441, %get3A_442] {strides = array<i32>} : memref<64x256xf32, #tpu.memory_space<vmem>>, vector<16xf32>,
        %sub3A_444 = arith.subf %add3A_440, %get3A_443 : vector<16xf32>
        %mul3A_445 = arith.mulf %sub3A_437, %sub3A_437 : vector<16xf32>
        %mul3A_446 = arith.mulf %sub3A_444, %sub3A_444 : vector<16xf32>
        %add3A_447 = arith.addf %mul3A_445, %mul3A_446 : vector<16xf32>
        %bitcast_convert_type3A_448 = tpu.bitcast %add3A_447 : vector<16xf32> -> vector<16xi32>
        %shift_right_arithmetic3A_449 = arith.constant 1 : i32
        %shift_right_arithmetic3A_450 = vector.broadcast %shift_right_arithmetic3A_449 : i32 to vector<16xi32>
        %shift_right_arithmetic3A_451 = arith.shrsi %bitcast_convert_type3A_448, %shift_right_arithmetic3A_450 : vector<16xi32>
        %sub3A_452 = arith.constant 1597463007 : i32
        %sub3A_453 = vector.broadcast %sub3A_452 : i32 to vector<16xi32>
        %sub3A_454 = arith.subi %sub3A_453, %shift_right_arithmetic3A_451 : vector<16xi32>
        %bitcast_convert_type3A_455 = tpu.bitcast %sub3A_454 : vector<16xi32> -> vector<16xf32>
        %mul3A_456 = arith.constant 5.000000e-01 : f32
        %mul3A_457 = vector.broadcast %mul3A_456 : f32 to vector<16xf32>
        %mul3A_458 = arith.mulf %mul3A_457, %add3A_447 : vector<16xf32>
        %mul3A_459 = arith.mulf %mul3A_458, %bitcast_convert_type3A_455 : vector<16xf32>
        %mul3A_460 = arith.mulf %mul3A_459, %bitcast_convert_type3A_455 : vector<16xf32>
        %sub3A_461 = arith.constant 1.500000e+00 : f32
        %sub3A_462 = vector.broadcast %sub3A_461 : f32 to vector<16xf32>
        %sub3A_463 = arith.subf %sub3A_462, %mul3A_460 : vector<16xf32>
        %mul3A_464 = arith.mulf %bitcast_convert_type3A_455, %sub3A_463 : vector<16xf32>
        %mul3A_465 = arith.mulf %mul3A_458, %mul3A_464 : vector<16xf32>
        %mul3A_466 = arith.mulf %mul3A_465, %mul3A_464 : vector<16xf32>
        %sub3A_467 = arith.constant 1.500000e+00 : f32
        %sub3A_468 = vector.broadcast %sub3A_467 : f32 to vector<16xf32>
        %sub3A_469 = arith.subf %sub3A_468, %mul3A_466 : vector<16xf32>
        %mul3A_470 = arith.mulf %mul3A_464, %sub3A_469 : vector<16xf32>
        %mul3A_471 = arith.mulf %add3A_447, %mul3A_470 : vector<16xf32>
        %add3A_472 = arith.addf %add3A_418, %mul3A_471 : vector<16xf32>
        %get3A_473 = arith.index_cast %add3A_257 : i32 to index
        %get3A_474 = arith.constant 64 : index
        %get3A_475 = tpu.vector_load %arg15[%get3A_473, %get3A_474] {strides = array<i32>} : memref<64x256xf32, #tpu.memory_space<vmem>>, vector<16xf32>,
        %get3A_476 = arith.index_cast %add3A_257 : i32 to index
        %get3A_477 = arith.constant 192 : index
        %get3A_478 = tpu.vector_load %arg15[%get3A_476, %get3A_477] {strides = array<i32>} : memref<64x256xf32, #tpu.memory_space<vmem>>, vector<16xf32>,
        %get3A_479 = arith.index_cast %add3A_257 : i32 to index
        %get3A_480 = arith.constant 64 : index
        %get3A_481 = tpu.vector_load %arg13[%get3A_479, %get3A_480] {strides = array<i32>} : memref<64x256xf32, #tpu.memory_space<vmem>>, vector<16xf32>,
        %get3A_482 = arith.index_cast %add3A_257 : i32 to index
        %get3A_483 = arith.constant 192 : index
        %get3A_484 = tpu.vector_load %arg13[%get3A_482, %get3A_483] {strides = array<i32>} : memref<64x256xf32, #tpu.memory_space<vmem>>, vector<16xf32>,
        %mul3A_485 = arith.mulf %get3A_481, %get3A_475 : vector<16xf32>
        %mul3A_486 = arith.mulf %get3A_484, %get3A_478 : vector<16xf32>
        %sub3A_487 = arith.subf %mul3A_485, %mul3A_486 : vector<16xf32>
        %get3A_488 = arith.index_cast %add3A_257 : i32 to index
        %get3A_489 = arith.constant 64 : index
        %get3A_490 = tpu.vector_load %arg14[%get3A_488, %get3A_489] {strides = array<i32>} : memref<64x256xf32, #tpu.memory_space<vmem>>, vector<16xf32>,
        %sub3A_491 = arith.subf %sub3A_487, %get3A_490 : vector<16xf32>
        %mul3A_492 = arith.mulf %get3A_481, %get3A_478 : vector<16xf32>
        %mul3A_493 = arith.mulf %get3A_484, %get3A_475 : vector<16xf32>
        %add3A_494 = arith.addf %mul3A_492, %mul3A_493 : vector<16xf32>
        %get3A_495 = arith.index_cast %add3A_257 : i32 to index
        %get3A_496 = arith.constant 192 : index
        %get3A_497 = tpu.vector_load %arg14[%get3A_495, %get3A_496] {strides = array<i32>} : memref<64x256xf32, #tpu.memory_space<vmem>>, vector<16xf32>,
        %sub3A_498 = arith.subf %add3A_494, %get3A_497 : vector<16xf32>
        %mul3A_499 = arith.mulf %sub3A_491, %sub3A_491 : vector<16xf32>
        %mul3A_500 = arith.mulf %sub3A_498, %sub3A_498 : vector<16xf32>
        %add3A_501 = arith.addf %mul3A_499, %mul3A_500 : vector<16xf32>
        %bitcast_convert_type3A_502 = tpu.bitcast %add3A_501 : vector<16xf32> -> vector<16xi32>
        %shift_right_arithmetic3A_503 = arith.constant 1 : i32
        %shift_right_arithmetic3A_504 = vector.broadcast %shift_right_arithmetic3A_503 : i32 to vector<16xi32>
        %shift_right_arithmetic3A_505 = arith.shrsi %bitcast_convert_type3A_502, %shift_right_arithmetic3A_504 : vector<16xi32>
        %sub3A_506 = arith.constant 1597463007 : i32
        %sub3A_507 = vector.broadcast %sub3A_506 : i32 to vector<16xi32>
        %sub3A_508 = arith.subi %sub3A_507, %shift_right_arithmetic3A_505 : vector<16xi32>
        %bitcast_convert_type3A_509 = tpu.bitcast %sub3A_508 : vector<16xi32> -> vector<16xf32>
        %mul3A_510 = arith.constant 5.000000e-01 : f32
        %mul3A_511 = vector.broadcast %mul3A_510 : f32 to vector<16xf32>
        %mul3A_512 = arith.mulf %mul3A_511, %add3A_501 : vector<16xf32>
        %mul3A_513 = arith.mulf %mul3A_512, %bitcast_convert_type3A_509 : vector<16xf32>
        %mul3A_514 = arith.mulf %mul3A_513, %bitcast_convert_type3A_509 : vector<16xf32>
        %sub3A_515 = arith.constant 1.500000e+00 : f32
        %sub3A_516 = vector.broadcast %sub3A_515 : f32 to vector<16xf32>
        %sub3A_517 = arith.subf %sub3A_516, %mul3A_514 : vector<16xf32>
        %mul3A_518 = arith.mulf %bitcast_convert_type3A_509, %sub3A_517 : vector<16xf32>
        %mul3A_519 = arith.mulf %mul3A_512, %mul3A_518 : vector<16xf32>
        %mul3A_520 = arith.mulf %mul3A_519, %mul3A_518 : vector<16xf32>
        %sub3A_521 = arith.constant 1.500000e+00 : f32
        %sub3A_522 = vector.broadcast %sub3A_521 : f32 to vector<16xf32>
        %sub3A_523 = arith.subf %sub3A_522, %mul3A_520 : vector<16xf32>
        %mul3A_524 = arith.mulf %mul3A_518, %sub3A_523 : vector<16xf32>
        %mul3A_525 = arith.mulf %add3A_501, %mul3A_524 : vector<16xf32>
        %add3A_526 = arith.addf %add3A_472, %mul3A_525 : vector<16xf32>
        %get3A_527 = arith.index_cast %add3A_257 : i32 to index
        %get3A_528 = arith.constant 80 : index
        %get3A_529 = tpu.vector_load %arg15[%get3A_527, %get3A_528] {strides = array<i32>} : memref<64x256xf32, #tpu.memory_space<vmem>>, vector<16xf32>,
        %get3A_530 = arith.index_cast %add3A_257 : i32 to index
        %get3A_531 = arith.constant 208 : index
        %get3A_532 = tpu.vector_load %arg15[%get3A_530, %get3A_531] {strides = array<i32>} : memref<64x256xf32, #tpu.memory_space<vmem>>, vector<16xf32>,
        %get3A_533 = arith.index_cast %add3A_257 : i32 to index
        %get3A_534 = arith.constant 80 : index
        %get3A_535 = tpu.vector_load %arg13[%get3A_533, %get3A_534] {strides = array<i32>} : memref<64x256xf32, #tpu.memory_space<vmem>>, vector<16xf32>,
        %get3A_536 = arith.index_cast %add3A_257 : i32 to index
        %get3A_537 = arith.constant 208 : index
        %get3A_538 = tpu.vector_load %arg13[%get3A_536, %get3A_537] {strides = array<i32>} : memref<64x256xf32, #tpu.memory_space<vmem>>, vector<16xf32>,
        %mul3A_539 = arith.mulf %get3A_535, %get3A_529 : vector<16xf32>
        %mul3A_540 = arith.mulf %get3A_538, %get3A_532 : vector<16xf32>
        %sub3A_541 = arith.subf %mul3A_539, %mul3A_540 : vector<16xf32>
        %get3A_542 = arith.index_cast %add3A_257 : i32 to index
        %get3A_543 = arith.constant 80 : index
        %get3A_544 = tpu.vector_load %arg14[%get3A_542, %get3A_543] {strides = array<i32>} : memref<64x256xf32, #tpu.memory_space<vmem>>, vector<16xf32>,
        %sub3A_545 = arith.subf %sub3A_541, %get3A_544 : vector<16xf32>
        %mul3A_546 = arith.mulf %get3A_535, %get3A_532 : vector<16xf32>
        %mul3A_547 = arith.mulf %get3A_538, %get3A_529 : vector<16xf32>
        %add3A_548 = arith.addf %mul3A_546, %mul3A_547 : vector<16xf32>
        %get3A_549 = arith.index_cast %add3A_257 : i32 to index
        %get3A_550 = arith.constant 208 : index
        %get3A_551 = tpu.vector_load %arg14[%get3A_549, %get3A_550] {strides = array<i32>} : memref<64x256xf32, #tpu.memory_space<vmem>>, vector<16xf32>,
        %sub3A_552 = arith.subf %add3A_548, %get3A_551 : vector<16xf32>
        %mul3A_553 = arith.mulf %sub3A_545, %sub3A_545 : vector<16xf32>
        %mul3A_554 = arith.mulf %sub3A_552, %sub3A_552 : vector<16xf32>
        %add3A_555 = arith.addf %mul3A_553, %mul3A_554 : vector<16xf32>
        %bitcast_convert_type3A_556 = tpu.bitcast %add3A_555 : vector<16xf32> -> vector<16xi32>
        %shift_right_arithmetic3A_557 = arith.constant 1 : i32
        %shift_right_arithmetic3A_558 = vector.broadcast %shift_right_arithmetic3A_557 : i32 to vector<16xi32>
        %shift_right_arithmetic3A_559 = arith.shrsi %bitcast_convert_type3A_556, %shift_right_arithmetic3A_558 : vector<16xi32>
        %sub3A_560 = arith.constant 1597463007 : i32
        %sub3A_561 = vector.broadcast %sub3A_560 : i32 to vector<16xi32>
        %sub3A_562 = arith.subi %sub3A_561, %shift_right_arithmetic3A_559 : vector<16xi32>
        %bitcast_convert_type3A_563 = tpu.bitcast %sub3A_562 : vector<16xi32> -> vector<16xf32>
        %mul3A_564 = arith.constant 5.000000e-01 : f32
        %mul3A_565 = vector.broadcast %mul3A_564 : f32 to vector<16xf32>
        %mul3A_566 = arith.mulf %mul3A_565, %add3A_555 : vector<16xf32>
        %mul3A_567 = arith.mulf %mul3A_566, %bitcast_convert_type3A_563 : vector<16xf32>
        %mul3A_568 = arith.mulf %mul3A_567, %bitcast_convert_type3A_563 : vector<16xf32>
        %sub3A_569 = arith.constant 1.500000e+00 : f32
        %sub3A_570 = vector.broadcast %sub3A_569 : f32 to vector<16xf32>
        %sub3A_571 = arith.subf %sub3A_570, %mul3A_568 : vector<16xf32>
        %mul3A_572 = arith.mulf %bitcast_convert_type3A_563, %sub3A_571 : vector<16xf32>
        %mul3A_573 = arith.mulf %mul3A_566, %mul3A_572 : vector<16xf32>
        %mul3A_574 = arith.mulf %mul3A_573, %mul3A_572 : vector<16xf32>
        %sub3A_575 = arith.constant 1.500000e+00 : f32
        %sub3A_576 = vector.broadcast %sub3A_575 : f32 to vector<16xf32>
        %sub3A_577 = arith.subf %sub3A_576, %mul3A_574 : vector<16xf32>
        %mul3A_578 = arith.mulf %mul3A_572, %sub3A_577 : vector<16xf32>
        %mul3A_579 = arith.mulf %add3A_555, %mul3A_578 : vector<16xf32>
        %add3A_580 = arith.addf %add3A_526, %mul3A_579 : vector<16xf32>
        %get3A_581 = arith.index_cast %add3A_257 : i32 to index
        %get3A_582 = arith.constant 96 : index
        %get3A_583 = tpu.vector_load %arg15[%get3A_581, %get3A_582] {strides = array<i32>} : memref<64x256xf32, #tpu.memory_space<vmem>>, vector<16xf32>,
        %get3A_584 = arith.index_cast %add3A_257 : i32 to index
        %get3A_585 = arith.constant 224 : index
        %get3A_586 = tpu.vector_load %arg15[%get3A_584, %get3A_585] {strides = array<i32>} : memref<64x256xf32, #tpu.memory_space<vmem>>, vector<16xf32>,
        %get3A_587 = arith.index_cast %add3A_257 : i32 to index
        %get3A_588 = arith.constant 96 : index
        %get3A_589 = tpu.vector_load %arg13[%get3A_587, %get3A_588] {strides = array<i32>} : memref<64x256xf32, #tpu.memory_space<vmem>>, vector<16xf32>,
        %get3A_590 = arith.index_cast %add3A_257 : i32 to index
        %get3A_591 = arith.constant 224 : index
        %get3A_592 = tpu.vector_load %arg13[%get3A_590, %get3A_591] {strides = array<i32>} : memref<64x256xf32, #tpu.memory_space<vmem>>, vector<16xf32>,
        %mul3A_593 = arith.mulf %get3A_589, %get3A_583 : vector<16xf32>
        %mul3A_594 = arith.mulf %get3A_592, %get3A_586 : vector<16xf32>
        %sub3A_595 = arith.subf %mul3A_593, %mul3A_594 : vector<16xf32>
        %get3A_596 = arith.index_cast %add3A_257 : i32 to index
        %get3A_597 = arith.constant 96 : index
        %get3A_598 = tpu.vector_load %arg14[%get3A_596, %get3A_597] {strides = array<i32>} : memref<64x256xf32, #tpu.memory_space<vmem>>, vector<16xf32>,
        %sub3A_599 = arith.subf %sub3A_595, %get3A_598 : vector<16xf32>
        %mul3A_600 = arith.mulf %get3A_589, %get3A_586 : vector<16xf32>
        %mul3A_601 = arith.mulf %get3A_592, %get3A_583 : vector<16xf32>
        %add3A_602 = arith.addf %mul3A_600, %mul3A_601 : vector<16xf32>
        %get3A_603 = arith.index_cast %add3A_257 : i32 to index
        %get3A_604 = arith.constant 224 : index
        %get3A_605 = tpu.vector_load %arg14[%get3A_603, %get3A_604] {strides = array<i32>} : memref<64x256xf32, #tpu.memory_space<vmem>>, vector<16xf32>,
        %sub3A_606 = arith.subf %add3A_602, %get3A_605 : vector<16xf32>
        %mul3A_607 = arith.mulf %sub3A_599, %sub3A_599 : vector<16xf32>
        %mul3A_608 = arith.mulf %sub3A_606, %sub3A_606 : vector<16xf32>
        %add3A_609 = arith.addf %mul3A_607, %mul3A_608 : vector<16xf32>
        %bitcast_convert_type3A_610 = tpu.bitcast %add3A_609 : vector<16xf32> -> vector<16xi32>
        %shift_right_arithmetic3A_611 = arith.constant 1 : i32
        %shift_right_arithmetic3A_612 = vector.broadcast %shift_right_arithmetic3A_611 : i32 to vector<16xi32>
        %shift_right_arithmetic3A_613 = arith.shrsi %bitcast_convert_type3A_610, %shift_right_arithmetic3A_612 : vector<16xi32>
        %sub3A_614 = arith.constant 1597463007 : i32
        %sub3A_615 = vector.broadcast %sub3A_614 : i32 to vector<16xi32>
        %sub3A_616 = arith.subi %sub3A_615, %shift_right_arithmetic3A_613 : vector<16xi32>
        %bitcast_convert_type3A_617 = tpu.bitcast %sub3A_616 : vector<16xi32> -> vector<16xf32>
        %mul3A_618 = arith.constant 5.000000e-01 : f32
        %mul3A_619 = vector.broadcast %mul3A_618 : f32 to vector<16xf32>
        %mul3A_620 = arith.mulf %mul3A_619, %add3A_609 : vector<16xf32>
        %mul3A_621 = arith.mulf %mul3A_620, %bitcast_convert_type3A_617 : vector<16xf32>
        %mul3A_622 = arith.mulf %mul3A_621, %bitcast_convert_type3A_617 : vector<16xf32>
        %sub3A_623 = arith.constant 1.500000e+00 : f32
        %sub3A_624 = vector.broadcast %sub3A_623 : f32 to vector<16xf32>
        %sub3A_625 = arith.subf %sub3A_624, %mul3A_622 : vector<16xf32>
        %mul3A_626 = arith.mulf %bitcast_convert_type3A_617, %sub3A_625 : vector<16xf32>
        %mul3A_627 = arith.mulf %mul3A_620, %mul3A_626 : vector<16xf32>
        %mul3A_628 = arith.mulf %mul3A_627, %mul3A_626 : vector<16xf32>
        %sub3A_629 = arith.constant 1.500000e+00 : f32
        %sub3A_630 = vector.broadcast %sub3A_629 : f32 to vector<16xf32>
        %sub3A_631 = arith.subf %sub3A_630, %mul3A_628 : vector<16xf32>
        %mul3A_632 = arith.mulf %mul3A_626, %sub3A_631 : vector<16xf32>
        %mul3A_633 = arith.mulf %add3A_609, %mul3A_632 : vector<16xf32>
        %add3A_634 = arith.addf %add3A_580, %mul3A_633 : vector<16xf32>
        %get3A_635 = arith.index_cast %add3A_257 : i32 to index
        %get3A_636 = arith.constant 112 : index
        %get3A_637 = tpu.vector_load %arg15[%get3A_635, %get3A_636] {strides = array<i32>} : memref<64x256xf32, #tpu.memory_space<vmem>>, vector<16xf32>,
        %get3A_638 = arith.index_cast %add3A_257 : i32 to index
        %get3A_639 = arith.constant 240 : index
        %get3A_640 = tpu.vector_load %arg15[%get3A_638, %get3A_639] {strides = array<i32>} : memref<64x256xf32, #tpu.memory_space<vmem>>, vector<16xf32>,
        %get3A_641 = arith.index_cast %add3A_257 : i32 to index
        %get3A_642 = arith.constant 112 : index
        %get3A_643 = tpu.vector_load %arg13[%get3A_641, %get3A_642] {strides = array<i32>} : memref<64x256xf32, #tpu.memory_space<vmem>>, vector<16xf32>,
        %get3A_644 = arith.index_cast %add3A_257 : i32 to index
        %get3A_645 = arith.constant 240 : index
        %get3A_646 = tpu.vector_load %arg13[%get3A_644, %get3A_645] {strides = array<i32>} : memref<64x256xf32, #tpu.memory_space<vmem>>, vector<16xf32>,
        %mul3A_647 = arith.mulf %get3A_643, %get3A_637 : vector<16xf32>
        %mul3A_648 = arith.mulf %get3A_646, %get3A_640 : vector<16xf32>
        %sub3A_649 = arith.subf %mul3A_647, %mul3A_648 : vector<16xf32>
        %get3A_650 = arith.index_cast %add3A_257 : i32 to index
        %get3A_651 = arith.constant 112 : index
        %get3A_652 = tpu.vector_load %arg14[%get3A_650, %get3A_651] {strides = array<i32>} : memref<64x256xf32, #tpu.memory_space<vmem>>, vector<16xf32>,
        %sub3A_653 = arith.subf %sub3A_649, %get3A_652 : vector<16xf32>
        %mul3A_654 = arith.mulf %get3A_643, %get3A_640 : vector<16xf32>
        %mul3A_655 = arith.mulf %get3A_646, %get3A_637 : vector<16xf32>
        %add3A_656 = arith.addf %mul3A_654, %mul3A_655 : vector<16xf32>
        %get3A_657 = arith.index_cast %add3A_257 : i32 to index
        %get3A_658 = arith.constant 240 : index
        %get3A_659 = tpu.vector_load %arg14[%get3A_657, %get3A_658] {strides = array<i32>} : memref<64x256xf32, #tpu.memory_space<vmem>>, vector<16xf32>,
        %sub3A_660 = arith.subf %add3A_656, %get3A_659 : vector<16xf32>
        %mul3A_661 = arith.mulf %sub3A_653, %sub3A_653 : vector<16xf32>
        %mul3A_662 = arith.mulf %sub3A_660, %sub3A_660 : vector<16xf32>
        %add3A_663 = arith.addf %mul3A_661, %mul3A_662 : vector<16xf32>
        %bitcast_convert_type3A_664 = tpu.bitcast %add3A_663 : vector<16xf32> -> vector<16xi32>
        %shift_right_arithmetic3A_665 = arith.constant 1 : i32
        %shift_right_arithmetic3A_666 = vector.broadcast %shift_right_arithmetic3A_665 : i32 to vector<16xi32>
        %shift_right_arithmetic3A_667 = arith.shrsi %bitcast_convert_type3A_664, %shift_right_arithmetic3A_666 : vector<16xi32>
        %sub3A_668 = arith.constant 1597463007 : i32
        %sub3A_669 = vector.broadcast %sub3A_668 : i32 to vector<16xi32>
        %sub3A_670 = arith.subi %sub3A_669, %shift_right_arithmetic3A_667 : vector<16xi32>
        %bitcast_convert_type3A_671 = tpu.bitcast %sub3A_670 : vector<16xi32> -> vector<16xf32>
        %mul3A_672 = arith.constant 5.000000e-01 : f32
        %mul3A_673 = vector.broadcast %mul3A_672 : f32 to vector<16xf32>
        %mul3A_674 = arith.mulf %mul3A_673, %add3A_663 : vector<16xf32>
        %mul3A_675 = arith.mulf %mul3A_674, %bitcast_convert_type3A_671 : vector<16xf32>
        %mul3A_676 = arith.mulf %mul3A_675, %bitcast_convert_type3A_671 : vector<16xf32>
        %sub3A_677 = arith.constant 1.500000e+00 : f32
        %sub3A_678 = vector.broadcast %sub3A_677 : f32 to vector<16xf32>
        %sub3A_679 = arith.subf %sub3A_678, %mul3A_676 : vector<16xf32>
        %mul3A_680 = arith.mulf %bitcast_convert_type3A_671, %sub3A_679 : vector<16xf32>
        %mul3A_681 = arith.mulf %mul3A_674, %mul3A_680 : vector<16xf32>
        %mul3A_682 = arith.mulf %mul3A_681, %mul3A_680 : vector<16xf32>
        %sub3A_683 = arith.constant 1.500000e+00 : f32
        %sub3A_684 = vector.broadcast %sub3A_683 : f32 to vector<16xf32>
        %sub3A_685 = arith.subf %sub3A_684, %mul3A_682 : vector<16xf32>
        %mul3A_686 = arith.mulf %mul3A_680, %sub3A_685 : vector<16xf32>
        %mul3A_687 = arith.mulf %add3A_663, %mul3A_686 : vector<16xf32>
        %add3A_688 = arith.addf %add3A_634, %mul3A_687 : vector<16xf32>
        %mul3A_689 = arith.constant 17 : i32
        %mul3A_690 = arith.muli %scan3A_254, %mul3A_689 : i32
        %add3A_691 = vector.broadcast %mul3A_690 : i32 to vector<16xi32>
        %add3A_692 = arith.addi %iota3A, %add3A_691 : vector<16xi32>
        tpu.vector_store_idx %arg18[%add3A_692], %add3A_688 : memref<272xf32, #tpu.memory_space<vmem>>[vector<16xi32>], vector<16xf32>,
      }
      %scan3A_141 = arith.constant 16 : i32
      %broadcast_in_dim3A = arith.constant 0.000000e+00 : f32
      %broadcast_in_dim3A_142 = vector.broadcast %broadcast_in_dim3A : f32 to vector<16xf32>
      %add3A_143 = arith.constant 0 : i32
      %add3A_144 = vector.broadcast %add3A_143 : i32 to vector<16xi32>
      %add3A_145 = arith.addi %mul3A_5, %add3A_144 : vector<16xi32>
      %gather3A = tpu.vector_load_idx %arg18[%add3A_145] : memref<272xf32, #tpu.memory_space<vmem>>[vector<16xi32>], vector<16xf32>,
      %add3A_146 = arith.addf %broadcast_in_dim3A_142, %gather3A : vector<16xf32>
      %add3A_147 = arith.constant 1 : i32
      %add3A_148 = vector.broadcast %add3A_147 : i32 to vector<16xi32>
      %add3A_149 = arith.addi %mul3A_5, %add3A_148 : vector<16xi32>
      %gather3A_150 = tpu.vector_load_idx %arg18[%add3A_149] : memref<272xf32, #tpu.memory_space<vmem>>[vector<16xi32>], vector<16xf32>,
      %add3A_151 = arith.addf %add3A_146, %gather3A_150 : vector<16xf32>
      %add3A_152 = arith.constant 2 : i32
      %add3A_153 = vector.broadcast %add3A_152 : i32 to vector<16xi32>
      %add3A_154 = arith.addi %mul3A_5, %add3A_153 : vector<16xi32>
      %gather3A_155 = tpu.vector_load_idx %arg18[%add3A_154] : memref<272xf32, #tpu.memory_space<vmem>>[vector<16xi32>], vector<16xf32>,
      %add3A_156 = arith.addf %add3A_151, %gather3A_155 : vector<16xf32>
      %add3A_157 = arith.constant 3 : i32
      %add3A_158 = vector.broadcast %add3A_157 : i32 to vector<16xi32>
      %add3A_159 = arith.addi %mul3A_5, %add3A_158 : vector<16xi32>
      %gather3A_160 = tpu.vector_load_idx %arg18[%add3A_159] : memref<272xf32, #tpu.memory_space<vmem>>[vector<16xi32>], vector<16xf32>,
      %add3A_161 = arith.addf %add3A_156, %gather3A_160 : vector<16xf32>
      %add3A_162 = arith.constant 4 : i32
      %add3A_163 = vector.broadcast %add3A_162 : i32 to vector<16xi32>
      %add3A_164 = arith.addi %mul3A_5, %add3A_163 : vector<16xi32>
      %gather3A_165 = tpu.vector_load_idx %arg18[%add3A_164] : memref<272xf32, #tpu.memory_space<vmem>>[vector<16xi32>], vector<16xf32>,
      %add3A_166 = arith.addf %add3A_161, %gather3A_165 : vector<16xf32>
      %add3A_167 = arith.constant 5 : i32
      %add3A_168 = vector.broadcast %add3A_167 : i32 to vector<16xi32>
      %add3A_169 = arith.addi %mul3A_5, %add3A_168 : vector<16xi32>
      %gather3A_170 = tpu.vector_load_idx %arg18[%add3A_169] : memref<272xf32, #tpu.memory_space<vmem>>[vector<16xi32>], vector<16xf32>,
      %add3A_171 = arith.addf %add3A_166, %gather3A_170 : vector<16xf32>
      %add3A_172 = arith.constant 6 : i32
      %add3A_173 = vector.broadcast %add3A_172 : i32 to vector<16xi32>
      %add3A_174 = arith.addi %mul3A_5, %add3A_173 : vector<16xi32>
      %gather3A_175 = tpu.vector_load_idx %arg18[%add3A_174] : memref<272xf32, #tpu.memory_space<vmem>>[vector<16xi32>], vector<16xf32>,
      %add3A_176 = arith.addf %add3A_171, %gather3A_175 : vector<16xf32>
      %add3A_177 = arith.constant 7 : i32
      %add3A_178 = vector.broadcast %add3A_177 : i32 to vector<16xi32>
      %add3A_179 = arith.addi %mul3A_5, %add3A_178 : vector<16xi32>
      %gather3A_180 = tpu.vector_load_idx %arg18[%add3A_179] : memref<272xf32, #tpu.memory_space<vmem>>[vector<16xi32>], vector<16xf32>,
      %add3A_181 = arith.addf %add3A_176, %gather3A_180 : vector<16xf32>
      %add3A_182 = arith.constant 8 : i32
      %add3A_183 = vector.broadcast %add3A_182 : i32 to vector<16xi32>
      %add3A_184 = arith.addi %mul3A_5, %add3A_183 : vector<16xi32>
      %gather3A_185 = tpu.vector_load_idx %arg18[%add3A_184] : memref<272xf32, #tpu.memory_space<vmem>>[vector<16xi32>], vector<16xf32>,
      %add3A_186 = arith.addf %add3A_181, %gather3A_185 : vector<16xf32>
      %add3A_187 = arith.constant 9 : i32
      %add3A_188 = vector.broadcast %add3A_187 : i32 to vector<16xi32>
      %add3A_189 = arith.addi %mul3A_5, %add3A_188 : vector<16xi32>
      %gather3A_190 = tpu.vector_load_idx %arg18[%add3A_189] : memref<272xf32, #tpu.memory_space<vmem>>[vector<16xi32>], vector<16xf32>,
      %add3A_191 = arith.addf %add3A_186, %gather3A_190 : vector<16xf32>
      %add3A_192 = arith.constant 10 : i32
      %add3A_193 = vector.broadcast %add3A_192 : i32 to vector<16xi32>
      %add3A_194 = arith.addi %mul3A_5, %add3A_193 : vector<16xi32>
      %gather3A_195 = tpu.vector_load_idx %arg18[%add3A_194] : memref<272xf32, #tpu.memory_space<vmem>>[vector<16xi32>], vector<16xf32>,
      %add3A_196 = arith.addf %add3A_191, %gather3A_195 : vector<16xf32>
      %add3A_197 = arith.constant 11 : i32
      %add3A_198 = vector.broadcast %add3A_197 : i32 to vector<16xi32>
      %add3A_199 = arith.addi %mul3A_5, %add3A_198 : vector<16xi32>
      %gather3A_200 = tpu.vector_load_idx %arg18[%add3A_199] : memref<272xf32, #tpu.memory_space<vmem>>[vector<16xi32>], vector<16xf32>,
      %add3A_201 = arith.addf %add3A_196, %gather3A_200 : vector<16xf32>
      %add3A_202 = arith.constant 12 : i32
      %add3A_203 = vector.broadcast %add3A_202 : i32 to vector<16xi32>
      %add3A_204 = arith.addi %mul3A_5, %add3A_203 : vector<16xi32>
      %gather3A_205 = tpu.vector_load_idx %arg18[%add3A_204] : memref<272xf32, #tpu.memory_space<vmem>>[vector<16xi32>], vector<16xf32>,
      %add3A_206 = arith.addf %add3A_201, %gather3A_205 : vector<16xf32>
      %add3A_207 = arith.constant 13 : i32
      %add3A_208 = vector.broadcast %add3A_207 : i32 to vector<16xi32>
      %add3A_209 = arith.addi %mul3A_5, %add3A_208 : vector<16xi32>
      %gather3A_210 = tpu.vector_load_idx %arg18[%add3A_209] : memref<272xf32, #tpu.memory_space<vmem>>[vector<16xi32>], vector<16xf32>,
      %add3A_211 = arith.addf %add3A_206, %gather3A_210 : vector<16xf32>
      %add3A_212 = arith.constant 14 : i32
      %add3A_213 = vector.broadcast %add3A_212 : i32 to vector<16xi32>
      %add3A_214 = arith.addi %mul3A_5, %add3A_213 : vector<16xi32>
      %gather3A_215 = tpu.vector_load_idx %arg18[%add3A_214] : memref<272xf32, #tpu.memory_space<vmem>>[vector<16xi32>], vector<16xf32>,
      %add3A_216 = arith.addf %add3A_211, %gather3A_215 : vector<16xf32>
      %add3A_217 = arith.constant 15 : i32
      %add3A_218 = vector.broadcast %add3A_217 : i32 to vector<16xi32>
      %add3A_219 = arith.addi %mul3A_5, %add3A_218 : vector<16xi32>
      %gather3A_220 = tpu.vector_load_idx %arg18[%add3A_219] : memref<272xf32, #tpu.memory_space<vmem>>[vector<16xi32>], vector<16xf32>,
      %add3A_221 = arith.addf %add3A_216, %gather3A_220 : vector<16xf32>
      %sub3A = arith.constant 1.200000e+01 : f32
      %sub3A_222 = vector.broadcast %sub3A : f32 to vector<16xf32>
      %sub3A_223 = arith.subf %sub3A_222, %add3A_221 : vector<16xf32>
      %abs3A = math.absf %sub3A_223 : vector<16xf32>
      %neg3A = arith.constant 0.000000e+00 : f32
      %neg3A_224 = vector.broadcast %neg3A : f32 to vector<16xf32>
      %neg3A_225 = arith.subf %neg3A_224, %abs3A : vector<16xf32>
      %exp3A = math.exp %neg3A_225 : vector<16xf32>
      %add3A_226 = arith.constant 2.000000e+00 : f32
      %add3A_227 = vector.broadcast %add3A_226 : f32 to vector<16xf32>
      %add3A_228 = arith.addf %exp3A, %add3A_227 : vector<16xf32>
      %div3A = arith.divf %exp3A, %add3A_228 : vector<16xf32>
      %mul3A_229 = arith.mulf %div3A, %div3A : vector<16xf32>
      %mul3A_230 = arith.constant 2.000000e+00 : f32
      %mul3A_231 = vector.broadcast %mul3A_230 : f32 to vector<16xf32>
      %mul3A_232 = arith.mulf %mul3A_231, %div3A : vector<16xf32>
      %mul3A_233 = arith.constant 0.142857149 : f32
      %mul3A_234 = vector.broadcast %mul3A_233 : f32 to vector<16xf32>
      %mul3A_235 = arith.mulf %mul3A_229, %mul3A_234 : vector<16xf32>
      %add3A_236 = arith.constant 2.000000e-01 : f32
      %add3A_237 = vector.broadcast %add3A_236 : f32 to vector<16xf32>
      %add3A_238 = arith.addf %add3A_237, %mul3A_235 : vector<16xf32>
      %mul3A_239 = arith.mulf %mul3A_229, %add3A_238 : vector<16xf32>
      %add3A_240 = arith.constant 0.333333343 : f32
      %add3A_241 = vector.broadcast %add3A_240 : f32 to vector<16xf32>
      %add3A_242 = arith.addf %add3A_241, %mul3A_239 : vector<16xf32>
      %mul3A_243 = arith.mulf %mul3A_229, %add3A_242 : vector<16xf32>
      %add3A_244 = arith.constant 1.000000e+00 : f32
      %add3A_245 = vector.broadcast %add3A_244 : f32 to vector<16xf32>
      %add3A_246 = arith.addf %add3A_245, %mul3A_243 : vector<16xf32>
      %mul3A_247 = arith.mulf %mul3A_232, %add3A_246 : vector<16xf32>
      %min3A = arith.constant 0.000000e+00 : f32
      %min3A_248 = vector.broadcast %min3A : f32 to vector<16xf32>
      %min3A_249 = arith.minimumf %sub3A_223, %min3A_248 : vector<16xf32>
      %sub3A_250 = arith.subf %min3A_249, %mul3A_247 : vector<16xf32>
      %mul3A_251 = arith.constant 16 : i32
      %mul3A_252 = arith.muli %scan3A_135, %mul3A_251 : i32
      %swap3A = arith.index_cast %mul3A_252 : i32 to index
      %swap3A_253 = tpu.vector_load %arg17[%swap3A] {strides = array<i32>} : memref<64xf32, #tpu.memory_space<vmem>>, vector<16xf32>,
      tpu.vector_store %arg17[%swap3A], %sub3A_250 {strides = array<i32>} : memref<64xf32, #tpu.memory_space<vmem>>, vector<16xf32>,
    }
    %scan3A_128 = arith.constant 4 : i32
    %dma_start3A_129 = tpu.memref_slice %arg6[%add3A_118] : memref<16384xf32, #tpu.memory_space<hbm>> -> memref<64xf32, #tpu.memory_space<hbm>>
    %dma_start3A_130 = tpu.memref_slice %arg6[%add3A_118] : memref<16384xf32, #tpu.memory_space<hbm>> -> memref<64xf32, #tpu.memory_space<hbm>>
    tpu.enqueue_dma source(%arg17 : memref<64xf32, #tpu.memory_space<vmem>>) target(%dma_start3A_130 : memref<64xf32, #tpu.memory_space<hbm>>) target_semaphore(%arg29 : memref<!tpu.dma_semaphore, #tpu.memory_space<semaphore_mem>>)
    %dma_wait3A_131 = tpu.memref_slice %arg6[%mul3A_2] : memref<16384xf32, #tpu.memory_space<hbm>> -> memref<64xf32, #tpu.memory_space<hbm>>
    %dma_wait3A_132 = tpu.memref_slice %arg6[%mul3A_2] : memref<16384xf32, #tpu.memory_space<hbm>> -> memref<64xf32, #tpu.memory_space<hbm>>
    tpu.wait_dma2 semaphore(%arg28 : memref<!tpu.dma_semaphore, #tpu.memory_space<semaphore_mem>>) src(%arg16 : memref<64xf32, #tpu.memory_space<vmem>>) dst(%dma_wait3A_132 : memref<64xf32, #tpu.memory_space<hbm>>)
    %dma_wait3A_133 = tpu.memref_slice %arg6[%mul3A_2] : memref<16384xf32, #tpu.memory_space<hbm>> -> memref<64xf32, #tpu.memory_space<hbm>>
    %dma_wait3A_134 = tpu.memref_slice %arg6[%mul3A_2] : memref<16384xf32, #tpu.memory_space<hbm>> -> memref<64xf32, #tpu.memory_space<hbm>>
    tpu.wait_dma2 semaphore(%arg29 : memref<!tpu.dma_semaphore, #tpu.memory_space<semaphore_mem>>) src(%arg17 : memref<64xf32, #tpu.memory_space<vmem>>) dst(%dma_wait3A_134 : memref<64xf32, #tpu.memory_space<hbm>>)
    return
  }
}

module attributes {stable_mosaic.version = 14 : i64} {
  func.func @_sincos_tc_kernel(%arg0: memref<1000x128xf32, #tpu.memory_space<vmem>>, %arg1: memref<1000x256xf32, #tpu.memory_space<vmem>>) attributes {dimension_semantics = [], scalar_prefetch = 0 : i64, scratch_operands = 0 : i64, tpu.core_type = #tpu.core_type<tc>} {
    %get3A = arith.constant 0 : index
    %get3A_0 = arith.constant 0 : index
    %get3A_1 = vector.load %arg0[%get3A, %get3A_0] : memref<1000x128xf32, #tpu.memory_space<vmem>>, vector<1000x128xf32>
    %mul3A = arith.constant 28.7231331 : f32
    %mul3A_2 = vector.broadcast %mul3A : f32 to vector<1000x128xf32>
    %mul3A_3 = arith.mulf %get3A_1, %mul3A_2 : vector<1000x128xf32>
    %cos3A = math.cos %mul3A_3 : vector<1000x128xf32>
    %swap3A = arith.constant 0 : index
    %swap3A_4 = arith.constant 0 : index
    %swap3A_5 = vector.load %arg1[%swap3A, %swap3A_4] : memref<1000x256xf32, #tpu.memory_space<vmem>>, vector<1000x128xf32>
    tpu.vector_store %arg1[%swap3A, %swap3A_4], %cos3A {strides = array<i32>} : memref<1000x256xf32, #tpu.memory_space<vmem>>, vector<1000x128xf32>,
    %sin3A = math.sin %mul3A_3 : vector<1000x128xf32>
    %swap3A_6 = arith.constant 0 : index
    %swap3A_7 = arith.constant 128 : index
    %swap3A_8 = vector.load %arg1[%swap3A_6, %swap3A_7] : memref<1000x256xf32, #tpu.memory_space<vmem>>, vector<1000x128xf32>
    tpu.vector_store %arg1[%swap3A_6, %swap3A_7], %sin3A {strides = array<i32>} : memref<1000x256xf32, #tpu.memory_space<vmem>>, vector<1000x128xf32>,
    return
  }
}

</mosaic_0001>

<sc_bundles>
// kernel: kernel.4.cloned.1.call-start
scs
__scs_entry_jumppad:
0x0: {  	(pc) =	sbr.rel $0x88, $3  }
0x1: {  	(tag) =	ssettag $0x0;
	lr =	simm.s32 $0x1  }
0x2: {  	[smem:$0x3F9D] =	sst lr;
	_ =	strace $0xD0000000  }
0x3: {  	_ = 	snop  }
0x4: {  	_ = 	snop  }
0x5: {  	_ = 	snop  }
0x6: {  	_ = 	snop  }
0x7: {  	_ = 	snop  }
__scs_overlays_trampoline_lowered:
0x8: {  	[smem:$0x3FAC] =	sst s0  }
0x9: {  	[smem:$0x3FAD] =	sst s1  }
0xa: {  	[smem:$0x3FAE] =	sst s2  }
0xb: {  	[smem:$0x3FAF] =	sst s3  }
0xc: {  	[smem:$0x3FB0] =	sst s4  }
0xd: {  	[smem:$0x3FB1] =	sst s5  }
0xe: {  	[smem:$0x3FB2] =	sst s6  }
0xf: {  	[smem:$0x3FB3] =	sst s7  }
0x10: {  	[smem:$0x3FB4] =	sst s8  }
0x11: {  	[smem:$0x3FB5] =	sst s9;
	s0 =	simm.s32 @!p0 $0x0  }
0x12: {  	s1 =	sld [smem:$0x3F9B];
	s0 =	simm.s32 @p0 $0x1  }
0x13: {  	[smem:$0x3FB6] =	sst s0;
	s0 =	simm.s32 @!p1 $0x0  }
0x14: {  	s2 =	sld [smem:$0x3F9A];
	s0 =	simm.s32 @p1 $0x1  }
0x15: {  	[smem:$0x3FB7] =	sst s0;
	s0 =	simm.s32 @!p2 $0x0  }
0x16: {  	s3 =	sld [smem:$0x3FDB];
	s0 =	simm.s32 @p2 $0x1  }
0x17: {  	s4 =	simm.s32 $0x1BF5;
	[smem:$0x3FB9] =	sst s0  }
0x18: {  	s0 =	sld [smem:$0x3F9C];
	_ =	swait.ge [sflag:s4], $0x0  }
0x19: {  	s7 =	sld [smem:$0x3F9D]  }
0x1a: {  	s8 =	sadd.s32 $0xFFFFE003, lr  }
0x1b: {  	s9 =	sadd.s32 $0xFFFFFEF7, lr;
	s5 =	simm.s32 $0xFFFFFFFF;
	p2 =	slt.u32 s8, $0xFFFFF086  }
0x1c: {  	p1 =	slt.u32 s9, $0xF7A;
	s5 =	simm.s32 @!p2 $0x0  }
0x1d: {  	s5 =	simm.s32 @p1 $0x1;
	p0 =	seq.s32 s7, s2  }
0x1e: {  	s7 =	smul.u32 @!p0 $0xF7A, s2;
	p2 =	seq.s32 @!p0 s5, $0x0  }
0x1f: {  	s9 =	smul.u32 $0xF7A, s1;
	s8 =	simm.s32 @!p0 $0x1BF5;
	p2 =	por !p2, p0  }
0x20: {  	[sflag:s8] =	ssyncset.s32 @!p0 $0xFFFFF086;
	s6 =	sadd.s32 @!p0 s3, s7;
	s7 =	simm.s32 @!p0 $0x108  }
0x21: {  	s3 =	sadd.s32 s3, s9;
	s6 =	sadd.s32 @!p0 $0x88, s6;
	s7 =	simm.s32 @p2 $0x1082  }
0x22: {  	[simem:s7], [sflag:s8] =	dma.local @!p0 [hbm:s6], $0xF7A  }
0x23: {  	s9 =	sor.u32 $0xD0000000, s2;
	s6 =	simm.s32 $0x108;
	_ =	swait.ge @!p0 [sflag:s8], $0x0  }
0x24: {  	s3 =	sadd.s32 $0x88, s3;
	s6 =	simm.s32 @!p1 $0x1082;
	[sflag:s4] =	ssyncset.s32 $0xFFFFF086  }
0x25: {  	[simem:s6], [sflag:s4] =	dma.local [hbm:s3], $0xF7A  }
0x26: {  	[smem:$0x3F9D] =	sst s1;
	(tag) =	ssettag s2;
	_ =	strace s9  }
0x27: {  	s1 =	sld [smem:$0x3FAD]  }
0x28: {  	s2 =	sld [smem:$0x3FAE]  }
0x29: {  	s4 =	sld [smem:$0x3FB0]  }
0x2a: {  	p0 =	seq.s32 s5, $0x0;
	s5 =	sld [smem:$0x3FB1]  }
0x2b: {  	s6 =	sld [smem:$0x3FB2]  }
0x2c: {  	s7 =	sld [smem:$0x3FB3]  }
0x2d: {  	s3 =	simm.s32 $0x108;
	s8 =	sld [smem:$0x3FB4]  }
0x2e: {  	s3 =	simm.s32 @!p0 $0x1082;
	s9 =	sld [smem:$0x3FB5]  }
0x2f: {  	lr =	sadd.s32 s0, s3;
	s0 =	sld [smem:$0x3FAC]  }
0x30: {  	s3 =	sld [smem:$0x3FAF]  }
0x31: {  	[smem:$0x3FB8] =	sst s10  }
0x32: {  	s10 =	sld [smem:$0x3FB6];
	_ =	sdelay $0x3  }
0x33: {  	p0 =	seq.s32 s10, $0x1;
	s10 =	sld [smem:$0x3FB8];
	_ =	sdelay $0x3  }
0x34: {  	[smem:$0x3FB8] =	sst s10  }
0x35: {  	s10 =	sld [smem:$0x3FB7];
	_ =	sdelay $0x3  }
0x36: {  	p1 =	seq.s32 s10, $0x1;
	s10 =	sld [smem:$0x3FB8];
	_ =	sdelay $0x3  }
0x37: {  	[smem:$0x3FB8] =	sst s10  }
0x38: {  	s10 =	sld [smem:$0x3FB9]  }
0x39: {  	_ = 	snop;
	(pc) =	sbr.ind lr, $3  }
0x3a: {  	_ = 	snop  }
0x3b: {  	_ = 	snop  }
0x3c: {  	p2 =	seq.s32 s10, $0x1;
	s10 =	sld [smem:$0x3FB8]  }
0x3d: {  	_ =	shalt  }
0x3e: {  	_ =	shalt  }
0x3f: {  	_ =	shalt  }
0x40: {  	_ =	shalt  }
0x41: {  	_ =	shalt  }
0x42: {  	_ =	shalt  }
0x43: {  	_ =	shalt  }
0x44: {  	_ =	shalt  }
0x45: {  	_ =	shalt  }
0x46: {  	_ =	shalt  }
0x47: {  	_ =	shalt  }
0x48: {  	_ =	shalt  }
0x49: {  	_ =	shalt  }
0x4a: {  	_ =	shalt  }
0x4b: {  	_ =	shalt  }
0x4c: {  	_ =	shalt  }
0x4d: {  	_ =	shalt  }
0x4e: {  	_ =	shalt  }
0x4f: {  	_ =	shalt  }
0x50: {  	_ =	shalt  }
0x51: {  	_ =	shalt  }
0x52: {  	_ =	shalt  }
0x53: {  	_ =	shalt  }
0x54: {  	_ =	shalt  }
0x55: {  	_ =	shalt  }
0x56: {  	_ =	shalt  }
0x57: {  	_ =	shalt  }
0x58: {  	_ =	shalt  }
0x59: {  	_ =	shalt  }
0x5a: {  	_ =	shalt  }
0x5b: {  	_ =	shalt  }
0x5c: {  	_ =	shalt  }
0x5d: {  	_ =	shalt  }
0x5e: {  	_ =	shalt  }
0x5f: {  	_ =	shalt  }
0x60: {  	_ =	shalt  }
0x61: {  	_ =	shalt  }
0x62: {  	_ =	shalt  }
0x63: {  	_ =	shalt  }
0x64: {  	_ =	shalt  }
0x65: {  	_ =	shalt  }
0x66: {  	_ =	shalt  }
0x67: {  	_ =	shalt  }
0x68: {  	_ =	shalt  }
0x69: {  	_ =	shalt  }
0x6a: {  	_ =	shalt  }
0x6b: {  	_ =	shalt  }
0x6c: {  	_ =	shalt  }
0x6d: {  	_ =	shalt  }
0x6e: {  	_ =	shalt  }
0x6f: {  	_ =	shalt  }
0x70: {  	_ =	shalt  }
0x71: {  	_ =	shalt  }
0x72: {  	_ =	shalt  }
0x73: {  	_ =	shalt  }
0x74: {  	_ =	shalt  }
0x75: {  	_ =	shalt  }
0x76: {  	_ =	shalt  }
0x77: {  	_ =	shalt  }
0x78: {  	_ =	shalt  }
0x79: {  	_ =	shalt  }
0x7a: {  	_ =	shalt  }
0x7b: {  	_ =	shalt  }
0x7c: {  	_ =	shalt  }
0x7d: {  	_ =	shalt  }
0x7e: {  	_ =	shalt  }
0x7f: {  	_ =	shalt  }
0x80: {  	_ =	shalt  }
0x81: {  	_ =	shalt  }
0x82: {  	_ =	shalt  }
0x83: {  	_ =	shalt  }
0x84: {  	_ =	shalt  }
0x85: {  	_ =	shalt  }
0x86: {  	_ =	shalt  }
0x87: {  	_ =	shalt  }
.Lfunc_end0:
.L_simem_size_0:
called_computation_lowered:
.L_overlay_start_0:
0x88: {  	s2 =	sld [smem:$0x3FD9]  }
0x89: {  	s3 =	sld [smem:$0x3FFE];
	_ =	sdelay $0x1  }
0x8a: {  	s1 =	srdreg.scid  }
0x8b: {  	s0 =	sand.u32 $0x1, s1  }
0x8c: {  	s17 =	sshll.u32 s0, $0xA;
	s2 =	sadd.s32 s3, s2  }
0x8d: {  	s2 =	sadd.s32 s2, s17  }
0x8e: {  	[smem:$0x3FC4] =	sst s2  }
0x8f: {  	_ = 	snop  }
0x90: {  	s2 =	sld [smem:$0x3FC9]  }
0x91: {  	s18 =	sld [smem:$0x3FC8]  }
0x92: {  	s4 =	sld [smem:$0x3FC7]  }
0x93: {  	s5 =	sld [smem:$0x3FD0];
	(tm) =	ssettm $0x1  }
0x94: {  	s6 =	sld [smem:$0x3FFB];
	_ =	sdelay $0x3  }
0x95: {  	_ =	strace s6  }
0x96: {  	s6 =	sld [smem:$0x3FFC];
	_ =	sdelay $0x3  }
0x97: {  	_ =	strace s6  }
0x98: {  	s6 =	sld [smem:$0x3FFD];
	_ =	sdelay $0x3  }
0x99: {  	_ =	strace s6  }
0x9a: {  	_ =	strace $0x8FFFFFFF  }
0x9b: {  	s19 =	sld [smem:$0x3FDB];
	_ =	sdelay $0x1  }
0x9c: {  	s7 =	simm.s32 $_scs_section_size  }
0x9d: {  	s8 =	simm.s32 $_size__tile_overlayer_lowered;
	s9 =	simm.s32 $_tile_overlayer_lowered  }
0x9e: {  	s22 =	simm.s32 $0x1BFF;
	s21 =	sshll.u32 s9, $0x1;
	s6 =	sadd.s32 s7, s19  }
0x9f: {  	s10 =	simm.s32 $0x0;
	s20 =	sshll.u32 s8, $0x1;
	s8 =	sadd.s32 s21, s6  }
0xa0: {  	[timem:s10], [sflag:s22] =	dma.local [hbm:s8], s20  }
0xa1: {  	_ =	swait.ge [sflag:s22], s20  }
0xa2: {  	s7 =	ssub.s32 $0x0, s20;
	[sflag:s22] =	ssyncset.done $0x0  }
0xa3: {  	[sflag:s22] =	ssyncadd.s32 s7;
	_ =	sdelay $0x1  }
0xa4: {  	s23 =	simm.s32 $0x1B8B  }
0xa5: {  	_ =	swait.ge [sflag:s23], $0x1  }
0xa6: {  	[sflag:s23] =	ssyncset.done $0x0  }
0xa7: {  	s25 =	simm.s32 $0x1B8E;
	s24 =	sld [smem:$0x3FFE];
	[sflag:s23] =	ssyncadd.s32 $0xFFFFFFFF  }
0xa8: {  	s26 =	simm.s32 $execute0_lowered;
	[smem:$0x3FD2] =	sst s25  }
0xa9: {  	s8 =	sshll.u32 s26, $0x1;
	_ =	strace $0x80000046;
	[dreg:$0x1] =	wrdreg $0xFFFFFFFF  }
0xaa: {  	s28 =	simm.s32 $_size_execute0_lowered;
	s6 =	sadd.s32 s6, s8;
	[dreg:$0x0] =	wrdreg $0x0  }
0xab: {  	s8 =	sshll.u32 s28, $0x1;
	[dreg:$0x2] =	wrdreg s6  }
0xac: {  	[dreg:$0x3] =	wrdreg s8  }
0xad: {  	[dreg:$0x4] =	wrdreg $0xC0  }
0xae: {  	_ =	task [dreg:s10], $0x5FFFF  }
0xaf: {  	[dreg:$0x1] =	wrdreg $0xFFFFFFFF  }
0xb0: {  	[dreg:$0x0] =	wrdreg $0x60  }
0xb1: {  	[dreg:$0x2] =	wrdreg s2  }
0xb2: {  	[dreg:$0x3] =	wrdreg s18  }
0xb3: {  	[dreg:$0x4] =	wrdreg s4  }
0xb4: {  	[dreg:$0x5] =	wrdreg s24  }
0xb5: {  	[dreg:$0x6] =	wrdreg s5  }
0xb6: {  	[dreg:$0x7] =	wrdreg $0x9  }
0xb7: {  	_ =	task.clear_ibuf [dreg:s10], $0x8FFFF;
	_ =	strace $0x90000046  }
0xb8: {  	s29 =	simm.s32 $0x9;
	_ =	strace $0x80000048  }
0xb9: {  	_ =	swait.ge [sflag:s29], $0x1  }
0xba: {  	[sflag:s29] =	ssyncadd.s32 $0xFFFFFFFF  }
0xbb: {  	_ =	strace $0x90000048  }
0xbc: {  	_ =	sfence  }
0xbd: {  	s30 =	sld [smem:$0x0];
	_ =	sdelay $0x2  }
0xbe: {  	s31 =	sshll.u32 s1, $0xD;
	s1 =	sshrl.u32 s1, $0x2  }
0xbf: {  	s3 =	sand.u32 $0x4000, s31;
	s1 =	sadd.s32 s1, s30  }
0xc0: {  	s0 =	sor.u32 s3, s0;
	s1 =	sshll.u32 s1, $0x11  }
0xc1: {  	s0 =	sor.u32 s1, s0  }
0xc2: {  	s0 =	sadd.s32 $0x8F2B, s0  }
0xc3: {  	[sflag:s0] =	ssyncadd.remote.s32 $0x1  }
0xc4: {  	_ =	sfence.sel $0xFFFF  }
0xc5: {  	[dreg:$0x0] =	wrdreg $0xFFFFFFFF;
	(pc) =	sbr.abs _section_cstart, $3  }
0xc6: {  	[dreg:$0x1] =	wrdreg $0xFFFFFFFF  }
0xc7: {  	_ =	task.clear_ibuf [dreg:s10], $0x2FFFF;
	_ =	strace $0x9FFFFFFF  }
0xc8: {  	(tm) =	ssettm $0x7FFFFFFF  }
0xc9: {  	_ =	shalt  }
tec
execute0_lowered:
.L_overlay_start_1:
0x0: {  	(tag) =	ssettag $0x1  }
0x1: {  	s0 =	rddreg [dreg:$0x0]  }
0x2: {  	s3 =	rddreg [dreg:$0x1]  }
0x3: {  	s1 =	rddreg [dreg:$0x2]  }
0x4: {  	s5 =	rddreg [dreg:$0x3]  }
0x5: {  	s2 =	rddreg [dreg:$0x4];
	s4 =	simm.s32 $0x0;
	s6 =	srdreg.scid  }
0x6: {  	s7 =	stileid.u32;
	s19 =	simm.s32 $0x16E00;
	s20 =	simm.s32 $0x17600  }
0x7: {  	s28 =	simm.s32 $0x18700;
	s29 =	simm.s32 $0x7;
	s6 =	sand.u32 $0x1, s6  }
0x8: {  	s30 =	simm.s32 $0x8;
	s7 =	sshll.u32 s7, $0xA;
	s8 =	sshll.u32 s6, $0x9  }
0x9: {  	s31 =	simm.s32 $0x9;
	s9 =	ssub.s32 $0x2, s6;
	s6 =	sor.u32 s8, s7  }
0xa: {  	[smem:$0x7FF] =	sst s4;
	s5 =	sadd.s32 $0x800, s5;
	s8 =	sshrl.u32 s6, $0x2  }
0xb: {  	_ =	strace $0x80000047;
	s10 =	sshrl.u32 s6, $0x3;
	s0 =	sadd.s32 s0, s8  }
0xc: {  	s21 =	sshrl.u32 s9, $0x1;
	s23 =	sadd.s32 s3, s10;
	[dreg:$0x6] =	wrdreg s0  }
0xd: {  	s7 =	ssub.s32 s9, s21;
	s22 =	sadd.s32 s2, s10;
	[dreg:$0x9] =	wrdreg s23  }
0xe: {  	s21 =	simm.s32 $0x18600;
	s26 =	smax.u32 s7, $0x1;
	[dreg:$0x7] =	wrdreg s22  }
0xf: {  	s8 =	simm.s32 $0x17E00;
	s0 =	sadd.s32 $0x10, s0;
	[dreg:$0xc] =	wrdreg s26  }
0x10: {  	s7 =	simm.s32 $0x0;
	s24 =	sadd.s32 $0x30, s22;
	[dreg:$0x8] =	wrdreg s0  }
0x11: {  	v0 =	vlaneseq.u32;
	s25 =	sadd.s32 $0x38, s22;
	s22 =	simm.s32 $0x18680;
	[dreg:$0xa] =	wrdreg s24  }
0x12: {  	vm0 =	vmmov $0xffff;
	v2 =	vshrl.u32 v0, $0x3;
	s23 =	simm.s32 $0x4;
	s26 =	simm.s32 $0xA;
	[dreg:$0xb] =	wrdreg s25  }
0x13: {  	v1 =	vand.u32 $0x7, v0;
	v3 =	vor.u32 $0x8, v0;
	v2 =	vmul.u32 $0x8, v2;
	s24 =	simm.s32 $0x5;
	s25 =	simm.s32 $0x6;
	s0 =	simm.s32 $0xB  }
.LBB2_1:
0x14: {  	[dreg:$0xd] =	wrdreg s7  }
0x15: {  	s3 =	rddreg [dreg:$0x6];
	s17 =	simm.s32 $0x80;
	s9 =	simm.s32 $0x100  }
0x16: {  	[tilespmem:s4], [sflag:$0x1] =	stream.strided.gather [hbm4b:s3+s17], $0x200, s9, s17, $0x38;
	[tilespmem:$0x18880] =	vst v63  }
0x17: {  	s18 =	rddreg [dreg:$0x8];
	s10 =	simm.s32 $0x200  }
0x18: {  	[tilespmem:s10], [sflag:$0x2] =	stream.strided.gather [hbm4b:s18+s17], $0x200, s9, s17, $0x38;
	[tilespmem:$0x18880] =	vst v63  }
0x19: {  	s11 =	rddreg [dreg:$0x9];
	s12 =	simm.s32 $0x400;
	s13 =	simm.s32 $0x1  }
0x1a: {  	[tilespmem:s12], [sflag:$0x3] =	stream.linear.gather [hbm4b:s11+s4], $0x200, $0x38;
	[tilespmem:$0x18880] =	vst v63  }
0x1b: {  	_ =	swait.ge [sflag:s13], $0x200  }
0x1c: {  	[sflag:s13] =	ssyncset.done $0x0  }
0x1d: {  	s14 =	simm.s32 $0x2;
	[sflag:s13] =	ssyncadd.s32 $0xFFFFFE00  }
0x1e: {  	_ =	swait.ge [sflag:s14], $0x200  }
0x1f: {  	[sflag:s14] =	ssyncset.done $0x0  }
0x20: {  	s15 =	simm.s32 $0x3;
	[sflag:s14] =	ssyncadd.s32 $0xFFFFFE00  }
0x21: {  	_ =	swait.ge [sflag:s15], $0x200  }
0x22: {  	[sflag:s15] =	ssyncset.done $0x0  }
0x23: {  	s16 =	rddreg [dreg:$0x7];
	[sflag:s15] =	ssyncadd.s32 $0xFFFFFE00  }
0x24: {  	[tilespmem:s21], [sflag:$0xA] =	stream.linear.gather [hbm4b:s16+s4], $0x40, $0x38;
	[tilespmem:$0x18880] =	vst v63  }
0x25: {  	_ = 	snop  }
0x26: {  	[tilespmem:s22], [sflag:$0xB] =	stream.linear.gather [hbm4b:s16+s4], $0x40, $0x38;
	[tilespmem:$0x18880] =	vst v63  }
0x27: {  	v4 =	vld [tilespmem:$0x0];
	_ =	sdelay $0x4  }
0x28: {  	v5 =	vshll.u32 v4, $0x1  }
0x29: {  	v4 =	vand.u32 $0x7, v4;
	v5 =	vand.u32 $0xFFFFFFF0, v5  }
0x2a: {  	v4 =	vor.u32 v4, v5  }
0x2b: {  	v5 =	vperm.xlane v4, v1;
	_ =	sdelay $0x1  }
0x2c: {  	v4 =	vperm.xlane v4, v3;
	v5 =	vadd.s32 v2, v5;
	_ =	sdelay $0x1  }
0x2d: {  	v4 =	vadd.s32 v2, v4;
	_ =	sdelay $0x1  }
0x2e: {  	s17 =	simm.s32 $0x600  }
0x2f: {  	[tilespmem:s17], [sflag:$0x4] =	stream.indirect_vreg.gather [hbm4b:s1+s4], $0x80, v5, vm0, $0xb8;
	[tilespmem:$0x18880] =	vst v63  }
0x30: {  	s18 =	simm.s32 $0xE00  }
0x31: {  	[tilespmem:s18], [sflag:$0x4] =	stream.indirect_vreg.gather [hbm4b:s1+s4], $0x80, v4, vm0, $0xb8;
	[tilespmem:$0x18880] =	vst v63  }
0x32: {  	v4 =	vld [tilespmem:$0x10];
	_ =	sdelay $0x4  }
0x33: {  	v5 =	vshll.u32 v4, $0x1  }
0x34: {  	v4 =	vand.u32 $0x7, v4;
	v5 =	vand.u32 $0xFFFFFFF0, v5  }
0x35: {  	v4 =	vor.u32 v4, v5  }
0x36: {  	v5 =	vperm.xlane v4, v1;
	_ =	sdelay $0x1  }
0x37: {  	v4 =	vperm.xlane v4, v3;
	v5 =	vadd.s32 v2, v5;
	_ =	sdelay $0x1  }
0x38: {  	v4 =	vadd.s32 v2, v4;
	_ =	sdelay $0x1  }
0x39: {  	s7 =	simm.s32 $0x1600  }
0x3a: {  	[tilespmem:s7], [sflag:$0x4] =	stream.indirect_vreg.gather [hbm4b:s1+s4], $0x80, v5, vm0, $0xb8;
	[tilespmem:$0x18880] =	vst v63  }
0x3b: {  	s9 =	simm.s32 $0x1E00  }
0x3c: {  	[tilespmem:s9], [sflag:$0x4] =	stream.indirect_vreg.gather [hbm4b:s1+s4], $0x80, v4, vm0, $0xb8;
	[tilespmem:$0x18880] =	vst v63  }
0x3d: {  	v4 =	vld [tilespmem:$0x20];
	_ =	sdelay $0x4  }
0x3e: {  	v5 =	vshll.u32 v4, $0x1  }
0x3f: {  	v4 =	vand.u32 $0x7, v4;
	v5 =	vand.u32 $0xFFFFFFF0, v5  }
0x40: {  	v4 =	vor.u32 v4, v5  }
0x41: {  	v5 =	vperm.xlane v4, v1;
	_ =	sdelay $0x1  }
0x42: {  	v4 =	vperm.xlane v4, v3;
	v5 =	vadd.s32 v2, v5;
	_ =	sdelay $0x1  }
0x43: {  	v4 =	vadd.s32 v2, v4;
	_ =	sdelay $0x1  }
0x44: {  	s10 =	simm.s32 $0x2600  }
0x45: {  	[tilespmem:s10], [sflag:$0x4] =	stream.indirect_vreg.gather [hbm4b:s1+s4], $0x80, v5, vm0, $0xb8;
	[tilespmem:$0x18880] =	vst v63  }
0x46: {  	s11 =	simm.s32 $0x2E00  }
0x47: {  	[tilespmem:s11], [sflag:$0x4] =	stream.indirect_vreg.gather [hbm4b:s1+s4], $0x80, v4, vm0, $0xb8;
	[tilespmem:$0x18880] =	vst v63  }
0x48: {  	v4 =	vld [tilespmem:$0x30];
	_ =	sdelay $0x4  }
0x49: {  	v5 =	vshll.u32 v4, $0x1  }
0x4a: {  	v4 =	vand.u32 $0x7, v4;
	v5 =	vand.u32 $0xFFFFFFF0, v5  }
0x4b: {  	v4 =	vor.u32 v4, v5  }
0x4c: {  	v5 =	vperm.xlane v4, v1;
	_ =	sdelay $0x1  }
0x4d: {  	v4 =	vperm.xlane v4, v3;
	v5 =	vadd.s32 v2, v5;
	_ =	sdelay $0x1  }
0x4e: {  	v4 =	vadd.s32 v2, v4;
	_ =	sdelay $0x1  }
0x4f: {  	s12 =	simm.s32 $0x3600  }
0x50: {  	[tilespmem:s12], [sflag:$0x4] =	stream.indirect_vreg.gather [hbm4b:s1+s4], $0x80, v5, vm0, $0xb8;
	[tilespmem:$0x18880] =	vst v63  }
0x51: {  	s13 =	simm.s32 $0x3E00  }
0x52: {  	[tilespmem:s13], [sflag:$0x4] =	stream.indirect_vreg.gather [hbm4b:s1+s4], $0x80, v4, vm0, $0xb8;
	[tilespmem:$0x18880] =	vst v63  }
0x53: {  	v4 =	vld [tilespmem:$0x200];
	_ =	sdelay $0x4  }
0x54: {  	v5 =	vshll.u32 v4, $0x1  }
0x55: {  	v4 =	vand.u32 $0x7, v4;
	v5 =	vand.u32 $0xFFFFFFF0, v5  }
0x56: {  	v4 =	vor.u32 v4, v5  }
0x57: {  	v5 =	vperm.xlane v4, v1;
	_ =	sdelay $0x1  }
0x58: {  	v4 =	vperm.xlane v4, v3;
	v5 =	vadd.s32 v2, v5;
	_ =	sdelay $0x1  }
0x59: {  	v4 =	vadd.s32 v2, v4;
	_ =	sdelay $0x1  }
0x5a: {  	s14 =	simm.s32 $0x4600  }
0x5b: {  	[tilespmem:s14], [sflag:$0x5] =	stream.indirect_vreg.gather [hbm4b:s1+s4], $0x80, v5, vm0, $0xb8;
	[tilespmem:$0x18880] =	vst v63  }
0x5c: {  	s15 =	simm.s32 $0x4E00  }
0x5d: {  	[tilespmem:s15], [sflag:$0x5] =	stream.indirect_vreg.gather [hbm4b:s1+s4], $0x80, v4, vm0, $0xb8;
	[tilespmem:$0x18880] =	vst v63  }
0x5e: {  	v4 =	vld [tilespmem:$0x210];
	_ =	sdelay $0x4  }
0x5f: {  	v5 =	vshll.u32 v4, $0x1  }
0x60: {  	v4 =	vand.u32 $0x7, v4;
	v5 =	vand.u32 $0xFFFFFFF0, v5  }
0x61: {  	v4 =	vor.u32 v4, v5  }
0x62: {  	v5 =	vperm.xlane v4, v1;
	_ =	sdelay $0x1  }
0x63: {  	v4 =	vperm.xlane v4, v3;
	v5 =	vadd.s32 v2, v5;
	_ =	sdelay $0x1  }
0x64: {  	v4 =	vadd.s32 v2, v4;
	_ =	sdelay $0x1  }
0x65: {  	s16 =	simm.s32 $0x5600  }
0x66: {  	[tilespmem:s16], [sflag:$0x5] =	stream.indirect_vreg.gather [hbm4b:s1+s4], $0x80, v5, vm0, $0xb8;
	[tilespmem:$0x18880] =	vst v63  }
0x67: {  	s17 =	simm.s32 $0x5E00  }
0x68: {  	[tilespmem:s17], [sflag:$0x5] =	stream.indirect_vreg.gather [hbm4b:s1+s4], $0x80, v4, vm0, $0xb8;
	[tilespmem:$0x18880] =	vst v63  }
0x69: {  	v4 =	vld [tilespmem:$0x220];
	_ =	sdelay $0x4  }
0x6a: {  	v5 =	vshll.u32 v4, $0x1  }
0x6b: {  	v4 =	vand.u32 $0x7, v4;
	v5 =	vand.u32 $0xFFFFFFF0, v5  }
0x6c: {  	v4 =	vor.u32 v4, v5  }
0x6d: {  	v5 =	vperm.xlane v4, v1;
	_ =	sdelay $0x1  }
0x6e: {  	v4 =	vperm.xlane v4, v3;
	v5 =	vadd.s32 v2, v5;
	_ =	sdelay $0x1  }
0x6f: {  	v4 =	vadd.s32 v2, v4;
	_ =	sdelay $0x1  }
0x70: {  	s18 =	simm.s32 $0x6600  }
0x71: {  	[tilespmem:s18], [sflag:$0x5] =	stream.indirect_vreg.gather [hbm4b:s1+s4], $0x80, v5, vm0, $0xb8;
	[tilespmem:$0x18880] =	vst v63  }
0x72: {  	s7 =	simm.s32 $0x6E00  }
0x73: {  	[tilespmem:s7], [sflag:$0x5] =	stream.indirect_vreg.gather [hbm4b:s1+s4], $0x80, v4, vm0, $0xb8;
	[tilespmem:$0x18880] =	vst v63  }
0x74: {  	v4 =	vld [tilespmem:$0x230];
	_ =	sdelay $0x4  }
0x75: {  	v5 =	vshll.u32 v4, $0x1  }
0x76: {  	v4 =	vand.u32 $0x7, v4;
	v5 =	vand.u32 $0xFFFFFFF0, v5  }
0x77: {  	v4 =	vor.u32 v4, v5  }
0x78: {  	v5 =	vperm.xlane v4, v1;
	_ =	sdelay $0x1  }
0x79: {  	v4 =	vperm.xlane v4, v3;
	v5 =	vadd.s32 v2, v5;
	_ =	sdelay $0x1  }
0x7a: {  	v4 =	vadd.s32 v2, v4;
	_ =	sdelay $0x1  }
0x7b: {  	s9 =	simm.s32 $0x7600  }
0x7c: {  	[tilespmem:s9], [sflag:$0x5] =	stream.indirect_vreg.gather [hbm4b:s1+s4], $0x80, v5, vm0, $0xb8;
	[tilespmem:$0x18880] =	vst v63  }
0x7d: {  	s10 =	simm.s32 $0x7E00  }
0x7e: {  	[tilespmem:s10], [sflag:$0x5] =	stream.indirect_vreg.gather [hbm4b:s1+s4], $0x80, v4, vm0, $0xb8;
	[tilespmem:$0x18880] =	vst v63  }
0x7f: {  	v4 =	vld [tilespmem:$0x400];
	_ =	sdelay $0x4  }
0x80: {  	v5 =	vshll.u32 v4, $0x1  }
0x81: {  	v4 =	vand.u32 $0x7, v4;
	v5 =	vand.u32 $0xFFFFFFF0, v5  }
0x82: {  	v4 =	vor.u32 v4, v5  }
0x83: {  	v5 =	vperm.xlane v4, v1;
	_ =	sdelay $0x1  }
0x84: {  	v4 =	vperm.xlane v4, v3;
	v5 =	vadd.s32 v2, v5;
	_ =	sdelay $0x1  }
0x85: {  	v4 =	vadd.s32 v2, v4;
	_ =	sdelay $0x1  }
0x86: {  	s11 =	simm.s32 $0x8600  }
0x87: {  	[tilespmem:s11], [sflag:$0x6] =	stream.indirect_vreg.gather [hbm4b:s5+s4], $0x80, v5, vm0, $0xb8;
	[tilespmem:$0x18880] =	vst v63  }
0x88: {  	s12 =	simm.s32 $0x8E00  }
0x89: {  	[tilespmem:s12], [sflag:$0x6] =	stream.indirect_vreg.gather [hbm4b:s5+s4], $0x80, v4, vm0, $0xb8;
	[tilespmem:$0x18880] =	vst v63  }
0x8a: {  	v4 =	vld [tilespmem:$0x410];
	_ =	sdelay $0x4  }
0x8b: {  	v5 =	vshll.u32 v4, $0x1  }
0x8c: {  	v4 =	vand.u32 $0x7, v4;
	v5 =	vand.u32 $0xFFFFFFF0, v5  }
0x8d: {  	v4 =	vor.u32 v4, v5  }
0x8e: {  	v5 =	vperm.xlane v4, v1;
	_ =	sdelay $0x1  }
0x8f: {  	v4 =	vperm.xlane v4, v3;
	v5 =	vadd.s32 v2, v5;
	_ =	sdelay $0x1  }
0x90: {  	v4 =	vadd.s32 v2, v4;
	_ =	sdelay $0x1  }
0x91: {  	s13 =	simm.s32 $0x9600  }
0x92: {  	[tilespmem:s13], [sflag:$0x6] =	stream.indirect_vreg.gather [hbm4b:s5+s4], $0x80, v5, vm0, $0xb8;
	[tilespmem:$0x18880] =	vst v63  }
0x93: {  	s14 =	simm.s32 $0x9E00  }
0x94: {  	[tilespmem:s14], [sflag:$0x6] =	stream.indirect_vreg.gather [hbm4b:s5+s4], $0x80, v4, vm0, $0xb8;
	[tilespmem:$0x18880] =	vst v63  }
0x95: {  	v4 =	vld [tilespmem:$0x420];
	_ =	sdelay $0x4  }
0x96: {  	v5 =	vshll.u32 v4, $0x1  }
0x97: {  	v4 =	vand.u32 $0x7, v4;
	v5 =	vand.u32 $0xFFFFFFF0, v5  }
0x98: {  	v4 =	vor.u32 v4, v5  }
0x99: {  	v5 =	vperm.xlane v4, v1;
	_ =	sdelay $0x1  }
0x9a: {  	v4 =	vperm.xlane v4, v3;
	v5 =	vadd.s32 v2, v5;
	_ =	sdelay $0x1  }
0x9b: {  	v4 =	vadd.s32 v2, v4;
	_ =	sdelay $0x1  }
0x9c: {  	s15 =	simm.s32 $0xA600  }
0x9d: {  	[tilespmem:s15], [sflag:$0x6] =	stream.indirect_vreg.gather [hbm4b:s5+s4], $0x80, v5, vm0, $0xb8;
	[tilespmem:$0x18880] =	vst v63  }
0x9e: {  	s16 =	simm.s32 $0xAE00  }
0x9f: {  	[tilespmem:s16], [sflag:$0x6] =	stream.indirect_vreg.gather [hbm4b:s5+s4], $0x80, v4, vm0, $0xb8;
	[tilespmem:$0x18880] =	vst v63  }
0xa0: {  	v4 =	vld [tilespmem:$0x430];
	_ =	sdelay $0x4  }
0xa1: {  	v5 =	vshll.u32 v4, $0x1  }
0xa2: {  	v4 =	vand.u32 $0x7, v4;
	v5 =	vand.u32 $0xFFFFFFF0, v5  }
0xa3: {  	v4 =	vor.u32 v4, v5  }
0xa4: {  	v5 =	vperm.xlane v4, v1;
	_ =	sdelay $0x1  }
0xa5: {  	v4 =	vperm.xlane v4, v3;
	v5 =	vadd.s32 v2, v5;
	_ =	sdelay $0x1  }
0xa6: {  	v4 =	vadd.s32 v2, v4;
	_ =	sdelay $0x1  }
0xa7: {  	s17 =	simm.s32 $0xB600  }
0xa8: {  	[tilespmem:s17], [sflag:$0x6] =	stream.indirect_vreg.gather [hbm4b:s5+s4], $0x80, v5, vm0, $0xb8;
	[tilespmem:$0x18880] =	vst v63  }
0xa9: {  	s3 =	simm.s32 $0x0;
	s18 =	simm.s32 $0xBE00  }
0xaa: {  	[tilespmem:s18], [sflag:$0x6] =	stream.indirect_vreg.gather [hbm4b:s5+s4], $0x80, v4, vm0, $0xb8;
	[tilespmem:$0x18880] =	vst v63  }
.LBB2_2:
0xab: {  	s17 =	sshll.u32 s3, $0x7  }
0xac: {  	v4 =	vld [tilespmem:s17+$0x40];
	_ =	sdelay $0x4  }
0xad: {  	v5 =	vshll.u32 v4, $0x1  }
0xae: {  	v4 =	vand.u32 $0x7, v4;
	v5 =	vand.u32 $0xFFFFFFF0, v5  }
0xaf: {  	v4 =	vor.u32 v4, v5  }
0xb0: {  	v5 =	vperm.xlane v4, v1;
	_ =	sdelay $0x1  }
0xb1: {  	v4 =	vperm.xlane v4, v3;
	v5 =	vadd.s32 v2, v5;
	_ =	sdelay $0x1  }
0xb2: {  	v4 =	vadd.s32 v2, v4;
	_ =	sdelay $0x1  }
0xb3: {  	s14 =	simm.s32 $0x0;
	s7 =	simm.s32 $0xC600  }
0xb4: {  	[tilespmem:s7], [sflag:$0x7] =	stream.indirect_vreg.gather [hbm4b:s1+s14], $0x80, v5, vm0, $0xb8;
	[tilespmem:$0x18880] =	vst v63  }
0xb5: {  	s13 =	simm.s32 $0xCE00  }
0xb6: {  	[tilespmem:s13], [sflag:$0x7] =	stream.indirect_vreg.gather [hbm4b:s1+s14], $0x80, v4, vm0, $0xb8;
	[tilespmem:$0x18880] =	vst v63  }
0xb7: {  	v4 =	vld [tilespmem:s17+$0x50];
	_ =	sdelay $0x4  }
0xb8: {  	v5 =	vshll.u32 v4, $0x1  }
0xb9: {  	v4 =	vand.u32 $0x7, v4;
	v5 =	vand.u32 $0xFFFFFFF0, v5  }
0xba: {  	v4 =	vor.u32 v4, v5  }
0xbb: {  	v5 =	vperm.xlane v4, v1;
	_ =	sdelay $0x1  }
0xbc: {  	v4 =	vperm.xlane v4, v3;
	v5 =	vadd.s32 v2, v5;
	_ =	sdelay $0x1  }
0xbd: {  	v4 =	vadd.s32 v2, v4;
	_ =	sdelay $0x1  }
0xbe: {  	s15 =	simm.s32 $0xD600  }
0xbf: {  	[tilespmem:s15], [sflag:$0x7] =	stream.indirect_vreg.gather [hbm4b:s1+s14], $0x80, v5, vm0, $0xb8;
	[tilespmem:$0x18880] =	vst v63  }
0xc0: {  	s16 =	simm.s32 $0xDE00  }
0xc1: {  	[tilespmem:s16], [sflag:$0x7] =	stream.indirect_vreg.gather [hbm4b:s1+s14], $0x80, v4, vm0, $0xb8;
	[tilespmem:$0x18880] =	vst v63  }
0xc2: {  	v4 =	vld [tilespmem:s17+$0x60];
	_ =	sdelay $0x4  }
0xc3: {  	v5 =	vshll.u32 v4, $0x1  }
0xc4: {  	v4 =	vand.u32 $0x7, v4;
	v5 =	vand.u32 $0xFFFFFFF0, v5  }
0xc5: {  	v4 =	vor.u32 v4, v5  }
0xc6: {  	v5 =	vperm.xlane v4, v1;
	_ =	sdelay $0x1  }
0xc7: {  	v4 =	vperm.xlane v4, v3;
	v5 =	vadd.s32 v2, v5;
	_ =	sdelay $0x1  }
0xc8: {  	v4 =	vadd.s32 v2, v4;
	_ =	sdelay $0x1  }
0xc9: {  	s18 =	simm.s32 $0xE600  }
0xca: {  	[tilespmem:s18], [sflag:$0x7] =	stream.indirect_vreg.gather [hbm4b:s1+s14], $0x80, v5, vm0, $0xb8;
	[tilespmem:$0x18880] =	vst v63  }
0xcb: {  	s9 =	simm.s32 $0xEE00  }
0xcc: {  	[tilespmem:s9], [sflag:$0x7] =	stream.indirect_vreg.gather [hbm4b:s1+s14], $0x80, v4, vm0, $0xb8;
	[tilespmem:$0x18880] =	vst v63  }
0xcd: {  	v4 =	vld [tilespmem:s17+$0x70];
	_ =	sdelay $0x4  }
0xce: {  	v5 =	vshll.u32 v4, $0x1  }
0xcf: {  	v4 =	vand.u32 $0x7, v4;
	v5 =	vand.u32 $0xFFFFFFF0, v5  }
0xd0: {  	v4 =	vor.u32 v4, v5  }
0xd1: {  	v5 =	vperm.xlane v4, v1;
	_ =	sdelay $0x1  }
0xd2: {  	v4 =	vperm.xlane v4, v3;
	v5 =	vadd.s32 v2, v5;
	_ =	sdelay $0x1  }
0xd3: {  	v4 =	vadd.s32 v2, v4;
	_ =	sdelay $0x1  }
0xd4: {  	s10 =	simm.s32 $0xF600  }
0xd5: {  	[tilespmem:s10], [sflag:$0x7] =	stream.indirect_vreg.gather [hbm4b:s1+s14], $0x80, v5, vm0, $0xb8;
	[tilespmem:$0x18880] =	vst v63  }
0xd6: {  	s11 =	simm.s32 $0xFE00  }
0xd7: {  	[tilespmem:s11], [sflag:$0x7] =	stream.indirect_vreg.gather [hbm4b:s1+s14], $0x80, v4, vm0, $0xb8;
	[tilespmem:$0x18880] =	vst v63  }
0xd8: {  	v4 =	vld [tilespmem:s17+$0x240];
	_ =	sdelay $0x4  }
0xd9: {  	v5 =	vshll.u32 v4, $0x1  }
0xda: {  	v4 =	vand.u32 $0x7, v4;
	v5 =	vand.u32 $0xFFFFFFF0, v5  }
0xdb: {  	v4 =	vor.u32 v4, v5  }
0xdc: {  	v5 =	vperm.xlane v4, v1;
	_ =	sdelay $0x1  }
0xdd: {  	v4 =	vperm.xlane v4, v3;
	v5 =	vadd.s32 v2, v5;
	_ =	sdelay $0x1  }
0xde: {  	v4 =	vadd.s32 v2, v4;
	_ =	sdelay $0x1  }
0xdf: {  	s12 =	simm.s32 $0x10600  }
0xe0: {  	[tilespmem:s12], [sflag:$0x8] =	stream.indirect_vreg.gather [hbm4b:s1+s14], $0x80, v5, vm0, $0xb8;
	[tilespmem:$0x18880] =	vst v63  }
0xe1: {  	s13 =	simm.s32 $0x10E00  }
0xe2: {  	[tilespmem:s13], [sflag:$0x8] =	stream.indirect_vreg.gather [hbm4b:s1+s14], $0x80, v4, vm0, $0xb8;
	[tilespmem:$0x18880] =	vst v63  }
0xe3: {  	v4 =	vld [tilespmem:s17+$0x250];
	_ =	sdelay $0x4  }
0xe4: {  	v5 =	vshll.u32 v4, $0x1  }
0xe5: {  	v4 =	vand.u32 $0x7, v4;
	v5 =	vand.u32 $0xFFFFFFF0, v5  }
0xe6: {  	v4 =	vor.u32 v4, v5  }
0xe7: {  	v5 =	vperm.xlane v4, v1;
	_ =	sdelay $0x1  }
0xe8: {  	v4 =	vperm.xlane v4, v3;
	v5 =	vadd.s32 v2, v5;
	_ =	sdelay $0x1  }
0xe9: {  	v4 =	vadd.s32 v2, v4;
	_ =	sdelay $0x1  }
0xea: {  	s15 =	simm.s32 $0x11600  }
0xeb: {  	[tilespmem:s15], [sflag:$0x8] =	stream.indirect_vreg.gather [hbm4b:s1+s14], $0x80, v5, vm0, $0xb8;
	[tilespmem:$0x18880] =	vst v63  }
0xec: {  	s16 =	simm.s32 $0x11E00  }
0xed: {  	[tilespmem:s16], [sflag:$0x8] =	stream.indirect_vreg.gather [hbm4b:s1+s14], $0x80, v4, vm0, $0xb8;
	[tilespmem:$0x18880] =	vst v63  }
0xee: {  	v4 =	vld [tilespmem:s17+$0x260];
	_ =	sdelay $0x4  }
0xef: {  	v5 =	vshll.u32 v4, $0x1  }
0xf0: {  	v4 =	vand.u32 $0x7, v4;
	v5 =	vand.u32 $0xFFFFFFF0, v5  }
0xf1: {  	v4 =	vor.u32 v4, v5  }
0xf2: {  	v5 =	vperm.xlane v4, v1;
	_ =	sdelay $0x1  }
0xf3: {  	v4 =	vperm.xlane v4, v3;
	v5 =	vadd.s32 v2, v5;
	_ =	sdelay $0x1  }
0xf4: {  	v4 =	vadd.s32 v2, v4;
	_ =	sdelay $0x1  }
0xf5: {  	s18 =	simm.s32 $0x12600  }
0xf6: {  	[tilespmem:s18], [sflag:$0x8] =	stream.indirect_vreg.gather [hbm4b:s1+s14], $0x80, v5, vm0, $0xb8;
	[tilespmem:$0x18880] =	vst v63  }
0xf7: {  	s9 =	simm.s32 $0x12E00  }
0xf8: {  	[tilespmem:s9], [sflag:$0x8] =	stream.indirect_vreg.gather [hbm4b:s1+s14], $0x80, v4, vm0, $0xb8;
	[tilespmem:$0x18880] =	vst v63  }
0xf9: {  	v4 =	vld [tilespmem:s17+$0x270];
	_ =	sdelay $0x4  }
0xfa: {  	v5 =	vshll.u32 v4, $0x1  }
0xfb: {  	v4 =	vand.u32 $0x7, v4;
	v5 =	vand.u32 $0xFFFFFFF0, v5  }
0xfc: {  	v4 =	vor.u32 v4, v5  }
0xfd: {  	v5 =	vperm.xlane v4, v1;
	_ =	sdelay $0x1  }
0xfe: {  	v4 =	vperm.xlane v4, v3;
	v5 =	vadd.s32 v2, v5;
	_ =	sdelay $0x1  }
0xff: {  	v4 =	vadd.s32 v2, v4;
	_ =	sdelay $0x1  }
0x100: {  	s10 =	simm.s32 $0x13600  }
0x101: {  	[tilespmem:s10], [sflag:$0x8] =	stream.indirect_vreg.gather [hbm4b:s1+s14], $0x80, v5, vm0, $0xb8;
	[tilespmem:$0x18880] =	vst v63  }
0x102: {  	s11 =	simm.s32 $0x13E00  }
0x103: {  	[tilespmem:s11], [sflag:$0x8] =	stream.indirect_vreg.gather [hbm4b:s1+s14], $0x80, v4, vm0, $0xb8;
	[tilespmem:$0x18880] =	vst v63  }
0x104: {  	v4 =	vld [tilespmem:s17+$0x440];
	_ =	sdelay $0x4  }
0x105: {  	v5 =	vshll.u32 v4, $0x1  }
0x106: {  	v4 =	vand.u32 $0x7, v4;
	v5 =	vand.u32 $0xFFFFFFF0, v5  }
0x107: {  	v4 =	vor.u32 v4, v5  }
0x108: {  	v5 =	vperm.xlane v4, v1;
	_ =	sdelay $0x1  }
0x109: {  	v4 =	vperm.xlane v4, v3;
	v5 =	vadd.s32 v2, v5;
	_ =	sdelay $0x1  }
0x10a: {  	v4 =	vadd.s32 v2, v4;
	_ =	sdelay $0x1  }
0x10b: {  	s12 =	simm.s32 $0x14600  }
0x10c: {  	[tilespmem:s12], [sflag:$0x9] =	stream.indirect_vreg.gather [hbm4b:s5+s14], $0x80, v5, vm0, $0xb8;
	[tilespmem:$0x18880] =	vst v63  }
0x10d: {  	s13 =	simm.s32 $0x14E00  }
0x10e: {  	[tilespmem:s13], [sflag:$0x9] =	stream.indirect_vreg.gather [hbm4b:s5+s14], $0x80, v4, vm0, $0xb8;
	[tilespmem:$0x18880] =	vst v63  }
0x10f: {  	v4 =	vld [tilespmem:s17+$0x450];
	_ =	sdelay $0x4  }
0x110: {  	v5 =	vshll.u32 v4, $0x1  }
0x111: {  	v4 =	vand.u32 $0x7, v4;
	v5 =	vand.u32 $0xFFFFFFF0, v5  }
0x112: {  	v4 =	vor.u32 v4, v5  }
0x113: {  	v5 =	vperm.xlane v4, v1;
	_ =	sdelay $0x1  }
0x114: {  	v4 =	vperm.xlane v4, v3;
	v5 =	vadd.s32 v2, v5;
	_ =	sdelay $0x1  }
0x115: {  	v4 =	vadd.s32 v2, v4;
	_ =	sdelay $0x1  }
0x116: {  	s15 =	simm.s32 $0x15600  }
0x117: {  	[tilespmem:s15], [sflag:$0x9] =	stream.indirect_vreg.gather [hbm4b:s5+s14], $0x80, v5, vm0, $0xb8;
	[tilespmem:$0x18880] =	vst v63  }
0x118: {  	s16 =	simm.s32 $0x15E00  }
0x119: {  	[tilespmem:s16], [sflag:$0x9] =	stream.indirect_vreg.gather [hbm4b:s5+s14], $0x80, v4, vm0, $0xb8;
	[tilespmem:$0x18880] =	vst v63  }
0x11a: {  	v4 =	vld [tilespmem:s17+$0x460];
	_ =	sdelay $0x4  }
0x11b: {  	v5 =	vshll.u32 v4, $0x1  }
0x11c: {  	v4 =	vand.u32 $0x7, v4;
	v5 =	vand.u32 $0xFFFFFFF0, v5  }
0x11d: {  	v4 =	vor.u32 v4, v5  }
0x11e: {  	v5 =	vperm.xlane v4, v1;
	_ =	sdelay $0x1  }
0x11f: {  	v4 =	vperm.xlane v4, v3;
	v5 =	vadd.s32 v2, v5;
	_ =	sdelay $0x1  }
0x120: {  	v4 =	vadd.s32 v2, v4;
	_ =	sdelay $0x1  }
0x121: {  	s18 =	simm.s32 $0x16600  }
0x122: {  	[tilespmem:s18], [sflag:$0x9] =	stream.indirect_vreg.gather [hbm4b:s5+s14], $0x80, v5, vm0, $0xb8;
	[tilespmem:$0x18880] =	vst v63  }
0x123: {  	_ = 	snop  }
0x124: {  	[tilespmem:s19], [sflag:$0x9] =	stream.indirect_vreg.gather [hbm4b:s5+s14], $0x80, v4, vm0, $0xb8;
	[tilespmem:$0x18880] =	vst v63  }
0x125: {  	v4 =	vld [tilespmem:s17+$0x470];
	_ =	sdelay $0x4  }
0x126: {  	v5 =	vshll.u32 v4, $0x1  }
0x127: {  	v4 =	vand.u32 $0x7, v4;
	v5 =	vand.u32 $0xFFFFFFF0, v5  }
0x128: {  	v4 =	vor.u32 v4, v5  }
0x129: {  	v5 =	vperm.xlane v4, v1;
	_ =	sdelay $0x1  }
0x12a: {  	v4 =	vperm.xlane v4, v3;
	v5 =	vadd.s32 v2, v5;
	_ =	sdelay $0x1  }
0x12b: {  	v4 =	vadd.s32 v2, v4;
	_ =	sdelay $0x2  }
0x12c: {  	[tilespmem:s20], [sflag:$0x9] =	stream.indirect_vreg.gather [hbm4b:s5+s14], $0x80, v5, vm0, $0xb8;
	[tilespmem:$0x18880] =	vst v63  }
0x12d: {  	_ = 	snop  }
0x12e: {  	[tilespmem:s8], [sflag:$0x9] =	stream.indirect_vreg.gather [hbm4b:s5+s14], $0x80, v4, vm0, $0xb8;
	[tilespmem:$0x18880] =	vst v63  }
0x12f: {  	_ =	swait.ge [sflag:s23], $0x4000  }
0x130: {  	[sflag:s23] =	ssyncset.done $0x0  }
0x131: {  	[sflag:s23] =	ssyncadd.s32 $0xFFFFC000  }
0x132: {  	_ =	swait.ge [sflag:s24], $0x4000  }
0x133: {  	[sflag:s24] =	ssyncset.done $0x0  }
0x134: {  	[sflag:s24] =	ssyncadd.s32 $0xFFFFC000  }
0x135: {  	_ =	swait.ge [sflag:s25], $0x4000  }
0x136: {  	[sflag:s25] =	ssyncset.done $0x0  }
0x137: {  	[sflag:s25] =	ssyncadd.s32 $0xFFFFC000  }
0x138: {  	_ =	swait.ge [sflag:s26], $0x40  }
0x139: {  	[sflag:s26] =	ssyncset.done $0x0  }
0x13a: {  	s15 =	simm.s32 $0x0;
	s16 =	sor.u32 $0x40, s17;
	[sflag:s26] =	ssyncadd.s32 $0xFFFFFFC0  }
.LBB2_3:
0x13b: {  	s9 =	sshll.u32 s15, $0xC;
	s7 =	sand.u32 $0x800, s14  }
0x13c: {  	s10 =	sand.u32 $0x380, s14;
	s7 =	sor.u32 s9, s7  }
0x13d: {  	s11 =	sor.u32 s10, s7  }
0x13e: {  	v4 =	vld [tilespmem:s11+$0x4A20]  }
0x13f: {  	v5 =	vld [tilespmem:s11+$0x4620]  }
0x140: {  	v6 =	vld [tilespmem:s11+$0xA20]  }
0x141: {  	v7 =	vld [tilespmem:s11+$0x4610]  }
0x142: {  	v8 =	vld [tilespmem:s11+$0x8A20]  }
0x143: {  	v9 =	vld [tilespmem:s11+$0x620]  }
0x144: {  	v10 =	vld [tilespmem:s11+$0x8620]  }
0x145: {  	v11 =	vld [tilespmem:s11+$0x8610]  }
0x146: {  	v12 =	vld [tilespmem:s11+$0x610]  }
0x147: {  	v13 =	vld [tilespmem:s11+$0xA10]  }
0x148: {  	v14 =	vld [tilespmem:s11+$0x8A10]  }
0x149: {  	v15 =	vld [tilespmem:s11+$0xA00]  }
0x14a: {  	v18 =	vld [tilespmem:s11+$0x600];
	v16 =	vmul.f32 v9, v8;
	v17 =	vmul.f32 v6, v10  }
0x14b: {  	v9 =	vmul.f32 v9, v10;
	v10 =	vld [tilespmem:s11+$0x8A00];
	v6 =	vmul.f32 v6, v8  }
0x14c: {  	v19 =	vmul.f32 v12, v11;
	v8 =	vadd.f32 v17, v16;
	v16 =	vld [tilespmem:s11+$0x8600]  }
0x14d: {  	v11 =	vmul.f32 v13, v11;
	v13 =	vmul.f32 v13, v14;
	v17 =	vld [tilespmem:s11+$0x4A10];
	v6 =	vsub.f32 v9, v6  }
0x14e: {  	v12 =	vmul.f32 v12, v14;
	v4 =	vsub.f32 v8, v4  }
0x14f: {  	v8 =	vsub.f32 v19, v13;
	v5 =	vsub.f32 v6, v5  }
0x150: {  	v9 =	vadd.f32 v11, v12;
	v11 =	vld [tilespmem:s11+$0x4600];
	v13 =	vmul.f32 v15, v10;
	v4 =	vmul.f32 v4, v4  }
0x151: {  	v6 =	vld [tilespmem:s11+$0xA30];
	v7 =	vsub.f32 v8, v7;
	v5 =	vmul.f32 v5, v5;
	v12 =	vmul.f32 v18, v16  }
0x152: {  	v8 =	vsub.f32 v9, v17;
	v9 =	vmul.f32 v18, v10;
	v10 =	vmul.f32 v15, v16;
	v15 =	vld [tilespmem:s11+$0x8A30]  }
0x153: {  	v14 =	vld [tilespmem:s11+$0x630];
	v7 =	vmul.f32 v7, v7  }
0x154: {  	v5 =	vadd.f32 v4, v5;
	v4 =	vld [tilespmem:s11+$0x8630];
	v12 =	vsub.f32 v12, v13;
	v8 =	vmul.f32 v8, v8  }
0x155: {  	v13 =	vld [tilespmem:s11+$0x4A00];
	v9 =	vadd.f32 v10, v9  }
0x156: {  	v20 =	vld [tilespmem:s11+$0x8A40];
	v11 =	vsub.f32 v12, v11;
	v7 =	vadd.f32 v8, v7  }
0x157: {  	v22 =	vld [tilespmem:s11+$0x4A30];
	v8 =	vshra.s32 v5, $0x1;
	v12 =	vmul.f32 $5.000000000e-01, v5;
	v19 =	vmul.f32 v6, v15  }
0x158: {  	v16 =	vld [tilespmem:s11+$0x640];
	v8 =	vsub.s32 $0x5F3759DF, v8;
	v15 =	vmul.f32 v14, v15;
	v18 =	vmul.f32 $5.000000000e-01, v7  }
0x159: {  	v10 =	vld [tilespmem:s11+$0xA40];
	v17 =	vshra.s32 v7, $0x1;
	v21 =	vmul.f32 v8, v12;
	v6 =	vmul.f32 v6, v4  }
0x15a: {  	v4 =	vmul.f32 v14, v4;
	v14 =	vld [tilespmem:s11+$0x8640];
	v17 =	vsub.s32 $0x5F3759DF, v17;
	v9 =	vsub.f32 v9, v13  }
0x15b: {  	v23 =	vld [tilespmem:s11+$0x4630];
	v11 =	vmul.f32 v11, v11;
	v13 =	vmul.f32 v17, v18  }
0x15c: {  	v24 =	vld [tilespmem:s11+$0x650];
	v21 =	vmul.f32 v8, v21;
	v9 =	vmul.f32 v9, v9  }
0x15d: {  	v26 =	vld [tilespmem:s11+$0x8A50];
	v6 =	vadd.f32 v6, v15;
	v19 =	vsub.f32 v4, v19;
	v13 =	vmul.f32 v17, v13  }
0x15e: {  	v25 =	vmul.f32 v10, v20;
	v15 =	vld [tilespmem:s11+$0xA50];
	v21 =	vsub.f32 $1.500000000e+00, v21;
	v4 =	vadd.f32 v9, v11  }
0x15f: {  	v11 =	vmul.f32 v16, v20;
	v20 =	vld [tilespmem:s11+$0x8650];
	v10 =	vmul.f32 v10, v14;
	v9 =	vsub.f32 $1.500000000e+00, v13  }
0x160: {  	v14 =	vmul.f32 v16, v14;
	v16 =	vld [tilespmem:s11+$0x660];
	v8 =	vmul.f32 v8, v21  }
0x161: {  	v6 =	vsub.f32 v6, v22;
	v13 =	vsub.f32 v19, v23;
	v19 =	vld [tilespmem:s11+$0x4A40];
	v9 =	vmul.f32 v17, v9  }
0x162: {  	v23 =	vmul.f32 v24, v26;
	v10 =	vadd.f32 v10, v11;
	v11 =	vld [tilespmem:s11+$0x8A60];
	v12 =	vmul.f32 v8, v12  }
0x163: {  	v22 =	vld [tilespmem:s11+$0xA60];
	v17 =	vshra.s32 v4, $0x1;
	v13 =	vmul.f32 v13, v13;
	v18 =	vmul.f32 v9, v18  }
0x164: {  	v21 =	vsub.s32 $0x5F3759DF, v17;
	v17 =	vmul.f32 v15, v26;
	v12 =	vmul.f32 v12, v8  }
0x165: {  	v60 =	vld [tilespmem:s11+$0x8660];
	v24 =	vmul.f32 v24, v20;
	v18 =	vmul.f32 v18, v9  }
0x166: {  	v27 =	vld [tilespmem:s11+$0x4640];
	v15 =	vmul.f32 v15, v20;
	v19 =	vsub.f32 v10, v19;
	v10 =	vmul.f32 $5.000000000e-01, v4  }
0x167: {  	v20 =	vld [tilespmem:s11+$0x4650];
	v12 =	vsub.f32 $1.500000000e+00, v12;
	v61 =	vmul.f32 v16, v11;
	v18 =	vsub.f32 $1.500000000e+00, v18  }
0x168: {  	v15 =	vadd.f32 v15, v23;
	v23 =	vld [tilespmem:s11+$0x4A50];
	v11 =	vmul.f32 v22, v11;
	v19 =	vmul.f32 v19, v19  }
0x169: {  	v14 =	vsub.f32 v14, v25;
	v8 =	vmul.f32 v12, v8;
	v9 =	vmul.f32 v18, v9  }
0x16a: {  	v12 =	vsub.f32 v24, v17;
	v17 =	vmul.f32 v6, v6;
	v18 =	vmul.f32 v21, v10  }
0x16b: {  	v62 =	vld [tilespmem:s11+$0x4A60];
	v5 =	vmul.f32 v8, v5;
	v8 =	vsub.f32 v14, v27;
	v6 =	vmul.f32 v9, v7  }
0x16c: {  	v20 =	vsub.f32 v12, v20;
	v9 =	vmul.f32 v22, v60;
	v14 =	vmul.f32 v21, v18  }
0x16d: {  	v23 =	vsub.f32 v15, v23;
	v7 =	vadd.f32 v17, v13;
	v8 =	vmul.f32 v8, v8;
	v18 =	vld [tilespmem:s11+$0x4660]  }
0x16e: {  	v12 =	vld [tilespmem:s11+$0xA70];
	v22 =	vmul.f32 v16, v60;
	v63 =	vsub.f32 $1.500000000e+00, v14;
	v25 =	vadd.f32 v9, v61  }
0x16f: {  	v17 =	vmul.f32 v20, v20;
	v14 =	vld [tilespmem:s11+$0x8A70];
	v16 =	vshra.s32 v7, $0x1;
	v8 =	vadd.f32 v19, v8  }
0x170: {  	s12 =	simm.s32 $0x100;
	v15 =	vld [tilespmem:s11+$0x670];
	v20 =	vsub.f32 v22, v11;
	v9 =	vmul.f32 v21, v63;
	v19 =	vsub.f32 v25, v62  }
0x171: {  	s13 =	simm.s32 $0x0;
	s7 =	simm.s32 $0x0;
	s10 =	simm.s32 $0x0;
	v13 =	vld [tilespmem:s11+$0x8670];
	v22 =	vshra.s32 v8, $0x1;
	v11 =	vmul.f32 $5.000000000e-01, v8;
	v21 =	vmul.f32 v23, v23  }
.LBB2_4:
0x172: {  	p0 =	sne.s32 s12, $0xF00;
	v23 =	vmul.f32 $5.000000000e-01, v7;
	v22 =	vsub.s32 $0x5F3759DF, v22;
	v18 =	vsub.f32 v20, v18;
	s13 =	sadd.s32 $0x11, s13;
	s7 =	sadd.s32 $0x80, s7  }
0x173: {  	v10 =	vmul.f32 v9, v10;
	v19 =	vmul.f32 v19, v19;
	s18 =	smov.u32 s12;
	s12 =	sadd.s32 $0x100, s12;
	v17 =	vadd.f32 v21, v17  }
0x174: {  	v16 =	vsub.s32 $0x5F3759DF, v16;
	v20 =	vmul.f32 v12, v14;
	v18 =	vmul.f32 v18, v18  }
0x175: {  	v21 =	vmul.f32 v22, v11;
	v24 =	vshra.s32 v17, $0x1;
	v14 =	vmul.f32 v15, v14  }
0x176: {  	v12 =	vmul.f32 v12, v13;
	v25 =	vmul.f32 $5.000000000e-01, v17;
	v18 =	vadd.f32 v19, v18;
	v19 =	vld [tilespmem:s11+$0x4A70]  }
0x177: {  	v26 =	vmul.f32 v16, v23;
	v21 =	vmul.f32 v22, v21;
	v27 =	vld [tilespmem:s11+$0x4670]  }
0x178: {  	v13 =	vmul.f32 v15, v13;
	v28 =	vshra.s32 v18, $0x1;
	v29 =	vmul.f32 $5.000000000e-01, v18  }
0x179: {  	v15 =	vsub.f32 $1.500000000e+00, v21;
	v12 =	vadd.f32 v12, v14;
	v21 =	vsub.s32 $0x5F3759DF, v28  }
0x17a: {  	v14 =	vsub.s32 $0x5F3759DF, v24;
	v13 =	vsub.f32 v13, v20;
	v24 =	vmul.f32 v21, v29  }
0x17b: {  	v20 =	vmul.f32 v16, v26;
	v15 =	vmul.f32 v22, v15;
	v12 =	vsub.f32 v12, v19  }
0x17c: {  	v10 =	vmul.f32 v10, v9;
	v19 =	vmul.f32 v21, v24;
	v13 =	vsub.f32 v13, v27  }
0x17d: {  	v20 =	vsub.f32 $1.500000000e+00, v20;
	v11 =	vmul.f32 v15, v11;
	v12 =	vmul.f32 v12, v12  }
0x17e: {  	v22 =	vmul.f32 v14, v25;
	v19 =	vsub.f32 $1.500000000e+00, v19;
	v13 =	vmul.f32 v13, v13  }
0x17f: {  	v10 =	vsub.f32 $1.500000000e+00, v10;
	v16 =	vmul.f32 v16, v20;
	v11 =	vmul.f32 v11, v15  }
0x180: {  	v20 =	vmul.f32 v14, v22;
	v19 =	vmul.f32 v21, v19;
	v12 =	vadd.f32 v12, v13  }
0x181: {  	v9 =	vmul.f32 v10, v9;
	v10 =	vmul.f32 v16, v23;
	v11 =	vsub.f32 $1.500000000e+00, v11  }
0x182: {  	v13 =	vsub.f32 $1.500000000e+00, v20;
	v20 =	vmul.f32 v19, v29;
	v21 =	vshra.s32 v12, $0x1  }
0x183: {  	v11 =	vmul.f32 v11, v15;
	v15 =	vmul.f32 $5.000000000e-01, v12  }
0x184: {  	v13 =	vmul.f32 v14, v13;
	v14 =	vmul.f32 v20, v19;
	v20 =	vsub.s32 $0x5F3759DF, v21  }
0x185: {  	v8 =	vmul.f32 v11, v8;
	v11 =	vmul.f32 v20, v15  }
0x186: {  	v10 =	vmul.f32 v10, v16;
	v21 =	vmul.f32 v13, v25;
	v14 =	vsub.f32 $1.500000000e+00, v14  }
0x187: {  	v4 =	vmul.f32 v9, v4;
	v9 =	vmul.f32 v20, v11  }
0x188: {  	v10 =	vsub.f32 $1.500000000e+00, v10;
	v11 =	vmul.f32 v21, v13;
	v14 =	vmul.f32 v14, v19  }
0x189: {  	v4 =	vadd.f32 $0.0e+00, v4;
	v9 =	vsub.f32 $1.500000000e+00, v9  }
0x18a: {  	v10 =	vmul.f32 v10, v16;
	v11 =	vsub.f32 $1.500000000e+00, v11;
	v14 =	vmul.f32 v14, v18  }
0x18b: {  	v4 =	vadd.f32 v6, v4;
	v6 =	vmul.f32 v20, v9  }
0x18c: {  	v7 =	vmul.f32 v10, v7;
	v9 =	vmul.f32 v11, v13  }
0x18d: {  	v4 =	vadd.f32 v5, v4;
	v5 =	vmul.f32 v6, v15  }
0x18e: {  	v9 =	vmul.f32 v9, v17  }
0x18f: {  	v4 =	vadd.f32 v7, v4;
	v5 =	vmul.f32 v5, v6;
	_ =	sdelay $0x1  }
0x190: {  	v4 =	vadd.f32 v8, v4;
	v5 =	vsub.f32 $1.500000000e+00, v5;
	_ =	sdelay $0x1  }
0x191: {  	v4 =	vadd.f32 v9, v4;
	v5 =	vmul.f32 v5, v6  }
0x192: {  	v6 =	vadd.s32 s10, v0;
	s10 =	smov.u32 s13  }
0x193: {  	v4 =	vadd.f32 v14, v4;
	v5 =	vmul.f32 v5, v12;
	_ =	sdelay $0x1  }
0x194: {  	s11 =	sand.u32 $0x800, s18;
	v4 =	vadd.f32 v5, v4  }
0x195: {  	s18 =	sand.u32 $0x380, s7;
	s11 =	sor.u32 s9, s11  }
0x196: {  	s11 =	sor.u32 s18, s11;
	[tilespmem:v6+s28+$0x0] =	vst.idx.msk $0xffff, v4  }
0x197: {  	v4 =	vld [tilespmem:s11+$0x4A20]  }
0x198: {  	v5 =	vld [tilespmem:s11+$0x4620]  }
0x199: {  	v6 =	vld [tilespmem:s11+$0xA20]  }
0x19a: {  	v7 =	vld [tilespmem:s11+$0x4610]  }
0x19b: {  	v8 =	vld [tilespmem:s11+$0x8A20]  }
0x19c: {  	v9 =	vld [tilespmem:s11+$0x620]  }
0x19d: {  	v10 =	vld [tilespmem:s11+$0x8620]  }
0x19e: {  	v11 =	vld [tilespmem:s11+$0x8610]  }
0x19f: {  	v12 =	vld [tilespmem:s11+$0x610]  }
0x1a0: {  	v13 =	vld [tilespmem:s11+$0xA10]  }
0x1a1: {  	v14 =	vld [tilespmem:s11+$0x8A10];
	v15 =	vmul.f32 v9, v8  }
0x1a2: {  	v16 =	vld [tilespmem:s11+$0xA00];
	v9 =	vmul.f32 v9, v10;
	v10 =	vmul.f32 v6, v10  }
0x1a3: {  	v17 =	vld [tilespmem:s11+$0x600]  }
0x1a4: {  	v6 =	vmul.f32 v6, v8;
	v18 =	vld [tilespmem:s11+$0x8A00];
	v19 =	vmul.f32 v12, v11;
	v8 =	vadd.f32 v10, v15  }
0x1a5: {  	v10 =	vld [tilespmem:s11+$0x8600];
	v11 =	vmul.f32 v13, v11  }
0x1a6: {  	v6 =	vsub.f32 v9, v6;
	v13 =	vmul.f32 v13, v14;
	v12 =	vmul.f32 v12, v14;
	v14 =	vld [tilespmem:s11+$0x4A10]  }
0x1a7: {  	v4 =	vsub.f32 v8, v4;
	v8 =	vld [tilespmem:s11+$0xA30]  }
0x1a8: {  	v9 =	vsub.f32 v19, v13;
	v11 =	vadd.f32 v11, v12;
	v12 =	vld [tilespmem:s11+$0x630]  }
0x1a9: {  	v5 =	vsub.f32 v6, v5;
	v4 =	vmul.f32 v4, v4;
	v13 =	vld [tilespmem:s11+$0x4600];
	v15 =	vmul.f32 v17, v18  }
0x1aa: {  	v6 =	vmul.f32 v17, v10;
	v17 =	vmul.f32 v16, v18;
	v18 =	vld [tilespmem:s11+$0x4A00];
	v7 =	vsub.f32 v9, v7  }
0x1ab: {  	v5 =	vmul.f32 v5, v5;
	v9 =	vmul.f32 v16, v10;
	v10 =	vsub.f32 v11, v14;
	v11 =	vld [tilespmem:s11+$0x8A30]  }
0x1ac: {  	v6 =	vsub.f32 v6, v17;
	v7 =	vmul.f32 v7, v7;
	v14 =	vld [tilespmem:s11+$0x8630]  }
0x1ad: {  	v5 =	vadd.f32 v4, v5;
	v9 =	vadd.f32 v9, v15;
	v10 =	vmul.f32 v10, v10  }
0x1ae: {  	v4 =	vsub.f32 v6, v13;
	v6 =	vld [tilespmem:s11+$0x650]  }
0x1af: {  	v9 =	vsub.f32 v9, v18;
	v7 =	vadd.f32 v10, v7;
	v10 =	vshra.s32 v5, $0x1;
	v13 =	vld [tilespmem:s11+$0xA40]  }
0x1b0: {  	v15 =	vmul.f32 $5.000000000e-01, v5;
	v4 =	vmul.f32 v4, v4;
	v10 =	vsub.s32 $0x5F3759DF, v10;
	v16 =	vld [tilespmem:s11+$0x640]  }
0x1b1: {  	v19 =	vmul.f32 v8, v11;
	v17 =	vshra.s32 v7, $0x1;
	v18 =	vmul.f32 $5.000000000e-01, v7;
	v20 =	vld [tilespmem:s11+$0x8A40]  }
0x1b2: {  	v11 =	vmul.f32 v12, v11;
	v21 =	vmul.f32 v10, v15;
	v17 =	vsub.s32 $0x5F3759DF, v17;
	v22 =	vld [tilespmem:s11+$0x4A30]  }
0x1b3: {  	v8 =	vmul.f32 v8, v14;
	v23 =	vmul.f32 v17, v18;
	v24 =	vld [tilespmem:s11+$0x4630]  }
0x1b4: {  	v12 =	vmul.f32 v12, v14;
	v21 =	vmul.f32 v10, v21;
	v14 =	vld [tilespmem:s11+$0x8640]  }
0x1b5: {  	v9 =	vmul.f32 v9, v9;
	v8 =	vadd.f32 v8, v11;
	v23 =	vmul.f32 v17, v23;
	v11 =	vld [tilespmem:s11+$0xA50]  }
0x1b6: {  	v12 =	vsub.f32 v12, v19;
	v21 =	vsub.f32 $1.500000000e+00, v21;
	v19 =	vmul.f32 v13, v20;
	v25 =	vld [tilespmem:s11+$0x8A50]  }
0x1b7: {  	v4 =	vadd.f32 v9, v4;
	v20 =	vmul.f32 v16, v20;
	v9 =	vsub.f32 $1.500000000e+00, v23;
	v23 =	vld [tilespmem:s11+$0x8650]  }
0x1b8: {  	v21 =	vmul.f32 v10, v21;
	v8 =	vsub.f32 v8, v22;
	v10 =	vsub.f32 v12, v24;
	v12 =	vld [tilespmem:s11+$0x4A40]  }
0x1b9: {  	v22 =	vshra.s32 v4, $0x1;
	v9 =	vmul.f32 v17, v9;
	v13 =	vmul.f32 v13, v14  }
0x1ba: {  	v22 =	vsub.s32 $0x5F3759DF, v22;
	v15 =	vmul.f32 v21, v15;
	v14 =	vmul.f32 v16, v14;
	v16 =	vld [tilespmem:s11+$0x660]  }
0x1bb: {  	v17 =	vmul.f32 v9, v18;
	v18 =	vmul.f32 v10, v10;
	v10 =	vadd.f32 v13, v20;
	v13 =	vld [tilespmem:s11+$0x8A60]  }
0x1bc: {  	v15 =	vmul.f32 v15, v21;
	v14 =	vsub.f32 v14, v19;
	v19 =	vmul.f32 v11, v25;
	v20 =	vld [tilespmem:s11+$0xA60]  }
0x1bd: {  	v24 =	vmul.f32 v6, v25;
	v17 =	vmul.f32 v17, v9;
	v12 =	vsub.f32 v10, v12;
	v25 =	vld [tilespmem:s11+$0x8660]  }
0x1be: {  	v6 =	vmul.f32 v6, v23;
	v10 =	vmul.f32 $5.000000000e-01, v4;
	v15 =	vsub.f32 $1.500000000e+00, v15;
	v26 =	vld [tilespmem:s11+$0x4640]  }
0x1bf: {  	v11 =	vmul.f32 v11, v23;
	v17 =	vsub.f32 $1.500000000e+00, v17;
	v27 =	vmul.f32 v12, v12;
	v12 =	vld [tilespmem:s11+$0x4650]  }
0x1c0: {  	v19 =	vsub.f32 v6, v19;
	v15 =	vmul.f32 v15, v21;
	v21 =	vmul.f32 v16, v13  }
0x1c1: {  	v8 =	vmul.f32 v8, v8;
	v6 =	vmul.f32 v17, v9;
	v9 =	vadd.f32 v11, v24  }
0x1c2: {  	v11 =	vmul.f32 v22, v10;
	v5 =	vmul.f32 v15, v5;
	v15 =	vld [tilespmem:s11+$0x4A50]  }
0x1c3: {  	v23 =	vmul.f32 v20, v25;
	v6 =	vmul.f32 v6, v7;
	v14 =	vsub.f32 v14, v26;
	v24 =	vld [tilespmem:s11+$0x4A60]  }
0x1c4: {  	v11 =	vmul.f32 v22, v11;
	v17 =	vsub.f32 v19, v12;
	v19 =	vmul.f32 v20, v13;
	v12 =	vld [tilespmem:s11+$0xA70]  }
.Ltmp0:
0x1c5: {  	v7 =	vadd.f32 v8, v18;
	v20 =	vmul.f32 v16, v25;
	v8 =	vmul.f32 v14, v14;
	v18 =	vld [tilespmem:s11+$0x4660];
	(pc) =	sbr.rel @p0 .LBB2_4-.Ltmp0, $4  }
0x1c6: {  	v21 =	vadd.f32 v23, v21;
	v11 =	vsub.f32 $1.500000000e+00, v11;
	v17 =	vmul.f32 v17, v17;
	v14 =	vld [tilespmem:s11+$0x8A70]  }
0x1c7: {  	v16 =	vshra.s32 v7, $0x1;
	v8 =	vadd.f32 v27, v8;
	v23 =	vsub.f32 v9, v15;
	v13 =	vld [tilespmem:s11+$0x8670]  }
0x1c8: {  	v20 =	vsub.f32 v20, v19;
	v9 =	vmul.f32 v22, v11;
	v19 =	vsub.f32 v21, v24;
	v15 =	vld [tilespmem:s11+$0x670]  }
0x1c9: {  	v22 =	vshra.s32 v8, $0x1;
	v11 =	vmul.f32 $5.000000000e-01, v8;
	v21 =	vmul.f32 v23, v23  }
0x1ca: {  	v18 =	vsub.f32 v20, v18  }
0x1cb: {  	v20 =	vmul.f32 $5.000000000e-01, v7;
	v19 =	vmul.f32 v19, v19  }
0x1cc: {  	v22 =	vsub.s32 $0x5F3759DF, v22;
	v10 =	vmul.f32 v9, v10;
	v18 =	vmul.f32 v18, v18  }
0x1cd: {  	v23 =	vld [tilespmem:s11+$0x4A70];
	v17 =	vadd.f32 v21, v17;
	v50 =	vmul.f32 v12, v14;
	v24 =	vmul.f32 v22, v11  }
0x1ce: {  	v12 =	vmul.f32 v12, v13;
	v10 =	vmul.f32 v10, v9;
	v18 =	vadd.f32 v19, v18;
	v19 =	vld [tilespmem:s11+$0x4670]  }
0x1cf: {  	v16 =	vsub.s32 $0x5F3759DF, v16;
	v14 =	vmul.f32 v15, v14;
	v13 =	vmul.f32 v15, v13  }
0x1d0: {  	v15 =	vmul.f32 $5.000000000e-01, v17;
	v24 =	vmul.f32 v22, v24;
	v10 =	vsub.f32 $1.500000000e+00, v10  }
0x1d1: {  	v12 =	vadd.f32 v12, v14;
	v13 =	vsub.f32 v13, v50;
	v14 =	vmul.f32 v16, v20  }
0x1d2: {  	v51 =	vsub.f32 $1.500000000e+00, v24;
	v25 =	vshra.s32 v18, $0x1;
	v26 =	vmul.f32 $5.000000000e-01, v18  }
0x1d3: {  	v9 =	vmul.f32 v10, v9;
	v12 =	vsub.f32 v12, v23;
	v13 =	vsub.f32 v13, v19  }
0x1d4: {  	v52 =	vsub.s32 $0x5F3759DF, v25;
	v14 =	vmul.f32 v16, v14;
	v19 =	vshra.s32 v17, $0x1  }
0x1d5: {  	v12 =	vmul.f32 v12, v12;
	v19 =	vsub.s32 $0x5F3759DF, v19;
	v13 =	vmul.f32 v13, v13  }
0x1d6: {  	v21 =	vmul.f32 v22, v51;
	v14 =	vsub.f32 $1.500000000e+00, v14;
	v53 =	vmul.f32 v19, v15  }
0x1d7: {  	v25 =	vmul.f32 v52, v26;
	v4 =	vmul.f32 v9, v4;
	v12 =	vadd.f32 v12, v13  }
0x1d8: {  	v13 =	vmul.f32 v16, v14;
	v14 =	vmul.f32 v19, v53  }
0x1d9: {  	v11 =	vmul.f32 v21, v11;
	v16 =	vshra.s32 v12, $0x1;
	v55 =	vmul.f32 $5.000000000e-01, v12  }
0x1da: {  	v54 =	vmul.f32 v52, v25;
	v14 =	vsub.f32 $1.500000000e+00, v14;
	v16 =	vsub.s32 $0x5F3759DF, v16  }
0x1db: {  	v4 =	vadd.f32 $0.0e+00, v4;
	v20 =	vmul.f32 v13, v20;
	v10 =	vmul.f32 v16, v55  }
0x1dc: {  	v11 =	vmul.f32 v11, v21;
	v23 =	vsub.f32 $1.500000000e+00, v54;
	v14 =	vmul.f32 v19, v14  }
0x1dd: {  	v19 =	vmul.f32 v20, v13;
	v9 =	vmul.f32 v16, v10  }
0x1de: {  	v4 =	vadd.f32 v6, v4;
	v10 =	vmul.f32 v52, v23;
	v15 =	vmul.f32 v14, v15  }
0x1df: {  	v19 =	vsub.f32 $1.500000000e+00, v19;
	v9 =	vsub.f32 $1.500000000e+00, v9  }
0x1e0: {  	v11 =	vsub.f32 $1.500000000e+00, v11;
	v20 =	vmul.f32 v10, v26;
	v15 =	vmul.f32 v15, v14  }
0x1e1: {  	v13 =	vmul.f32 v19, v13;
	v6 =	vmul.f32 v16, v9  }
0x1e2: {  	v4 =	vadd.f32 v5, v4;
	v9 =	vmul.f32 v11, v21;
	v11 =	vmul.f32 v20, v10  }
0x1e3: {  	v15 =	vsub.f32 $1.500000000e+00, v15;
	v7 =	vmul.f32 v13, v7;
	v5 =	vmul.f32 v6, v55  }
0x1e4: {  	v8 =	vmul.f32 v9, v8;
	v9 =	vsub.f32 $1.500000000e+00, v11  }
0x1e5: {  	v11 =	vmul.f32 v15, v14;
	v4 =	vadd.f32 v7, v4;
	v5 =	vmul.f32 v5, v6  }
0x1e6: {  	v7 =	vmul.f32 v9, v10  }
0x1e7: {  	v9 =	vmul.f32 v11, v17;
	v4 =	vadd.f32 v8, v4;
	v5 =	vsub.f32 $1.500000000e+00, v5;
	_ =	sdelay $0x1  }
0x1e8: {  	v7 =	vmul.f32 v7, v18;
	v8 =	vadd.f32 v9, v4;
	v5 =	vmul.f32 v5, v6  }
0x1e9: {  	v4 =	vmul.u32 $0x11, v0;
	v6 =	vadd.s32 s10, v0  }
0x1ea: {  	v7 =	vadd.f32 v7, v8;
	v5 =	vmul.f32 v5, v12;
	_ =	sdelay $0x1  }
0x1eb: {  	v7 =	vadd.f32 v5, v7;
	v5 =	vadd.s32 $0x1, v4;
	_ =	sdelay $0x1  }
0x1ec: {  	[tilespmem:v6+s28+$0x0] =	vst.idx.msk $0xffff, v7;
	v6 =	vadd.s32 $0x2, v4  }
0x1ed: {  	v9 =	vld.idx.msk [tilespmem:v4+s28+$0x0], $0xffff  }
0x1ee: {  	v7 =	vadd.s32 $0x3, v4  }
0x1ef: {  	v10 =	vld.idx.msk [tilespmem:v5+s28+$0x0], $0xffff  }
0x1f0: {  	v8 =	vadd.s32 $0x4, v4  }
0x1f1: {  	v11 =	vld.idx.msk [tilespmem:v6+s28+$0x0], $0xffff  }
0x1f2: {  	v12 =	vadd.f32 $0.0e+00, v9;
	v9 =	vadd.s32 $0x5, v4  }
0x1f3: {  	v13 =	vld.idx.msk [tilespmem:v7+s28+$0x0], $0xffff  }
0x1f4: {  	v12 =	vadd.f32 v10, v12;
	v10 =	vadd.s32 $0x6, v4  }
0x1f5: {  	v14 =	vld.idx.msk [tilespmem:v8+s28+$0x0], $0xffff  }
0x1f6: {  	v12 =	vadd.f32 v11, v12;
	v11 =	vadd.s32 $0x7, v4  }
0x1f7: {  	v15 =	vld.idx.msk [tilespmem:v9+s28+$0x0], $0xffff  }
0x1f8: {  	v13 =	vadd.f32 v13, v12;
	v12 =	vadd.s32 $0x8, v4  }
0x1f9: {  	v16 =	vld.idx.msk [tilespmem:v10+s28+$0x0], $0xffff  }
0x1fa: {  	v14 =	vadd.f32 v14, v13;
	v13 =	vadd.s32 $0x9, v4  }
0x1fb: {  	v17 =	vld.idx.msk [tilespmem:v11+s28+$0x0], $0xffff  }
0x1fc: {  	v15 =	vadd.f32 v15, v14;
	v14 =	vadd.s32 $0xA, v4  }
0x1fd: {  	v18 =	vld.idx.msk [tilespmem:v12+s28+$0x0], $0xffff  }
0x1fe: {  	v16 =	vadd.f32 v16, v15;
	v15 =	vadd.s32 $0xB, v4  }
0x1ff: {  	v19 =	vld.idx.msk [tilespmem:v13+s28+$0x0], $0xffff  }
0x200: {  	v17 =	vadd.f32 v17, v16;
	v16 =	vadd.s32 $0xC, v4  }
0x201: {  	v20 =	vld.idx.msk [tilespmem:v14+s28+$0x0], $0xffff  }
0x202: {  	v18 =	vadd.f32 v18, v17;
	v17 =	vadd.s32 $0xD, v4  }
0x203: {  	v56 =	vld.idx.msk [tilespmem:v15+s28+$0x0], $0xffff  }
0x204: {  	v19 =	vadd.f32 v19, v18;
	v18 =	vadd.s32 $0xE, v4  }
0x205: {  	v57 =	vld.idx.msk [tilespmem:v16+s28+$0x0], $0xffff  }
0x206: {  	v20 =	vadd.f32 v20, v19;
	v19 =	vadd.s32 $0xF, v4  }
0x207: {  	v58 =	vld.idx.msk [tilespmem:v17+s28+$0x0], $0xffff  }
0x208: {  	v20 =	vadd.f32 v56, v20  }
0x209: {  	v59 =	vld.idx.msk [tilespmem:v18+s28+$0x0], $0xffff  }
0x20a: {  	v20 =	vadd.f32 v57, v20  }
0x20b: {  	v60 =	vld.idx.msk [tilespmem:v19+s28+$0x0], $0xffff  }
0x20c: {  	v20 =	vadd.f32 v58, v20;
	_ =	sdelay $0x1  }
0x20d: {  	v20 =	vadd.f32 v59, v20;
	_ =	sdelay $0x1  }
0x20e: {  	v20 =	vadd.f32 v60, v20;
	_ =	sdelay $0x1  }
0x20f: {  	v20 =	vsub.f32 $1.200000000e+01, v20;
	_ =	sdelay $0x1  }
0x210: {  	v61 =	vand.u32 $0x7FFFFFFF, v20  }
0x211: {  	v21 =	vsub.f32 $0.0e+00, v61;
	_ =	sdelay $0x1  }
0x212: {  	v21 =	vmul.f32 $1.442695020e+00, v21;
	_ =	sdelay $0x1  }
0x213: {  	(erf) = vpow2.f32 v21;
	_ =	sdelay $0x8  }
0x214: {  	v21 =	vpop (erf)  }
0x215: {  	v62 =	vadd.f32 $2.000000000e+00, v21;
	_ =	sdelay $0x1  }
0x216: {  	(erf) = vrcp.f32 v62;
	_ =	sdelay $0x8  }
0x217: {  	v22 =	vpop (erf)  }
0x218: {  	v21 =	vmul.f32 v22, v21;
	_ =	sdelay $0x1  }
0x219: {  	v22 =	vmul.f32 v21, v21;
	_ =	sdelay $0x1  }
0x21a: {  	v63 =	vmul.f32 $1.428571490e-01, v22;
	_ =	sdelay $0x1  }
0x21b: {  	v23 =	vadd.f32 $2.000000030e-01, v63;
	_ =	sdelay $0x1  }
0x21c: {  	v23 =	vmul.f32 v23, v22;
	_ =	sdelay $0x1  }
0x21d: {  	v23 =	vadd.f32 $3.333333430e-01, v23;
	_ =	sdelay $0x1  }
0x21e: {  	v22 =	vmul.f32 v23, v22;
	_ =	sdelay $0x1  }
0x21f: {  	s7 =	sshll.u32 s15, $0x4;
	s15 =	sadd.s32 $0x1, s15;
	v21 =	vadd.f32 v21, v21;
	v22 =	vadd.f32 $1.000000000e+00, v22  }
0x220: {  	p0 =	sne.s32 s15, $0x4  }
.Ltmp1:
0x221: {  	v21 =	vmul.f32 v22, v21;
	(pc) =	sbr.rel @p0 .LBB2_3-.Ltmp1, $4  }
0x222: {  	v20 =	vmin.f32 v20, $0.0e+00  }
0x223: {  	v20 =	vsub.f32 v20, v21  }
0x224: {  	s7 =	sand.u32 $0x3FFFFFF0, s7  }
0x225: {  	[tilespmem:s7+$0x18600] =	vst v20  }
0x226: {  	s7 =	sor.u32 s6, s17  }
0x227: {  	s7 =	sshrl.u32 s7, $0x3  }
0x228: {  	s14 =	simm.s32 $0x0;
	s7 =	sadd.s32 s2, s7  }
0x229: {  	[hbm4b:s7+s14] =	stream.linear.scatter [tilespmem:s21], [sflag:$0xA], $0x40, $0x38;
	[tilespmem:$0x18880] =	vst v63  }
0x22a: {  	v20 =	vld [tilespmem:s17+$0x80];
	_ =	sdelay $0x4  }
0x22b: {  	v21 =	vshll.u32 v20, $0x1  }
0x22c: {  	v20 =	vand.u32 $0x7, v20;
	v21 =	vand.u32 $0xFFFFFFF0, v21  }
0x22d: {  	v20 =	vor.u32 v20, v21  }
0x22e: {  	v21 =	vperm.xlane v20, v1;
	_ =	sdelay $0x1  }
0x22f: {  	v20 =	vperm.xlane v20, v3;
	v21 =	vadd.s32 v2, v21;
	_ =	sdelay $0x1  }
0x230: {  	v20 =	vadd.s32 v2, v20;
	_ =	sdelay $0x1  }
0x231: {  	s15 =	simm.s32 $0x600  }
0x232: {  	[tilespmem:s15], [sflag:$0x4] =	stream.indirect_vreg.gather [hbm4b:s1+s14], $0x80, v21, vm0, $0xb8;
	[tilespmem:$0x18880] =	vst v63  }
0x233: {  	s18 =	simm.s32 $0xE00  }
0x234: {  	[tilespmem:s18], [sflag:$0x4] =	stream.indirect_vreg.gather [hbm4b:s1+s14], $0x80, v20, vm0, $0xb8;
	[tilespmem:$0x18880] =	vst v63  }
0x235: {  	v20 =	vld [tilespmem:s17+$0x90];
	_ =	sdelay $0x4  }
0x236: {  	v53 =	vshll.u32 v20, $0x1  }
0x237: {  	v20 =	vand.u32 $0x7, v20;
	v21 =	vand.u32 $0xFFFFFFF0, v53  }
0x238: {  	v20 =	vor.u32 v20, v21  }
0x239: {  	v21 =	vperm.xlane v20, v1;
	_ =	sdelay $0x1  }
0x23a: {  	v20 =	vperm.xlane v20, v3;
	v21 =	vadd.s32 v2, v21;
	_ =	sdelay $0x1  }
0x23b: {  	v20 =	vadd.s32 v2, v20;
	_ =	sdelay $0x1  }
0x23c: {  	s9 =	simm.s32 $0x1600  }
0x23d: {  	[tilespmem:s9], [sflag:$0x4] =	stream.indirect_vreg.gather [hbm4b:s1+s14], $0x80, v21, vm0, $0xb8;
	[tilespmem:$0x18880] =	vst v63  }
0x23e: {  	s10 =	simm.s32 $0x1E00  }
0x23f: {  	[tilespmem:s10], [sflag:$0x4] =	stream.indirect_vreg.gather [hbm4b:s1+s14], $0x80, v20, vm0, $0xb8;
	[tilespmem:$0x18880] =	vst v63  }
0x240: {  	v20 =	vld [tilespmem:s17+$0xA0];
	_ =	sdelay $0x4  }
0x241: {  	v54 =	vshll.u32 v20, $0x1  }
0x242: {  	v20 =	vand.u32 $0x7, v20;
	v21 =	vand.u32 $0xFFFFFFF0, v54  }
0x243: {  	v20 =	vor.u32 v20, v21  }
0x244: {  	v21 =	vperm.xlane v20, v1;
	_ =	sdelay $0x1  }
0x245: {  	v20 =	vperm.xlane v20, v3;
	v21 =	vadd.s32 v2, v21;
	_ =	sdelay $0x1  }
0x246: {  	v20 =	vadd.s32 v2, v20;
	_ =	sdelay $0x1  }
0x247: {  	s11 =	simm.s32 $0x2600  }
0x248: {  	[tilespmem:s11], [sflag:$0x4] =	stream.indirect_vreg.gather [hbm4b:s1+s14], $0x80, v21, vm0, $0xb8;
	[tilespmem:$0x18880] =	vst v63  }
0x249: {  	s12 =	simm.s32 $0x2E00  }
0x24a: {  	[tilespmem:s12], [sflag:$0x4] =	stream.indirect_vreg.gather [hbm4b:s1+s14], $0x80, v20, vm0, $0xb8;
	[tilespmem:$0x18880] =	vst v63  }
0x24b: {  	v20 =	vld [tilespmem:s17+$0xB0];
	_ =	sdelay $0x4  }
0x24c: {  	v55 =	vshll.u32 v20, $0x1  }
0x24d: {  	v20 =	vand.u32 $0x7, v20;
	v21 =	vand.u32 $0xFFFFFFF0, v55  }
0x24e: {  	v20 =	vor.u32 v20, v21  }
0x24f: {  	v21 =	vperm.xlane v20, v1;
	_ =	sdelay $0x1  }
0x250: {  	v20 =	vperm.xlane v20, v3;
	v21 =	vadd.s32 v2, v21;
	_ =	sdelay $0x1  }
0x251: {  	v20 =	vadd.s32 v2, v20;
	_ =	sdelay $0x1  }
0x252: {  	s13 =	simm.s32 $0x3600  }
0x253: {  	[tilespmem:s13], [sflag:$0x4] =	stream.indirect_vreg.gather [hbm4b:s1+s14], $0x80, v21, vm0, $0xb8;
	[tilespmem:$0x18880] =	vst v63  }
0x254: {  	s15 =	simm.s32 $0x3E00  }
0x255: {  	[tilespmem:s15], [sflag:$0x4] =	stream.indirect_vreg.gather [hbm4b:s1+s14], $0x80, v20, vm0, $0xb8;
	[tilespmem:$0x18880] =	vst v63  }
0x256: {  	v20 =	vld [tilespmem:s17+$0x280];
	_ =	sdelay $0x4  }
0x257: {  	v56 =	vshll.u32 v20, $0x1  }
0x258: {  	v20 =	vand.u32 $0x7, v20;
	v21 =	vand.u32 $0xFFFFFFF0, v56  }
0x259: {  	v20 =	vor.u32 v20, v21  }
0x25a: {  	v21 =	vperm.xlane v20, v1;
	_ =	sdelay $0x1  }
0x25b: {  	v20 =	vperm.xlane v20, v3;
	v21 =	vadd.s32 v2, v21;
	_ =	sdelay $0x1  }
0x25c: {  	v20 =	vadd.s32 v2, v20;
	_ =	sdelay $0x1  }
0x25d: {  	s18 =	simm.s32 $0x4600  }
0x25e: {  	[tilespmem:s18], [sflag:$0x5] =	stream.indirect_vreg.gather [hbm4b:s1+s14], $0x80, v21, vm0, $0xb8;
	[tilespmem:$0x18880] =	vst v63  }
0x25f: {  	s9 =	simm.s32 $0x4E00  }
0x260: {  	[tilespmem:s9], [sflag:$0x5] =	stream.indirect_vreg.gather [hbm4b:s1+s14], $0x80, v20, vm0, $0xb8;
	[tilespmem:$0x18880] =	vst v63  }
0x261: {  	v20 =	vld [tilespmem:s17+$0x290];
	_ =	sdelay $0x4  }
0x262: {  	v57 =	vshll.u32 v20, $0x1  }
0x263: {  	v20 =	vand.u32 $0x7, v20;
	v21 =	vand.u32 $0xFFFFFFF0, v57  }
0x264: {  	v20 =	vor.u32 v20, v21  }
0x265: {  	v21 =	vperm.xlane v20, v1;
	_ =	sdelay $0x1  }
0x266: {  	v20 =	vperm.xlane v20, v3;
	v21 =	vadd.s32 v2, v21;
	_ =	sdelay $0x1  }
0x267: {  	v20 =	vadd.s32 v2, v20;
	_ =	sdelay $0x1  }
0x268: {  	s10 =	simm.s32 $0x5600  }
0x269: {  	[tilespmem:s10], [sflag:$0x5] =	stream.indirect_vreg.gather [hbm4b:s1+s14], $0x80, v21, vm0, $0xb8;
	[tilespmem:$0x18880] =	vst v63  }
0x26a: {  	s11 =	simm.s32 $0x5E00  }
0x26b: {  	[tilespmem:s11], [sflag:$0x5] =	stream.indirect_vreg.gather [hbm4b:s1+s14], $0x80, v20, vm0, $0xb8;
	[tilespmem:$0x18880] =	vst v63  }
0x26c: {  	v20 =	vld [tilespmem:s17+$0x2A0];
	_ =	sdelay $0x4  }
0x26d: {  	v58 =	vshll.u32 v20, $0x1  }
0x26e: {  	v20 =	vand.u32 $0x7, v20;
	v21 =	vand.u32 $0xFFFFFFF0, v58  }
0x26f: {  	v20 =	vor.u32 v20, v21  }
0x270: {  	v21 =	vperm.xlane v20, v1;
	_ =	sdelay $0x1  }
0x271: {  	v20 =	vperm.xlane v20, v3;
	v21 =	vadd.s32 v2, v21;
	_ =	sdelay $0x1  }
0x272: {  	v20 =	vadd.s32 v2, v20;
	_ =	sdelay $0x1  }
0x273: {  	s12 =	simm.s32 $0x6600  }
0x274: {  	[tilespmem:s12], [sflag:$0x5] =	stream.indirect_vreg.gather [hbm4b:s1+s14], $0x80, v21, vm0, $0xb8;
	[tilespmem:$0x18880] =	vst v63  }
0x275: {  	s13 =	simm.s32 $0x6E00  }
0x276: {  	[tilespmem:s13], [sflag:$0x5] =	stream.indirect_vreg.gather [hbm4b:s1+s14], $0x80, v20, vm0, $0xb8;
	[tilespmem:$0x18880] =	vst v63  }
0x277: {  	v20 =	vld [tilespmem:s17+$0x2B0];
	_ =	sdelay $0x4  }
0x278: {  	v59 =	vshll.u32 v20, $0x1  }
0x279: {  	v20 =	vand.u32 $0x7, v20;
	v21 =	vand.u32 $0xFFFFFFF0, v59  }
0x27a: {  	v20 =	vor.u32 v20, v21  }
0x27b: {  	v21 =	vperm.xlane v20, v1;
	_ =	sdelay $0x1  }
0x27c: {  	v20 =	vperm.xlane v20, v3;
	v21 =	vadd.s32 v2, v21;
	_ =	sdelay $0x1  }
0x27d: {  	v20 =	vadd.s32 v2, v20;
	_ =	sdelay $0x1  }
0x27e: {  	s15 =	simm.s32 $0x7600  }
0x27f: {  	[tilespmem:s15], [sflag:$0x5] =	stream.indirect_vreg.gather [hbm4b:s1+s14], $0x80, v21, vm0, $0xb8;
	[tilespmem:$0x18880] =	vst v63  }
0x280: {  	s18 =	simm.s32 $0x7E00  }
0x281: {  	[tilespmem:s18], [sflag:$0x5] =	stream.indirect_vreg.gather [hbm4b:s1+s14], $0x80, v20, vm0, $0xb8;
	[tilespmem:$0x18880] =	vst v63  }
0x282: {  	v20 =	vld [tilespmem:s17+$0x480];
	_ =	sdelay $0x4  }
0x283: {  	v60 =	vshll.u32 v20, $0x1  }
0x284: {  	v20 =	vand.u32 $0x7, v20;
	v21 =	vand.u32 $0xFFFFFFF0, v60  }
0x285: {  	v20 =	vor.u32 v20, v21  }
0x286: {  	v21 =	vperm.xlane v20, v1;
	_ =	sdelay $0x1  }
0x287: {  	v20 =	vperm.xlane v20, v3;
	v21 =	vadd.s32 v2, v21;
	_ =	sdelay $0x1  }
0x288: {  	v20 =	vadd.s32 v2, v20;
	_ =	sdelay $0x1  }
0x289: {  	s9 =	simm.s32 $0x8600  }
0x28a: {  	[tilespmem:s9], [sflag:$0x6] =	stream.indirect_vreg.gather [hbm4b:s5+s14], $0x80, v21, vm0, $0xb8;
	[tilespmem:$0x18880] =	vst v63  }
0x28b: {  	s10 =	simm.s32 $0x8E00  }
0x28c: {  	[tilespmem:s10], [sflag:$0x6] =	stream.indirect_vreg.gather [hbm4b:s5+s14], $0x80, v20, vm0, $0xb8;
	[tilespmem:$0x18880] =	vst v63  }
0x28d: {  	v20 =	vld [tilespmem:s17+$0x490];
	_ =	sdelay $0x4  }
0x28e: {  	v61 =	vshll.u32 v20, $0x1  }
0x28f: {  	v20 =	vand.u32 $0x7, v20;
	v21 =	vand.u32 $0xFFFFFFF0, v61  }
0x290: {  	v20 =	vor.u32 v20, v21  }
0x291: {  	v21 =	vperm.xlane v20, v1;
	_ =	sdelay $0x1  }
0x292: {  	v20 =	vperm.xlane v20, v3;
	v21 =	vadd.s32 v2, v21;
	_ =	sdelay $0x1  }
0x293: {  	v20 =	vadd.s32 v2, v20;
	_ =	sdelay $0x1  }
0x294: {  	s11 =	simm.s32 $0x9600  }
0x295: {  	[tilespmem:s11], [sflag:$0x6] =	stream.indirect_vreg.gather [hbm4b:s5+s14], $0x80, v21, vm0, $0xb8;
	[tilespmem:$0x18880] =	vst v63  }
0x296: {  	s12 =	simm.s32 $0x9E00  }
0x297: {  	[tilespmem:s12], [sflag:$0x6] =	stream.indirect_vreg.gather [hbm4b:s5+s14], $0x80, v20, vm0, $0xb8;
	[tilespmem:$0x18880] =	vst v63  }
0x298: {  	v20 =	vld [tilespmem:s17+$0x4A0];
	_ =	sdelay $0x4  }
0x299: {  	v62 =	vshll.u32 v20, $0x1  }
0x29a: {  	v20 =	vand.u32 $0x7, v20;
	v21 =	vand.u32 $0xFFFFFFF0, v62  }
0x29b: {  	v20 =	vor.u32 v20, v21  }
0x29c: {  	v21 =	vperm.xlane v20, v1;
	_ =	sdelay $0x1  }
0x29d: {  	v20 =	vperm.xlane v20, v3;
	v21 =	vadd.s32 v2, v21;
	_ =	sdelay $0x1  }
0x29e: {  	v20 =	vadd.s32 v2, v20;
	_ =	sdelay $0x1  }
0x29f: {  	s13 =	simm.s32 $0xA600  }
0x2a0: {  	[tilespmem:s13], [sflag:$0x6] =	stream.indirect_vreg.gather [hbm4b:s5+s14], $0x80, v21, vm0, $0xb8;
	[tilespmem:$0x18880] =	vst v63  }
0x2a1: {  	s15 =	simm.s32 $0xAE00  }
0x2a2: {  	[tilespmem:s15], [sflag:$0x6] =	stream.indirect_vreg.gather [hbm4b:s5+s14], $0x80, v20, vm0, $0xb8;
	[tilespmem:$0x18880] =	vst v63  }
0x2a3: {  	v20 =	vld [tilespmem:s17+$0x4B0];
	_ =	sdelay $0x4  }
0x2a4: {  	v63 =	vshll.u32 v20, $0x1  }
0x2a5: {  	v20 =	vand.u32 $0x7, v20;
	v21 =	vand.u32 $0xFFFFFFF0, v63  }
0x2a6: {  	v20 =	vor.u32 v20, v21  }
0x2a7: {  	v21 =	vperm.xlane v20, v1;
	_ =	sdelay $0x1  }
0x2a8: {  	v20 =	vperm.xlane v20, v3;
	v21 =	vadd.s32 v2, v21;
	_ =	sdelay $0x1  }
0x2a9: {  	v20 =	vadd.s32 v2, v20;
	_ =	sdelay $0x1  }
0x2aa: {  	s17 =	simm.s32 $0xB600  }
0x2ab: {  	[tilespmem:s17], [sflag:$0x6] =	stream.indirect_vreg.gather [hbm4b:s5+s14], $0x80, v21, vm0, $0xb8;
	[tilespmem:$0x18880] =	vst v63  }
0x2ac: {  	s18 =	simm.s32 $0xBE00  }
0x2ad: {  	[tilespmem:s18], [sflag:$0x6] =	stream.indirect_vreg.gather [hbm4b:s5+s14], $0x80, v20, vm0, $0xb8;
	[tilespmem:$0x18880] =	vst v63  }
0x2ae: {  	_ =	swait.ge [sflag:s29], $0x4000  }
0x2af: {  	[sflag:s29] =	ssyncset.done $0x0  }
0x2b0: {  	[sflag:s29] =	ssyncadd.s32 $0xFFFFC000  }
0x2b1: {  	_ =	swait.ge [sflag:s30], $0x4000  }
0x2b2: {  	[sflag:s30] =	ssyncset.done $0x0  }
0x2b3: {  	[sflag:s30] =	ssyncadd.s32 $0xFFFFC000  }
0x2b4: {  	_ =	swait.ge [sflag:s31], $0x4000  }
0x2b5: {  	[sflag:s31] =	ssyncset.done $0x0  }
0x2b6: {  	[sflag:s31] =	ssyncadd.s32 $0xFFFFC000  }
0x2b7: {  	_ =	swait.ge [sflag:s0], $0x40  }
0x2b8: {  	[sflag:s0] =	ssyncset.done $0x0  }
0x2b9: {  	s15 =	simm.s32 $0x0;
	[sflag:s0] =	ssyncadd.s32 $0xFFFFFFC0  }
.LBB2_7:
0x2ba: {  	s9 =	sshll.u32 s15, $0xC;
	s7 =	sand.u32 $0x800, s14  }
0x2bb: {  	s10 =	sand.u32 $0x380, s14;
	s7 =	sor.u32 s9, s7  }
0x2bc: {  	s11 =	sor.u32 s10, s7  }
0x2bd: {  	v20 =	vld [tilespmem:s11+$0x10A20]  }
0x2be: {  	v21 =	vld [tilespmem:s11+$0x10620]  }
0x2bf: {  	v22 =	vld [tilespmem:s11+$0xCA20]  }
0x2c0: {  	v23 =	vld [tilespmem:s11+$0x10610]  }
0x2c1: {  	v24 =	vld [tilespmem:s11+$0x14A20]  }
0x2c2: {  	v25 =	vld [tilespmem:s11+$0xC620]  }
0x2c3: {  	v26 =	vld [tilespmem:s11+$0x14620]  }
0x2c4: {  	v27 =	vld [tilespmem:s11+$0x14610]  }
0x2c5: {  	v28 =	vld [tilespmem:s11+$0xC610]  }
0x2c6: {  	v29 =	vld [tilespmem:s11+$0xCA10]  }
0x2c7: {  	v30 =	vld [tilespmem:s11+$0x14A10]  }
0x2c8: {  	v31 =	vld [tilespmem:s11+$0xCA00]  }
0x2c9: {  	v34 =	vld [tilespmem:s11+$0xC600]  }
0x2ca: {  	v61 =	vld [tilespmem:s11+$0x14600]  }
0x2cb: {  	v62 =	vld [tilespmem:s11+$0x10A10]  }
0x2cc: {  	v63 =	vld [tilespmem:s11+$0xC640];
	v32 =	vmul.f32 v25, v24  }
0x2cd: {  	v36 =	vld [tilespmem:s11+$0x14A40];
	v33 =	vmul.f32 v22, v26;
	v25 =	vmul.f32 v25, v26  }
0x2ce: {  	v26 =	vld [tilespmem:s11+$0x14A00];
	v35 =	vmul.f32 v28, v27;
	v22 =	vmul.f32 v22, v24  }
0x2cf: {  	v40 =	vld [tilespmem:s11+$0xC650];
	v27 =	vmul.f32 v29, v27;
	v28 =	vmul.f32 v28, v30;
	v24 =	vadd.f32 v33, v32  }
0x2d0: {  	v42 =	vld [tilespmem:s11+$0x14A50];
	v29 =	vmul.f32 v29, v30;
	v22 =	vsub.f32 v25, v22  }
0x2d1: {  	v48 =	vld [tilespmem:s11+$0x14650];
	v25 =	vadd.f32 v27, v28;
	v20 =	vsub.f32 v24, v20  }
0x2d2: {  	v27 =	vld [tilespmem:s11+$0x10600];
	v28 =	vmul.f32 v34, v61;
	v24 =	vsub.f32 v35, v29;
	v21 =	vsub.f32 v22, v21  }
0x2d3: {  	v30 =	vld [tilespmem:s11+$0xC630];
	v29 =	vmul.f32 v31, v26;
	v20 =	vmul.f32 v20, v20  }
0x2d4: {  	v22 =	vld [tilespmem:s11+$0xCA30];
	v23 =	vsub.f32 v24, v23;
	v24 =	vsub.f32 v25, v62;
	v21 =	vmul.f32 v21, v21  }
0x2d5: {  	v25 =	vmul.f32 v34, v26;
	v26 =	vmul.f32 v31, v61;
	v31 =	vld [tilespmem:s11+$0x14A30];
	v28 =	vsub.f32 v28, v29  }
0x2d6: {  	v29 =	vld [tilespmem:s11+$0x10A00];
	v23 =	vmul.f32 v23, v23;
	v24 =	vmul.f32 v24, v24;
	v21 =	vadd.f32 v20, v21  }
0x2d7: {  	v54 =	vmul.f32 v40, v42;
	v40 =	vmul.f32 v40, v48;
	v20 =	vld [tilespmem:s11+$0x14630];
	v27 =	vsub.f32 v28, v27  }
0x2d8: {  	v38 =	vld [tilespmem:s11+$0x10A30];
	v25 =	vadd.f32 v26, v25;
	v23 =	vadd.f32 v24, v23;
	v24 =	vshra.s32 v21, $0x1  }
0x2d9: {  	v50 =	vld [tilespmem:s11+$0xC660];
	v28 =	vmul.f32 $5.000000000e-01, v21;
	v27 =	vmul.f32 v27, v27;
	v24 =	vsub.s32 $0x5F3759DF, v24  }
0x2da: {  	v55 =	vld [tilespmem:s11+$0x14660];
	v46 =	vmul.f32 v22, v31;
	v44 =	vshra.s32 v23, $0x1;
	v45 =	vmul.f32 $5.000000000e-01, v23  }
0x2db: {  	v26 =	vld [tilespmem:s11+$0xCA40];
	v31 =	vmul.f32 v30, v31;
	v37 =	vmul.f32 v24, v28;
	v33 =	vsub.s32 $0x5F3759DF, v44  }
0x2dc: {  	v39 =	vld [tilespmem:s11+$0x10630];
	v25 =	vsub.f32 v25, v29;
	v22 =	vmul.f32 v22, v20;
	v29 =	vmul.f32 v33, v45  }
0x2dd: {  	v20 =	vmul.f32 v30, v20;
	v30 =	vld [tilespmem:s11+$0x14640];
	v37 =	vmul.f32 v24, v37  }
0x2de: {  	v25 =	vmul.f32 v25, v25;
	v22 =	vadd.f32 v22, v31;
	v29 =	vmul.f32 v33, v29  }
0x2df: {  	v62 =	vmul.f32 v50, v55;
	v35 =	vsub.f32 v20, v46;
	v37 =	vsub.f32 $1.500000000e+00, v37  }
0x2e0: {  	v41 =	vmul.f32 v26, v36;
	v20 =	vadd.f32 v25, v27;
	v25 =	vsub.f32 $1.500000000e+00, v29  }
0x2e1: {  	v47 =	vld [tilespmem:s11+$0x10A40];
	v27 =	vmul.f32 v63, v36;
	v22 =	vsub.f32 v22, v38;
	v24 =	vmul.f32 v24, v37  }
0x2e2: {  	v31 =	vld [tilespmem:s11+$0xCA50];
	v29 =	vsub.f32 v35, v39;
	v26 =	vmul.f32 v26, v30;
	v25 =	vmul.f32 v33, v25  }
0x2e3: {  	v49 =	vshra.s32 v20, $0x1;
	v30 =	vmul.f32 v63, v30;
	v28 =	vmul.f32 v24, v28  }
0x2e4: {  	v58 =	vmul.f32 v22, v22;
	v26 =	vadd.f32 v26, v27;
	v27 =	vld [tilespmem:s11+$0x14A60];
	v34 =	vmul.f32 v25, v45  }
0x2e5: {  	v53 =	vld [tilespmem:s11+$0xCA60];
	v51 =	vsub.s32 $0x5F3759DF, v49;
	v29 =	vmul.f32 v29, v29;
	v28 =	vmul.f32 v28, v24  }
0x2e6: {  	v43 =	vld [tilespmem:s11+$0x10640];
	v35 =	vsub.f32 v26, v47;
	v26 =	vmul.f32 $5.000000000e-01, v20;
	v34 =	vmul.f32 v34, v25  }
0x2e7: {  	v60 =	vld [tilespmem:s11+$0x10A50];
	v52 =	vmul.f32 v31, v42;
	v31 =	vmul.f32 v31, v48;
	v28 =	vsub.f32 $1.500000000e+00, v28  }
0x2e8: {  	v56 =	vld [tilespmem:s11+$0x10650];
	v35 =	vmul.f32 v35, v35;
	v59 =	vmul.f32 v51, v26;
	v34 =	vsub.f32 $1.500000000e+00, v34  }
0x2e9: {  	v30 =	vsub.f32 v30, v41;
	v57 =	vmul.f32 v50, v27;
	v24 =	vmul.f32 v28, v24  }
0x2ea: {  	v31 =	vadd.f32 v31, v54;
	v27 =	vmul.f32 v53, v27;
	v25 =	vmul.f32 v34, v25  }
0x2eb: {  	v28 =	vsub.f32 v40, v52;
	v21 =	vmul.f32 v24, v21;
	v24 =	vsub.f32 v30, v43  }
0x2ec: {  	v61 =	vld [tilespmem:s11+$0x10A60];
	v39 =	vsub.f32 v31, v60;
	v30 =	vmul.f32 v51, v59;
	v22 =	vmul.f32 v25, v23  }
0x2ed: {  	v36 =	vsub.f32 v28, v56;
	v34 =	vld [tilespmem:s11+$0x10660];
	v25 =	vmul.f32 v53, v55;
	v24 =	vmul.f32 v24, v24  }
0x2ee: {  	v37 =	vmul.f32 v39, v39;
	v28 =	vld [tilespmem:s11+$0xCA70];
	v23 =	vadd.f32 v58, v29;
	v63 =	vsub.f32 $1.500000000e+00, v30  }
0x2ef: {  	v33 =	vmul.f32 v36, v36;
	v30 =	vld [tilespmem:s11+$0x14A70];
	v41 =	vadd.f32 v25, v57;
	v24 =	vadd.f32 v35, v24  }
0x2f0: {  	s12 =	simm.s32 $0x100;
	v31 =	vld [tilespmem:s11+$0xC670];
	v36 =	vsub.f32 v62, v27;
	v32 =	vshra.s32 v23, $0x1;
	v25 =	vmul.f32 v51, v63  }
0x2f1: {  	s13 =	simm.s32 $0x0;
	s7 =	simm.s32 $0x0;
	s10 =	simm.s32 $0x0;
	v29 =	vld [tilespmem:s11+$0x14670];
	v35 =	vsub.f32 v41, v61;
	v38 =	vshra.s32 v24, $0x1;
	v27 =	vmul.f32 $5.000000000e-01, v24  }
.LBB2_8:
0x2f2: {  	p0 =	sne.s32 s12, $0xF00;
	v39 =	vmul.f32 $5.000000000e-01, v23;
	v38 =	vsub.s32 $0x5F3759DF, v38;
	v34 =	vsub.f32 v36, v34;
	s13 =	sadd.s32 $0x11, s13;
	s7 =	sadd.s32 $0x80, s7  }
0x2f3: {  	v26 =	vmul.f32 v25, v26;
	v35 =	vmul.f32 v35, v35;
	s17 =	smov.u32 s12;
	s12 =	sadd.s32 $0x100, s12;
	v33 =	vadd.f32 v37, v33  }
0x2f4: {  	v32 =	vsub.s32 $0x5F3759DF, v32;
	v36 =	vmul.f32 v28, v30;
	v34 =	vmul.f32 v34, v34  }
0x2f5: {  	v37 =	vmul.f32 v38, v27;
	v40 =	vshra.s32 v33, $0x1;
	v30 =	vmul.f32 v31, v30  }
0x2f6: {  	v28 =	vmul.f32 v28, v29;
	v41 =	vmul.f32 $5.000000000e-01, v33;
	v34 =	vadd.f32 v35, v34;
	v35 =	vld [tilespmem:s11+$0x10A70]  }
0x2f7: {  	v42 =	vmul.f32 v32, v39;
	v37 =	vmul.f32 v38, v37;
	v43 =	vld [tilespmem:s11+$0x10670]  }
0x2f8: {  	v29 =	vmul.f32 v31, v29;
	v44 =	vshra.s32 v34, $0x1;
	v45 =	vmul.f32 $5.000000000e-01, v34  }
0x2f9: {  	v31 =	vsub.f32 $1.500000000e+00, v37;
	v28 =	vadd.f32 v28, v30;
	v37 =	vsub.s32 $0x5F3759DF, v44  }
0x2fa: {  	v30 =	vsub.s32 $0x5F3759DF, v40;
	v29 =	vsub.f32 v29, v36;
	v40 =	vmul.f32 v37, v45  }
0x2fb: {  	v36 =	vmul.f32 v32, v42;
	v31 =	vmul.f32 v38, v31;
	v28 =	vsub.f32 v28, v35  }
0x2fc: {  	v26 =	vmul.f32 v26, v25;
	v35 =	vmul.f32 v37, v40;
	v29 =	vsub.f32 v29, v43  }
0x2fd: {  	v36 =	vsub.f32 $1.500000000e+00, v36;
	v27 =	vmul.f32 v31, v27;
	v28 =	vmul.f32 v28, v28  }
0x2fe: {  	v38 =	vmul.f32 v30, v41;
	v35 =	vsub.f32 $1.500000000e+00, v35;
	v29 =	vmul.f32 v29, v29  }
0x2ff: {  	v26 =	vsub.f32 $1.500000000e+00, v26;
	v32 =	vmul.f32 v32, v36;
	v27 =	vmul.f32 v27, v31  }
0x300: {  	v36 =	vmul.f32 v30, v38;
	v35 =	vmul.f32 v37, v35;
	v28 =	vadd.f32 v28, v29  }
0x301: {  	v25 =	vmul.f32 v26, v25;
	v26 =	vmul.f32 v32, v39;
	v27 =	vsub.f32 $1.500000000e+00, v27  }
0x302: {  	v29 =	vsub.f32 $1.500000000e+00, v36;
	v36 =	vmul.f32 v35, v45;
	v37 =	vshra.s32 v28, $0x1  }
0x303: {  	v27 =	vmul.f32 v27, v31;
	v31 =	vmul.f32 $5.000000000e-01, v28  }
0x304: {  	v29 =	vmul.f32 v30, v29;
	v30 =	vmul.f32 v36, v35;
	v36 =	vsub.s32 $0x5F3759DF, v37  }
0x305: {  	v24 =	vmul.f32 v27, v24;
	v27 =	vmul.f32 v36, v31  }
0x306: {  	v26 =	vmul.f32 v26, v32;
	v37 =	vmul.f32 v29, v41;
	v30 =	vsub.f32 $1.500000000e+00, v30  }
0x307: {  	v20 =	vmul.f32 v25, v20;
	v25 =	vmul.f32 v36, v27  }
0x308: {  	v26 =	vsub.f32 $1.500000000e+00, v26;
	v27 =	vmul.f32 v37, v29;
	v30 =	vmul.f32 v30, v35  }
0x309: {  	v20 =	vadd.f32 $0.0e+00, v20;
	v25 =	vsub.f32 $1.500000000e+00, v25  }
0x30a: {  	v26 =	vmul.f32 v26, v32;
	v27 =	vsub.f32 $1.500000000e+00, v27;
	v30 =	vmul.f32 v30, v34  }
0x30b: {  	v20 =	vadd.f32 v22, v20;
	v22 =	vmul.f32 v36, v25  }
0x30c: {  	v23 =	vmul.f32 v26, v23;
	v25 =	vmul.f32 v27, v29  }
0x30d: {  	v20 =	vadd.f32 v21, v20;
	v21 =	vmul.f32 v22, v31  }
0x30e: {  	v25 =	vmul.f32 v25, v33  }
0x30f: {  	v20 =	vadd.f32 v23, v20;
	v21 =	vmul.f32 v21, v22;
	_ =	sdelay $0x1  }
0x310: {  	v20 =	vadd.f32 v24, v20;
	v21 =	vsub.f32 $1.500000000e+00, v21;
	_ =	sdelay $0x1  }
0x311: {  	v20 =	vadd.f32 v25, v20;
	v21 =	vmul.f32 v21, v22  }
0x312: {  	v22 =	vadd.s32 s10, v0;
	s10 =	smov.u32 s13  }
0x313: {  	v20 =	vadd.f32 v30, v20;
	v21 =	vmul.f32 v21, v28;
	_ =	sdelay $0x1  }
0x314: {  	s11 =	sand.u32 $0x800, s17;
	v20 =	vadd.f32 v21, v20  }
0x315: {  	s17 =	sand.u32 $0x380, s7;
	s11 =	sor.u32 s9, s11  }
0x316: {  	s11 =	sor.u32 s17, s11;
	[tilespmem:v22+s28+$0x0] =	vst.idx.msk $0xffff, v20  }
0x317: {  	v20 =	vld [tilespmem:s11+$0x10A20]  }
0x318: {  	v21 =	vld [tilespmem:s11+$0x10620]  }
0x319: {  	v22 =	vld [tilespmem:s11+$0xCA20]  }
0x31a: {  	v23 =	vld [tilespmem:s11+$0x10610]  }
0x31b: {  	v24 =	vld [tilespmem:s11+$0x14A20]  }
0x31c: {  	v25 =	vld [tilespmem:s11+$0xC620]  }
0x31d: {  	v26 =	vld [tilespmem:s11+$0x14620]  }
0x31e: {  	v27 =	vld [tilespmem:s11+$0x14610]  }
0x31f: {  	v28 =	vld [tilespmem:s11+$0xC610]  }
0x320: {  	v29 =	vld [tilespmem:s11+$0xCA10]  }
0x321: {  	v30 =	vld [tilespmem:s11+$0x14A10];
	v31 =	vmul.f32 v25, v24  }
0x322: {  	v32 =	vld [tilespmem:s11+$0xCA00];
	v25 =	vmul.f32 v25, v26;
	v26 =	vmul.f32 v22, v26  }
0x323: {  	v33 =	vld [tilespmem:s11+$0xC600]  }
0x324: {  	v22 =	vmul.f32 v22, v24;
	v34 =	vld [tilespmem:s11+$0x14A00];
	v35 =	vmul.f32 v28, v27;
	v24 =	vadd.f32 v26, v31  }
0x325: {  	v26 =	vld [tilespmem:s11+$0x14600];
	v27 =	vmul.f32 v29, v27  }
0x326: {  	v22 =	vsub.f32 v25, v22;
	v29 =	vmul.f32 v29, v30;
	v28 =	vmul.f32 v28, v30;
	v30 =	vld [tilespmem:s11+$0x10A10]  }
0x327: {  	v20 =	vsub.f32 v24, v20;
	v24 =	vld [tilespmem:s11+$0xCA30]  }
0x328: {  	v25 =	vsub.f32 v35, v29;
	v27 =	vadd.f32 v27, v28;
	v28 =	vld [tilespmem:s11+$0xC630]  }
0x329: {  	v21 =	vsub.f32 v22, v21;
	v20 =	vmul.f32 v20, v20;
	v29 =	vld [tilespmem:s11+$0x10600];
	v31 =	vmul.f32 v33, v34  }
0x32a: {  	v22 =	vmul.f32 v33, v26;
	v33 =	vmul.f32 v32, v34;
	v34 =	vld [tilespmem:s11+$0x10A00];
	v23 =	vsub.f32 v25, v23  }
0x32b: {  	v21 =	vmul.f32 v21, v21;
	v25 =	vmul.f32 v32, v26;
	v26 =	vsub.f32 v27, v30;
	v27 =	vld [tilespmem:s11+$0x14A30]  }
0x32c: {  	v22 =	vsub.f32 v22, v33;
	v23 =	vmul.f32 v23, v23;
	v30 =	vld [tilespmem:s11+$0x14630]  }
0x32d: {  	v21 =	vadd.f32 v20, v21;
	v25 =	vadd.f32 v25, v31;
	v26 =	vmul.f32 v26, v26  }
0x32e: {  	v20 =	vsub.f32 v22, v29;
	v22 =	vld [tilespmem:s11+$0xC650]  }
0x32f: {  	v25 =	vsub.f32 v25, v34;
	v23 =	vadd.f32 v26, v23;
	v26 =	vshra.s32 v21, $0x1;
	v29 =	vld [tilespmem:s11+$0xCA40]  }
0x330: {  	v31 =	vmul.f32 $5.000000000e-01, v21;
	v20 =	vmul.f32 v20, v20;
	v26 =	vsub.s32 $0x5F3759DF, v26;
	v32 =	vld [tilespmem:s11+$0xC640]  }
0x331: {  	v35 =	vmul.f32 v24, v27;
	v33 =	vshra.s32 v23, $0x1;
	v34 =	vmul.f32 $5.000000000e-01, v23;
	v36 =	vld [tilespmem:s11+$0x14A40]  }
0x332: {  	v27 =	vmul.f32 v28, v27;
	v37 =	vmul.f32 v26, v31;
	v33 =	vsub.s32 $0x5F3759DF, v33;
	v38 =	vld [tilespmem:s11+$0x10A30]  }
0x333: {  	v24 =	vmul.f32 v24, v30;
	v39 =	vmul.f32 v33, v34;
	v40 =	vld [tilespmem:s11+$0x10630]  }
0x334: {  	v28 =	vmul.f32 v28, v30;
	v37 =	vmul.f32 v26, v37;
	v30 =	vld [tilespmem:s11+$0x14640]  }
0x335: {  	v25 =	vmul.f32 v25, v25;
	v24 =	vadd.f32 v24, v27;
	v39 =	vmul.f32 v33, v39;
	v27 =	vld [tilespmem:s11+$0xCA50]  }
0x336: {  	v28 =	vsub.f32 v28, v35;
	v37 =	vsub.f32 $1.500000000e+00, v37;
	v35 =	vmul.f32 v29, v36;
	v41 =	vld [tilespmem:s11+$0x14A50]  }
0x337: {  	v20 =	vadd.f32 v25, v20;
	v36 =	vmul.f32 v32, v36;
	v25 =	vsub.f32 $1.500000000e+00, v39;
	v39 =	vld [tilespmem:s11+$0x14650]  }
0x338: {  	v37 =	vmul.f32 v26, v37;
	v24 =	vsub.f32 v24, v38;
	v26 =	vsub.f32 v28, v40;
	v28 =	vld [tilespmem:s11+$0x10A40]  }
0x339: {  	v38 =	vshra.s32 v20, $0x1;
	v25 =	vmul.f32 v33, v25;
	v29 =	vmul.f32 v29, v30  }
0x33a: {  	v38 =	vsub.s32 $0x5F3759DF, v38;
	v31 =	vmul.f32 v37, v31;
	v30 =	vmul.f32 v32, v30;
	v32 =	vld [tilespmem:s11+$0xC660]  }
0x33b: {  	v33 =	vmul.f32 v25, v34;
	v34 =	vmul.f32 v26, v26;
	v26 =	vadd.f32 v29, v36;
	v29 =	vld [tilespmem:s11+$0x14A60]  }
0x33c: {  	v31 =	vmul.f32 v31, v37;
	v30 =	vsub.f32 v30, v35;
	v35 =	vmul.f32 v27, v41;
	v36 =	vld [tilespmem:s11+$0xCA60]  }
0x33d: {  	v40 =	vmul.f32 v22, v41;
	v33 =	vmul.f32 v33, v25;
	v28 =	vsub.f32 v26, v28;
	v41 =	vld [tilespmem:s11+$0x14660]  }
0x33e: {  	v22 =	vmul.f32 v22, v39;
	v26 =	vmul.f32 $5.000000000e-01, v20;
	v31 =	vsub.f32 $1.500000000e+00, v31;
	v42 =	vld [tilespmem:s11+$0x10640]  }
0x33f: {  	v27 =	vmul.f32 v27, v39;
	v33 =	vsub.f32 $1.500000000e+00, v33;
	v43 =	vmul.f32 v28, v28;
	v28 =	vld [tilespmem:s11+$0x10650]  }
0x340: {  	v35 =	vsub.f32 v22, v35;
	v31 =	vmul.f32 v31, v37;
	v37 =	vmul.f32 v32, v29  }
0x341: {  	v24 =	vmul.f32 v24, v24;
	v22 =	vmul.f32 v33, v25;
	v25 =	vadd.f32 v27, v40  }
0x342: {  	v27 =	vmul.f32 v38, v26;
	v21 =	vmul.f32 v31, v21;
	v31 =	vld [tilespmem:s11+$0x10A50]  }
0x343: {  	v39 =	vmul.f32 v36, v41;
	v22 =	vmul.f32 v22, v23;
	v30 =	vsub.f32 v30, v42;
	v40 =	vld [tilespmem:s11+$0x10A60]  }
0x344: {  	v27 =	vmul.f32 v38, v27;
	v33 =	vsub.f32 v35, v28;
	v35 =	vmul.f32 v36, v29;
	v28 =	vld [tilespmem:s11+$0xCA70]  }
.Ltmp2:
0x345: {  	v23 =	vadd.f32 v24, v34;
	v36 =	vmul.f32 v32, v41;
	v24 =	vmul.f32 v30, v30;
	v34 =	vld [tilespmem:s11+$0x10660];
	(pc) =	sbr.rel @p0 .LBB2_8-.Ltmp2, $4  }
0x346: {  	v37 =	vadd.f32 v39, v37;
	v27 =	vsub.f32 $1.500000000e+00, v27;
	v33 =	vmul.f32 v33, v33;
	v30 =	vld [tilespmem:s11+$0x14A70]  }
0x347: {  	v32 =	vshra.s32 v23, $0x1;
	v24 =	vadd.f32 v43, v24;
	v39 =	vsub.f32 v25, v31;
	v29 =	vld [tilespmem:s11+$0x14670]  }
0x348: {  	v36 =	vsub.f32 v36, v35;
	v25 =	vmul.f32 v38, v27;
	v35 =	vsub.f32 v37, v40;
	v31 =	vld [tilespmem:s11+$0xC670]  }
0x349: {  	v38 =	vshra.s32 v24, $0x1;
	v27 =	vmul.f32 $5.000000000e-01, v24;
	v37 =	vmul.f32 v39, v39  }
0x34a: {  	v34 =	vsub.f32 v36, v34;
	v59 =	vmul.f32 $5.000000000e-01, v23  }
0x34b: {  	v38 =	vsub.s32 $0x5F3759DF, v38;
	v35 =	vmul.f32 v35, v35;
	v26 =	vmul.f32 v25, v26  }
0x34c: {  	v60 =	vmul.f32 v28, v30;
	v40 =	vmul.f32 v38, v27  }
0x34d: {  	v39 =	vld [tilespmem:s11+$0x10A70];
	v32 =	vsub.s32 $0x5F3759DF, v32;
	v34 =	vmul.f32 v34, v34;
	v63 =	vmul.f32 v28, v29  }
0x34e: {  	v62 =	vld [tilespmem:s11+$0x10670];
	v33 =	vadd.f32 v37, v33;
	v47 =	vmul.f32 v32, v59;
	v26 =	vmul.f32 v26, v25  }
0x34f: {  	v61 =	vmul.f32 v31, v30;
	v45 =	vmul.f32 v31, v29  }
0x350: {  	v46 =	vmul.f32 $5.000000000e-01, v33;
	v40 =	vmul.f32 v38, v40;
	v34 =	vadd.f32 v35, v34  }
0x351: {  	v50 =	vshra.s32 v33, $0x1;
	v28 =	vadd.f32 v63, v61;
	v29 =	vsub.f32 v45, v60  }
0x352: {  	v30 =	vmul.f32 v32, v47;
	v26 =	vsub.f32 $1.500000000e+00, v26;
	v48 =	vsub.f32 $1.500000000e+00, v40  }
0x353: {  	v35 =	vsub.s32 $0x5F3759DF, v50;
	v28 =	vsub.f32 v28, v39;
	v29 =	vsub.f32 v29, v62  }
0x354: {  	v51 =	vmul.f32 v35, v46;
	v41 =	vshra.s32 v34, $0x1;
	v42 =	vmul.f32 $5.000000000e-01, v34  }
0x355: {  	v30 =	vsub.f32 $1.500000000e+00, v30;
	v28 =	vmul.f32 v28, v28;
	v29 =	vmul.f32 v29, v29  }
0x356: {  	v58 =	vmul.f32 v26, v25;
	v49 =	vsub.s32 $0x5F3759DF, v41;
	v37 =	vmul.f32 v38, v48  }
0x357: {  	v55 =	vmul.f32 v35, v51;
	v41 =	vmul.f32 v49, v42;
	v28 =	vadd.f32 v28, v29  }
0x358: {  	v54 =	vmul.f32 v32, v30;
	v20 =	vmul.f32 v58, v20  }
0x359: {  	v53 =	vmul.f32 v37, v27;
	v56 =	vshra.s32 v28, $0x1;
	v57 =	vmul.f32 $5.000000000e-01, v28  }
0x35a: {  	v30 =	vsub.f32 $1.500000000e+00, v55;
	v52 =	vmul.f32 v49, v41;
	v32 =	vsub.s32 $0x5F3759DF, v56  }
0x35b: {  	v36 =	vmul.f32 v54, v59;
	v59 =	vmul.f32 v32, v57  }
0x35c: {  	v27 =	vmul.f32 v53, v37;
	v30 =	vmul.f32 v35, v30;
	v39 =	vsub.f32 $1.500000000e+00, v52  }
0x35d: {  	v60 =	vmul.f32 v36, v54;
	v61 =	vmul.f32 v32, v59  }
0x35e: {  	v20 =	vadd.f32 $0.0e+00, v20;
	v31 =	vmul.f32 v30, v46;
	v62 =	vmul.f32 v49, v39  }
0x35f: {  	v35 =	vsub.f32 $1.500000000e+00, v60;
	v25 =	vsub.f32 $1.500000000e+00, v61  }
0x360: {  	v27 =	vsub.f32 $1.500000000e+00, v27;
	v31 =	vmul.f32 v31, v30;
	v63 =	vmul.f32 v62, v42  }
0x361: {  	v20 =	vadd.f32 v22, v20;
	v29 =	vmul.f32 v35, v54;
	v35 =	vmul.f32 v32, v25  }
0x362: {  	v37 =	vmul.f32 v27, v37;
	v31 =	vsub.f32 $1.500000000e+00, v31;
	v39 =	vmul.f32 v63, v62  }
0x363: {  	v20 =	vadd.f32 v21, v20;
	v40 =	vmul.f32 v29, v23;
	v41 =	vmul.f32 v35, v57  }
0x364: {  	v24 =	vmul.f32 v37, v24;
	v43 =	vmul.f32 v31, v30  }
0x365: {  	v42 =	vsub.f32 $1.500000000e+00, v39;
	v20 =	vadd.f32 v40, v20;
	v21 =	vmul.f32 v41, v35  }
0x366: {  	v45 =	vmul.f32 v43, v33  }
0x367: {  	v44 =	vmul.f32 v42, v62;
	v20 =	vadd.f32 v24, v20;
	v21 =	vsub.f32 $1.500000000e+00, v21;
	_ =	sdelay $0x1  }
0x368: {  	v23 =	vmul.f32 v44, v34;
	v20 =	vadd.f32 v45, v20;
	v21 =	vmul.f32 v21, v35  }
0x369: {  	v46 =	vadd.s32 s10, v0  }
0x36a: {  	v20 =	vadd.f32 v23, v20;
	v21 =	vmul.f32 v21, v28;
	_ =	sdelay $0x1  }
0x36b: {  	v20 =	vadd.f32 v21, v20;
	_ =	sdelay $0x1  }
0x36c: {  	[tilespmem:v46+s28+$0x0] =	vst.idx.msk $0xffff, v20  }
0x36d: {  	v20 =	vld.idx.msk [tilespmem:v4+s28+$0x0], $0xffff;
	_ =	sdelay $0x1  }
0x36e: {  	v47 =	vld.idx.msk [tilespmem:v5+s28+$0x0], $0xffff;
	_ =	sdelay $0x1  }
0x36f: {  	v22 =	vld.idx.msk [tilespmem:v6+s28+$0x0], $0xffff  }
0x370: {  	v20 =	vadd.f32 $0.0e+00, v20  }
0x371: {  	v48 =	vld.idx.msk [tilespmem:v7+s28+$0x0], $0xffff  }
0x372: {  	v20 =	vadd.f32 v47, v20  }
0x373: {  	v49 =	vld.idx.msk [tilespmem:v8+s28+$0x0], $0xffff  }
0x374: {  	v20 =	vadd.f32 v22, v20  }
0x375: {  	v50 =	vld.idx.msk [tilespmem:v9+s28+$0x0], $0xffff  }
0x376: {  	v20 =	vadd.f32 v48, v20  }
0x377: {  	v51 =	vld.idx.msk [tilespmem:v10+s28+$0x0], $0xffff  }
0x378: {  	v20 =	vadd.f32 v49, v20  }
0x379: {  	v52 =	vld.idx.msk [tilespmem:v11+s28+$0x0], $0xffff  }
0x37a: {  	v20 =	vadd.f32 v50, v20  }
0x37b: {  	v53 =	vld.idx.msk [tilespmem:v12+s28+$0x0], $0xffff  }
0x37c: {  	v20 =	vadd.f32 v51, v20  }
0x37d: {  	v54 =	vld.idx.msk [tilespmem:v13+s28+$0x0], $0xffff  }
0x37e: {  	v20 =	vadd.f32 v52, v20  }
0x37f: {  	v55 =	vld.idx.msk [tilespmem:v14+s28+$0x0], $0xffff  }
0x380: {  	v20 =	vadd.f32 v53, v20  }
0x381: {  	v56 =	vld.idx.msk [tilespmem:v15+s28+$0x0], $0xffff  }
0x382: {  	v20 =	vadd.f32 v54, v20  }
0x383: {  	v57 =	vld.idx.msk [tilespmem:v16+s28+$0x0], $0xffff  }
0x384: {  	v20 =	vadd.f32 v55, v20  }
0x385: {  	v58 =	vld.idx.msk [tilespmem:v17+s28+$0x0], $0xffff  }
0x386: {  	v20 =	vadd.f32 v56, v20  }
0x387: {  	v59 =	vld.idx.msk [tilespmem:v18+s28+$0x0], $0xffff  }
0x388: {  	v20 =	vadd.f32 v57, v20  }
0x389: {  	v60 =	vld.idx.msk [tilespmem:v19+s28+$0x0], $0xffff  }
0x38a: {  	v20 =	vadd.f32 v58, v20;
	_ =	sdelay $0x1  }
0x38b: {  	v20 =	vadd.f32 v59, v20;
	_ =	sdelay $0x1  }
0x38c: {  	v20 =	vadd.f32 v60, v20;
	_ =	sdelay $0x1  }
0x38d: {  	v20 =	vsub.f32 $1.200000000e+01, v20;
	_ =	sdelay $0x1  }
0x38e: {  	v61 =	vand.u32 $0x7FFFFFFF, v20  }
0x38f: {  	v21 =	vsub.f32 $0.0e+00, v61;
	_ =	sdelay $0x1  }
0x390: {  	v21 =	vmul.f32 $1.442695020e+00, v21;
	_ =	sdelay $0x1  }
0x391: {  	(erf) = vpow2.f32 v21;
	_ =	sdelay $0x8  }
0x392: {  	v21 =	vpop (erf)  }
0x393: {  	v62 =	vadd.f32 $2.000000000e+00, v21;
	_ =	sdelay $0x1  }
0x394: {  	(erf) = vrcp.f32 v62;
	_ =	sdelay $0x8  }
0x395: {  	v22 =	vpop (erf)  }
0x396: {  	v21 =	vmul.f32 v22, v21;
	_ =	sdelay $0x1  }
0x397: {  	v22 =	vmul.f32 v21, v21;
	_ =	sdelay $0x1  }
0x398: {  	v63 =	vmul.f32 $1.428571490e-01, v22;
	_ =	sdelay $0x1  }
0x399: {  	v23 =	vadd.f32 $2.000000030e-01, v63;
	_ =	sdelay $0x1  }
0x39a: {  	v23 =	vmul.f32 v23, v22;
	_ =	sdelay $0x1  }
0x39b: {  	v23 =	vadd.f32 $3.333333430e-01, v23;
	_ =	sdelay $0x1  }
0x39c: {  	v22 =	vmul.f32 v23, v22;
	_ =	sdelay $0x1  }
0x39d: {  	s7 =	sshll.u32 s15, $0x4;
	s15 =	sadd.s32 $0x1, s15;
	v21 =	vadd.f32 v21, v21;
	v22 =	vadd.f32 $1.000000000e+00, v22  }
0x39e: {  	p0 =	sne.s32 s15, $0x4  }
.Ltmp3:
0x39f: {  	v21 =	vmul.f32 v22, v21;
	(pc) =	sbr.rel @p0 .LBB2_7-.Ltmp3, $4  }
0x3a0: {  	v20 =	vmin.f32 v20, $0.0e+00  }
0x3a1: {  	v20 =	vsub.f32 v20, v21  }
0x3a2: {  	s7 =	sand.u32 $0x3FFFFFF0, s7  }
0x3a3: {  	[tilespmem:s7+$0x18680] =	vst v20  }
0x3a4: {  	s3 =	sadd.s32 $0x1, s3  }
0x3a5: {  	p0 =	sne.s32 s3, $0x3  }
.Ltmp4:
0x3a6: {  	_ = 	snop;
	(pc) =	sbr.rel @p0 .LBB2_2-.Ltmp4, $4  }
0x3a7: {  	s7 =	sor.u32 s6, s16  }
0x3a8: {  	s7 =	sshrl.u32 s7, $0x3  }
0x3a9: {  	s7 =	sadd.s32 s2, s7  }
0x3aa: {  	[hbm4b:s7+s4] =	stream.linear.scatter [tilespmem:s22], [sflag:$0xB], $0x40, $0x38;
	[tilespmem:$0x18880] =	vst v63  }
0x3ab: {  	v20 =	vld [tilespmem:$0x1C0];
	_ =	sdelay $0x4  }
0x3ac: {  	v21 =	vshll.u32 v20, $0x1  }
0x3ad: {  	v20 =	vand.u32 $0x7, v20;
	v21 =	vand.u32 $0xFFFFFFF0, v21  }
0x3ae: {  	v20 =	vor.u32 v20, v21  }
0x3af: {  	v21 =	vperm.xlane v20, v1;
	_ =	sdelay $0x1  }
0x3b0: {  	v20 =	vperm.xlane v20, v3;
	v21 =	vadd.s32 v2, v21;
	_ =	sdelay $0x1  }
0x3b1: {  	v20 =	vadd.s32 v2, v20;
	_ =	sdelay $0x1  }
0x3b2: {  	s3 =	simm.s32 $0x0;
	s7 =	simm.s32 $0xC600  }
0x3b3: {  	[tilespmem:s7], [sflag:$0x7] =	stream.indirect_vreg.gather [hbm4b:s1+s3], $0x80, v21, vm0, $0xb8;
	[tilespmem:$0x18880] =	vst v63  }
0x3b4: {  	s9 =	simm.s32 $0xCE00  }
0x3b5: {  	[tilespmem:s9], [sflag:$0x7] =	stream.indirect_vreg.gather [hbm4b:s1+s3], $0x80, v20, vm0, $0xb8;
	[tilespmem:$0x18880] =	vst v63  }
0x3b6: {  	v20 =	vld [tilespmem:$0x1D0];
	_ =	sdelay $0x4  }
0x3b7: {  	v53 =	vshll.u32 v20, $0x1  }
0x3b8: {  	v20 =	vand.u32 $0x7, v20;
	v21 =	vand.u32 $0xFFFFFFF0, v53  }
0x3b9: {  	v20 =	vor.u32 v20, v21  }
0x3ba: {  	v21 =	vperm.xlane v20, v1;
	_ =	sdelay $0x1  }
0x3bb: {  	v20 =	vperm.xlane v20, v3;
	v21 =	vadd.s32 v2, v21;
	_ =	sdelay $0x1  }
0x3bc: {  	v20 =	vadd.s32 v2, v20;
	_ =	sdelay $0x1  }
0x3bd: {  	s10 =	simm.s32 $0xD600  }
0x3be: {  	[tilespmem:s10], [sflag:$0x7] =	stream.indirect_vreg.gather [hbm4b:s1+s3], $0x80, v21, vm0, $0xb8;
	[tilespmem:$0x18880] =	vst v63  }
0x3bf: {  	s11 =	simm.s32 $0xDE00  }
0x3c0: {  	[tilespmem:s11], [sflag:$0x7] =	stream.indirect_vreg.gather [hbm4b:s1+s3], $0x80, v20, vm0, $0xb8;
	[tilespmem:$0x18880] =	vst v63  }
0x3c1: {  	v20 =	vld [tilespmem:$0x1E0];
	_ =	sdelay $0x4  }
0x3c2: {  	v54 =	vshll.u32 v20, $0x1  }
0x3c3: {  	v20 =	vand.u32 $0x7, v20;
	v21 =	vand.u32 $0xFFFFFFF0, v54  }
0x3c4: {  	v20 =	vor.u32 v20, v21  }
0x3c5: {  	v21 =	vperm.xlane v20, v1;
	_ =	sdelay $0x1  }
0x3c6: {  	v20 =	vperm.xlane v20, v3;
	v21 =	vadd.s32 v2, v21;
	_ =	sdelay $0x1  }
0x3c7: {  	v20 =	vadd.s32 v2, v20;
	_ =	sdelay $0x1  }
0x3c8: {  	s12 =	simm.s32 $0xE600  }
0x3c9: {  	[tilespmem:s12], [sflag:$0x7] =	stream.indirect_vreg.gather [hbm4b:s1+s3], $0x80, v21, vm0, $0xb8;
	[tilespmem:$0x18880] =	vst v63  }
0x3ca: {  	s13 =	simm.s32 $0xEE00  }
0x3cb: {  	[tilespmem:s13], [sflag:$0x7] =	stream.indirect_vreg.gather [hbm4b:s1+s3], $0x80, v20, vm0, $0xb8;
	[tilespmem:$0x18880] =	vst v63  }
0x3cc: {  	v20 =	vld [tilespmem:$0x1F0];
	_ =	sdelay $0x4  }
0x3cd: {  	v55 =	vshll.u32 v20, $0x1  }
0x3ce: {  	v20 =	vand.u32 $0x7, v20;
	v21 =	vand.u32 $0xFFFFFFF0, v55  }
0x3cf: {  	v20 =	vor.u32 v20, v21  }
0x3d0: {  	v21 =	vperm.xlane v20, v1;
	_ =	sdelay $0x1  }
0x3d1: {  	v20 =	vperm.xlane v20, v3;
	v21 =	vadd.s32 v2, v21;
	_ =	sdelay $0x1  }
0x3d2: {  	v20 =	vadd.s32 v2, v20;
	_ =	sdelay $0x1  }
0x3d3: {  	s14 =	simm.s32 $0xF600  }
0x3d4: {  	[tilespmem:s14], [sflag:$0x7] =	stream.indirect_vreg.gather [hbm4b:s1+s3], $0x80, v21, vm0, $0xb8;
	[tilespmem:$0x18880] =	vst v63  }
0x3d5: {  	s15 =	simm.s32 $0xFE00  }
0x3d6: {  	[tilespmem:s15], [sflag:$0x7] =	stream.indirect_vreg.gather [hbm4b:s1+s3], $0x80, v20, vm0, $0xb8;
	[tilespmem:$0x18880] =	vst v63  }
0x3d7: {  	v20 =	vld [tilespmem:$0x3C0];
	_ =	sdelay $0x4  }
0x3d8: {  	v56 =	vshll.u32 v20, $0x1  }
0x3d9: {  	v20 =	vand.u32 $0x7, v20;
	v21 =	vand.u32 $0xFFFFFFF0, v56  }
0x3da: {  	v20 =	vor.u32 v20, v21  }
0x3db: {  	v21 =	vperm.xlane v20, v1;
	_ =	sdelay $0x1  }
0x3dc: {  	v20 =	vperm.xlane v20, v3;
	v21 =	vadd.s32 v2, v21;
	_ =	sdelay $0x1  }
0x3dd: {  	v20 =	vadd.s32 v2, v20;
	_ =	sdelay $0x1  }
0x3de: {  	s16 =	simm.s32 $0x10600  }
0x3df: {  	[tilespmem:s16], [sflag:$0x8] =	stream.indirect_vreg.gather [hbm4b:s1+s3], $0x80, v21, vm0, $0xb8;
	[tilespmem:$0x18880] =	vst v63  }
0x3e0: {  	s17 =	simm.s32 $0x10E00  }
0x3e1: {  	[tilespmem:s17], [sflag:$0x8] =	stream.indirect_vreg.gather [hbm4b:s1+s3], $0x80, v20, vm0, $0xb8;
	[tilespmem:$0x18880] =	vst v63  }
0x3e2: {  	v20 =	vld [tilespmem:$0x3D0];
	_ =	sdelay $0x4  }
0x3e3: {  	v57 =	vshll.u32 v20, $0x1  }
0x3e4: {  	v20 =	vand.u32 $0x7, v20;
	v21 =	vand.u32 $0xFFFFFFF0, v57  }
0x3e5: {  	v20 =	vor.u32 v20, v21  }
0x3e6: {  	v21 =	vperm.xlane v20, v1;
	_ =	sdelay $0x1  }
0x3e7: {  	v20 =	vperm.xlane v20, v3;
	v21 =	vadd.s32 v2, v21;
	_ =	sdelay $0x1  }
0x3e8: {  	v20 =	vadd.s32 v2, v20;
	_ =	sdelay $0x1  }
0x3e9: {  	s18 =	simm.s32 $0x11600  }
0x3ea: {  	[tilespmem:s18], [sflag:$0x8] =	stream.indirect_vreg.gather [hbm4b:s1+s3], $0x80, v21, vm0, $0xb8;
	[tilespmem:$0x18880] =	vst v63  }
0x3eb: {  	s9 =	simm.s32 $0x11E00  }
0x3ec: {  	[tilespmem:s9], [sflag:$0x8] =	stream.indirect_vreg.gather [hbm4b:s1+s3], $0x80, v20, vm0, $0xb8;
	[tilespmem:$0x18880] =	vst v63  }
0x3ed: {  	v20 =	vld [tilespmem:$0x3E0];
	_ =	sdelay $0x4  }
0x3ee: {  	v58 =	vshll.u32 v20, $0x1  }
0x3ef: {  	v20 =	vand.u32 $0x7, v20;
	v21 =	vand.u32 $0xFFFFFFF0, v58  }
0x3f0: {  	v20 =	vor.u32 v20, v21  }
0x3f1: {  	v21 =	vperm.xlane v20, v1;
	_ =	sdelay $0x1  }
0x3f2: {  	v20 =	vperm.xlane v20, v3;
	v21 =	vadd.s32 v2, v21;
	_ =	sdelay $0x1  }
0x3f3: {  	v20 =	vadd.s32 v2, v20;
	_ =	sdelay $0x1  }
0x3f4: {  	s10 =	simm.s32 $0x12600  }
0x3f5: {  	[tilespmem:s10], [sflag:$0x8] =	stream.indirect_vreg.gather [hbm4b:s1+s3], $0x80, v21, vm0, $0xb8;
	[tilespmem:$0x18880] =	vst v63  }
0x3f6: {  	s11 =	simm.s32 $0x12E00  }
0x3f7: {  	[tilespmem:s11], [sflag:$0x8] =	stream.indirect_vreg.gather [hbm4b:s1+s3], $0x80, v20, vm0, $0xb8;
	[tilespmem:$0x18880] =	vst v63  }
0x3f8: {  	v20 =	vld [tilespmem:$0x3F0];
	_ =	sdelay $0x4  }
0x3f9: {  	v59 =	vshll.u32 v20, $0x1  }
0x3fa: {  	v20 =	vand.u32 $0x7, v20;
	v21 =	vand.u32 $0xFFFFFFF0, v59  }
0x3fb: {  	v20 =	vor.u32 v20, v21  }
0x3fc: {  	v21 =	vperm.xlane v20, v1;
	_ =	sdelay $0x1  }
0x3fd: {  	v20 =	vperm.xlane v20, v3;
	v21 =	vadd.s32 v2, v21;
	_ =	sdelay $0x1  }
0x3fe: {  	v20 =	vadd.s32 v2, v20;
	_ =	sdelay $0x1  }
0x3ff: {  	s12 =	simm.s32 $0x13600  }
0x400: {  	[tilespmem:s12], [sflag:$0x8] =	stream.indirect_vreg.gather [hbm4b:s1+s3], $0x80, v21, vm0, $0xb8;
	[tilespmem:$0x18880] =	vst v63  }
0x401: {  	s13 =	simm.s32 $0x13E00  }
0x402: {  	[tilespmem:s13], [sflag:$0x8] =	stream.indirect_vreg.gather [hbm4b:s1+s3], $0x80, v20, vm0, $0xb8;
	[tilespmem:$0x18880] =	vst v63  }
0x403: {  	v20 =	vld [tilespmem:$0x5C0];
	_ =	sdelay $0x4  }
0x404: {  	v60 =	vshll.u32 v20, $0x1  }
0x405: {  	v20 =	vand.u32 $0x7, v20;
	v21 =	vand.u32 $0xFFFFFFF0, v60  }
0x406: {  	v20 =	vor.u32 v20, v21  }
0x407: {  	v21 =	vperm.xlane v20, v1;
	_ =	sdelay $0x1  }
0x408: {  	v20 =	vperm.xlane v20, v3;
	v21 =	vadd.s32 v2, v21;
	_ =	sdelay $0x1  }
0x409: {  	v20 =	vadd.s32 v2, v20;
	_ =	sdelay $0x1  }
0x40a: {  	s14 =	simm.s32 $0x14600  }
0x40b: {  	[tilespmem:s14], [sflag:$0x9] =	stream.indirect_vreg.gather [hbm4b:s5+s3], $0x80, v21, vm0, $0xb8;
	[tilespmem:$0x18880] =	vst v63  }
0x40c: {  	s15 =	simm.s32 $0x14E00  }
0x40d: {  	[tilespmem:s15], [sflag:$0x9] =	stream.indirect_vreg.gather [hbm4b:s5+s3], $0x80, v20, vm0, $0xb8;
	[tilespmem:$0x18880] =	vst v63  }
0x40e: {  	v20 =	vld [tilespmem:$0x5D0];
	_ =	sdelay $0x4  }
0x40f: {  	v61 =	vshll.u32 v20, $0x1  }
0x410: {  	v20 =	vand.u32 $0x7, v20;
	v21 =	vand.u32 $0xFFFFFFF0, v61  }
0x411: {  	v20 =	vor.u32 v20, v21  }
0x412: {  	v21 =	vperm.xlane v20, v1;
	_ =	sdelay $0x1  }
0x413: {  	v20 =	vperm.xlane v20, v3;
	v21 =	vadd.s32 v2, v21;
	_ =	sdelay $0x1  }
0x414: {  	v20 =	vadd.s32 v2, v20;
	_ =	sdelay $0x1  }
0x415: {  	s16 =	simm.s32 $0x15600  }
0x416: {  	[tilespmem:s16], [sflag:$0x9] =	stream.indirect_vreg.gather [hbm4b:s5+s3], $0x80, v21, vm0, $0xb8;
	[tilespmem:$0x18880] =	vst v63  }
0x417: {  	s17 =	simm.s32 $0x15E00  }
0x418: {  	[tilespmem:s17], [sflag:$0x9] =	stream.indirect_vreg.gather [hbm4b:s5+s3], $0x80, v20, vm0, $0xb8;
	[tilespmem:$0x18880] =	vst v63  }
0x419: {  	v20 =	vld [tilespmem:$0x5E0];
	_ =	sdelay $0x4  }
0x41a: {  	v62 =	vshll.u32 v20, $0x1  }
0x41b: {  	v20 =	vand.u32 $0x7, v20;
	v21 =	vand.u32 $0xFFFFFFF0, v62  }
0x41c: {  	v20 =	vor.u32 v20, v21  }
0x41d: {  	v21 =	vperm.xlane v20, v1;
	_ =	sdelay $0x1  }
0x41e: {  	v20 =	vperm.xlane v20, v3;
	v21 =	vadd.s32 v2, v21;
	_ =	sdelay $0x1  }
0x41f: {  	v20 =	vadd.s32 v2, v20;
	_ =	sdelay $0x1  }
0x420: {  	s18 =	simm.s32 $0x16600  }
0x421: {  	[tilespmem:s18], [sflag:$0x9] =	stream.indirect_vreg.gather [hbm4b:s5+s3], $0x80, v21, vm0, $0xb8;
	[tilespmem:$0x18880] =	vst v63  }
0x422: {  	_ = 	snop  }
0x423: {  	[tilespmem:s19], [sflag:$0x9] =	stream.indirect_vreg.gather [hbm4b:s5+s3], $0x80, v20, vm0, $0xb8;
	[tilespmem:$0x18880] =	vst v63  }
0x424: {  	v20 =	vld [tilespmem:$0x5F0];
	_ =	sdelay $0x4  }
0x425: {  	v63 =	vshll.u32 v20, $0x1  }
0x426: {  	v20 =	vand.u32 $0x7, v20;
	v21 =	vand.u32 $0xFFFFFFF0, v63  }
0x427: {  	v20 =	vor.u32 v20, v21  }
0x428: {  	v21 =	vperm.xlane v20, v1;
	_ =	sdelay $0x1  }
0x429: {  	v20 =	vperm.xlane v20, v3;
	v21 =	vadd.s32 v2, v21;
	_ =	sdelay $0x1  }
0x42a: {  	v20 =	vadd.s32 v2, v20;
	_ =	sdelay $0x2  }
0x42b: {  	[tilespmem:s20], [sflag:$0x9] =	stream.indirect_vreg.gather [hbm4b:s5+s3], $0x80, v21, vm0, $0xb8;
	[tilespmem:$0x18880] =	vst v63  }
0x42c: {  	_ = 	snop  }
0x42d: {  	[tilespmem:s8], [sflag:$0x9] =	stream.indirect_vreg.gather [hbm4b:s5+s3], $0x80, v20, vm0, $0xb8;
	[tilespmem:$0x18880] =	vst v63  }
0x42e: {  	_ =	swait.ge [sflag:s23], $0x4000  }
0x42f: {  	[sflag:s23] =	ssyncset.done $0x0  }
0x430: {  	[sflag:s23] =	ssyncadd.s32 $0xFFFFC000  }
0x431: {  	_ =	swait.ge [sflag:s24], $0x4000  }
0x432: {  	[sflag:s24] =	ssyncset.done $0x0  }
0x433: {  	[sflag:s24] =	ssyncadd.s32 $0xFFFFC000  }
0x434: {  	_ =	swait.ge [sflag:s25], $0x4000  }
0x435: {  	[sflag:s25] =	ssyncset.done $0x0  }
0x436: {  	[sflag:s25] =	ssyncadd.s32 $0xFFFFC000  }
0x437: {  	_ =	swait.ge [sflag:s26], $0x40  }
0x438: {  	[sflag:s26] =	ssyncset.done $0x0  }
0x439: {  	s14 =	simm.s32 $0x0;
	[sflag:s26] =	ssyncadd.s32 $0xFFFFFFC0  }
.LBB2_12:
0x43a: {  	s9 =	sshll.u32 s14, $0xC;
	s7 =	sand.u32 $0x800, s3  }
0x43b: {  	s10 =	sand.u32 $0x380, s3;
	s7 =	sor.u32 s9, s7  }
0x43c: {  	s11 =	sor.u32 s10, s7  }
0x43d: {  	v20 =	vld [tilespmem:s11+$0x4A20]  }
0x43e: {  	v21 =	vld [tilespmem:s11+$0x4620]  }
0x43f: {  	v22 =	vld [tilespmem:s11+$0xA20]  }
0x440: {  	v23 =	vld [tilespmem:s11+$0x4610]  }
0x441: {  	v24 =	vld [tilespmem:s11+$0x8A20]  }
0x442: {  	v25 =	vld [tilespmem:s11+$0x620]  }
0x443: {  	v26 =	vld [tilespmem:s11+$0x8620]  }
0x444: {  	v27 =	vld [tilespmem:s11+$0x8610]  }
0x445: {  	v28 =	vld [tilespmem:s11+$0x610]  }
0x446: {  	v29 =	vld [tilespmem:s11+$0xA10]  }
0x447: {  	v30 =	vld [tilespmem:s11+$0x8A10]  }
0x448: {  	v31 =	vld [tilespmem:s11+$0xA00]  }
0x449: {  	v34 =	vld [tilespmem:s11+$0x600]  }
0x44a: {  	v61 =	vld [tilespmem:s11+$0x8600]  }
0x44b: {  	v62 =	vld [tilespmem:s11+$0x4A10]  }
0x44c: {  	v63 =	vld [tilespmem:s11+$0x640];
	v32 =	vmul.f32 v25, v24  }
0x44d: {  	v36 =	vld [tilespmem:s11+$0x8A40];
	v33 =	vmul.f32 v22, v26;
	v25 =	vmul.f32 v25, v26  }
0x44e: {  	v26 =	vld [tilespmem:s11+$0x8A00];
	v35 =	vmul.f32 v28, v27;
	v22 =	vmul.f32 v22, v24  }
0x44f: {  	v40 =	vld [tilespmem:s11+$0x650];
	v27 =	vmul.f32 v29, v27;
	v28 =	vmul.f32 v28, v30;
	v24 =	vadd.f32 v33, v32  }
0x450: {  	v42 =	vld [tilespmem:s11+$0x8A50];
	v29 =	vmul.f32 v29, v30;
	v22 =	vsub.f32 v25, v22  }
0x451: {  	v48 =	vld [tilespmem:s11+$0x8650];
	v25 =	vadd.f32 v27, v28;
	v20 =	vsub.f32 v24, v20  }
0x452: {  	v27 =	vld [tilespmem:s11+$0x4600];
	v28 =	vmul.f32 v34, v61;
	v24 =	vsub.f32 v35, v29;
	v21 =	vsub.f32 v22, v21  }
0x453: {  	v30 =	vld [tilespmem:s11+$0x630];
	v29 =	vmul.f32 v31, v26;
	v20 =	vmul.f32 v20, v20  }
0x454: {  	v22 =	vld [tilespmem:s11+$0xA30];
	v23 =	vsub.f32 v24, v23;
	v24 =	vsub.f32 v25, v62;
	v21 =	vmul.f32 v21, v21  }
0x455: {  	v25 =	vmul.f32 v34, v26;
	v26 =	vmul.f32 v31, v61;
	v31 =	vld [tilespmem:s11+$0x8A30];
	v28 =	vsub.f32 v28, v29  }
0x456: {  	v29 =	vld [tilespmem:s11+$0x4A00];
	v23 =	vmul.f32 v23, v23;
	v24 =	vmul.f32 v24, v24;
	v21 =	vadd.f32 v20, v21  }
0x457: {  	v54 =	vmul.f32 v40, v42;
	v40 =	vmul.f32 v40, v48;
	v20 =	vld [tilespmem:s11+$0x8630];
	v27 =	vsub.f32 v28, v27  }
0x458: {  	v38 =	vld [tilespmem:s11+$0x4A30];
	v25 =	vadd.f32 v26, v25;
	v23 =	vadd.f32 v24, v23;
	v24 =	vshra.s32 v21, $0x1  }
0x459: {  	v50 =	vld [tilespmem:s11+$0x660];
	v28 =	vmul.f32 $5.000000000e-01, v21;
	v27 =	vmul.f32 v27, v27;
	v24 =	vsub.s32 $0x5F3759DF, v24  }
0x45a: {  	v55 =	vld [tilespmem:s11+$0x8660];
	v46 =	vmul.f32 v22, v31;
	v44 =	vshra.s32 v23, $0x1;
	v45 =	vmul.f32 $5.000000000e-01, v23  }
0x45b: {  	v26 =	vld [tilespmem:s11+$0xA40];
	v31 =	vmul.f32 v30, v31;
	v37 =	vmul.f32 v24, v28;
	v33 =	vsub.s32 $0x5F3759DF, v44  }
0x45c: {  	v39 =	vld [tilespmem:s11+$0x4630];
	v25 =	vsub.f32 v25, v29;
	v22 =	vmul.f32 v22, v20;
	v29 =	vmul.f32 v33, v45  }
0x45d: {  	v20 =	vmul.f32 v30, v20;
	v30 =	vld [tilespmem:s11+$0x8640];
	v37 =	vmul.f32 v24, v37  }
0x45e: {  	v25 =	vmul.f32 v25, v25;
	v22 =	vadd.f32 v22, v31;
	v29 =	vmul.f32 v33, v29  }
0x45f: {  	v62 =	vmul.f32 v50, v55;
	v35 =	vsub.f32 v20, v46;
	v37 =	vsub.f32 $1.500000000e+00, v37  }
0x460: {  	v41 =	vmul.f32 v26, v36;
	v20 =	vadd.f32 v25, v27;
	v25 =	vsub.f32 $1.500000000e+00, v29  }
0x461: {  	v47 =	vld [tilespmem:s11+$0x4A40];
	v27 =	vmul.f32 v63, v36;
	v22 =	vsub.f32 v22, v38;
	v24 =	vmul.f32 v24, v37  }
0x462: {  	v31 =	vld [tilespmem:s11+$0xA50];
	v29 =	vsub.f32 v35, v39;
	v26 =	vmul.f32 v26, v30;
	v25 =	vmul.f32 v33, v25  }
0x463: {  	v49 =	vshra.s32 v20, $0x1;
	v30 =	vmul.f32 v63, v30;
	v28 =	vmul.f32 v24, v28  }
0x464: {  	v58 =	vmul.f32 v22, v22;
	v26 =	vadd.f32 v26, v27;
	v27 =	vld [tilespmem:s11+$0x8A60];
	v34 =	vmul.f32 v25, v45  }
0x465: {  	v53 =	vld [tilespmem:s11+$0xA60];
	v51 =	vsub.s32 $0x5F3759DF, v49;
	v29 =	vmul.f32 v29, v29;
	v28 =	vmul.f32 v28, v24  }
0x466: {  	v43 =	vld [tilespmem:s11+$0x4640];
	v35 =	vsub.f32 v26, v47;
	v26 =	vmul.f32 $5.000000000e-01, v20;
	v34 =	vmul.f32 v34, v25  }
0x467: {  	v60 =	vld [tilespmem:s11+$0x4A50];
	v52 =	vmul.f32 v31, v42;
	v31 =	vmul.f32 v31, v48;
	v28 =	vsub.f32 $1.500000000e+00, v28  }
0x468: {  	v56 =	vld [tilespmem:s11+$0x4650];
	v35 =	vmul.f32 v35, v35;
	v59 =	vmul.f32 v51, v26;
	v34 =	vsub.f32 $1.500000000e+00, v34  }
0x469: {  	v30 =	vsub.f32 v30, v41;
	v57 =	vmul.f32 v50, v27;
	v24 =	vmul.f32 v28, v24  }
0x46a: {  	v31 =	vadd.f32 v31, v54;
	v27 =	vmul.f32 v53, v27;
	v25 =	vmul.f32 v34, v25  }
0x46b: {  	v28 =	vsub.f32 v40, v52;
	v21 =	vmul.f32 v24, v21;
	v24 =	vsub.f32 v30, v43  }
0x46c: {  	v61 =	vld [tilespmem:s11+$0x4A60];
	v39 =	vsub.f32 v31, v60;
	v30 =	vmul.f32 v51, v59;
	v22 =	vmul.f32 v25, v23  }
0x46d: {  	v36 =	vsub.f32 v28, v56;
	v34 =	vld [tilespmem:s11+$0x4660];
	v25 =	vmul.f32 v53, v55;
	v24 =	vmul.f32 v24, v24  }
0x46e: {  	v37 =	vmul.f32 v39, v39;
	v28 =	vld [tilespmem:s11+$0xA70];
	v23 =	vadd.f32 v58, v29;
	v63 =	vsub.f32 $1.500000000e+00, v30  }
0x46f: {  	v33 =	vmul.f32 v36, v36;
	v30 =	vld [tilespmem:s11+$0x8A70];
	v41 =	vadd.f32 v25, v57;
	v24 =	vadd.f32 v35, v24  }
0x470: {  	s12 =	simm.s32 $0x100;
	v31 =	vld [tilespmem:s11+$0x670];
	v36 =	vsub.f32 v62, v27;
	v32 =	vshra.s32 v23, $0x1;
	v25 =	vmul.f32 v51, v63  }
0x471: {  	s13 =	simm.s32 $0x0;
	s7 =	simm.s32 $0x0;
	s10 =	simm.s32 $0x0;
	v29 =	vld [tilespmem:s11+$0x8670];
	v35 =	vsub.f32 v41, v61;
	v38 =	vshra.s32 v24, $0x1;
	v27 =	vmul.f32 $5.000000000e-01, v24  }
.LBB2_13:
0x472: {  	p0 =	sne.s32 s12, $0xF00;
	v39 =	vmul.f32 $5.000000000e-01, v23;
	v38 =	vsub.s32 $0x5F3759DF, v38;
	v34 =	vsub.f32 v36, v34;
	s13 =	sadd.s32 $0x11, s13;
	s7 =	sadd.s32 $0x80, s7  }
0x473: {  	v26 =	vmul.f32 v25, v26;
	v35 =	vmul.f32 v35, v35;
	s15 =	smov.u32 s12;
	s12 =	sadd.s32 $0x100, s12;
	v33 =	vadd.f32 v37, v33  }
0x474: {  	v32 =	vsub.s32 $0x5F3759DF, v32;
	v36 =	vmul.f32 v28, v30;
	v34 =	vmul.f32 v34, v34  }
0x475: {  	v37 =	vmul.f32 v38, v27;
	v40 =	vshra.s32 v33, $0x1;
	v30 =	vmul.f32 v31, v30  }
0x476: {  	v28 =	vmul.f32 v28, v29;
	v41 =	vmul.f32 $5.000000000e-01, v33;
	v34 =	vadd.f32 v35, v34;
	v35 =	vld [tilespmem:s11+$0x4A70]  }
0x477: {  	v42 =	vmul.f32 v32, v39;
	v37 =	vmul.f32 v38, v37;
	v43 =	vld [tilespmem:s11+$0x4670]  }
0x478: {  	v29 =	vmul.f32 v31, v29;
	v44 =	vshra.s32 v34, $0x1;
	v45 =	vmul.f32 $5.000000000e-01, v34  }
0x479: {  	v31 =	vsub.f32 $1.500000000e+00, v37;
	v28 =	vadd.f32 v28, v30;
	v37 =	vsub.s32 $0x5F3759DF, v44  }
0x47a: {  	v30 =	vsub.s32 $0x5F3759DF, v40;
	v29 =	vsub.f32 v29, v36;
	v40 =	vmul.f32 v37, v45  }
0x47b: {  	v36 =	vmul.f32 v32, v42;
	v31 =	vmul.f32 v38, v31;
	v28 =	vsub.f32 v28, v35  }
0x47c: {  	v26 =	vmul.f32 v26, v25;
	v35 =	vmul.f32 v37, v40;
	v29 =	vsub.f32 v29, v43  }
0x47d: {  	v36 =	vsub.f32 $1.500000000e+00, v36;
	v27 =	vmul.f32 v31, v27;
	v28 =	vmul.f32 v28, v28  }
0x47e: {  	v38 =	vmul.f32 v30, v41;
	v35 =	vsub.f32 $1.500000000e+00, v35;
	v29 =	vmul.f32 v29, v29  }
0x47f: {  	v26 =	vsub.f32 $1.500000000e+00, v26;
	v32 =	vmul.f32 v32, v36;
	v27 =	vmul.f32 v27, v31  }
0x480: {  	v36 =	vmul.f32 v30, v38;
	v35 =	vmul.f32 v37, v35;
	v28 =	vadd.f32 v28, v29  }
0x481: {  	v25 =	vmul.f32 v26, v25;
	v26 =	vmul.f32 v32, v39;
	v27 =	vsub.f32 $1.500000000e+00, v27  }
0x482: {  	v29 =	vsub.f32 $1.500000000e+00, v36;
	v36 =	vmul.f32 v35, v45;
	v37 =	vshra.s32 v28, $0x1  }
0x483: {  	v27 =	vmul.f32 v27, v31;
	v31 =	vmul.f32 $5.000000000e-01, v28  }
0x484: {  	v29 =	vmul.f32 v30, v29;
	v30 =	vmul.f32 v36, v35;
	v36 =	vsub.s32 $0x5F3759DF, v37  }
0x485: {  	v24 =	vmul.f32 v27, v24;
	v27 =	vmul.f32 v36, v31  }
0x486: {  	v26 =	vmul.f32 v26, v32;
	v37 =	vmul.f32 v29, v41;
	v30 =	vsub.f32 $1.500000000e+00, v30  }
0x487: {  	v20 =	vmul.f32 v25, v20;
	v25 =	vmul.f32 v36, v27  }
0x488: {  	v26 =	vsub.f32 $1.500000000e+00, v26;
	v27 =	vmul.f32 v37, v29;
	v30 =	vmul.f32 v30, v35  }
0x489: {  	v20 =	vadd.f32 $0.0e+00, v20;
	v25 =	vsub.f32 $1.500000000e+00, v25  }
0x48a: {  	v26 =	vmul.f32 v26, v32;
	v27 =	vsub.f32 $1.500000000e+00, v27;
	v30 =	vmul.f32 v30, v34  }
0x48b: {  	v20 =	vadd.f32 v22, v20;
	v22 =	vmul.f32 v36, v25  }
0x48c: {  	v23 =	vmul.f32 v26, v23;
	v25 =	vmul.f32 v27, v29  }
0x48d: {  	v20 =	vadd.f32 v21, v20;
	v21 =	vmul.f32 v22, v31  }
0x48e: {  	v25 =	vmul.f32 v25, v33  }
0x48f: {  	v20 =	vadd.f32 v23, v20;
	v21 =	vmul.f32 v21, v22;
	_ =	sdelay $0x1  }
0x490: {  	v20 =	vadd.f32 v24, v20;
	v21 =	vsub.f32 $1.500000000e+00, v21;
	_ =	sdelay $0x1  }
0x491: {  	v20 =	vadd.f32 v25, v20;
	v21 =	vmul.f32 v21, v22  }
0x492: {  	v22 =	vadd.s32 s10, v0;
	s10 =	smov.u32 s13  }
0x493: {  	v20 =	vadd.f32 v30, v20;
	v21 =	vmul.f32 v21, v28;
	_ =	sdelay $0x1  }
0x494: {  	s11 =	sand.u32 $0x800, s15;
	v20 =	vadd.f32 v21, v20  }
0x495: {  	s15 =	sand.u32 $0x380, s7;
	s11 =	sor.u32 s9, s11  }
0x496: {  	s11 =	sor.u32 s15, s11;
	[tilespmem:v22+s28+$0x0] =	vst.idx.msk $0xffff, v20  }
0x497: {  	v20 =	vld [tilespmem:s11+$0x4A20]  }
0x498: {  	v21 =	vld [tilespmem:s11+$0x4620]  }
0x499: {  	v22 =	vld [tilespmem:s11+$0xA20]  }
0x49a: {  	v23 =	vld [tilespmem:s11+$0x4610]  }
0x49b: {  	v24 =	vld [tilespmem:s11+$0x8A20]  }
0x49c: {  	v25 =	vld [tilespmem:s11+$0x620]  }
0x49d: {  	v26 =	vld [tilespmem:s11+$0x8620]  }
0x49e: {  	v27 =	vld [tilespmem:s11+$0x8610]  }
0x49f: {  	v28 =	vld [tilespmem:s11+$0x610]  }
0x4a0: {  	v29 =	vld [tilespmem:s11+$0xA10]  }
0x4a1: {  	v30 =	vld [tilespmem:s11+$0x8A10];
	v31 =	vmul.f32 v25, v24  }
0x4a2: {  	v32 =	vld [tilespmem:s11+$0xA00];
	v25 =	vmul.f32 v25, v26;
	v26 =	vmul.f32 v22, v26  }
0x4a3: {  	v33 =	vld [tilespmem:s11+$0x600]  }
0x4a4: {  	v22 =	vmul.f32 v22, v24;
	v34 =	vld [tilespmem:s11+$0x8A00];
	v35 =	vmul.f32 v28, v27;
	v24 =	vadd.f32 v26, v31  }
0x4a5: {  	v26 =	vld [tilespmem:s11+$0x8600];
	v27 =	vmul.f32 v29, v27  }
0x4a6: {  	v22 =	vsub.f32 v25, v22;
	v29 =	vmul.f32 v29, v30;
	v28 =	vmul.f32 v28, v30;
	v30 =	vld [tilespmem:s11+$0x4A10]  }
0x4a7: {  	v20 =	vsub.f32 v24, v20;
	v24 =	vld [tilespmem:s11+$0xA30]  }
0x4a8: {  	v25 =	vsub.f32 v35, v29;
	v27 =	vadd.f32 v27, v28;
	v28 =	vld [tilespmem:s11+$0x630]  }
0x4a9: {  	v21 =	vsub.f32 v22, v21;
	v20 =	vmul.f32 v20, v20;
	v29 =	vld [tilespmem:s11+$0x4600];
	v31 =	vmul.f32 v33, v34  }
0x4aa: {  	v22 =	vmul.f32 v33, v26;
	v33 =	vmul.f32 v32, v34;
	v34 =	vld [tilespmem:s11+$0x4A00];
	v23 =	vsub.f32 v25, v23  }
0x4ab: {  	v21 =	vmul.f32 v21, v21;
	v25 =	vmul.f32 v32, v26;
	v26 =	vsub.f32 v27, v30;
	v27 =	vld [tilespmem:s11+$0x8A30]  }
0x4ac: {  	v22 =	vsub.f32 v22, v33;
	v23 =	vmul.f32 v23, v23;
	v30 =	vld [tilespmem:s11+$0x8630]  }
0x4ad: {  	v21 =	vadd.f32 v20, v21;
	v25 =	vadd.f32 v25, v31;
	v26 =	vmul.f32 v26, v26  }
0x4ae: {  	v20 =	vsub.f32 v22, v29;
	v22 =	vld [tilespmem:s11+$0x650]  }
0x4af: {  	v25 =	vsub.f32 v25, v34;
	v23 =	vadd.f32 v26, v23;
	v26 =	vshra.s32 v21, $0x1;
	v29 =	vld [tilespmem:s11+$0xA40]  }
0x4b0: {  	v31 =	vmul.f32 $5.000000000e-01, v21;
	v20 =	vmul.f32 v20, v20;
	v26 =	vsub.s32 $0x5F3759DF, v26;
	v32 =	vld [tilespmem:s11+$0x640]  }
0x4b1: {  	v35 =	vmul.f32 v24, v27;
	v33 =	vshra.s32 v23, $0x1;
	v34 =	vmul.f32 $5.000000000e-01, v23;
	v36 =	vld [tilespmem:s11+$0x8A40]  }
0x4b2: {  	v27 =	vmul.f32 v28, v27;
	v37 =	vmul.f32 v26, v31;
	v33 =	vsub.s32 $0x5F3759DF, v33;
	v38 =	vld [tilespmem:s11+$0x4A30]  }
0x4b3: {  	v24 =	vmul.f32 v24, v30;
	v39 =	vmul.f32 v33, v34;
	v40 =	vld [tilespmem:s11+$0x4630]  }
0x4b4: {  	v28 =	vmul.f32 v28, v30;
	v37 =	vmul.f32 v26, v37;
	v30 =	vld [tilespmem:s11+$0x8640]  }
0x4b5: {  	v25 =	vmul.f32 v25, v25;
	v24 =	vadd.f32 v24, v27;
	v39 =	vmul.f32 v33, v39;
	v27 =	vld [tilespmem:s11+$0xA50]  }
0x4b6: {  	v28 =	vsub.f32 v28, v35;
	v37 =	vsub.f32 $1.500000000e+00, v37;
	v35 =	vmul.f32 v29, v36;
	v41 =	vld [tilespmem:s11+$0x8A50]  }
0x4b7: {  	v20 =	vadd.f32 v25, v20;
	v36 =	vmul.f32 v32, v36;
	v25 =	vsub.f32 $1.500000000e+00, v39;
	v39 =	vld [tilespmem:s11+$0x8650]  }
0x4b8: {  	v37 =	vmul.f32 v26, v37;
	v24 =	vsub.f32 v24, v38;
	v26 =	vsub.f32 v28, v40;
	v28 =	vld [tilespmem:s11+$0x4A40]  }
0x4b9: {  	v38 =	vshra.s32 v20, $0x1;
	v25 =	vmul.f32 v33, v25;
	v29 =	vmul.f32 v29, v30  }
0x4ba: {  	v38 =	vsub.s32 $0x5F3759DF, v38;
	v31 =	vmul.f32 v37, v31;
	v30 =	vmul.f32 v32, v30;
	v32 =	vld [tilespmem:s11+$0x660]  }
0x4bb: {  	v33 =	vmul.f32 v25, v34;
	v34 =	vmul.f32 v26, v26;
	v26 =	vadd.f32 v29, v36;
	v29 =	vld [tilespmem:s11+$0x8A60]  }
0x4bc: {  	v31 =	vmul.f32 v31, v37;
	v30 =	vsub.f32 v30, v35;
	v35 =	vmul.f32 v27, v41;
	v36 =	vld [tilespmem:s11+$0xA60]  }
0x4bd: {  	v40 =	vmul.f32 v22, v41;
	v33 =	vmul.f32 v33, v25;
	v28 =	vsub.f32 v26, v28;
	v41 =	vld [tilespmem:s11+$0x8660]  }
0x4be: {  	v22 =	vmul.f32 v22, v39;
	v26 =	vmul.f32 $5.000000000e-01, v20;
	v31 =	vsub.f32 $1.500000000e+00, v31;
	v42 =	vld [tilespmem:s11+$0x4640]  }
0x4bf: {  	v27 =	vmul.f32 v27, v39;
	v33 =	vsub.f32 $1.500000000e+00, v33;
	v43 =	vmul.f32 v28, v28;
	v28 =	vld [tilespmem:s11+$0x4650]  }
0x4c0: {  	v35 =	vsub.f32 v22, v35;
	v31 =	vmul.f32 v31, v37;
	v37 =	vmul.f32 v32, v29  }
0x4c1: {  	v24 =	vmul.f32 v24, v24;
	v22 =	vmul.f32 v33, v25;
	v25 =	vadd.f32 v27, v40  }
0x4c2: {  	v27 =	vmul.f32 v38, v26;
	v21 =	vmul.f32 v31, v21;
	v31 =	vld [tilespmem:s11+$0x4A50]  }
0x4c3: {  	v39 =	vmul.f32 v36, v41;
	v22 =	vmul.f32 v22, v23;
	v30 =	vsub.f32 v30, v42;
	v40 =	vld [tilespmem:s11+$0x4A60]  }
0x4c4: {  	v27 =	vmul.f32 v38, v27;
	v33 =	vsub.f32 v35, v28;
	v35 =	vmul.f32 v36, v29;
	v28 =	vld [tilespmem:s11+$0xA70]  }
.Ltmp5:
0x4c5: {  	v23 =	vadd.f32 v24, v34;
	v36 =	vmul.f32 v32, v41;
	v24 =	vmul.f32 v30, v30;
	v34 =	vld [tilespmem:s11+$0x4660];
	(pc) =	sbr.rel @p0 .LBB2_13-.Ltmp5, $4  }
0x4c6: {  	v37 =	vadd.f32 v39, v37;
	v27 =	vsub.f32 $1.500000000e+00, v27;
	v33 =	vmul.f32 v33, v33;
	v30 =	vld [tilespmem:s11+$0x8A70]  }
0x4c7: {  	v32 =	vshra.s32 v23, $0x1;
	v24 =	vadd.f32 v43, v24;
	v39 =	vsub.f32 v25, v31;
	v29 =	vld [tilespmem:s11+$0x8670]  }
0x4c8: {  	v36 =	vsub.f32 v36, v35;
	v25 =	vmul.f32 v38, v27;
	v35 =	vsub.f32 v37, v40;
	v31 =	vld [tilespmem:s11+$0x670]  }
0x4c9: {  	v38 =	vshra.s32 v24, $0x1;
	v27 =	vmul.f32 $5.000000000e-01, v24;
	v37 =	vmul.f32 v39, v39  }
0x4ca: {  	v34 =	vsub.f32 v36, v34;
	v59 =	vmul.f32 $5.000000000e-01, v23  }
0x4cb: {  	v38 =	vsub.s32 $0x5F3759DF, v38;
	v35 =	vmul.f32 v35, v35;
	v26 =	vmul.f32 v25, v26  }
0x4cc: {  	v60 =	vmul.f32 v28, v30;
	v40 =	vmul.f32 v38, v27  }
0x4cd: {  	v39 =	vld [tilespmem:s11+$0x4A70];
	v32 =	vsub.s32 $0x5F3759DF, v32;
	v34 =	vmul.f32 v34, v34;
	v63 =	vmul.f32 v28, v29  }
0x4ce: {  	v62 =	vld [tilespmem:s11+$0x4670];
	v33 =	vadd.f32 v37, v33;
	v47 =	vmul.f32 v32, v59;
	v26 =	vmul.f32 v26, v25  }
0x4cf: {  	v61 =	vmul.f32 v31, v30;
	v45 =	vmul.f32 v31, v29  }
0x4d0: {  	v46 =	vmul.f32 $5.000000000e-01, v33;
	v40 =	vmul.f32 v38, v40;
	v34 =	vadd.f32 v35, v34  }
0x4d1: {  	v50 =	vshra.s32 v33, $0x1;
	v28 =	vadd.f32 v63, v61;
	v29 =	vsub.f32 v45, v60  }
0x4d2: {  	v30 =	vmul.f32 v32, v47;
	v26 =	vsub.f32 $1.500000000e+00, v26;
	v48 =	vsub.f32 $1.500000000e+00, v40  }
0x4d3: {  	v35 =	vsub.s32 $0x5F3759DF, v50;
	v28 =	vsub.f32 v28, v39;
	v29 =	vsub.f32 v29, v62  }
0x4d4: {  	v51 =	vmul.f32 v35, v46;
	v41 =	vshra.s32 v34, $0x1;
	v42 =	vmul.f32 $5.000000000e-01, v34  }
0x4d5: {  	v30 =	vsub.f32 $1.500000000e+00, v30;
	v28 =	vmul.f32 v28, v28;
	v29 =	vmul.f32 v29, v29  }
0x4d6: {  	v58 =	vmul.f32 v26, v25;
	v49 =	vsub.s32 $0x5F3759DF, v41;
	v37 =	vmul.f32 v38, v48  }
0x4d7: {  	v55 =	vmul.f32 v35, v51;
	v41 =	vmul.f32 v49, v42;
	v28 =	vadd.f32 v28, v29  }
0x4d8: {  	v54 =	vmul.f32 v32, v30;
	v20 =	vmul.f32 v58, v20  }
0x4d9: {  	v53 =	vmul.f32 v37, v27;
	v56 =	vshra.s32 v28, $0x1;
	v57 =	vmul.f32 $5.000000000e-01, v28  }
0x4da: {  	v30 =	vsub.f32 $1.500000000e+00, v55;
	v52 =	vmul.f32 v49, v41;
	v32 =	vsub.s32 $0x5F3759DF, v56  }
0x4db: {  	v36 =	vmul.f32 v54, v59;
	v59 =	vmul.f32 v32, v57  }
0x4dc: {  	v27 =	vmul.f32 v53, v37;
	v30 =	vmul.f32 v35, v30;
	v39 =	vsub.f32 $1.500000000e+00, v52  }
0x4dd: {  	v60 =	vmul.f32 v36, v54;
	v61 =	vmul.f32 v32, v59  }
0x4de: {  	v20 =	vadd.f32 $0.0e+00, v20;
	v31 =	vmul.f32 v30, v46;
	v62 =	vmul.f32 v49, v39  }
0x4df: {  	v35 =	vsub.f32 $1.500000000e+00, v60;
	v25 =	vsub.f32 $1.500000000e+00, v61  }
0x4e0: {  	v27 =	vsub.f32 $1.500000000e+00, v27;
	v31 =	vmul.f32 v31, v30;
	v63 =	vmul.f32 v62, v42  }
0x4e1: {  	v20 =	vadd.f32 v22, v20;
	v29 =	vmul.f32 v35, v54;
	v35 =	vmul.f32 v32, v25  }
0x4e2: {  	v37 =	vmul.f32 v27, v37;
	v31 =	vsub.f32 $1.500000000e+00, v31;
	v39 =	vmul.f32 v63, v62  }
0x4e3: {  	v20 =	vadd.f32 v21, v20;
	v40 =	vmul.f32 v29, v23;
	v41 =	vmul.f32 v35, v57  }
0x4e4: {  	v24 =	vmul.f32 v37, v24;
	v43 =	vmul.f32 v31, v30  }
0x4e5: {  	v42 =	vsub.f32 $1.500000000e+00, v39;
	v20 =	vadd.f32 v40, v20;
	v21 =	vmul.f32 v41, v35  }
0x4e6: {  	v45 =	vmul.f32 v43, v33  }
0x4e7: {  	v44 =	vmul.f32 v42, v62;
	v20 =	vadd.f32 v24, v20;
	v21 =	vsub.f32 $1.500000000e+00, v21;
	_ =	sdelay $0x1  }
0x4e8: {  	v23 =	vmul.f32 v44, v34;
	v20 =	vadd.f32 v45, v20;
	v21 =	vmul.f32 v21, v35  }
0x4e9: {  	v46 =	vadd.s32 s10, v0  }
0x4ea: {  	v20 =	vadd.f32 v23, v20;
	v21 =	vmul.f32 v21, v28;
	_ =	sdelay $0x1  }
0x4eb: {  	v20 =	vadd.f32 v21, v20;
	_ =	sdelay $0x1  }
0x4ec: {  	[tilespmem:v46+s28+$0x0] =	vst.idx.msk $0xffff, v20  }
0x4ed: {  	v20 =	vld.idx.msk [tilespmem:v4+s28+$0x0], $0xffff;
	_ =	sdelay $0x1  }
0x4ee: {  	v47 =	vld.idx.msk [tilespmem:v5+s28+$0x0], $0xffff;
	_ =	sdelay $0x1  }
0x4ef: {  	v22 =	vld.idx.msk [tilespmem:v6+s28+$0x0], $0xffff  }
0x4f0: {  	v20 =	vadd.f32 $0.0e+00, v20  }
0x4f1: {  	v48 =	vld.idx.msk [tilespmem:v7+s28+$0x0], $0xffff  }
0x4f2: {  	v20 =	vadd.f32 v47, v20  }
0x4f3: {  	v49 =	vld.idx.msk [tilespmem:v8+s28+$0x0], $0xffff  }
0x4f4: {  	v20 =	vadd.f32 v22, v20  }
0x4f5: {  	v50 =	vld.idx.msk [tilespmem:v9+s28+$0x0], $0xffff  }
0x4f6: {  	v20 =	vadd.f32 v48, v20  }
0x4f7: {  	v51 =	vld.idx.msk [tilespmem:v10+s28+$0x0], $0xffff  }
0x4f8: {  	v20 =	vadd.f32 v49, v20  }
0x4f9: {  	v52 =	vld.idx.msk [tilespmem:v11+s28+$0x0], $0xffff  }
0x4fa: {  	v20 =	vadd.f32 v50, v20  }
0x4fb: {  	v53 =	vld.idx.msk [tilespmem:v12+s28+$0x0], $0xffff  }
0x4fc: {  	v20 =	vadd.f32 v51, v20  }
0x4fd: {  	v54 =	vld.idx.msk [tilespmem:v13+s28+$0x0], $0xffff  }
0x4fe: {  	v20 =	vadd.f32 v52, v20  }
0x4ff: {  	v55 =	vld.idx.msk [tilespmem:v14+s28+$0x0], $0xffff  }
0x500: {  	v20 =	vadd.f32 v53, v20  }
0x501: {  	v56 =	vld.idx.msk [tilespmem:v15+s28+$0x0], $0xffff  }
0x502: {  	v20 =	vadd.f32 v54, v20  }
0x503: {  	v57 =	vld.idx.msk [tilespmem:v16+s28+$0x0], $0xffff  }
0x504: {  	v20 =	vadd.f32 v55, v20  }
0x505: {  	v58 =	vld.idx.msk [tilespmem:v17+s28+$0x0], $0xffff  }
0x506: {  	v20 =	vadd.f32 v56, v20  }
0x507: {  	v59 =	vld.idx.msk [tilespmem:v18+s28+$0x0], $0xffff  }
0x508: {  	v20 =	vadd.f32 v57, v20  }
0x509: {  	v60 =	vld.idx.msk [tilespmem:v19+s28+$0x0], $0xffff  }
0x50a: {  	v20 =	vadd.f32 v58, v20;
	_ =	sdelay $0x1  }
0x50b: {  	v20 =	vadd.f32 v59, v20;
	_ =	sdelay $0x1  }
0x50c: {  	v20 =	vadd.f32 v60, v20;
	_ =	sdelay $0x1  }
0x50d: {  	v20 =	vsub.f32 $1.200000000e+01, v20;
	_ =	sdelay $0x1  }
0x50e: {  	v61 =	vand.u32 $0x7FFFFFFF, v20  }
0x50f: {  	v21 =	vsub.f32 $0.0e+00, v61;
	_ =	sdelay $0x1  }
0x510: {  	v21 =	vmul.f32 $1.442695020e+00, v21;
	_ =	sdelay $0x1  }
0x511: {  	(erf) = vpow2.f32 v21;
	_ =	sdelay $0x8  }
0x512: {  	v21 =	vpop (erf)  }
0x513: {  	v62 =	vadd.f32 $2.000000000e+00, v21;
	_ =	sdelay $0x1  }
0x514: {  	(erf) = vrcp.f32 v62;
	_ =	sdelay $0x8  }
0x515: {  	v22 =	vpop (erf)  }
0x516: {  	v21 =	vmul.f32 v22, v21;
	_ =	sdelay $0x1  }
0x517: {  	v22 =	vmul.f32 v21, v21;
	_ =	sdelay $0x1  }
0x518: {  	v63 =	vmul.f32 $1.428571490e-01, v22;
	_ =	sdelay $0x1  }
0x519: {  	v23 =	vadd.f32 $2.000000030e-01, v63;
	_ =	sdelay $0x1  }
0x51a: {  	v23 =	vmul.f32 v23, v22;
	_ =	sdelay $0x1  }
0x51b: {  	v23 =	vadd.f32 $3.333333430e-01, v23;
	_ =	sdelay $0x1  }
0x51c: {  	v22 =	vmul.f32 v23, v22;
	_ =	sdelay $0x1  }
0x51d: {  	s7 =	sshll.u32 s14, $0x4;
	s14 =	sadd.s32 $0x1, s14;
	v21 =	vadd.f32 v21, v21;
	v22 =	vadd.f32 $1.000000000e+00, v22  }
0x51e: {  	p0 =	sne.s32 s14, $0x4  }
.Ltmp6:
0x51f: {  	v21 =	vmul.f32 v22, v21;
	(pc) =	sbr.rel @p0 .LBB2_12-.Ltmp6, $4  }
0x520: {  	v20 =	vmin.f32 v20, $0.0e+00  }
0x521: {  	v20 =	vsub.f32 v20, v21  }
0x522: {  	s7 =	sand.u32 $0x3FFFFFF0, s7  }
0x523: {  	[tilespmem:s7+$0x18600] =	vst v20  }
0x524: {  	s3 =	simm.s32 $0x0;
	s7 =	rddreg [dreg:$0xa]  }
0x525: {  	[hbm4b:s7+s3] =	stream.linear.scatter [tilespmem:s21], [sflag:$0xA], $0x40, $0x38;
	[tilespmem:$0x18880] =	vst v63  }
0x526: {  	_ =	swait.ge [sflag:s29], $0x4000  }
0x527: {  	[sflag:s29] =	ssyncset.done $0x0  }
0x528: {  	[sflag:s29] =	ssyncadd.s32 $0xFFFFC000  }
0x529: {  	_ =	swait.ge [sflag:s30], $0x4000  }
0x52a: {  	[sflag:s30] =	ssyncset.done $0x0  }
0x52b: {  	[sflag:s30] =	ssyncadd.s32 $0xFFFFC000  }
0x52c: {  	_ =	swait.ge [sflag:s31], $0x4000  }
0x52d: {  	[sflag:s31] =	ssyncset.done $0x0  }
0x52e: {  	[sflag:s31] =	ssyncadd.s32 $0xFFFFC000  }
0x52f: {  	_ =	swait.ge [sflag:s0], $0x40  }
0x530: {  	[sflag:s0] =	ssyncset.done $0x0  }
0x531: {  	s14 =	simm.s32 $0x0;
	[sflag:s0] =	ssyncadd.s32 $0xFFFFFFC0  }
.LBB2_16:
0x532: {  	s9 =	sshll.u32 s14, $0xC;
	s7 =	sand.u32 $0x800, s3  }
0x533: {  	s10 =	sand.u32 $0x380, s3;
	s7 =	sor.u32 s9, s7  }
0x534: {  	s11 =	sor.u32 s10, s7  }
0x535: {  	v20 =	vld [tilespmem:s11+$0x10A20]  }
0x536: {  	v21 =	vld [tilespmem:s11+$0x10620]  }
0x537: {  	v22 =	vld [tilespmem:s11+$0xCA20]  }
0x538: {  	v23 =	vld [tilespmem:s11+$0x10610]  }
0x539: {  	v24 =	vld [tilespmem:s11+$0x14A20]  }
0x53a: {  	v25 =	vld [tilespmem:s11+$0xC620]  }
0x53b: {  	v26 =	vld [tilespmem:s11+$0x14620]  }
0x53c: {  	v27 =	vld [tilespmem:s11+$0x14610]  }
0x53d: {  	v28 =	vld [tilespmem:s11+$0xC610]  }
0x53e: {  	v29 =	vld [tilespmem:s11+$0xCA10]  }
0x53f: {  	v30 =	vld [tilespmem:s11+$0x14A10]  }
0x540: {  	v31 =	vld [tilespmem:s11+$0xCA00]  }
0x541: {  	v34 =	vld [tilespmem:s11+$0xC600]  }
0x542: {  	v61 =	vld [tilespmem:s11+$0x14600]  }
0x543: {  	v62 =	vld [tilespmem:s11+$0x10A10]  }
0x544: {  	v63 =	vld [tilespmem:s11+$0xC640];
	v32 =	vmul.f32 v25, v24  }
0x545: {  	v36 =	vld [tilespmem:s11+$0x14A40];
	v33 =	vmul.f32 v22, v26;
	v25 =	vmul.f32 v25, v26  }
0x546: {  	v26 =	vld [tilespmem:s11+$0x14A00];
	v35 =	vmul.f32 v28, v27;
	v22 =	vmul.f32 v22, v24  }
0x547: {  	v40 =	vld [tilespmem:s11+$0xC650];
	v27 =	vmul.f32 v29, v27;
	v28 =	vmul.f32 v28, v30;
	v24 =	vadd.f32 v33, v32  }
0x548: {  	v42 =	vld [tilespmem:s11+$0x14A50];
	v29 =	vmul.f32 v29, v30;
	v22 =	vsub.f32 v25, v22  }
0x549: {  	v48 =	vld [tilespmem:s11+$0x14650];
	v25 =	vadd.f32 v27, v28;
	v20 =	vsub.f32 v24, v20  }
0x54a: {  	v27 =	vld [tilespmem:s11+$0x10600];
	v28 =	vmul.f32 v34, v61;
	v24 =	vsub.f32 v35, v29;
	v21 =	vsub.f32 v22, v21  }
0x54b: {  	v30 =	vld [tilespmem:s11+$0xC630];
	v29 =	vmul.f32 v31, v26;
	v20 =	vmul.f32 v20, v20  }
0x54c: {  	v22 =	vld [tilespmem:s11+$0xCA30];
	v23 =	vsub.f32 v24, v23;
	v24 =	vsub.f32 v25, v62;
	v21 =	vmul.f32 v21, v21  }
0x54d: {  	v25 =	vmul.f32 v34, v26;
	v26 =	vmul.f32 v31, v61;
	v31 =	vld [tilespmem:s11+$0x14A30];
	v28 =	vsub.f32 v28, v29  }
0x54e: {  	v29 =	vld [tilespmem:s11+$0x10A00];
	v23 =	vmul.f32 v23, v23;
	v24 =	vmul.f32 v24, v24;
	v21 =	vadd.f32 v20, v21  }
0x54f: {  	v54 =	vmul.f32 v40, v42;
	v40 =	vmul.f32 v40, v48;
	v20 =	vld [tilespmem:s11+$0x14630];
	v27 =	vsub.f32 v28, v27  }
0x550: {  	v38 =	vld [tilespmem:s11+$0x10A30];
	v25 =	vadd.f32 v26, v25;
	v23 =	vadd.f32 v24, v23;
	v24 =	vshra.s32 v21, $0x1  }
0x551: {  	v50 =	vld [tilespmem:s11+$0xC660];
	v28 =	vmul.f32 $5.000000000e-01, v21;
	v27 =	vmul.f32 v27, v27;
	v24 =	vsub.s32 $0x5F3759DF, v24  }
0x552: {  	v55 =	vld [tilespmem:s11+$0x14660];
	v46 =	vmul.f32 v22, v31;
	v44 =	vshra.s32 v23, $0x1;
	v45 =	vmul.f32 $5.000000000e-01, v23  }
0x553: {  	v26 =	vld [tilespmem:s11+$0xCA40];
	v31 =	vmul.f32 v30, v31;
	v37 =	vmul.f32 v24, v28;
	v33 =	vsub.s32 $0x5F3759DF, v44  }
0x554: {  	v39 =	vld [tilespmem:s11+$0x10630];
	v25 =	vsub.f32 v25, v29;
	v22 =	vmul.f32 v22, v20;
	v29 =	vmul.f32 v33, v45  }
0x555: {  	v20 =	vmul.f32 v30, v20;
	v30 =	vld [tilespmem:s11+$0x14640];
	v37 =	vmul.f32 v24, v37  }
0x556: {  	v25 =	vmul.f32 v25, v25;
	v22 =	vadd.f32 v22, v31;
	v29 =	vmul.f32 v33, v29  }
0x557: {  	v62 =	vmul.f32 v50, v55;
	v35 =	vsub.f32 v20, v46;
	v37 =	vsub.f32 $1.500000000e+00, v37  }
0x558: {  	v41 =	vmul.f32 v26, v36;
	v20 =	vadd.f32 v25, v27;
	v25 =	vsub.f32 $1.500000000e+00, v29  }
0x559: {  	v47 =	vld [tilespmem:s11+$0x10A40];
	v27 =	vmul.f32 v63, v36;
	v22 =	vsub.f32 v22, v38;
	v24 =	vmul.f32 v24, v37  }
0x55a: {  	v31 =	vld [tilespmem:s11+$0xCA50];
	v29 =	vsub.f32 v35, v39;
	v26 =	vmul.f32 v26, v30;
	v25 =	vmul.f32 v33, v25  }
0x55b: {  	v49 =	vshra.s32 v20, $0x1;
	v30 =	vmul.f32 v63, v30;
	v28 =	vmul.f32 v24, v28  }
0x55c: {  	v58 =	vmul.f32 v22, v22;
	v26 =	vadd.f32 v26, v27;
	v27 =	vld [tilespmem:s11+$0x14A60];
	v34 =	vmul.f32 v25, v45  }
0x55d: {  	v53 =	vld [tilespmem:s11+$0xCA60];
	v51 =	vsub.s32 $0x5F3759DF, v49;
	v29 =	vmul.f32 v29, v29;
	v28 =	vmul.f32 v28, v24  }
0x55e: {  	v43 =	vld [tilespmem:s11+$0x10640];
	v35 =	vsub.f32 v26, v47;
	v26 =	vmul.f32 $5.000000000e-01, v20;
	v34 =	vmul.f32 v34, v25  }
0x55f: {  	v60 =	vld [tilespmem:s11+$0x10A50];
	v52 =	vmul.f32 v31, v42;
	v31 =	vmul.f32 v31, v48;
	v28 =	vsub.f32 $1.500000000e+00, v28  }
0x560: {  	v56 =	vld [tilespmem:s11+$0x10650];
	v35 =	vmul.f32 v35, v35;
	v59 =	vmul.f32 v51, v26;
	v34 =	vsub.f32 $1.500000000e+00, v34  }
0x561: {  	v30 =	vsub.f32 v30, v41;
	v57 =	vmul.f32 v50, v27;
	v24 =	vmul.f32 v28, v24  }
0x562: {  	v31 =	vadd.f32 v31, v54;
	v27 =	vmul.f32 v53, v27;
	v25 =	vmul.f32 v34, v25  }
0x563: {  	v28 =	vsub.f32 v40, v52;
	v21 =	vmul.f32 v24, v21;
	v24 =	vsub.f32 v30, v43  }
0x564: {  	v61 =	vld [tilespmem:s11+$0x10A60];
	v39 =	vsub.f32 v31, v60;
	v30 =	vmul.f32 v51, v59;
	v22 =	vmul.f32 v25, v23  }
0x565: {  	v36 =	vsub.f32 v28, v56;
	v34 =	vld [tilespmem:s11+$0x10660];
	v25 =	vmul.f32 v53, v55;
	v24 =	vmul.f32 v24, v24  }
0x566: {  	v37 =	vmul.f32 v39, v39;
	v28 =	vld [tilespmem:s11+$0xCA70];
	v23 =	vadd.f32 v58, v29;
	v63 =	vsub.f32 $1.500000000e+00, v30  }
0x567: {  	v33 =	vmul.f32 v36, v36;
	v30 =	vld [tilespmem:s11+$0x14A70];
	v41 =	vadd.f32 v25, v57;
	v24 =	vadd.f32 v35, v24  }
0x568: {  	s12 =	simm.s32 $0x100;
	v31 =	vld [tilespmem:s11+$0xC670];
	v36 =	vsub.f32 v62, v27;
	v32 =	vshra.s32 v23, $0x1;
	v25 =	vmul.f32 v51, v63  }
0x569: {  	s13 =	simm.s32 $0x0;
	s7 =	simm.s32 $0x0;
	s10 =	simm.s32 $0x0;
	v29 =	vld [tilespmem:s11+$0x14670];
	v35 =	vsub.f32 v41, v61;
	v38 =	vshra.s32 v24, $0x1;
	v27 =	vmul.f32 $5.000000000e-01, v24  }
.LBB2_17:
0x56a: {  	p0 =	sne.s32 s12, $0xF00;
	v39 =	vmul.f32 $5.000000000e-01, v23;
	v38 =	vsub.s32 $0x5F3759DF, v38;
	v34 =	vsub.f32 v36, v34;
	s13 =	sadd.s32 $0x11, s13;
	s7 =	sadd.s32 $0x80, s7  }
0x56b: {  	v26 =	vmul.f32 v25, v26;
	v35 =	vmul.f32 v35, v35;
	s15 =	smov.u32 s12;
	s12 =	sadd.s32 $0x100, s12;
	v33 =	vadd.f32 v37, v33  }
0x56c: {  	v32 =	vsub.s32 $0x5F3759DF, v32;
	v36 =	vmul.f32 v28, v30;
	v34 =	vmul.f32 v34, v34  }
0x56d: {  	v37 =	vmul.f32 v38, v27;
	v40 =	vshra.s32 v33, $0x1;
	v30 =	vmul.f32 v31, v30  }
0x56e: {  	v28 =	vmul.f32 v28, v29;
	v41 =	vmul.f32 $5.000000000e-01, v33;
	v34 =	vadd.f32 v35, v34;
	v35 =	vld [tilespmem:s11+$0x10A70]  }
0x56f: {  	v42 =	vmul.f32 v32, v39;
	v37 =	vmul.f32 v38, v37;
	v43 =	vld [tilespmem:s11+$0x10670]  }
0x570: {  	v29 =	vmul.f32 v31, v29;
	v44 =	vshra.s32 v34, $0x1;
	v45 =	vmul.f32 $5.000000000e-01, v34  }
0x571: {  	v31 =	vsub.f32 $1.500000000e+00, v37;
	v28 =	vadd.f32 v28, v30;
	v37 =	vsub.s32 $0x5F3759DF, v44  }
0x572: {  	v30 =	vsub.s32 $0x5F3759DF, v40;
	v29 =	vsub.f32 v29, v36;
	v40 =	vmul.f32 v37, v45  }
0x573: {  	v36 =	vmul.f32 v32, v42;
	v31 =	vmul.f32 v38, v31;
	v28 =	vsub.f32 v28, v35  }
0x574: {  	v26 =	vmul.f32 v26, v25;
	v35 =	vmul.f32 v37, v40;
	v29 =	vsub.f32 v29, v43  }
0x575: {  	v36 =	vsub.f32 $1.500000000e+00, v36;
	v27 =	vmul.f32 v31, v27;
	v28 =	vmul.f32 v28, v28  }
0x576: {  	v38 =	vmul.f32 v30, v41;
	v35 =	vsub.f32 $1.500000000e+00, v35;
	v29 =	vmul.f32 v29, v29  }
0x577: {  	v26 =	vsub.f32 $1.500000000e+00, v26;
	v32 =	vmul.f32 v32, v36;
	v27 =	vmul.f32 v27, v31  }
0x578: {  	v36 =	vmul.f32 v30, v38;
	v35 =	vmul.f32 v37, v35;
	v28 =	vadd.f32 v28, v29  }
0x579: {  	v25 =	vmul.f32 v26, v25;
	v26 =	vmul.f32 v32, v39;
	v27 =	vsub.f32 $1.500000000e+00, v27  }
0x57a: {  	v29 =	vsub.f32 $1.500000000e+00, v36;
	v36 =	vmul.f32 v35, v45;
	v37 =	vshra.s32 v28, $0x1  }
0x57b: {  	v27 =	vmul.f32 v27, v31;
	v31 =	vmul.f32 $5.000000000e-01, v28  }
0x57c: {  	v29 =	vmul.f32 v30, v29;
	v30 =	vmul.f32 v36, v35;
	v36 =	vsub.s32 $0x5F3759DF, v37  }
0x57d: {  	v24 =	vmul.f32 v27, v24;
	v27 =	vmul.f32 v36, v31  }
0x57e: {  	v26 =	vmul.f32 v26, v32;
	v37 =	vmul.f32 v29, v41;
	v30 =	vsub.f32 $1.500000000e+00, v30  }
0x57f: {  	v20 =	vmul.f32 v25, v20;
	v25 =	vmul.f32 v36, v27  }
0x580: {  	v26 =	vsub.f32 $1.500000000e+00, v26;
	v27 =	vmul.f32 v37, v29;
	v30 =	vmul.f32 v30, v35  }
0x581: {  	v20 =	vadd.f32 $0.0e+00, v20;
	v25 =	vsub.f32 $1.500000000e+00, v25  }
0x582: {  	v26 =	vmul.f32 v26, v32;
	v27 =	vsub.f32 $1.500000000e+00, v27;
	v30 =	vmul.f32 v30, v34  }
0x583: {  	v20 =	vadd.f32 v22, v20;
	v22 =	vmul.f32 v36, v25  }
0x584: {  	v23 =	vmul.f32 v26, v23;
	v25 =	vmul.f32 v27, v29  }
0x585: {  	v20 =	vadd.f32 v21, v20;
	v21 =	vmul.f32 v22, v31  }
0x586: {  	v25 =	vmul.f32 v25, v33  }
0x587: {  	v20 =	vadd.f32 v23, v20;
	v21 =	vmul.f32 v21, v22;
	_ =	sdelay $0x1  }
0x588: {  	v20 =	vadd.f32 v24, v20;
	v21 =	vsub.f32 $1.500000000e+00, v21;
	_ =	sdelay $0x1  }
0x589: {  	v20 =	vadd.f32 v25, v20;
	v21 =	vmul.f32 v21, v22  }
0x58a: {  	v22 =	vadd.s32 s10, v0;
	s10 =	smov.u32 s13  }
0x58b: {  	v20 =	vadd.f32 v30, v20;
	v21 =	vmul.f32 v21, v28;
	_ =	sdelay $0x1  }
0x58c: {  	s11 =	sand.u32 $0x800, s15;
	v20 =	vadd.f32 v21, v20  }
0x58d: {  	s15 =	sand.u32 $0x380, s7;
	s11 =	sor.u32 s9, s11  }
0x58e: {  	s11 =	sor.u32 s15, s11;
	[tilespmem:v22+s28+$0x0] =	vst.idx.msk $0xffff, v20  }
0x58f: {  	v20 =	vld [tilespmem:s11+$0x10A20]  }
0x590: {  	v21 =	vld [tilespmem:s11+$0x10620]  }
0x591: {  	v22 =	vld [tilespmem:s11+$0xCA20]  }
0x592: {  	v23 =	vld [tilespmem:s11+$0x10610]  }
0x593: {  	v24 =	vld [tilespmem:s11+$0x14A20]  }
0x594: {  	v25 =	vld [tilespmem:s11+$0xC620]  }
0x595: {  	v26 =	vld [tilespmem:s11+$0x14620]  }
0x596: {  	v27 =	vld [tilespmem:s11+$0x14610]  }
0x597: {  	v28 =	vld [tilespmem:s11+$0xC610]  }
0x598: {  	v29 =	vld [tilespmem:s11+$0xCA10]  }
0x599: {  	v30 =	vld [tilespmem:s11+$0x14A10];
	v31 =	vmul.f32 v25, v24  }
0x59a: {  	v32 =	vld [tilespmem:s11+$0xCA00];
	v25 =	vmul.f32 v25, v26;
	v26 =	vmul.f32 v22, v26  }
0x59b: {  	v33 =	vld [tilespmem:s11+$0xC600]  }
0x59c: {  	v22 =	vmul.f32 v22, v24;
	v34 =	vld [tilespmem:s11+$0x14A00];
	v35 =	vmul.f32 v28, v27;
	v24 =	vadd.f32 v26, v31  }
0x59d: {  	v26 =	vld [tilespmem:s11+$0x14600];
	v27 =	vmul.f32 v29, v27  }
0x59e: {  	v22 =	vsub.f32 v25, v22;
	v29 =	vmul.f32 v29, v30;
	v28 =	vmul.f32 v28, v30;
	v30 =	vld [tilespmem:s11+$0x10A10]  }
0x59f: {  	v20 =	vsub.f32 v24, v20;
	v24 =	vld [tilespmem:s11+$0xCA30]  }
0x5a0: {  	v25 =	vsub.f32 v35, v29;
	v27 =	vadd.f32 v27, v28;
	v28 =	vld [tilespmem:s11+$0xC630]  }
0x5a1: {  	v21 =	vsub.f32 v22, v21;
	v20 =	vmul.f32 v20, v20;
	v29 =	vld [tilespmem:s11+$0x10600];
	v31 =	vmul.f32 v33, v34  }
0x5a2: {  	v22 =	vmul.f32 v33, v26;
	v33 =	vmul.f32 v32, v34;
	v34 =	vld [tilespmem:s11+$0x10A00];
	v23 =	vsub.f32 v25, v23  }
0x5a3: {  	v21 =	vmul.f32 v21, v21;
	v25 =	vmul.f32 v32, v26;
	v26 =	vsub.f32 v27, v30;
	v27 =	vld [tilespmem:s11+$0x14A30]  }
0x5a4: {  	v22 =	vsub.f32 v22, v33;
	v23 =	vmul.f32 v23, v23;
	v30 =	vld [tilespmem:s11+$0x14630]  }
0x5a5: {  	v21 =	vadd.f32 v20, v21;
	v25 =	vadd.f32 v25, v31;
	v26 =	vmul.f32 v26, v26  }
0x5a6: {  	v20 =	vsub.f32 v22, v29;
	v22 =	vld [tilespmem:s11+$0xC650]  }
0x5a7: {  	v25 =	vsub.f32 v25, v34;
	v23 =	vadd.f32 v26, v23;
	v26 =	vshra.s32 v21, $0x1;
	v29 =	vld [tilespmem:s11+$0xCA40]  }
0x5a8: {  	v31 =	vmul.f32 $5.000000000e-01, v21;
	v20 =	vmul.f32 v20, v20;
	v26 =	vsub.s32 $0x5F3759DF, v26;
	v32 =	vld [tilespmem:s11+$0xC640]  }
0x5a9: {  	v35 =	vmul.f32 v24, v27;
	v33 =	vshra.s32 v23, $0x1;
	v34 =	vmul.f32 $5.000000000e-01, v23;
	v36 =	vld [tilespmem:s11+$0x14A40]  }
0x5aa: {  	v27 =	vmul.f32 v28, v27;
	v37 =	vmul.f32 v26, v31;
	v33 =	vsub.s32 $0x5F3759DF, v33;
	v38 =	vld [tilespmem:s11+$0x10A30]  }
0x5ab: {  	v24 =	vmul.f32 v24, v30;
	v39 =	vmul.f32 v33, v34;
	v40 =	vld [tilespmem:s11+$0x10630]  }
0x5ac: {  	v28 =	vmul.f32 v28, v30;
	v37 =	vmul.f32 v26, v37;
	v30 =	vld [tilespmem:s11+$0x14640]  }
0x5ad: {  	v25 =	vmul.f32 v25, v25;
	v24 =	vadd.f32 v24, v27;
	v39 =	vmul.f32 v33, v39;
	v27 =	vld [tilespmem:s11+$0xCA50]  }
0x5ae: {  	v28 =	vsub.f32 v28, v35;
	v37 =	vsub.f32 $1.500000000e+00, v37;
	v35 =	vmul.f32 v29, v36;
	v41 =	vld [tilespmem:s11+$0x14A50]  }
0x5af: {  	v20 =	vadd.f32 v25, v20;
	v36 =	vmul.f32 v32, v36;
	v25 =	vsub.f32 $1.500000000e+00, v39;
	v39 =	vld [tilespmem:s11+$0x14650]  }
0x5b0: {  	v37 =	vmul.f32 v26, v37;
	v24 =	vsub.f32 v24, v38;
	v26 =	vsub.f32 v28, v40;
	v28 =	vld [tilespmem:s11+$0x10A40]  }
0x5b1: {  	v38 =	vshra.s32 v20, $0x1;
	v25 =	vmul.f32 v33, v25;
	v29 =	vmul.f32 v29, v30  }
0x5b2: {  	v38 =	vsub.s32 $0x5F3759DF, v38;
	v31 =	vmul.f32 v37, v31;
	v30 =	vmul.f32 v32, v30;
	v32 =	vld [tilespmem:s11+$0xC660]  }
0x5b3: {  	v33 =	vmul.f32 v25, v34;
	v34 =	vmul.f32 v26, v26;
	v26 =	vadd.f32 v29, v36;
	v29 =	vld [tilespmem:s11+$0x14A60]  }
0x5b4: {  	v31 =	vmul.f32 v31, v37;
	v30 =	vsub.f32 v30, v35;
	v35 =	vmul.f32 v27, v41;
	v36 =	vld [tilespmem:s11+$0xCA60]  }
0x5b5: {  	v40 =	vmul.f32 v22, v41;
	v33 =	vmul.f32 v33, v25;
	v28 =	vsub.f32 v26, v28;
	v41 =	vld [tilespmem:s11+$0x14660]  }
0x5b6: {  	v22 =	vmul.f32 v22, v39;
	v26 =	vmul.f32 $5.000000000e-01, v20;
	v31 =	vsub.f32 $1.500000000e+00, v31;
	v42 =	vld [tilespmem:s11+$0x10640]  }
0x5b7: {  	v27 =	vmul.f32 v27, v39;
	v33 =	vsub.f32 $1.500000000e+00, v33;
	v43 =	vmul.f32 v28, v28;
	v28 =	vld [tilespmem:s11+$0x10650]  }
0x5b8: {  	v35 =	vsub.f32 v22, v35;
	v31 =	vmul.f32 v31, v37;
	v37 =	vmul.f32 v32, v29  }
0x5b9: {  	v24 =	vmul.f32 v24, v24;
	v22 =	vmul.f32 v33, v25;
	v25 =	vadd.f32 v27, v40  }
0x5ba: {  	v27 =	vmul.f32 v38, v26;
	v21 =	vmul.f32 v31, v21;
	v31 =	vld [tilespmem:s11+$0x10A50]  }
0x5bb: {  	v39 =	vmul.f32 v36, v41;
	v22 =	vmul.f32 v22, v23;
	v30 =	vsub.f32 v30, v42;
	v40 =	vld [tilespmem:s11+$0x10A60]  }
0x5bc: {  	v27 =	vmul.f32 v38, v27;
	v33 =	vsub.f32 v35, v28;
	v35 =	vmul.f32 v36, v29;
	v28 =	vld [tilespmem:s11+$0xCA70]  }
.Ltmp7:
0x5bd: {  	v23 =	vadd.f32 v24, v34;
	v36 =	vmul.f32 v32, v41;
	v24 =	vmul.f32 v30, v30;
	v34 =	vld [tilespmem:s11+$0x10660];
	(pc) =	sbr.rel @p0 .LBB2_17-.Ltmp7, $4  }
0x5be: {  	v37 =	vadd.f32 v39, v37;
	v27 =	vsub.f32 $1.500000000e+00, v27;
	v33 =	vmul.f32 v33, v33;
	v30 =	vld [tilespmem:s11+$0x14A70]  }
0x5bf: {  	v32 =	vshra.s32 v23, $0x1;
	v24 =	vadd.f32 v43, v24;
	v39 =	vsub.f32 v25, v31;
	v29 =	vld [tilespmem:s11+$0x14670]  }
0x5c0: {  	v36 =	vsub.f32 v36, v35;
	v25 =	vmul.f32 v38, v27;
	v35 =	vsub.f32 v37, v40;
	v31 =	vld [tilespmem:s11+$0xC670]  }
0x5c1: {  	v38 =	vshra.s32 v24, $0x1;
	v27 =	vmul.f32 $5.000000000e-01, v24;
	v37 =	vmul.f32 v39, v39  }
0x5c2: {  	v34 =	vsub.f32 v36, v34;
	v59 =	vmul.f32 $5.000000000e-01, v23  }
0x5c3: {  	v38 =	vsub.s32 $0x5F3759DF, v38;
	v35 =	vmul.f32 v35, v35;
	v26 =	vmul.f32 v25, v26  }
0x5c4: {  	v60 =	vmul.f32 v28, v30;
	v40 =	vmul.f32 v38, v27  }
0x5c5: {  	v39 =	vld [tilespmem:s11+$0x10A70];
	v32 =	vsub.s32 $0x5F3759DF, v32;
	v34 =	vmul.f32 v34, v34;
	v63 =	vmul.f32 v28, v29  }
0x5c6: {  	v62 =	vld [tilespmem:s11+$0x10670];
	v33 =	vadd.f32 v37, v33;
	v47 =	vmul.f32 v32, v59;
	v26 =	vmul.f32 v26, v25  }
0x5c7: {  	v61 =	vmul.f32 v31, v30;
	v45 =	vmul.f32 v31, v29  }
0x5c8: {  	v46 =	vmul.f32 $5.000000000e-01, v33;
	v40 =	vmul.f32 v38, v40;
	v34 =	vadd.f32 v35, v34  }
0x5c9: {  	v50 =	vshra.s32 v33, $0x1;
	v28 =	vadd.f32 v63, v61;
	v29 =	vsub.f32 v45, v60  }
0x5ca: {  	v30 =	vmul.f32 v32, v47;
	v26 =	vsub.f32 $1.500000000e+00, v26;
	v48 =	vsub.f32 $1.500000000e+00, v40  }
0x5cb: {  	v35 =	vsub.s32 $0x5F3759DF, v50;
	v28 =	vsub.f32 v28, v39;
	v29 =	vsub.f32 v29, v62  }
0x5cc: {  	v51 =	vmul.f32 v35, v46;
	v41 =	vshra.s32 v34, $0x1;
	v42 =	vmul.f32 $5.000000000e-01, v34  }
0x5cd: {  	v30 =	vsub.f32 $1.500000000e+00, v30;
	v28 =	vmul.f32 v28, v28;
	v29 =	vmul.f32 v29, v29  }
0x5ce: {  	v58 =	vmul.f32 v26, v25;
	v49 =	vsub.s32 $0x5F3759DF, v41;
	v37 =	vmul.f32 v38, v48  }
0x5cf: {  	v55 =	vmul.f32 v35, v51;
	v41 =	vmul.f32 v49, v42;
	v28 =	vadd.f32 v28, v29  }
0x5d0: {  	v54 =	vmul.f32 v32, v30;
	v20 =	vmul.f32 v58, v20  }
0x5d1: {  	v53 =	vmul.f32 v37, v27;
	v56 =	vshra.s32 v28, $0x1;
	v57 =	vmul.f32 $5.000000000e-01, v28  }
0x5d2: {  	v30 =	vsub.f32 $1.500000000e+00, v55;
	v52 =	vmul.f32 v49, v41;
	v32 =	vsub.s32 $0x5F3759DF, v56  }
0x5d3: {  	v36 =	vmul.f32 v54, v59;
	v59 =	vmul.f32 v32, v57  }
0x5d4: {  	v27 =	vmul.f32 v53, v37;
	v30 =	vmul.f32 v35, v30;
	v39 =	vsub.f32 $1.500000000e+00, v52  }
0x5d5: {  	v60 =	vmul.f32 v36, v54;
	v61 =	vmul.f32 v32, v59  }
0x5d6: {  	v20 =	vadd.f32 $0.0e+00, v20;
	v31 =	vmul.f32 v30, v46;
	v62 =	vmul.f32 v49, v39  }
0x5d7: {  	v35 =	vsub.f32 $1.500000000e+00, v60;
	v25 =	vsub.f32 $1.500000000e+00, v61  }
0x5d8: {  	v27 =	vsub.f32 $1.500000000e+00, v27;
	v31 =	vmul.f32 v31, v30;
	v63 =	vmul.f32 v62, v42  }
0x5d9: {  	v20 =	vadd.f32 v22, v20;
	v29 =	vmul.f32 v35, v54;
	v35 =	vmul.f32 v32, v25  }
0x5da: {  	v37 =	vmul.f32 v27, v37;
	v31 =	vsub.f32 $1.500000000e+00, v31;
	v39 =	vmul.f32 v63, v62  }
0x5db: {  	v20 =	vadd.f32 v21, v20;
	v40 =	vmul.f32 v29, v23;
	v41 =	vmul.f32 v35, v57  }
0x5dc: {  	v24 =	vmul.f32 v37, v24;
	v43 =	vmul.f32 v31, v30  }
0x5dd: {  	v42 =	vsub.f32 $1.500000000e+00, v39;
	v20 =	vadd.f32 v40, v20;
	v21 =	vmul.f32 v41, v35  }
0x5de: {  	v45 =	vmul.f32 v43, v33  }
0x5df: {  	v44 =	vmul.f32 v42, v62;
	v20 =	vadd.f32 v24, v20;
	v21 =	vsub.f32 $1.500000000e+00, v21;
	_ =	sdelay $0x1  }
0x5e0: {  	v23 =	vmul.f32 v44, v34;
	v20 =	vadd.f32 v45, v20;
	v21 =	vmul.f32 v21, v35  }
0x5e1: {  	v46 =	vadd.s32 s10, v0  }
0x5e2: {  	v20 =	vadd.f32 v23, v20;
	v21 =	vmul.f32 v21, v28;
	_ =	sdelay $0x1  }
0x5e3: {  	v20 =	vadd.f32 v21, v20;
	_ =	sdelay $0x1  }
0x5e4: {  	[tilespmem:v46+s28+$0x0] =	vst.idx.msk $0xffff, v20  }
0x5e5: {  	v20 =	vld.idx.msk [tilespmem:v4+s28+$0x0], $0xffff;
	_ =	sdelay $0x1  }
0x5e6: {  	v47 =	vld.idx.msk [tilespmem:v5+s28+$0x0], $0xffff;
	_ =	sdelay $0x1  }
0x5e7: {  	v22 =	vld.idx.msk [tilespmem:v6+s28+$0x0], $0xffff  }
0x5e8: {  	v20 =	vadd.f32 $0.0e+00, v20  }
0x5e9: {  	v48 =	vld.idx.msk [tilespmem:v7+s28+$0x0], $0xffff  }
0x5ea: {  	v20 =	vadd.f32 v47, v20  }
0x5eb: {  	v49 =	vld.idx.msk [tilespmem:v8+s28+$0x0], $0xffff  }
0x5ec: {  	v20 =	vadd.f32 v22, v20  }
0x5ed: {  	v50 =	vld.idx.msk [tilespmem:v9+s28+$0x0], $0xffff  }
0x5ee: {  	v20 =	vadd.f32 v48, v20  }
0x5ef: {  	v51 =	vld.idx.msk [tilespmem:v10+s28+$0x0], $0xffff  }
0x5f0: {  	v20 =	vadd.f32 v49, v20  }
0x5f1: {  	v52 =	vld.idx.msk [tilespmem:v11+s28+$0x0], $0xffff  }
0x5f2: {  	v20 =	vadd.f32 v50, v20  }
0x5f3: {  	v53 =	vld.idx.msk [tilespmem:v12+s28+$0x0], $0xffff  }
0x5f4: {  	v20 =	vadd.f32 v51, v20  }
0x5f5: {  	v54 =	vld.idx.msk [tilespmem:v13+s28+$0x0], $0xffff  }
0x5f6: {  	v20 =	vadd.f32 v52, v20  }
0x5f7: {  	v55 =	vld.idx.msk [tilespmem:v14+s28+$0x0], $0xffff  }
0x5f8: {  	v20 =	vadd.f32 v53, v20  }
0x5f9: {  	v56 =	vld.idx.msk [tilespmem:v15+s28+$0x0], $0xffff  }
0x5fa: {  	v20 =	vadd.f32 v54, v20  }
0x5fb: {  	v57 =	vld.idx.msk [tilespmem:v16+s28+$0x0], $0xffff  }
0x5fc: {  	v20 =	vadd.f32 v55, v20  }
0x5fd: {  	v58 =	vld.idx.msk [tilespmem:v17+s28+$0x0], $0xffff  }
0x5fe: {  	v20 =	vadd.f32 v56, v20  }
0x5ff: {  	v59 =	vld.idx.msk [tilespmem:v18+s28+$0x0], $0xffff  }
0x600: {  	v20 =	vadd.f32 v57, v20  }
0x601: {  	v60 =	vld.idx.msk [tilespmem:v19+s28+$0x0], $0xffff  }
0x602: {  	v20 =	vadd.f32 v58, v20;
	_ =	sdelay $0x1  }
0x603: {  	v20 =	vadd.f32 v59, v20;
	_ =	sdelay $0x1  }
0x604: {  	v20 =	vadd.f32 v60, v20;
	_ =	sdelay $0x1  }
0x605: {  	v20 =	vsub.f32 $1.200000000e+01, v20;
	_ =	sdelay $0x1  }
0x606: {  	v61 =	vand.u32 $0x7FFFFFFF, v20  }
0x607: {  	v21 =	vsub.f32 $0.0e+00, v61;
	_ =	sdelay $0x1  }
0x608: {  	v21 =	vmul.f32 $1.442695020e+00, v21;
	_ =	sdelay $0x1  }
0x609: {  	(erf) = vpow2.f32 v21;
	_ =	sdelay $0x8  }
0x60a: {  	v21 =	vpop (erf)  }
0x60b: {  	v62 =	vadd.f32 $2.000000000e+00, v21;
	_ =	sdelay $0x1  }
0x60c: {  	(erf) = vrcp.f32 v62;
	_ =	sdelay $0x8  }
0x60d: {  	v22 =	vpop (erf)  }
0x60e: {  	v21 =	vmul.f32 v22, v21;
	_ =	sdelay $0x1  }
0x60f: {  	v22 =	vmul.f32 v21, v21;
	_ =	sdelay $0x1  }
0x610: {  	v63 =	vmul.f32 $1.428571490e-01, v22;
	_ =	sdelay $0x1  }
0x611: {  	v23 =	vadd.f32 $2.000000030e-01, v63;
	_ =	sdelay $0x1  }
0x612: {  	v23 =	vmul.f32 v23, v22;
	_ =	sdelay $0x1  }
0x613: {  	v23 =	vadd.f32 $3.333333430e-01, v23;
	_ =	sdelay $0x1  }
0x614: {  	v22 =	vmul.f32 v23, v22;
	_ =	sdelay $0x1  }
0x615: {  	s7 =	sshll.u32 s14, $0x4;
	s14 =	sadd.s32 $0x1, s14;
	v21 =	vadd.f32 v21, v21;
	v22 =	vadd.f32 $1.000000000e+00, v22  }
0x616: {  	p0 =	sne.s32 s14, $0x4  }
.Ltmp8:
0x617: {  	v21 =	vmul.f32 v22, v21;
	(pc) =	sbr.rel @p0 .LBB2_16-.Ltmp8, $4  }
0x618: {  	v20 =	vmin.f32 v20, $0.0e+00  }
0x619: {  	v20 =	vsub.f32 v20, v21  }
0x61a: {  	s7 =	sand.u32 $0x3FFFFFF0, s7  }
0x61b: {  	[tilespmem:s7+$0x18680] =	vst v20  }
0x61c: {  	s3 =	rddreg [dreg:$0xb]  }
0x61d: {  	[hbm4b:s3+s4] =	stream.linear.scatter [tilespmem:s22], [sflag:$0xB], $0x40, $0x38;
	[tilespmem:$0x18880] =	vst v63  }
0x61e: {  	_ =	swait.ge [sflag:s26], $0x40  }
0x61f: {  	[sflag:s26] =	ssyncset.done $0x0  }
0x620: {  	[sflag:s26] =	ssyncadd.s32 $0xFFFFFFC0  }
0x621: {  	_ =	swait.ge [sflag:s0], $0x40  }
0x622: {  	s7 =	rddreg [dreg:$0xd]  }
0x623: {  	s18 =	rddreg [dreg:$0xc];
	s7 =	sadd.s32 $0x1, s7  }
0x624: {  	p0 =	sne.s32 s7, s18  }
.Ltmp9:
0x625: {  	_ = 	snop;
	(pc) =	sbr.rel @p0 .LBB2_1-.Ltmp9, $3  }
0x626: {  	_ =	sdelay $0x1  }
0x627: {  	[sflag:s0] =	ssyncset.done $0x0  }
0x628: {  	[sflag:s0] =	ssyncadd.s32 $0xFFFFFFC0  }
0x629: {  	_ =	sfence.sel $0x180000  }
0x62a: {  	[bflag:$0x0] =	sbarrier.arrive $0xFFFF  }
0x62b: {  	_ =	strace $0x90000047  }
0x62c: {  	s0 =	stileid.u32;
	[bflag:$0x2] =	sbarrier.arrive $0xFFFF  }
0x62d: {  	p0 =	sne.s32 s0, $0x0;
	s0 =	rddreg [dreg:$0x5]  }
0x62e: {  	s0 =	sadd.s32 @!p0 $0x100000, s0  }
0x62f: {  	[sflag:s0] =	ssyncadd.tile.s32 @!p0 $0x1;
	_ =	shalt  }
.Lfunc_end2:
_tile_overlayer_lowered:
.L_overlay_start_2:
0x630: {  	(tag) =	ssettag $0x2  }
0x631: {  	s0 =	rddreg [dreg:$0x0];
	s2 =	stileid.u32  }
0x632: {  	s1 =	rddreg [dreg:$0x1];
	p0 =	sne.s32 s2, $0x0  }
0x633: {  	s3 =	rddreg [dreg:$0x2];
	[bflag:$0x3] =	sbarrier.arrive $0xFFFF;
	s2 =	simm.s32 @!p0 $0x1C0C  }
0x634: {  	[timem:s3], [sflag:s2] =	dma.local @!p0 [hbm:s0], s1  }
0x635: {  	s0 =	simm.s32 @!p0 $0xC  }
0x636: {  	_ =	swait.ge @!p0 [sflag:s0], s1  }
0x637: {  	s1 =	ssub.s32 @!p0 $0x0, s1;
	[sflag:s0] =	ssyncset.done @!p0 $0x0  }
0x638: {  	[sflag:s0] =	ssyncadd.s32 @!p0 s1  }
0x639: {  	[bflag:$0x3] =	sbarrier.arrive $0xFFFF  }
0x63a: {  	_ =	shalt  }

</sc_bundles>
